<compile_context>
chip_gen: v7x
topology: tpu7x:2x2x1
jax: 0.10.2.dev20260603
libtpu: 0.0.44.dev20260713+nightly
codegen_flags: <defaults>
</compile_context>

<pallas_src>
import functools

import jax
import jax.numpy as jnp
from jax import lax
from jax.experimental import pallas as pl
from jax.experimental.pallas import tpu as pltpu
from jax.experimental.pallas import tpu_sc as plsc

D = 256
SH_N, SS_N, HH_N = 1201, 390, 811
B = 512

NW = 32
SH_P, SS_P, HH_P = 1248, 416, 832
SH_R, SS_R, HH_R = SH_P // NW, SS_P // NW, HH_P // NW

EDGE_CHUNK = 4096


def _pad_edges(ei, n_pad):
    e = ei.shape[1]
    e_pad = ((e + EDGE_CHUNK - 1) // EDGE_CHUNK) * EDGE_CHUNK
    g = ei[1] * n_pad + ei[0]
    return jnp.concatenate(
        [g, jnp.full((e_pad - e,), n_pad * n_pad, jnp.int32)])


def _sc_graph(g_hbm, blk, a_out, bufs, sems, rows, n_pad, wid):
    nblk = rows * n_pad
    blk_base = wid * nblk
    zeros16 = jnp.zeros((16,), jnp.float32)
    ones16 = jnp.ones((16,), jnp.float32)
    ublk = jnp.uint32(nblk)

    @plsc.parallel_loop(0, nblk, step=16, unroll=8)
    def _(i):
        blk[pl.ds(i, 16)] = zeros16

    e_pad = g_hbm.shape[0]
    nch = e_pad // EDGE_CHUNK

    def start(c, b):
        off = lax.rem(wid + c, nch) * EDGE_CHUNK
        return pltpu.async_copy(g_hbm.at[pl.ds(off, EDGE_CHUNK)],
                                bufs[b], sems[b])

    pend = start(0, 0)
    for c in range(nch):
        b = c % 2
        pend.wait()
        if c + 1 < nch:
            pend = start(c + 1, 1 - b)
        g_v = bufs[b]

        @plsc.parallel_loop(0, EDGE_CHUNK, step=16, unroll=8)
        def _(j):
            local = g_v[pl.ds(j, 16)] - blk_base
            m = local.astype(jnp.uint32) < ublk
            plsc.addupdate_scatter(blk, [local], ones16, mask=m)

    return pltpu.async_copy(blk, a_out.at[pl.ds(blk_base, nblk)], sems[2])


def _sc_build_body(g_sh, g_ss, g_hh, a_sh, a_ss, a_hh,
                   blk_sh, blk_ss, blk_hh, buf0, buf1, sem0, sem1, sem_out):
    wid = lax.axis_index("s") * 2 + lax.axis_index("c")
    bufs = (buf0, buf1)
    sems = (sem0, sem1, sem_out)
    outs = [
        _sc_graph(g_hh, blk_hh, a_hh, bufs, sems, HH_R, HH_P, wid),
        _sc_graph(g_sh, blk_sh, a_sh, bufs, sems, SH_R, SH_P, wid),
        _sc_graph(g_ss, blk_ss, a_ss, bufs, sems, SS_R, SS_P, wid),
    ]
    for h in outs:
        h.wait()


def _sc_build(g_sh, g_ss, g_hh):
    return pl.kernel(
        _sc_build_body,
        out_type=(
            jax.ShapeDtypeStruct((SH_P * SH_P,), jnp.float32),
            jax.ShapeDtypeStruct((SS_P * SS_P,), jnp.float32),
            jax.ShapeDtypeStruct((HH_P * HH_P,), jnp.float32),
        ),
        mesh=plsc.VectorSubcoreMesh(core_axis_name="c", subcore_axis_name="s"),
        compiler_params=pltpu.CompilerParams(use_tc_tiling_on_sc=False,
                                             needs_layout_passes=False),
        scratch_types=[
            pltpu.VMEM((SH_R * SH_P,), jnp.float32),
            pltpu.VMEM((SS_R * SS_P,), jnp.float32),
            pltpu.VMEM((HH_R * HH_P,), jnp.float32),
            pltpu.VMEM((EDGE_CHUNK,), jnp.int32),
            pltpu.VMEM((EDGE_CHUNK,), jnp.int32),
            pltpu.SemaphoreType.DMA,
            pltpu.SemaphoreType.DMA,
            pltpu.SemaphoreType.DMA,
        ],
    )(g_sh, g_ss, g_hh)


def _mm(a, b, dims=(((1,), (0,)), ((), ())), prec=lax.Precision.DEFAULT):
    return lax.dot_general(a, b, dims, precision=prec,
                           preferred_element_type=jnp.float32)


def _tc_body(a_sh, a_ss, a_hh, sh_emb, ss_emb, hh_emb, kg, presc,
             w1, w2, w1h, w2h, wm1, wm1h, wss, whh, wmlp,
             b1, b2, b1h, b2h, bm1, bm1h, bss, bhh, bmlp,
             g1, be1, g1h, be1h, gsi, bsi, out,
             pe=lax.Precision.DEFAULT, pa=None,
             ph=lax.Precision.DEFAULT):

    def agg(a, y):
        if pa is not None:
            return _mm(a, y, prec=pa)
        y_hi = y.astype(jnp.bfloat16).astype(jnp.float32)
        return _mm(a, y_hi) + _mm(a, y - y_hi)
    def padr(ref, n):
        x = ref[...]
        return jnp.pad(x, ((0, n - x.shape[0]), (0, 0)))

    def row(ref):
        return ref[...].reshape(1, -1)

    ash = a_sh[...]
    cnt_sh = jnp.sum(ash, axis=1, keepdims=True)
    pos_sh = cnt_sh > 0.0
    rc_sh = 1.0 / jnp.maximum(cnt_sh, 1.0)

    tdims = (((1,), (1,)), ((), ()))

    def gcn_mean(x, w, b):
        s = agg(ash, _mm(x, w[...], tdims, prec=pe))
        return jnp.tanh(jnp.where(pos_sh, s * rc_sh + b, 0.0))

    shp = padr(sh_emb, SH_P)

    def stack(wa, ba, wb, bb, wm, bm, g, be):
        x1 = shp
        x2 = gcn_mean(x1, wa, row(ba))
        x6 = gcn_mean(x2, wb, row(bb))
        x9 = _mm((x1 + x2 + x6) * (1.0 / 3.0), wm[...], tdims, prec=ph) \
            + row(bm)
        xs = x9[:SH_N]
        m = jnp.mean(xs, axis=0, keepdims=True)
        v = jnp.mean((xs - m) ** 2, axis=0, keepdims=True)
        return jnp.tanh(row(g) * (x9 - m) / jnp.sqrt(v + 1e-5) + row(be))

    x_sh9 = stack(w1, b1, w2, b2, wm1, bm1, g1, be1)
    x_sh99 = stack(w1h, b1h, w2h, b2h, wm1h, bm1h, g1h, be1h)

    ass = a_ss[...]
    cnt_ss = jnp.sum(ass, axis=1, keepdims=True)
    x_ss1 = jnp.tanh(agg(ass, _mm(padr(ss_emb, SS_P), wss[...], tdims,
                                  prec=pe))
                     + cnt_ss * row(bss))

    ahh = a_hh[...]
    cnt_hh = jnp.sum(ahh, axis=1, keepdims=True)
    whhv = whh[...]
    kgp = jnp.pad(kg[...], ((0, HH_P - HH_N), (0, HH_P - HH_N)))
    whh_b = jnp.pad(whhv[:, D:], ((0, 0), (0, HH_P - HH_N)))
    y_hh = _mm(padr(hh_emb, HH_P), whhv[:, :D], tdims, prec=pe) \
        + _mm(kgp, whh_b, tdims, prec=pe)
    x_hh1 = jnp.tanh(agg(ahh, y_hh) + cnt_hh * row(bhh))

    es = x_sh9[:SS_P] + x_ss1
    eh = lax.slice(x_sh99, (SS_N, 0), (SS_N + HH_P, D)) + x_hh1

    pr = jnp.pad(presc[...], ((0, 0), (0, SS_P - SS_N)))
    e1 = _mm(pr, es, prec=ph) / jnp.sum(pr, axis=1, keepdims=True)
    e2 = _mm(e1, wmlp[...], tdims, prec=ph) + row(bmlp)
    m2 = jnp.mean(e2, axis=0, keepdims=True)
    v2 = jnp.mean((e2 - m2) ** 2, axis=0, keepdims=True)
    e3 = jax.nn.relu(row(gsi) * (e2 - m2) / jnp.sqrt(v2 + 1e-5) + row(bsi))

    out[...] = _mm(e3, eh, (((1,), (1,)), ((), ())), prec=ph)[:, :HH_N]


def _tc_dense(*args):
    return pl.pallas_call(
        _tc_body,
        out_shape=jax.ShapeDtypeStruct((B, HH_N), jnp.float32),
    )(*args)


def _pad_rows(x, n):
    return jnp.pad(x, ((0, n - x.shape[0]), (0, 0)))


def kernel(x_SH, edge_index_SH, x_SS, edge_index_SS, x_HH, edge_index_HH,
           prescription, kgOneHot, chatid, SH_emb, SS_emb, HH_emb,
           W1, b1, W2, b2, W1h, b1h, W2h, b2h, Wm1, bm1, g1, be1,
           Wm1h, bm1h, g1h, be1h, Wss, bss, Whh, bhh, Wmlp, bmlp, gsi, bsi):
    g_sh = _pad_edges(edge_index_SH, SH_P)
    g_ss = _pad_edges(edge_index_SS, SS_P)
    g_hh = _pad_edges(edge_index_HH, HH_P)

    a_sh, a_ss, a_hh = _sc_build(g_sh, g_ss, g_hh)
    a_sh = a_sh.reshape(SH_P, SH_P)
    a_ss = a_ss.reshape(SS_P, SS_P)
    a_hh = a_hh.reshape(HH_P, HH_P)

    pre = _tc_dense(
        a_sh, a_ss, a_hh, SH_emb, SS_emb, HH_emb, kgOneHot, prescription,
        W1, W2, W1h, W2h, Wm1, Wm1h, Wss, Whh, Wmlp,
        b1, b2, b1h, b2h, bm1, bm1h, bss, bhh, bmlp,
        g1, be1, g1h, be1h, gsi, bsi)
    return pre

# --- scband reference (transcript-rebuilt; emitter-appended) ---
"""Pipeline reference for scband-kdhr-84593675862514 (READ-ONLY COPY).

The authoritative reference and input builder live on the scoring server;
editing this copy changes nothing except your own understanding.
"""

import jax, jax.numpy as jnp
import numpy as np

D = 256
SH_N, SS_N, HH_N = 1201, 390, 811
E_SH, E_SS, E_HH = 42419, 5566, 65581
B = 512


def _gcn(x, ei, W, b, aggr):
    src, dst = ei[0], ei[1]
    msg = x[src] @ W.T + b
    N = x.shape[0]
    s = jax.ops.segment_sum(msg, dst, num_segments=N)
    if aggr == 'mean':
        cnt = jax.ops.segment_sum(jnp.ones((ei.shape[1],), dtype=x.dtype), dst, num_segments=N)
        s = jnp.where(cnt[:, None] > 0, s / jnp.maximum(cnt, 1.0)[:, None], 0.0)
    return jnp.tanh(s)


def _bn(x, g, b, eps=1e-5):
    m = jnp.mean(x, axis=0)
    v = jnp.var(x, axis=0)
    return g * (x - m) / jnp.sqrt(v + eps) + b


def setup_inputs(seed: int = 0):
    key = jax.random.key(seed)
    ks = jax.random.split(key, 24)
    s = 0.05
    inp = {}
    inp['x_SH'] = jnp.arange(SH_N, dtype=jnp.int32).reshape(SH_N, 1)
    inp['edge_index_SH'] = jax.random.randint(ks[0], (2, E_SH), 0, SH_N, dtype=jnp.int32)
    inp['x_SS'] = jnp.arange(SS_N, dtype=jnp.int32).reshape(SS_N, 1)
    inp['edge_index_SS'] = jax.random.randint(ks[1], (2, E_SS), 0, SS_N, dtype=jnp.int32)
    inp['x_HH'] = jnp.arange(HH_N, dtype=jnp.int32).reshape(HH_N, 1)
    inp['edge_index_HH'] = jax.random.randint(ks[2], (2, E_HH), 0, HH_N, dtype=jnp.int32)
    inp['prescription'] = jax.random.uniform(ks[3], (B, SS_N), dtype=jnp.float32)
    inp['kgOneHot'] = jax.random.uniform(ks[4], (HH_N, HH_N), dtype=jnp.float32)
    inp['chatid'] = jax.random.normal(ks[5], (B, 1536), dtype=jnp.float32)
    inp['SH_emb'] = jax.random.normal(ks[6], (SH_N, D), dtype=jnp.float32) * s
    inp['SS_emb'] = jax.random.normal(ks[7], (SS_N, D), dtype=jnp.float32) * s
    inp['HH_emb'] = jax.random.normal(ks[8], (HH_N, D), dtype=jnp.float32) * s
    inp['W1'] = jax.random.normal(ks[9], (D, D), dtype=jnp.float32) * s
    inp['b1'] = jnp.zeros((D,), dtype=jnp.float32)
    inp['W2'] = jax.random.normal(ks[10], (D, D), dtype=jnp.float32) * s
    inp['b2'] = jnp.zeros((D,), dtype=jnp.float32)
    inp['W1h'] = jax.random.normal(ks[11], (D, D), dtype=jnp.float32) * s
    inp['b1h'] = jnp.zeros((D,), dtype=jnp.float32)
    inp['W2h'] = jax.random.normal(ks[12], (D, D), dtype=jnp.float32) * s
    inp['b2h'] = jnp.zeros((D,), dtype=jnp.float32)
    inp['Wm1'] = jax.random.normal(ks[13], (256, D), dtype=jnp.float32) * s
    inp['bm1'] = jnp.zeros((256,), dtype=jnp.float32)
    inp['g1'] = jnp.ones((256,), dtype=jnp.float32)
    inp['be1'] = jnp.zeros((256,), dtype=jnp.float32)
    inp['Wm1h'] = jax.random.normal(ks[14], (256, D), dtype=jnp.float32) * s
    inp['bm1h'] = jnp.zeros((256,), dtype=jnp.float32)
    inp['g1h'] = jnp.ones((256,), dtype=jnp.float32)
    inp['be1h'] = jnp.zeros((256,), dtype=jnp.float32)
    inp['Wss'] = jax.random.normal(ks[15], (256, D), dtype=jnp.float32) * s
    inp['bss'] = jnp.zeros((256,), dtype=jnp.float32)
    inp['Whh'] = jax.random.normal(ks[16], (256, D + HH_N), dtype=jnp.float32) * s
    inp['bhh'] = jnp.zeros((256,), dtype=jnp.float32)
    inp['Wmlp'] = jax.random.normal(ks[17], (256, 256), dtype=jnp.float32) * s
    inp['bmlp'] = jnp.zeros((256,), dtype=jnp.float32)
    inp['gsi'] = jnp.ones((256,), dtype=jnp.float32)
    inp['bsi'] = jnp.zeros((256,), dtype=jnp.float32)
    return inp


def reference(x_SH, edge_index_SH, x_SS, edge_index_SS, x_HH, edge_index_HH, prescription, kgOneHot, chatid, SH_emb, SS_emb, HH_emb, W1, b1, W2, b2, W1h, b1h, W2h, b2h, Wm1, bm1, g1, be1, Wm1h, bm1h, g1h, be1h, Wss, bss, Whh, bhh, Wmlp, bmlp, gsi, bsi):
    x_SH1 = SH_emb[x_SH[:, 0]]
    x_SH2 = _gcn(x_SH1, edge_index_SH, W1, b1, 'mean')
    x_SH6 = _gcn(x_SH2, edge_index_SH, W2, b2, 'mean')
    x_SH9 = (x_SH1 + x_SH2 + x_SH6) / 3.0
    x_SH9 = x_SH9 @ Wm1.T + bm1
    x_SH9 = jnp.tanh(_bn(x_SH9, g1, be1))
    x_SH11 = SH_emb[x_SH[:, 0]]
    x_SH22 = _gcn(x_SH11, edge_index_SH, W1h, b1h, 'mean')
    x_SH66 = _gcn(x_SH22, edge_index_SH, W2h, b2h, 'mean')
    x_SH99 = (x_SH11 + x_SH22 + x_SH66) / 3.0
    x_SH99 = x_SH99 @ Wm1h.T + bm1h
    x_SH99 = jnp.tanh(_bn(x_SH99, g1h, be1h))
    x_ss0 = SS_emb[x_SS[:, 0]]
    x_ss1 = _gcn(x_ss0, edge_index_SS, Wss, bss, 'add')
    x_hh0 = jnp.concatenate([HH_emb[x_HH[:, 0]], kgOneHot], axis=-1)
    x_hh1 = _gcn(x_hh0, edge_index_HH, Whh, bhh, 'add')
    es = x_SH9[:SS_N] + x_ss1
    eh = x_SH99[SS_N:] + x_hh1
    e_synd = prescription @ es
    preSum = jnp.sum(prescription, axis=1, keepdims=True)
    e_synd_norm = e_synd / preSum
    e_synd_norm = e_synd_norm @ Wmlp.T + bmlp
    e_synd_norm = jax.nn.relu(_bn(e_synd_norm, gsi, bsi))
    pre = e_synd_norm @ eh.T
    return pre

if __name__ == "__main__":
    import jax
    _d = setup_inputs()
    print(jax.jit(kernel)(*tuple(_d.values())))

</pallas_src>

<mosaic_0001>
#map = affine_map<(d0, d1) -> (0)>
module attributes {stable_mosaic.version = 14 : i64} {
  func.func @_sc_build_body(%arg0: i32, %arg1: i32, %arg2: memref<45056xi32, #tpu.memory_space<hbm>>, %arg3: memref<8192xi32, #tpu.memory_space<hbm>>, %arg4: memref<69632xi32, #tpu.memory_space<hbm>>, %arg5: memref<1557504xf32, #tpu.memory_space<hbm>>, %arg6: memref<173056xf32, #tpu.memory_space<hbm>>, %arg7: memref<692224xf32, #tpu.memory_space<hbm>>, %arg8: memref<48672xf32, #tpu.memory_space<vmem>>, %arg9: memref<5408xf32, #tpu.memory_space<vmem>>, %arg10: memref<21632xf32, #tpu.memory_space<vmem>>, %arg11: memref<4096xi32, #tpu.memory_space<vmem>>, %arg12: memref<4096xi32, #tpu.memory_space<vmem>>, %arg13: memref<!tpu.dma_semaphore, #tpu.memory_space<semaphore_mem>>, %arg14: memref<!tpu.dma_semaphore, #tpu.memory_space<semaphore_mem>>, %arg15: memref<!tpu.dma_semaphore, #tpu.memory_space<semaphore_mem>>) attributes {dimension_semantics = [#tpu.dimension_semantics<core_parallel>, #tpu.dimension_semantics<subcore_parallel>], iteration_bounds = array<i64: 2, 16>, scalar_prefetch = 0 : i64, scratch_operands = 8 : i64, tpu.core_type = #tpu.core_type<sc_vector_subcore>, window_params = [{transform_indices = #map}, {transform_indices = #map}, {transform_indices = #map}, {transform_indices = #map}, {transform_indices = #map}, {transform_indices = #map}]} {
    %mul3A = arith.constant 2 : i32
    %mul3A_0 = arith.muli %arg1, %mul3A : i32
    %add3A = arith.addi %mul3A_0, %arg0 : i32
    %mul3A_1 = arith.constant 21632 : i32
    %mul3A_2 = arith.muli %add3A, %mul3A_1 : i32
    %broadcast_in_dim3A = arith.constant 0.000000e+00 : f32
    %broadcast_in_dim3A_3 = vector.broadcast %broadcast_in_dim3A : f32 to vector<16xf32>
    %broadcast_in_dim3A_4 = arith.constant 1.000000e+00 : f32
    %broadcast_in_dim3A_5 = vector.broadcast %broadcast_in_dim3A_4 : f32 to vector<16xf32>
    %parallel_loop3A = arith.constant 0 : i32
    %parallel_loop3A_6 = arith.constant 21632 : i32
    %parallel_loop3A_7 = arith.constant 16 : i32
    scf.for %parallel_loop3A_455 = %parallel_loop3A to %parallel_loop3A_6 step %parallel_loop3A_7  : i32 {
      %parallel_loop3A_456 = arith.index_cast %parallel_loop3A_455 : i32 to index
      %parallel_loop3A_457 = tpu.vector_load %arg10[%parallel_loop3A_456] {strides = array<i32>} : memref<21632xf32, #tpu.memory_space<vmem>>, vector<16xf32>,
      tpu.vector_store %arg10[%parallel_loop3A_456], %broadcast_in_dim3A_3 {strides = array<i32>} : memref<21632xf32, #tpu.memory_space<vmem>>, vector<16xf32>,
    } {sc.loop_unroll_factor = 8 : i64, sc.parallel_access}
    %add3A_8 = arith.constant 0 : i32
    %add3A_9 = arith.addi %add3A, %add3A_8 : i32
    %rem3A = arith.constant 17 : i32
    %rem3A_10 = arith.remsi %add3A_9, %rem3A : i32
    %mul3A_11 = arith.constant 4096 : i32
    %mul3A_12 = arith.muli %rem3A_10, %mul3A_11 : i32
    %dma_start3A = tpu.memref_slice %arg4[%mul3A_12] : memref<69632xi32, #tpu.memory_space<hbm>> -> memref<4096xi32, #tpu.memory_space<hbm>>
    %dma_start3A_13 = tpu.memref_slice %arg4[%mul3A_12] : memref<69632xi32, #tpu.memory_space<hbm>> -> memref<4096xi32, #tpu.memory_space<hbm>>
    tpu.enqueue_dma source(%dma_start3A_13 : memref<4096xi32, #tpu.memory_space<hbm>>) target(%arg11 : memref<4096xi32, #tpu.memory_space<vmem>>) target_semaphore(%arg13 : memref<!tpu.dma_semaphore, #tpu.memory_space<semaphore_mem>>)
    %dma_wait3A = tpu.memref_slice %arg4[%mul3A_12] : memref<69632xi32, #tpu.memory_space<hbm>> -> memref<4096xi32, #tpu.memory_space<hbm>>
    %dma_wait3A_14 = tpu.memref_slice %arg4[%mul3A_12] : memref<69632xi32, #tpu.memory_space<hbm>> -> memref<4096xi32, #tpu.memory_space<hbm>>
    tpu.wait_dma2 semaphore(%arg13 : memref<!tpu.dma_semaphore, #tpu.memory_space<semaphore_mem>>) src(%dma_wait3A_14 : memref<4096xi32, #tpu.memory_space<hbm>>) dst(%arg11 : memref<4096xi32, #tpu.memory_space<vmem>>)
    %add3A_15 = arith.constant 1 : i32
    %add3A_16 = arith.addi %add3A, %add3A_15 : i32
    %rem3A_17 = arith.constant 17 : i32
    %rem3A_18 = arith.remsi %add3A_16, %rem3A_17 : i32
    %mul3A_19 = arith.constant 4096 : i32
    %mul3A_20 = arith.muli %rem3A_18, %mul3A_19 : i32
    %dma_start3A_21 = tpu.memref_slice %arg4[%mul3A_20] : memref<69632xi32, #tpu.memory_space<hbm>> -> memref<4096xi32, #tpu.memory_space<hbm>>
    %dma_start3A_22 = tpu.memref_slice %arg4[%mul3A_20] : memref<69632xi32, #tpu.memory_space<hbm>> -> memref<4096xi32, #tpu.memory_space<hbm>>
    tpu.enqueue_dma source(%dma_start3A_22 : memref<4096xi32, #tpu.memory_space<hbm>>) target(%arg12 : memref<4096xi32, #tpu.memory_space<vmem>>) target_semaphore(%arg14 : memref<!tpu.dma_semaphore, #tpu.memory_space<semaphore_mem>>)
    %parallel_loop3A_23 = arith.constant 0 : i32
    %parallel_loop3A_24 = arith.constant 4096 : i32
    %parallel_loop3A_25 = arith.constant 16 : i32
    %parallel_loop3A_26 = arith.constant 21632 : i32
    scf.for %parallel_loop3A_455 = %parallel_loop3A_23 to %parallel_loop3A_24 step %parallel_loop3A_25  : i32 {
      %parallel_loop3A_456 = arith.index_cast %parallel_loop3A_455 : i32 to index
      %parallel_loop3A_457 = tpu.vector_load %arg11[%parallel_loop3A_456] {strides = array<i32>} : memref<4096xi32, #tpu.memory_space<vmem>>, vector<16xi32>,
      %parallel_loop3A_458 = vector.broadcast %mul3A_2 : i32 to vector<16xi32>
      %parallel_loop3A_459 = arith.subi %parallel_loop3A_457, %parallel_loop3A_458 : vector<16xi32>
      %parallel_loop3A_460 = vector.broadcast %parallel_loop3A_26 : i32 to vector<16xi32>
      %parallel_loop3A_461 = arith.cmpi ult, %parallel_loop3A_459, %parallel_loop3A_460 : vector<16xi32>
      tpu.vector_store_idx %arg10[%parallel_loop3A_459], %broadcast_in_dim3A_5 masked %parallel_loop3A_461 {add = true} : memref<21632xf32, #tpu.memory_space<vmem>>[vector<16xi32>], vector<16xf32>, vector<16xi1>
    } {sc.loop_unroll_factor = 8 : i64, sc.parallel_access}
    %dma_wait3A_27 = tpu.memref_slice %arg4[%mul3A_20] : memref<69632xi32, #tpu.memory_space<hbm>> -> memref<4096xi32, #tpu.memory_space<hbm>>
    %dma_wait3A_28 = tpu.memref_slice %arg4[%mul3A_20] : memref<69632xi32, #tpu.memory_space<hbm>> -> memref<4096xi32, #tpu.memory_space<hbm>>
    tpu.wait_dma2 semaphore(%arg14 : memref<!tpu.dma_semaphore, #tpu.memory_space<semaphore_mem>>) src(%dma_wait3A_28 : memref<4096xi32, #tpu.memory_space<hbm>>) dst(%arg12 : memref<4096xi32, #tpu.memory_space<vmem>>)
    %add3A_29 = arith.constant 2 : i32
    %add3A_30 = arith.addi %add3A, %add3A_29 : i32
    %rem3A_31 = arith.constant 17 : i32
    %rem3A_32 = arith.remsi %add3A_30, %rem3A_31 : i32
    %mul3A_33 = arith.constant 4096 : i32
    %mul3A_34 = arith.muli %rem3A_32, %mul3A_33 : i32
    %dma_start3A_35 = tpu.memref_slice %arg4[%mul3A_34] : memref<69632xi32, #tpu.memory_space<hbm>> -> memref<4096xi32, #tpu.memory_space<hbm>>
    %dma_start3A_36 = tpu.memref_slice %arg4[%mul3A_34] : memref<69632xi32, #tpu.memory_space<hbm>> -> memref<4096xi32, #tpu.memory_space<hbm>>
    tpu.enqueue_dma source(%dma_start3A_36 : memref<4096xi32, #tpu.memory_space<hbm>>) target(%arg11 : memref<4096xi32, #tpu.memory_space<vmem>>) target_semaphore(%arg13 : memref<!tpu.dma_semaphore, #tpu.memory_space<semaphore_mem>>)
    %parallel_loop3A_37 = arith.constant 0 : i32
    %parallel_loop3A_38 = arith.constant 4096 : i32
    %parallel_loop3A_39 = arith.constant 16 : i32
    %parallel_loop3A_40 = arith.constant 21632 : i32
    scf.for %parallel_loop3A_455 = %parallel_loop3A_37 to %parallel_loop3A_38 step %parallel_loop3A_39  : i32 {
      %parallel_loop3A_456 = arith.index_cast %parallel_loop3A_455 : i32 to index
      %parallel_loop3A_457 = tpu.vector_load %arg12[%parallel_loop3A_456] {strides = array<i32>} : memref<4096xi32, #tpu.memory_space<vmem>>, vector<16xi32>,
      %parallel_loop3A_458 = vector.broadcast %mul3A_2 : i32 to vector<16xi32>
      %parallel_loop3A_459 = arith.subi %parallel_loop3A_457, %parallel_loop3A_458 : vector<16xi32>
      %parallel_loop3A_460 = vector.broadcast %parallel_loop3A_40 : i32 to vector<16xi32>
      %parallel_loop3A_461 = arith.cmpi ult, %parallel_loop3A_459, %parallel_loop3A_460 : vector<16xi32>
      tpu.vector_store_idx %arg10[%parallel_loop3A_459], %broadcast_in_dim3A_5 masked %parallel_loop3A_461 {add = true} : memref<21632xf32, #tpu.memory_space<vmem>>[vector<16xi32>], vector<16xf32>, vector<16xi1>
    } {sc.loop_unroll_factor = 8 : i64, sc.parallel_access}
    %dma_wait3A_41 = tpu.memref_slice %arg4[%mul3A_34] : memref<69632xi32, #tpu.memory_space<hbm>> -> memref<4096xi32, #tpu.memory_space<hbm>>
    %dma_wait3A_42 = tpu.memref_slice %arg4[%mul3A_34] : memref<69632xi32, #tpu.memory_space<hbm>> -> memref<4096xi32, #tpu.memory_space<hbm>>
    tpu.wait_dma2 semaphore(%arg13 : memref<!tpu.dma_semaphore, #tpu.memory_space<semaphore_mem>>) src(%dma_wait3A_42 : memref<4096xi32, #tpu.memory_space<hbm>>) dst(%arg11 : memref<4096xi32, #tpu.memory_space<vmem>>)
    %add3A_43 = arith.constant 3 : i32
    %add3A_44 = arith.addi %add3A, %add3A_43 : i32
    %rem3A_45 = arith.constant 17 : i32
    %rem3A_46 = arith.remsi %add3A_44, %rem3A_45 : i32
    %mul3A_47 = arith.constant 4096 : i32
    %mul3A_48 = arith.muli %rem3A_46, %mul3A_47 : i32
    %dma_start3A_49 = tpu.memref_slice %arg4[%mul3A_48] : memref<69632xi32, #tpu.memory_space<hbm>> -> memref<4096xi32, #tpu.memory_space<hbm>>
    %dma_start3A_50 = tpu.memref_slice %arg4[%mul3A_48] : memref<69632xi32, #tpu.memory_space<hbm>> -> memref<4096xi32, #tpu.memory_space<hbm>>
    tpu.enqueue_dma source(%dma_start3A_50 : memref<4096xi32, #tpu.memory_space<hbm>>) target(%arg12 : memref<4096xi32, #tpu.memory_space<vmem>>) target_semaphore(%arg14 : memref<!tpu.dma_semaphore, #tpu.memory_space<semaphore_mem>>)
    %parallel_loop3A_51 = arith.constant 0 : i32
    %parallel_loop3A_52 = arith.constant 4096 : i32
    %parallel_loop3A_53 = arith.constant 16 : i32
    %parallel_loop3A_54 = arith.constant 21632 : i32
    scf.for %parallel_loop3A_455 = %parallel_loop3A_51 to %parallel_loop3A_52 step %parallel_loop3A_53  : i32 {
      %parallel_loop3A_456 = arith.index_cast %parallel_loop3A_455 : i32 to index
      %parallel_loop3A_457 = tpu.vector_load %arg11[%parallel_loop3A_456] {strides = array<i32>} : memref<4096xi32, #tpu.memory_space<vmem>>, vector<16xi32>,
      %parallel_loop3A_458 = vector.broadcast %mul3A_2 : i32 to vector<16xi32>
      %parallel_loop3A_459 = arith.subi %parallel_loop3A_457, %parallel_loop3A_458 : vector<16xi32>
      %parallel_loop3A_460 = vector.broadcast %parallel_loop3A_54 : i32 to vector<16xi32>
      %parallel_loop3A_461 = arith.cmpi ult, %parallel_loop3A_459, %parallel_loop3A_460 : vector<16xi32>
      tpu.vector_store_idx %arg10[%parallel_loop3A_459], %broadcast_in_dim3A_5 masked %parallel_loop3A_461 {add = true} : memref<21632xf32, #tpu.memory_space<vmem>>[vector<16xi32>], vector<16xf32>, vector<16xi1>
    } {sc.loop_unroll_factor = 8 : i64, sc.parallel_access}
    %dma_wait3A_55 = tpu.memref_slice %arg4[%mul3A_48] : memref<69632xi32, #tpu.memory_space<hbm>> -> memref<4096xi32, #tpu.memory_space<hbm>>
    %dma_wait3A_56 = tpu.memref_slice %arg4[%mul3A_48] : memref<69632xi32, #tpu.memory_space<hbm>> -> memref<4096xi32, #tpu.memory_space<hbm>>
    tpu.wait_dma2 semaphore(%arg14 : memref<!tpu.dma_semaphore, #tpu.memory_space<semaphore_mem>>) src(%dma_wait3A_56 : memref<4096xi32, #tpu.memory_space<hbm>>) dst(%arg12 : memref<4096xi32, #tpu.memory_space<vmem>>)
    %add3A_57 = arith.constant 4 : i32
    %add3A_58 = arith.addi %add3A, %add3A_57 : i32
    %rem3A_59 = arith.constant 17 : i32
    %rem3A_60 = arith.remsi %add3A_58, %rem3A_59 : i32
    %mul3A_61 = arith.constant 4096 : i32
    %mul3A_62 = arith.muli %rem3A_60, %mul3A_61 : i32
    %dma_start3A_63 = tpu.memref_slice %arg4[%mul3A_62] : memref<69632xi32, #tpu.memory_space<hbm>> -> memref<4096xi32, #tpu.memory_space<hbm>>
    %dma_start3A_64 = tpu.memref_slice %arg4[%mul3A_62] : memref<69632xi32, #tpu.memory_space<hbm>> -> memref<4096xi32, #tpu.memory_space<hbm>>
    tpu.enqueue_dma source(%dma_start3A_64 : memref<4096xi32, #tpu.memory_space<hbm>>) target(%arg11 : memref<4096xi32, #tpu.memory_space<vmem>>) target_semaphore(%arg13 : memref<!tpu.dma_semaphore, #tpu.memory_space<semaphore_mem>>)
    %parallel_loop3A_65 = arith.constant 0 : i32
    %parallel_loop3A_66 = arith.constant 4096 : i32
    %parallel_loop3A_67 = arith.constant 16 : i32
    %parallel_loop3A_68 = arith.constant 21632 : i32
    scf.for %parallel_loop3A_455 = %parallel_loop3A_65 to %parallel_loop3A_66 step %parallel_loop3A_67  : i32 {
      %parallel_loop3A_456 = arith.index_cast %parallel_loop3A_455 : i32 to index
      %parallel_loop3A_457 = tpu.vector_load %arg12[%parallel_loop3A_456] {strides = array<i32>} : memref<4096xi32, #tpu.memory_space<vmem>>, vector<16xi32>,
      %parallel_loop3A_458 = vector.broadcast %mul3A_2 : i32 to vector<16xi32>
      %parallel_loop3A_459 = arith.subi %parallel_loop3A_457, %parallel_loop3A_458 : vector<16xi32>
      %parallel_loop3A_460 = vector.broadcast %parallel_loop3A_68 : i32 to vector<16xi32>
      %parallel_loop3A_461 = arith.cmpi ult, %parallel_loop3A_459, %parallel_loop3A_460 : vector<16xi32>
      tpu.vector_store_idx %arg10[%parallel_loop3A_459], %broadcast_in_dim3A_5 masked %parallel_loop3A_461 {add = true} : memref<21632xf32, #tpu.memory_space<vmem>>[vector<16xi32>], vector<16xf32>, vector<16xi1>
    } {sc.loop_unroll_factor = 8 : i64, sc.parallel_access}
    %dma_wait3A_69 = tpu.memref_slice %arg4[%mul3A_62] : memref<69632xi32, #tpu.memory_space<hbm>> -> memref<4096xi32, #tpu.memory_space<hbm>>
    %dma_wait3A_70 = tpu.memref_slice %arg4[%mul3A_62] : memref<69632xi32, #tpu.memory_space<hbm>> -> memref<4096xi32, #tpu.memory_space<hbm>>
    tpu.wait_dma2 semaphore(%arg13 : memref<!tpu.dma_semaphore, #tpu.memory_space<semaphore_mem>>) src(%dma_wait3A_70 : memref<4096xi32, #tpu.memory_space<hbm>>) dst(%arg11 : memref<4096xi32, #tpu.memory_space<vmem>>)
    %add3A_71 = arith.constant 5 : i32
    %add3A_72 = arith.addi %add3A, %add3A_71 : i32
    %rem3A_73 = arith.constant 17 : i32
    %rem3A_74 = arith.remsi %add3A_72, %rem3A_73 : i32
    %mul3A_75 = arith.constant 4096 : i32
    %mul3A_76 = arith.muli %rem3A_74, %mul3A_75 : i32
    %dma_start3A_77 = tpu.memref_slice %arg4[%mul3A_76] : memref<69632xi32, #tpu.memory_space<hbm>> -> memref<4096xi32, #tpu.memory_space<hbm>>
    %dma_start3A_78 = tpu.memref_slice %arg4[%mul3A_76] : memref<69632xi32, #tpu.memory_space<hbm>> -> memref<4096xi32, #tpu.memory_space<hbm>>
    tpu.enqueue_dma source(%dma_start3A_78 : memref<4096xi32, #tpu.memory_space<hbm>>) target(%arg12 : memref<4096xi32, #tpu.memory_space<vmem>>) target_semaphore(%arg14 : memref<!tpu.dma_semaphore, #tpu.memory_space<semaphore_mem>>)
    %parallel_loop3A_79 = arith.constant 0 : i32
    %parallel_loop3A_80 = arith.constant 4096 : i32
    %parallel_loop3A_81 = arith.constant 16 : i32
    %parallel_loop3A_82 = arith.constant 21632 : i32
    scf.for %parallel_loop3A_455 = %parallel_loop3A_79 to %parallel_loop3A_80 step %parallel_loop3A_81  : i32 {
      %parallel_loop3A_456 = arith.index_cast %parallel_loop3A_455 : i32 to index
      %parallel_loop3A_457 = tpu.vector_load %arg11[%parallel_loop3A_456] {strides = array<i32>} : memref<4096xi32, #tpu.memory_space<vmem>>, vector<16xi32>,
      %parallel_loop3A_458 = vector.broadcast %mul3A_2 : i32 to vector<16xi32>
      %parallel_loop3A_459 = arith.subi %parallel_loop3A_457, %parallel_loop3A_458 : vector<16xi32>
      %parallel_loop3A_460 = vector.broadcast %parallel_loop3A_82 : i32 to vector<16xi32>
      %parallel_loop3A_461 = arith.cmpi ult, %parallel_loop3A_459, %parallel_loop3A_460 : vector<16xi32>
      tpu.vector_store_idx %arg10[%parallel_loop3A_459], %broadcast_in_dim3A_5 masked %parallel_loop3A_461 {add = true} : memref<21632xf32, #tpu.memory_space<vmem>>[vector<16xi32>], vector<16xf32>, vector<16xi1>
    } {sc.loop_unroll_factor = 8 : i64, sc.parallel_access}
    %dma_wait3A_83 = tpu.memref_slice %arg4[%mul3A_76] : memref<69632xi32, #tpu.memory_space<hbm>> -> memref<4096xi32, #tpu.memory_space<hbm>>
    %dma_wait3A_84 = tpu.memref_slice %arg4[%mul3A_76] : memref<69632xi32, #tpu.memory_space<hbm>> -> memref<4096xi32, #tpu.memory_space<hbm>>
    tpu.wait_dma2 semaphore(%arg14 : memref<!tpu.dma_semaphore, #tpu.memory_space<semaphore_mem>>) src(%dma_wait3A_84 : memref<4096xi32, #tpu.memory_space<hbm>>) dst(%arg12 : memref<4096xi32, #tpu.memory_space<vmem>>)
    %add3A_85 = arith.constant 6 : i32
    %add3A_86 = arith.addi %add3A, %add3A_85 : i32
    %rem3A_87 = arith.constant 17 : i32
    %rem3A_88 = arith.remsi %add3A_86, %rem3A_87 : i32
    %mul3A_89 = arith.constant 4096 : i32
    %mul3A_90 = arith.muli %rem3A_88, %mul3A_89 : i32
    %dma_start3A_91 = tpu.memref_slice %arg4[%mul3A_90] : memref<69632xi32, #tpu.memory_space<hbm>> -> memref<4096xi32, #tpu.memory_space<hbm>>
    %dma_start3A_92 = tpu.memref_slice %arg4[%mul3A_90] : memref<69632xi32, #tpu.memory_space<hbm>> -> memref<4096xi32, #tpu.memory_space<hbm>>
    tpu.enqueue_dma source(%dma_start3A_92 : memref<4096xi32, #tpu.memory_space<hbm>>) target(%arg11 : memref<4096xi32, #tpu.memory_space<vmem>>) target_semaphore(%arg13 : memref<!tpu.dma_semaphore, #tpu.memory_space<semaphore_mem>>)
    %parallel_loop3A_93 = arith.constant 0 : i32
    %parallel_loop3A_94 = arith.constant 4096 : i32
    %parallel_loop3A_95 = arith.constant 16 : i32
    %parallel_loop3A_96 = arith.constant 21632 : i32
    scf.for %parallel_loop3A_455 = %parallel_loop3A_93 to %parallel_loop3A_94 step %parallel_loop3A_95  : i32 {
      %parallel_loop3A_456 = arith.index_cast %parallel_loop3A_455 : i32 to index
      %parallel_loop3A_457 = tpu.vector_load %arg12[%parallel_loop3A_456] {strides = array<i32>} : memref<4096xi32, #tpu.memory_space<vmem>>, vector<16xi32>,
      %parallel_loop3A_458 = vector.broadcast %mul3A_2 : i32 to vector<16xi32>
      %parallel_loop3A_459 = arith.subi %parallel_loop3A_457, %parallel_loop3A_458 : vector<16xi32>
      %parallel_loop3A_460 = vector.broadcast %parallel_loop3A_96 : i32 to vector<16xi32>
      %parallel_loop3A_461 = arith.cmpi ult, %parallel_loop3A_459, %parallel_loop3A_460 : vector<16xi32>
      tpu.vector_store_idx %arg10[%parallel_loop3A_459], %broadcast_in_dim3A_5 masked %parallel_loop3A_461 {add = true} : memref<21632xf32, #tpu.memory_space<vmem>>[vector<16xi32>], vector<16xf32>, vector<16xi1>
    } {sc.loop_unroll_factor = 8 : i64, sc.parallel_access}
    %dma_wait3A_97 = tpu.memref_slice %arg4[%mul3A_90] : memref<69632xi32, #tpu.memory_space<hbm>> -> memref<4096xi32, #tpu.memory_space<hbm>>
    %dma_wait3A_98 = tpu.memref_slice %arg4[%mul3A_90] : memref<69632xi32, #tpu.memory_space<hbm>> -> memref<4096xi32, #tpu.memory_space<hbm>>
    tpu.wait_dma2 semaphore(%arg13 : memref<!tpu.dma_semaphore, #tpu.memory_space<semaphore_mem>>) src(%dma_wait3A_98 : memref<4096xi32, #tpu.memory_space<hbm>>) dst(%arg11 : memref<4096xi32, #tpu.memory_space<vmem>>)
    %add3A_99 = arith.constant 7 : i32
    %add3A_100 = arith.addi %add3A, %add3A_99 : i32
    %rem3A_101 = arith.constant 17 : i32
    %rem3A_102 = arith.remsi %add3A_100, %rem3A_101 : i32
    %mul3A_103 = arith.constant 4096 : i32
    %mul3A_104 = arith.muli %rem3A_102, %mul3A_103 : i32
    %dma_start3A_105 = tpu.memref_slice %arg4[%mul3A_104] : memref<69632xi32, #tpu.memory_space<hbm>> -> memref<4096xi32, #tpu.memory_space<hbm>>
    %dma_start3A_106 = tpu.memref_slice %arg4[%mul3A_104] : memref<69632xi32, #tpu.memory_space<hbm>> -> memref<4096xi32, #tpu.memory_space<hbm>>
    tpu.enqueue_dma source(%dma_start3A_106 : memref<4096xi32, #tpu.memory_space<hbm>>) target(%arg12 : memref<4096xi32, #tpu.memory_space<vmem>>) target_semaphore(%arg14 : memref<!tpu.dma_semaphore, #tpu.memory_space<semaphore_mem>>)
    %parallel_loop3A_107 = arith.constant 0 : i32
    %parallel_loop3A_108 = arith.constant 4096 : i32
    %parallel_loop3A_109 = arith.constant 16 : i32
    %parallel_loop3A_110 = arith.constant 21632 : i32
    scf.for %parallel_loop3A_455 = %parallel_loop3A_107 to %parallel_loop3A_108 step %parallel_loop3A_109  : i32 {
      %parallel_loop3A_456 = arith.index_cast %parallel_loop3A_455 : i32 to index
      %parallel_loop3A_457 = tpu.vector_load %arg11[%parallel_loop3A_456] {strides = array<i32>} : memref<4096xi32, #tpu.memory_space<vmem>>, vector<16xi32>,
      %parallel_loop3A_458 = vector.broadcast %mul3A_2 : i32 to vector<16xi32>
      %parallel_loop3A_459 = arith.subi %parallel_loop3A_457, %parallel_loop3A_458 : vector<16xi32>
      %parallel_loop3A_460 = vector.broadcast %parallel_loop3A_110 : i32 to vector<16xi32>
      %parallel_loop3A_461 = arith.cmpi ult, %parallel_loop3A_459, %parallel_loop3A_460 : vector<16xi32>
      tpu.vector_store_idx %arg10[%parallel_loop3A_459], %broadcast_in_dim3A_5 masked %parallel_loop3A_461 {add = true} : memref<21632xf32, #tpu.memory_space<vmem>>[vector<16xi32>], vector<16xf32>, vector<16xi1>
    } {sc.loop_unroll_factor = 8 : i64, sc.parallel_access}
    %dma_wait3A_111 = tpu.memref_slice %arg4[%mul3A_104] : memref<69632xi32, #tpu.memory_space<hbm>> -> memref<4096xi32, #tpu.memory_space<hbm>>
    %dma_wait3A_112 = tpu.memref_slice %arg4[%mul3A_104] : memref<69632xi32, #tpu.memory_space<hbm>> -> memref<4096xi32, #tpu.memory_space<hbm>>
    tpu.wait_dma2 semaphore(%arg14 : memref<!tpu.dma_semaphore, #tpu.memory_space<semaphore_mem>>) src(%dma_wait3A_112 : memref<4096xi32, #tpu.memory_space<hbm>>) dst(%arg12 : memref<4096xi32, #tpu.memory_space<vmem>>)
    %add3A_113 = arith.constant 8 : i32
    %add3A_114 = arith.addi %add3A, %add3A_113 : i32
    %rem3A_115 = arith.constant 17 : i32
    %rem3A_116 = arith.remsi %add3A_114, %rem3A_115 : i32
    %mul3A_117 = arith.constant 4096 : i32
    %mul3A_118 = arith.muli %rem3A_116, %mul3A_117 : i32
    %dma_start3A_119 = tpu.memref_slice %arg4[%mul3A_118] : memref<69632xi32, #tpu.memory_space<hbm>> -> memref<4096xi32, #tpu.memory_space<hbm>>
    %dma_start3A_120 = tpu.memref_slice %arg4[%mul3A_118] : memref<69632xi32, #tpu.memory_space<hbm>> -> memref<4096xi32, #tpu.memory_space<hbm>>
    tpu.enqueue_dma source(%dma_start3A_120 : memref<4096xi32, #tpu.memory_space<hbm>>) target(%arg11 : memref<4096xi32, #tpu.memory_space<vmem>>) target_semaphore(%arg13 : memref<!tpu.dma_semaphore, #tpu.memory_space<semaphore_mem>>)
    %parallel_loop3A_121 = arith.constant 0 : i32
    %parallel_loop3A_122 = arith.constant 4096 : i32
    %parallel_loop3A_123 = arith.constant 16 : i32
    %parallel_loop3A_124 = arith.constant 21632 : i32
    scf.for %parallel_loop3A_455 = %parallel_loop3A_121 to %parallel_loop3A_122 step %parallel_loop3A_123  : i32 {
      %parallel_loop3A_456 = arith.index_cast %parallel_loop3A_455 : i32 to index
      %parallel_loop3A_457 = tpu.vector_load %arg12[%parallel_loop3A_456] {strides = array<i32>} : memref<4096xi32, #tpu.memory_space<vmem>>, vector<16xi32>,
      %parallel_loop3A_458 = vector.broadcast %mul3A_2 : i32 to vector<16xi32>
      %parallel_loop3A_459 = arith.subi %parallel_loop3A_457, %parallel_loop3A_458 : vector<16xi32>
      %parallel_loop3A_460 = vector.broadcast %parallel_loop3A_124 : i32 to vector<16xi32>
      %parallel_loop3A_461 = arith.cmpi ult, %parallel_loop3A_459, %parallel_loop3A_460 : vector<16xi32>
      tpu.vector_store_idx %arg10[%parallel_loop3A_459], %broadcast_in_dim3A_5 masked %parallel_loop3A_461 {add = true} : memref<21632xf32, #tpu.memory_space<vmem>>[vector<16xi32>], vector<16xf32>, vector<16xi1>
    } {sc.loop_unroll_factor = 8 : i64, sc.parallel_access}
    %dma_wait3A_125 = tpu.memref_slice %arg4[%mul3A_118] : memref<69632xi32, #tpu.memory_space<hbm>> -> memref<4096xi32, #tpu.memory_space<hbm>>
    %dma_wait3A_126 = tpu.memref_slice %arg4[%mul3A_118] : memref<69632xi32, #tpu.memory_space<hbm>> -> memref<4096xi32, #tpu.memory_space<hbm>>
    tpu.wait_dma2 semaphore(%arg13 : memref<!tpu.dma_semaphore, #tpu.memory_space<semaphore_mem>>) src(%dma_wait3A_126 : memref<4096xi32, #tpu.memory_space<hbm>>) dst(%arg11 : memref<4096xi32, #tpu.memory_space<vmem>>)
    %add3A_127 = arith.constant 9 : i32
    %add3A_128 = arith.addi %add3A, %add3A_127 : i32
    %rem3A_129 = arith.constant 17 : i32
    %rem3A_130 = arith.remsi %add3A_128, %rem3A_129 : i32
    %mul3A_131 = arith.constant 4096 : i32
    %mul3A_132 = arith.muli %rem3A_130, %mul3A_131 : i32
    %dma_start3A_133 = tpu.memref_slice %arg4[%mul3A_132] : memref<69632xi32, #tpu.memory_space<hbm>> -> memref<4096xi32, #tpu.memory_space<hbm>>
    %dma_start3A_134 = tpu.memref_slice %arg4[%mul3A_132] : memref<69632xi32, #tpu.memory_space<hbm>> -> memref<4096xi32, #tpu.memory_space<hbm>>
    tpu.enqueue_dma source(%dma_start3A_134 : memref<4096xi32, #tpu.memory_space<hbm>>) target(%arg12 : memref<4096xi32, #tpu.memory_space<vmem>>) target_semaphore(%arg14 : memref<!tpu.dma_semaphore, #tpu.memory_space<semaphore_mem>>)
    %parallel_loop3A_135 = arith.constant 0 : i32
    %parallel_loop3A_136 = arith.constant 4096 : i32
    %parallel_loop3A_137 = arith.constant 16 : i32
    %parallel_loop3A_138 = arith.constant 21632 : i32
    scf.for %parallel_loop3A_455 = %parallel_loop3A_135 to %parallel_loop3A_136 step %parallel_loop3A_137  : i32 {
      %parallel_loop3A_456 = arith.index_cast %parallel_loop3A_455 : i32 to index
      %parallel_loop3A_457 = tpu.vector_load %arg11[%parallel_loop3A_456] {strides = array<i32>} : memref<4096xi32, #tpu.memory_space<vmem>>, vector<16xi32>,
      %parallel_loop3A_458 = vector.broadcast %mul3A_2 : i32 to vector<16xi32>
      %parallel_loop3A_459 = arith.subi %parallel_loop3A_457, %parallel_loop3A_458 : vector<16xi32>
      %parallel_loop3A_460 = vector.broadcast %parallel_loop3A_138 : i32 to vector<16xi32>
      %parallel_loop3A_461 = arith.cmpi ult, %parallel_loop3A_459, %parallel_loop3A_460 : vector<16xi32>
      tpu.vector_store_idx %arg10[%parallel_loop3A_459], %broadcast_in_dim3A_5 masked %parallel_loop3A_461 {add = true} : memref<21632xf32, #tpu.memory_space<vmem>>[vector<16xi32>], vector<16xf32>, vector<16xi1>
    } {sc.loop_unroll_factor = 8 : i64, sc.parallel_access}
    %dma_wait3A_139 = tpu.memref_slice %arg4[%mul3A_132] : memref<69632xi32, #tpu.memory_space<hbm>> -> memref<4096xi32, #tpu.memory_space<hbm>>
    %dma_wait3A_140 = tpu.memref_slice %arg4[%mul3A_132] : memref<69632xi32, #tpu.memory_space<hbm>> -> memref<4096xi32, #tpu.memory_space<hbm>>
    tpu.wait_dma2 semaphore(%arg14 : memref<!tpu.dma_semaphore, #tpu.memory_space<semaphore_mem>>) src(%dma_wait3A_140 : memref<4096xi32, #tpu.memory_space<hbm>>) dst(%arg12 : memref<4096xi32, #tpu.memory_space<vmem>>)
    %add3A_141 = arith.constant 10 : i32
    %add3A_142 = arith.addi %add3A, %add3A_141 : i32
    %rem3A_143 = arith.constant 17 : i32
    %rem3A_144 = arith.remsi %add3A_142, %rem3A_143 : i32
    %mul3A_145 = arith.constant 4096 : i32
    %mul3A_146 = arith.muli %rem3A_144, %mul3A_145 : i32
    %dma_start3A_147 = tpu.memref_slice %arg4[%mul3A_146] : memref<69632xi32, #tpu.memory_space<hbm>> -> memref<4096xi32, #tpu.memory_space<hbm>>
    %dma_start3A_148 = tpu.memref_slice %arg4[%mul3A_146] : memref<69632xi32, #tpu.memory_space<hbm>> -> memref<4096xi32, #tpu.memory_space<hbm>>
    tpu.enqueue_dma source(%dma_start3A_148 : memref<4096xi32, #tpu.memory_space<hbm>>) target(%arg11 : memref<4096xi32, #tpu.memory_space<vmem>>) target_semaphore(%arg13 : memref<!tpu.dma_semaphore, #tpu.memory_space<semaphore_mem>>)
    %parallel_loop3A_149 = arith.constant 0 : i32
    %parallel_loop3A_150 = arith.constant 4096 : i32
    %parallel_loop3A_151 = arith.constant 16 : i32
    %parallel_loop3A_152 = arith.constant 21632 : i32
    scf.for %parallel_loop3A_455 = %parallel_loop3A_149 to %parallel_loop3A_150 step %parallel_loop3A_151  : i32 {
      %parallel_loop3A_456 = arith.index_cast %parallel_loop3A_455 : i32 to index
      %parallel_loop3A_457 = tpu.vector_load %arg12[%parallel_loop3A_456] {strides = array<i32>} : memref<4096xi32, #tpu.memory_space<vmem>>, vector<16xi32>,
      %parallel_loop3A_458 = vector.broadcast %mul3A_2 : i32 to vector<16xi32>
      %parallel_loop3A_459 = arith.subi %parallel_loop3A_457, %parallel_loop3A_458 : vector<16xi32>
      %parallel_loop3A_460 = vector.broadcast %parallel_loop3A_152 : i32 to vector<16xi32>
      %parallel_loop3A_461 = arith.cmpi ult, %parallel_loop3A_459, %parallel_loop3A_460 : vector<16xi32>
      tpu.vector_store_idx %arg10[%parallel_loop3A_459], %broadcast_in_dim3A_5 masked %parallel_loop3A_461 {add = true} : memref<21632xf32, #tpu.memory_space<vmem>>[vector<16xi32>], vector<16xf32>, vector<16xi1>
    } {sc.loop_unroll_factor = 8 : i64, sc.parallel_access}
    %dma_wait3A_153 = tpu.memref_slice %arg4[%mul3A_146] : memref<69632xi32, #tpu.memory_space<hbm>> -> memref<4096xi32, #tpu.memory_space<hbm>>
    %dma_wait3A_154 = tpu.memref_slice %arg4[%mul3A_146] : memref<69632xi32, #tpu.memory_space<hbm>> -> memref<4096xi32, #tpu.memory_space<hbm>>
    tpu.wait_dma2 semaphore(%arg13 : memref<!tpu.dma_semaphore, #tpu.memory_space<semaphore_mem>>) src(%dma_wait3A_154 : memref<4096xi32, #tpu.memory_space<hbm>>) dst(%arg11 : memref<4096xi32, #tpu.memory_space<vmem>>)
    %add3A_155 = arith.constant 11 : i32
    %add3A_156 = arith.addi %add3A, %add3A_155 : i32
    %rem3A_157 = arith.constant 17 : i32
    %rem3A_158 = arith.remsi %add3A_156, %rem3A_157 : i32
    %mul3A_159 = arith.constant 4096 : i32
    %mul3A_160 = arith.muli %rem3A_158, %mul3A_159 : i32
    %dma_start3A_161 = tpu.memref_slice %arg4[%mul3A_160] : memref<69632xi32, #tpu.memory_space<hbm>> -> memref<4096xi32, #tpu.memory_space<hbm>>
    %dma_start3A_162 = tpu.memref_slice %arg4[%mul3A_160] : memref<69632xi32, #tpu.memory_space<hbm>> -> memref<4096xi32, #tpu.memory_space<hbm>>
    tpu.enqueue_dma source(%dma_start3A_162 : memref<4096xi32, #tpu.memory_space<hbm>>) target(%arg12 : memref<4096xi32, #tpu.memory_space<vmem>>) target_semaphore(%arg14 : memref<!tpu.dma_semaphore, #tpu.memory_space<semaphore_mem>>)
    %parallel_loop3A_163 = arith.constant 0 : i32
    %parallel_loop3A_164 = arith.constant 4096 : i32
    %parallel_loop3A_165 = arith.constant 16 : i32
    %parallel_loop3A_166 = arith.constant 21632 : i32
    scf.for %parallel_loop3A_455 = %parallel_loop3A_163 to %parallel_loop3A_164 step %parallel_loop3A_165  : i32 {
      %parallel_loop3A_456 = arith.index_cast %parallel_loop3A_455 : i32 to index
      %parallel_loop3A_457 = tpu.vector_load %arg11[%parallel_loop3A_456] {strides = array<i32>} : memref<4096xi32, #tpu.memory_space<vmem>>, vector<16xi32>,
      %parallel_loop3A_458 = vector.broadcast %mul3A_2 : i32 to vector<16xi32>
      %parallel_loop3A_459 = arith.subi %parallel_loop3A_457, %parallel_loop3A_458 : vector<16xi32>
      %parallel_loop3A_460 = vector.broadcast %parallel_loop3A_166 : i32 to vector<16xi32>
      %parallel_loop3A_461 = arith.cmpi ult, %parallel_loop3A_459, %parallel_loop3A_460 : vector<16xi32>
      tpu.vector_store_idx %arg10[%parallel_loop3A_459], %broadcast_in_dim3A_5 masked %parallel_loop3A_461 {add = true} : memref<21632xf32, #tpu.memory_space<vmem>>[vector<16xi32>], vector<16xf32>, vector<16xi1>
    } {sc.loop_unroll_factor = 8 : i64, sc.parallel_access}
    %dma_wait3A_167 = tpu.memref_slice %arg4[%mul3A_160] : memref<69632xi32, #tpu.memory_space<hbm>> -> memref<4096xi32, #tpu.memory_space<hbm>>
    %dma_wait3A_168 = tpu.memref_slice %arg4[%mul3A_160] : memref<69632xi32, #tpu.memory_space<hbm>> -> memref<4096xi32, #tpu.memory_space<hbm>>
    tpu.wait_dma2 semaphore(%arg14 : memref<!tpu.dma_semaphore, #tpu.memory_space<semaphore_mem>>) src(%dma_wait3A_168 : memref<4096xi32, #tpu.memory_space<hbm>>) dst(%arg12 : memref<4096xi32, #tpu.memory_space<vmem>>)
    %add3A_169 = arith.constant 12 : i32
    %add3A_170 = arith.addi %add3A, %add3A_169 : i32
    %rem3A_171 = arith.constant 17 : i32
    %rem3A_172 = arith.remsi %add3A_170, %rem3A_171 : i32
    %mul3A_173 = arith.constant 4096 : i32
    %mul3A_174 = arith.muli %rem3A_172, %mul3A_173 : i32
    %dma_start3A_175 = tpu.memref_slice %arg4[%mul3A_174] : memref<69632xi32, #tpu.memory_space<hbm>> -> memref<4096xi32, #tpu.memory_space<hbm>>
    %dma_start3A_176 = tpu.memref_slice %arg4[%mul3A_174] : memref<69632xi32, #tpu.memory_space<hbm>> -> memref<4096xi32, #tpu.memory_space<hbm>>
    tpu.enqueue_dma source(%dma_start3A_176 : memref<4096xi32, #tpu.memory_space<hbm>>) target(%arg11 : memref<4096xi32, #tpu.memory_space<vmem>>) target_semaphore(%arg13 : memref<!tpu.dma_semaphore, #tpu.memory_space<semaphore_mem>>)
    %parallel_loop3A_177 = arith.constant 0 : i32
    %parallel_loop3A_178 = arith.constant 4096 : i32
    %parallel_loop3A_179 = arith.constant 16 : i32
    %parallel_loop3A_180 = arith.constant 21632 : i32
    scf.for %parallel_loop3A_455 = %parallel_loop3A_177 to %parallel_loop3A_178 step %parallel_loop3A_179  : i32 {
      %parallel_loop3A_456 = arith.index_cast %parallel_loop3A_455 : i32 to index
      %parallel_loop3A_457 = tpu.vector_load %arg12[%parallel_loop3A_456] {strides = array<i32>} : memref<4096xi32, #tpu.memory_space<vmem>>, vector<16xi32>,
      %parallel_loop3A_458 = vector.broadcast %mul3A_2 : i32 to vector<16xi32>
      %parallel_loop3A_459 = arith.subi %parallel_loop3A_457, %parallel_loop3A_458 : vector<16xi32>
      %parallel_loop3A_460 = vector.broadcast %parallel_loop3A_180 : i32 to vector<16xi32>
      %parallel_loop3A_461 = arith.cmpi ult, %parallel_loop3A_459, %parallel_loop3A_460 : vector<16xi32>
      tpu.vector_store_idx %arg10[%parallel_loop3A_459], %broadcast_in_dim3A_5 masked %parallel_loop3A_461 {add = true} : memref<21632xf32, #tpu.memory_space<vmem>>[vector<16xi32>], vector<16xf32>, vector<16xi1>
    } {sc.loop_unroll_factor = 8 : i64, sc.parallel_access}
    %dma_wait3A_181 = tpu.memref_slice %arg4[%mul3A_174] : memref<69632xi32, #tpu.memory_space<hbm>> -> memref<4096xi32, #tpu.memory_space<hbm>>
    %dma_wait3A_182 = tpu.memref_slice %arg4[%mul3A_174] : memref<69632xi32, #tpu.memory_space<hbm>> -> memref<4096xi32, #tpu.memory_space<hbm>>
    tpu.wait_dma2 semaphore(%arg13 : memref<!tpu.dma_semaphore, #tpu.memory_space<semaphore_mem>>) src(%dma_wait3A_182 : memref<4096xi32, #tpu.memory_space<hbm>>) dst(%arg11 : memref<4096xi32, #tpu.memory_space<vmem>>)
    %add3A_183 = arith.constant 13 : i32
    %add3A_184 = arith.addi %add3A, %add3A_183 : i32
    %rem3A_185 = arith.constant 17 : i32
    %rem3A_186 = arith.remsi %add3A_184, %rem3A_185 : i32
    %mul3A_187 = arith.constant 4096 : i32
    %mul3A_188 = arith.muli %rem3A_186, %mul3A_187 : i32
    %dma_start3A_189 = tpu.memref_slice %arg4[%mul3A_188] : memref<69632xi32, #tpu.memory_space<hbm>> -> memref<4096xi32, #tpu.memory_space<hbm>>
    %dma_start3A_190 = tpu.memref_slice %arg4[%mul3A_188] : memref<69632xi32, #tpu.memory_space<hbm>> -> memref<4096xi32, #tpu.memory_space<hbm>>
    tpu.enqueue_dma source(%dma_start3A_190 : memref<4096xi32, #tpu.memory_space<hbm>>) target(%arg12 : memref<4096xi32, #tpu.memory_space<vmem>>) target_semaphore(%arg14 : memref<!tpu.dma_semaphore, #tpu.memory_space<semaphore_mem>>)
    %parallel_loop3A_191 = arith.constant 0 : i32
    %parallel_loop3A_192 = arith.constant 4096 : i32
    %parallel_loop3A_193 = arith.constant 16 : i32
    %parallel_loop3A_194 = arith.constant 21632 : i32
    scf.for %parallel_loop3A_455 = %parallel_loop3A_191 to %parallel_loop3A_192 step %parallel_loop3A_193  : i32 {
      %parallel_loop3A_456 = arith.index_cast %parallel_loop3A_455 : i32 to index
      %parallel_loop3A_457 = tpu.vector_load %arg11[%parallel_loop3A_456] {strides = array<i32>} : memref<4096xi32, #tpu.memory_space<vmem>>, vector<16xi32>,
      %parallel_loop3A_458 = vector.broadcast %mul3A_2 : i32 to vector<16xi32>
      %parallel_loop3A_459 = arith.subi %parallel_loop3A_457, %parallel_loop3A_458 : vector<16xi32>
      %parallel_loop3A_460 = vector.broadcast %parallel_loop3A_194 : i32 to vector<16xi32>
      %parallel_loop3A_461 = arith.cmpi ult, %parallel_loop3A_459, %parallel_loop3A_460 : vector<16xi32>
      tpu.vector_store_idx %arg10[%parallel_loop3A_459], %broadcast_in_dim3A_5 masked %parallel_loop3A_461 {add = true} : memref<21632xf32, #tpu.memory_space<vmem>>[vector<16xi32>], vector<16xf32>, vector<16xi1>
    } {sc.loop_unroll_factor = 8 : i64, sc.parallel_access}
    %dma_wait3A_195 = tpu.memref_slice %arg4[%mul3A_188] : memref<69632xi32, #tpu.memory_space<hbm>> -> memref<4096xi32, #tpu.memory_space<hbm>>
    %dma_wait3A_196 = tpu.memref_slice %arg4[%mul3A_188] : memref<69632xi32, #tpu.memory_space<hbm>> -> memref<4096xi32, #tpu.memory_space<hbm>>
    tpu.wait_dma2 semaphore(%arg14 : memref<!tpu.dma_semaphore, #tpu.memory_space<semaphore_mem>>) src(%dma_wait3A_196 : memref<4096xi32, #tpu.memory_space<hbm>>) dst(%arg12 : memref<4096xi32, #tpu.memory_space<vmem>>)
    %add3A_197 = arith.constant 14 : i32
    %add3A_198 = arith.addi %add3A, %add3A_197 : i32
    %rem3A_199 = arith.constant 17 : i32
    %rem3A_200 = arith.remsi %add3A_198, %rem3A_199 : i32
    %mul3A_201 = arith.constant 4096 : i32
    %mul3A_202 = arith.muli %rem3A_200, %mul3A_201 : i32
    %dma_start3A_203 = tpu.memref_slice %arg4[%mul3A_202] : memref<69632xi32, #tpu.memory_space<hbm>> -> memref<4096xi32, #tpu.memory_space<hbm>>
    %dma_start3A_204 = tpu.memref_slice %arg4[%mul3A_202] : memref<69632xi32, #tpu.memory_space<hbm>> -> memref<4096xi32, #tpu.memory_space<hbm>>
    tpu.enqueue_dma source(%dma_start3A_204 : memref<4096xi32, #tpu.memory_space<hbm>>) target(%arg11 : memref<4096xi32, #tpu.memory_space<vmem>>) target_semaphore(%arg13 : memref<!tpu.dma_semaphore, #tpu.memory_space<semaphore_mem>>)
    %parallel_loop3A_205 = arith.constant 0 : i32
    %parallel_loop3A_206 = arith.constant 4096 : i32
    %parallel_loop3A_207 = arith.constant 16 : i32
    %parallel_loop3A_208 = arith.constant 21632 : i32
    scf.for %parallel_loop3A_455 = %parallel_loop3A_205 to %parallel_loop3A_206 step %parallel_loop3A_207  : i32 {
      %parallel_loop3A_456 = arith.index_cast %parallel_loop3A_455 : i32 to index
      %parallel_loop3A_457 = tpu.vector_load %arg12[%parallel_loop3A_456] {strides = array<i32>} : memref<4096xi32, #tpu.memory_space<vmem>>, vector<16xi32>,
      %parallel_loop3A_458 = vector.broadcast %mul3A_2 : i32 to vector<16xi32>
      %parallel_loop3A_459 = arith.subi %parallel_loop3A_457, %parallel_loop3A_458 : vector<16xi32>
      %parallel_loop3A_460 = vector.broadcast %parallel_loop3A_208 : i32 to vector<16xi32>
      %parallel_loop3A_461 = arith.cmpi ult, %parallel_loop3A_459, %parallel_loop3A_460 : vector<16xi32>
      tpu.vector_store_idx %arg10[%parallel_loop3A_459], %broadcast_in_dim3A_5 masked %parallel_loop3A_461 {add = true} : memref<21632xf32, #tpu.memory_space<vmem>>[vector<16xi32>], vector<16xf32>, vector<16xi1>
    } {sc.loop_unroll_factor = 8 : i64, sc.parallel_access}
    %dma_wait3A_209 = tpu.memref_slice %arg4[%mul3A_202] : memref<69632xi32, #tpu.memory_space<hbm>> -> memref<4096xi32, #tpu.memory_space<hbm>>
    %dma_wait3A_210 = tpu.memref_slice %arg4[%mul3A_202] : memref<69632xi32, #tpu.memory_space<hbm>> -> memref<4096xi32, #tpu.memory_space<hbm>>
    tpu.wait_dma2 semaphore(%arg13 : memref<!tpu.dma_semaphore, #tpu.memory_space<semaphore_mem>>) src(%dma_wait3A_210 : memref<4096xi32, #tpu.memory_space<hbm>>) dst(%arg11 : memref<4096xi32, #tpu.memory_space<vmem>>)
    %add3A_211 = arith.constant 15 : i32
    %add3A_212 = arith.addi %add3A, %add3A_211 : i32
    %rem3A_213 = arith.constant 17 : i32
    %rem3A_214 = arith.remsi %add3A_212, %rem3A_213 : i32
    %mul3A_215 = arith.constant 4096 : i32
    %mul3A_216 = arith.muli %rem3A_214, %mul3A_215 : i32
    %dma_start3A_217 = tpu.memref_slice %arg4[%mul3A_216] : memref<69632xi32, #tpu.memory_space<hbm>> -> memref<4096xi32, #tpu.memory_space<hbm>>
    %dma_start3A_218 = tpu.memref_slice %arg4[%mul3A_216] : memref<69632xi32, #tpu.memory_space<hbm>> -> memref<4096xi32, #tpu.memory_space<hbm>>
    tpu.enqueue_dma source(%dma_start3A_218 : memref<4096xi32, #tpu.memory_space<hbm>>) target(%arg12 : memref<4096xi32, #tpu.memory_space<vmem>>) target_semaphore(%arg14 : memref<!tpu.dma_semaphore, #tpu.memory_space<semaphore_mem>>)
    %parallel_loop3A_219 = arith.constant 0 : i32
    %parallel_loop3A_220 = arith.constant 4096 : i32
    %parallel_loop3A_221 = arith.constant 16 : i32
    %parallel_loop3A_222 = arith.constant 21632 : i32
    scf.for %parallel_loop3A_455 = %parallel_loop3A_219 to %parallel_loop3A_220 step %parallel_loop3A_221  : i32 {
      %parallel_loop3A_456 = arith.index_cast %parallel_loop3A_455 : i32 to index
      %parallel_loop3A_457 = tpu.vector_load %arg11[%parallel_loop3A_456] {strides = array<i32>} : memref<4096xi32, #tpu.memory_space<vmem>>, vector<16xi32>,
      %parallel_loop3A_458 = vector.broadcast %mul3A_2 : i32 to vector<16xi32>
      %parallel_loop3A_459 = arith.subi %parallel_loop3A_457, %parallel_loop3A_458 : vector<16xi32>
      %parallel_loop3A_460 = vector.broadcast %parallel_loop3A_222 : i32 to vector<16xi32>
      %parallel_loop3A_461 = arith.cmpi ult, %parallel_loop3A_459, %parallel_loop3A_460 : vector<16xi32>
      tpu.vector_store_idx %arg10[%parallel_loop3A_459], %broadcast_in_dim3A_5 masked %parallel_loop3A_461 {add = true} : memref<21632xf32, #tpu.memory_space<vmem>>[vector<16xi32>], vector<16xf32>, vector<16xi1>
    } {sc.loop_unroll_factor = 8 : i64, sc.parallel_access}
    %dma_wait3A_223 = tpu.memref_slice %arg4[%mul3A_216] : memref<69632xi32, #tpu.memory_space<hbm>> -> memref<4096xi32, #tpu.memory_space<hbm>>
    %dma_wait3A_224 = tpu.memref_slice %arg4[%mul3A_216] : memref<69632xi32, #tpu.memory_space<hbm>> -> memref<4096xi32, #tpu.memory_space<hbm>>
    tpu.wait_dma2 semaphore(%arg14 : memref<!tpu.dma_semaphore, #tpu.memory_space<semaphore_mem>>) src(%dma_wait3A_224 : memref<4096xi32, #tpu.memory_space<hbm>>) dst(%arg12 : memref<4096xi32, #tpu.memory_space<vmem>>)
    %add3A_225 = arith.constant 16 : i32
    %add3A_226 = arith.addi %add3A, %add3A_225 : i32
    %rem3A_227 = arith.constant 17 : i32
    %rem3A_228 = arith.remsi %add3A_226, %rem3A_227 : i32
    %mul3A_229 = arith.constant 4096 : i32
    %mul3A_230 = arith.muli %rem3A_228, %mul3A_229 : i32
    %dma_start3A_231 = tpu.memref_slice %arg4[%mul3A_230] : memref<69632xi32, #tpu.memory_space<hbm>> -> memref<4096xi32, #tpu.memory_space<hbm>>
    %dma_start3A_232 = tpu.memref_slice %arg4[%mul3A_230] : memref<69632xi32, #tpu.memory_space<hbm>> -> memref<4096xi32, #tpu.memory_space<hbm>>
    tpu.enqueue_dma source(%dma_start3A_232 : memref<4096xi32, #tpu.memory_space<hbm>>) target(%arg11 : memref<4096xi32, #tpu.memory_space<vmem>>) target_semaphore(%arg13 : memref<!tpu.dma_semaphore, #tpu.memory_space<semaphore_mem>>)
    %parallel_loop3A_233 = arith.constant 0 : i32
    %parallel_loop3A_234 = arith.constant 4096 : i32
    %parallel_loop3A_235 = arith.constant 16 : i32
    %parallel_loop3A_236 = arith.constant 21632 : i32
    scf.for %parallel_loop3A_455 = %parallel_loop3A_233 to %parallel_loop3A_234 step %parallel_loop3A_235  : i32 {
      %parallel_loop3A_456 = arith.index_cast %parallel_loop3A_455 : i32 to index
      %parallel_loop3A_457 = tpu.vector_load %arg12[%parallel_loop3A_456] {strides = array<i32>} : memref<4096xi32, #tpu.memory_space<vmem>>, vector<16xi32>,
      %parallel_loop3A_458 = vector.broadcast %mul3A_2 : i32 to vector<16xi32>
      %parallel_loop3A_459 = arith.subi %parallel_loop3A_457, %parallel_loop3A_458 : vector<16xi32>
      %parallel_loop3A_460 = vector.broadcast %parallel_loop3A_236 : i32 to vector<16xi32>
      %parallel_loop3A_461 = arith.cmpi ult, %parallel_loop3A_459, %parallel_loop3A_460 : vector<16xi32>
      tpu.vector_store_idx %arg10[%parallel_loop3A_459], %broadcast_in_dim3A_5 masked %parallel_loop3A_461 {add = true} : memref<21632xf32, #tpu.memory_space<vmem>>[vector<16xi32>], vector<16xf32>, vector<16xi1>
    } {sc.loop_unroll_factor = 8 : i64, sc.parallel_access}
    %dma_wait3A_237 = tpu.memref_slice %arg4[%mul3A_230] : memref<69632xi32, #tpu.memory_space<hbm>> -> memref<4096xi32, #tpu.memory_space<hbm>>
    %dma_wait3A_238 = tpu.memref_slice %arg4[%mul3A_230] : memref<69632xi32, #tpu.memory_space<hbm>> -> memref<4096xi32, #tpu.memory_space<hbm>>
    tpu.wait_dma2 semaphore(%arg13 : memref<!tpu.dma_semaphore, #tpu.memory_space<semaphore_mem>>) src(%dma_wait3A_238 : memref<4096xi32, #tpu.memory_space<hbm>>) dst(%arg11 : memref<4096xi32, #tpu.memory_space<vmem>>)
    %parallel_loop3A_239 = arith.constant 0 : i32
    %parallel_loop3A_240 = arith.constant 4096 : i32
    %parallel_loop3A_241 = arith.constant 16 : i32
    %parallel_loop3A_242 = arith.constant 21632 : i32
    scf.for %parallel_loop3A_455 = %parallel_loop3A_239 to %parallel_loop3A_240 step %parallel_loop3A_241  : i32 {
      %parallel_loop3A_456 = arith.index_cast %parallel_loop3A_455 : i32 to index
      %parallel_loop3A_457 = tpu.vector_load %arg11[%parallel_loop3A_456] {strides = array<i32>} : memref<4096xi32, #tpu.memory_space<vmem>>, vector<16xi32>,
      %parallel_loop3A_458 = vector.broadcast %mul3A_2 : i32 to vector<16xi32>
      %parallel_loop3A_459 = arith.subi %parallel_loop3A_457, %parallel_loop3A_458 : vector<16xi32>
      %parallel_loop3A_460 = vector.broadcast %parallel_loop3A_242 : i32 to vector<16xi32>
      %parallel_loop3A_461 = arith.cmpi ult, %parallel_loop3A_459, %parallel_loop3A_460 : vector<16xi32>
      tpu.vector_store_idx %arg10[%parallel_loop3A_459], %broadcast_in_dim3A_5 masked %parallel_loop3A_461 {add = true} : memref<21632xf32, #tpu.memory_space<vmem>>[vector<16xi32>], vector<16xf32>, vector<16xi1>
    } {sc.loop_unroll_factor = 8 : i64, sc.parallel_access}
    %dma_start3A_243 = tpu.memref_slice %arg7[%mul3A_2] : memref<692224xf32, #tpu.memory_space<hbm>> -> memref<21632xf32, #tpu.memory_space<hbm>>
    %dma_start3A_244 = tpu.memref_slice %arg7[%mul3A_2] : memref<692224xf32, #tpu.memory_space<hbm>> -> memref<21632xf32, #tpu.memory_space<hbm>>
    tpu.enqueue_dma source(%arg10 : memref<21632xf32, #tpu.memory_space<vmem>>) target(%dma_start3A_244 : memref<21632xf32, #tpu.memory_space<hbm>>) target_semaphore(%arg15 : memref<!tpu.dma_semaphore, #tpu.memory_space<semaphore_mem>>)
    %mul3A_245 = arith.constant 48672 : i32
    %mul3A_246 = arith.muli %add3A, %mul3A_245 : i32
    %broadcast_in_dim3A_247 = arith.constant 0.000000e+00 : f32
    %broadcast_in_dim3A_248 = vector.broadcast %broadcast_in_dim3A_247 : f32 to vector<16xf32>
    %broadcast_in_dim3A_249 = arith.constant 1.000000e+00 : f32
    %broadcast_in_dim3A_250 = vector.broadcast %broadcast_in_dim3A_249 : f32 to vector<16xf32>
    %parallel_loop3A_251 = arith.constant 0 : i32
    %parallel_loop3A_252 = arith.constant 48672 : i32
    %parallel_loop3A_253 = arith.constant 16 : i32
    scf.for %parallel_loop3A_455 = %parallel_loop3A_251 to %parallel_loop3A_252 step %parallel_loop3A_253  : i32 {
      %parallel_loop3A_456 = arith.index_cast %parallel_loop3A_455 : i32 to index
      %parallel_loop3A_457 = tpu.vector_load %arg8[%parallel_loop3A_456] {strides = array<i32>} : memref<48672xf32, #tpu.memory_space<vmem>>, vector<16xf32>,
      tpu.vector_store %arg8[%parallel_loop3A_456], %broadcast_in_dim3A_248 {strides = array<i32>} : memref<48672xf32, #tpu.memory_space<vmem>>, vector<16xf32>,
    } {sc.loop_unroll_factor = 8 : i64, sc.parallel_access}
    %add3A_254 = arith.constant 0 : i32
    %add3A_255 = arith.addi %add3A, %add3A_254 : i32
    %rem3A_256 = arith.constant 11 : i32
    %rem3A_257 = arith.remsi %add3A_255, %rem3A_256 : i32
    %mul3A_258 = arith.constant 4096 : i32
    %mul3A_259 = arith.muli %rem3A_257, %mul3A_258 : i32
    %dma_start3A_260 = tpu.memref_slice %arg2[%mul3A_259] : memref<45056xi32, #tpu.memory_space<hbm>> -> memref<4096xi32, #tpu.memory_space<hbm>>
    %dma_start3A_261 = tpu.memref_slice %arg2[%mul3A_259] : memref<45056xi32, #tpu.memory_space<hbm>> -> memref<4096xi32, #tpu.memory_space<hbm>>
    tpu.enqueue_dma source(%dma_start3A_261 : memref<4096xi32, #tpu.memory_space<hbm>>) target(%arg11 : memref<4096xi32, #tpu.memory_space<vmem>>) target_semaphore(%arg13 : memref<!tpu.dma_semaphore, #tpu.memory_space<semaphore_mem>>)
    %dma_wait3A_262 = tpu.memref_slice %arg2[%mul3A_259] : memref<45056xi32, #tpu.memory_space<hbm>> -> memref<4096xi32, #tpu.memory_space<hbm>>
    %dma_wait3A_263 = tpu.memref_slice %arg2[%mul3A_259] : memref<45056xi32, #tpu.memory_space<hbm>> -> memref<4096xi32, #tpu.memory_space<hbm>>
    tpu.wait_dma2 semaphore(%arg13 : memref<!tpu.dma_semaphore, #tpu.memory_space<semaphore_mem>>) src(%dma_wait3A_263 : memref<4096xi32, #tpu.memory_space<hbm>>) dst(%arg11 : memref<4096xi32, #tpu.memory_space<vmem>>)
    %add3A_264 = arith.constant 1 : i32
    %add3A_265 = arith.addi %add3A, %add3A_264 : i32
    %rem3A_266 = arith.constant 11 : i32
    %rem3A_267 = arith.remsi %add3A_265, %rem3A_266 : i32
    %mul3A_268 = arith.constant 4096 : i32
    %mul3A_269 = arith.muli %rem3A_267, %mul3A_268 : i32
    %dma_start3A_270 = tpu.memref_slice %arg2[%mul3A_269] : memref<45056xi32, #tpu.memory_space<hbm>> -> memref<4096xi32, #tpu.memory_space<hbm>>
    %dma_start3A_271 = tpu.memref_slice %arg2[%mul3A_269] : memref<45056xi32, #tpu.memory_space<hbm>> -> memref<4096xi32, #tpu.memory_space<hbm>>
    tpu.enqueue_dma source(%dma_start3A_271 : memref<4096xi32, #tpu.memory_space<hbm>>) target(%arg12 : memref<4096xi32, #tpu.memory_space<vmem>>) target_semaphore(%arg14 : memref<!tpu.dma_semaphore, #tpu.memory_space<semaphore_mem>>)
    %parallel_loop3A_272 = arith.constant 0 : i32
    %parallel_loop3A_273 = arith.constant 4096 : i32
    %parallel_loop3A_274 = arith.constant 16 : i32
    %parallel_loop3A_275 = arith.constant 48672 : i32
    scf.for %parallel_loop3A_455 = %parallel_loop3A_272 to %parallel_loop3A_273 step %parallel_loop3A_274  : i32 {
      %parallel_loop3A_456 = arith.index_cast %parallel_loop3A_455 : i32 to index
      %parallel_loop3A_457 = tpu.vector_load %arg11[%parallel_loop3A_456] {strides = array<i32>} : memref<4096xi32, #tpu.memory_space<vmem>>, vector<16xi32>,
      %parallel_loop3A_458 = vector.broadcast %mul3A_246 : i32 to vector<16xi32>
      %parallel_loop3A_459 = arith.subi %parallel_loop3A_457, %parallel_loop3A_458 : vector<16xi32>
      %parallel_loop3A_460 = vector.broadcast %parallel_loop3A_275 : i32 to vector<16xi32>
      %parallel_loop3A_461 = arith.cmpi ult, %parallel_loop3A_459, %parallel_loop3A_460 : vector<16xi32>
      tpu.vector_store_idx %arg8[%parallel_loop3A_459], %broadcast_in_dim3A_250 masked %parallel_loop3A_461 {add = true} : memref<48672xf32, #tpu.memory_space<vmem>>[vector<16xi32>], vector<16xf32>, vector<16xi1>
    } {sc.loop_unroll_factor = 8 : i64, sc.parallel_access}
    %dma_wait3A_276 = tpu.memref_slice %arg2[%mul3A_269] : memref<45056xi32, #tpu.memory_space<hbm>> -> memref<4096xi32, #tpu.memory_space<hbm>>
    %dma_wait3A_277 = tpu.memref_slice %arg2[%mul3A_269] : memref<45056xi32, #tpu.memory_space<hbm>> -> memref<4096xi32, #tpu.memory_space<hbm>>
    tpu.wait_dma2 semaphore(%arg14 : memref<!tpu.dma_semaphore, #tpu.memory_space<semaphore_mem>>) src(%dma_wait3A_277 : memref<4096xi32, #tpu.memory_space<hbm>>) dst(%arg12 : memref<4096xi32, #tpu.memory_space<vmem>>)
    %add3A_278 = arith.constant 2 : i32
    %add3A_279 = arith.addi %add3A, %add3A_278 : i32
    %rem3A_280 = arith.constant 11 : i32
    %rem3A_281 = arith.remsi %add3A_279, %rem3A_280 : i32
    %mul3A_282 = arith.constant 4096 : i32
    %mul3A_283 = arith.muli %rem3A_281, %mul3A_282 : i32
    %dma_start3A_284 = tpu.memref_slice %arg2[%mul3A_283] : memref<45056xi32, #tpu.memory_space<hbm>> -> memref<4096xi32, #tpu.memory_space<hbm>>
    %dma_start3A_285 = tpu.memref_slice %arg2[%mul3A_283] : memref<45056xi32, #tpu.memory_space<hbm>> -> memref<4096xi32, #tpu.memory_space<hbm>>
    tpu.enqueue_dma source(%dma_start3A_285 : memref<4096xi32, #tpu.memory_space<hbm>>) target(%arg11 : memref<4096xi32, #tpu.memory_space<vmem>>) target_semaphore(%arg13 : memref<!tpu.dma_semaphore, #tpu.memory_space<semaphore_mem>>)
    %parallel_loop3A_286 = arith.constant 0 : i32
    %parallel_loop3A_287 = arith.constant 4096 : i32
    %parallel_loop3A_288 = arith.constant 16 : i32
    %parallel_loop3A_289 = arith.constant 48672 : i32
    scf.for %parallel_loop3A_455 = %parallel_loop3A_286 to %parallel_loop3A_287 step %parallel_loop3A_288  : i32 {
      %parallel_loop3A_456 = arith.index_cast %parallel_loop3A_455 : i32 to index
      %parallel_loop3A_457 = tpu.vector_load %arg12[%parallel_loop3A_456] {strides = array<i32>} : memref<4096xi32, #tpu.memory_space<vmem>>, vector<16xi32>,
      %parallel_loop3A_458 = vector.broadcast %mul3A_246 : i32 to vector<16xi32>
      %parallel_loop3A_459 = arith.subi %parallel_loop3A_457, %parallel_loop3A_458 : vector<16xi32>
      %parallel_loop3A_460 = vector.broadcast %parallel_loop3A_289 : i32 to vector<16xi32>
      %parallel_loop3A_461 = arith.cmpi ult, %parallel_loop3A_459, %parallel_loop3A_460 : vector<16xi32>
      tpu.vector_store_idx %arg8[%parallel_loop3A_459], %broadcast_in_dim3A_250 masked %parallel_loop3A_461 {add = true} : memref<48672xf32, #tpu.memory_space<vmem>>[vector<16xi32>], vector<16xf32>, vector<16xi1>
    } {sc.loop_unroll_factor = 8 : i64, sc.parallel_access}
    %dma_wait3A_290 = tpu.memref_slice %arg2[%mul3A_283] : memref<45056xi32, #tpu.memory_space<hbm>> -> memref<4096xi32, #tpu.memory_space<hbm>>
    %dma_wait3A_291 = tpu.memref_slice %arg2[%mul3A_283] : memref<45056xi32, #tpu.memory_space<hbm>> -> memref<4096xi32, #tpu.memory_space<hbm>>
    tpu.wait_dma2 semaphore(%arg13 : memref<!tpu.dma_semaphore, #tpu.memory_space<semaphore_mem>>) src(%dma_wait3A_291 : memref<4096xi32, #tpu.memory_space<hbm>>) dst(%arg11 : memref<4096xi32, #tpu.memory_space<vmem>>)
    %add3A_292 = arith.constant 3 : i32
    %add3A_293 = arith.addi %add3A, %add3A_292 : i32
    %rem3A_294 = arith.constant 11 : i32
    %rem3A_295 = arith.remsi %add3A_293, %rem3A_294 : i32
    %mul3A_296 = arith.constant 4096 : i32
    %mul3A_297 = arith.muli %rem3A_295, %mul3A_296 : i32
    %dma_start3A_298 = tpu.memref_slice %arg2[%mul3A_297] : memref<45056xi32, #tpu.memory_space<hbm>> -> memref<4096xi32, #tpu.memory_space<hbm>>
    %dma_start3A_299 = tpu.memref_slice %arg2[%mul3A_297] : memref<45056xi32, #tpu.memory_space<hbm>> -> memref<4096xi32, #tpu.memory_space<hbm>>
    tpu.enqueue_dma source(%dma_start3A_299 : memref<4096xi32, #tpu.memory_space<hbm>>) target(%arg12 : memref<4096xi32, #tpu.memory_space<vmem>>) target_semaphore(%arg14 : memref<!tpu.dma_semaphore, #tpu.memory_space<semaphore_mem>>)
    %parallel_loop3A_300 = arith.constant 0 : i32
    %parallel_loop3A_301 = arith.constant 4096 : i32
    %parallel_loop3A_302 = arith.constant 16 : i32
    %parallel_loop3A_303 = arith.constant 48672 : i32
    scf.for %parallel_loop3A_455 = %parallel_loop3A_300 to %parallel_loop3A_301 step %parallel_loop3A_302  : i32 {
      %parallel_loop3A_456 = arith.index_cast %parallel_loop3A_455 : i32 to index
      %parallel_loop3A_457 = tpu.vector_load %arg11[%parallel_loop3A_456] {strides = array<i32>} : memref<4096xi32, #tpu.memory_space<vmem>>, vector<16xi32>,
      %parallel_loop3A_458 = vector.broadcast %mul3A_246 : i32 to vector<16xi32>
      %parallel_loop3A_459 = arith.subi %parallel_loop3A_457, %parallel_loop3A_458 : vector<16xi32>
      %parallel_loop3A_460 = vector.broadcast %parallel_loop3A_303 : i32 to vector<16xi32>
      %parallel_loop3A_461 = arith.cmpi ult, %parallel_loop3A_459, %parallel_loop3A_460 : vector<16xi32>
      tpu.vector_store_idx %arg8[%parallel_loop3A_459], %broadcast_in_dim3A_250 masked %parallel_loop3A_461 {add = true} : memref<48672xf32, #tpu.memory_space<vmem>>[vector<16xi32>], vector<16xf32>, vector<16xi1>
    } {sc.loop_unroll_factor = 8 : i64, sc.parallel_access}
    %dma_wait3A_304 = tpu.memref_slice %arg2[%mul3A_297] : memref<45056xi32, #tpu.memory_space<hbm>> -> memref<4096xi32, #tpu.memory_space<hbm>>
    %dma_wait3A_305 = tpu.memref_slice %arg2[%mul3A_297] : memref<45056xi32, #tpu.memory_space<hbm>> -> memref<4096xi32, #tpu.memory_space<hbm>>
    tpu.wait_dma2 semaphore(%arg14 : memref<!tpu.dma_semaphore, #tpu.memory_space<semaphore_mem>>) src(%dma_wait3A_305 : memref<4096xi32, #tpu.memory_space<hbm>>) dst(%arg12 : memref<4096xi32, #tpu.memory_space<vmem>>)
    %add3A_306 = arith.constant 4 : i32
    %add3A_307 = arith.addi %add3A, %add3A_306 : i32
    %rem3A_308 = arith.constant 11 : i32
    %rem3A_309 = arith.remsi %add3A_307, %rem3A_308 : i32
    %mul3A_310 = arith.constant 4096 : i32
    %mul3A_311 = arith.muli %rem3A_309, %mul3A_310 : i32
    %dma_start3A_312 = tpu.memref_slice %arg2[%mul3A_311] : memref<45056xi32, #tpu.memory_space<hbm>> -> memref<4096xi32, #tpu.memory_space<hbm>>
    %dma_start3A_313 = tpu.memref_slice %arg2[%mul3A_311] : memref<45056xi32, #tpu.memory_space<hbm>> -> memref<4096xi32, #tpu.memory_space<hbm>>
    tpu.enqueue_dma source(%dma_start3A_313 : memref<4096xi32, #tpu.memory_space<hbm>>) target(%arg11 : memref<4096xi32, #tpu.memory_space<vmem>>) target_semaphore(%arg13 : memref<!tpu.dma_semaphore, #tpu.memory_space<semaphore_mem>>)
    %parallel_loop3A_314 = arith.constant 0 : i32
    %parallel_loop3A_315 = arith.constant 4096 : i32
    %parallel_loop3A_316 = arith.constant 16 : i32
    %parallel_loop3A_317 = arith.constant 48672 : i32
    scf.for %parallel_loop3A_455 = %parallel_loop3A_314 to %parallel_loop3A_315 step %parallel_loop3A_316  : i32 {
      %parallel_loop3A_456 = arith.index_cast %parallel_loop3A_455 : i32 to index
      %parallel_loop3A_457 = tpu.vector_load %arg12[%parallel_loop3A_456] {strides = array<i32>} : memref<4096xi32, #tpu.memory_space<vmem>>, vector<16xi32>,
      %parallel_loop3A_458 = vector.broadcast %mul3A_246 : i32 to vector<16xi32>
      %parallel_loop3A_459 = arith.subi %parallel_loop3A_457, %parallel_loop3A_458 : vector<16xi32>
      %parallel_loop3A_460 = vector.broadcast %parallel_loop3A_317 : i32 to vector<16xi32>
      %parallel_loop3A_461 = arith.cmpi ult, %parallel_loop3A_459, %parallel_loop3A_460 : vector<16xi32>
      tpu.vector_store_idx %arg8[%parallel_loop3A_459], %broadcast_in_dim3A_250 masked %parallel_loop3A_461 {add = true} : memref<48672xf32, #tpu.memory_space<vmem>>[vector<16xi32>], vector<16xf32>, vector<16xi1>
    } {sc.loop_unroll_factor = 8 : i64, sc.parallel_access}
    %dma_wait3A_318 = tpu.memref_slice %arg2[%mul3A_311] : memref<45056xi32, #tpu.memory_space<hbm>> -> memref<4096xi32, #tpu.memory_space<hbm>>
    %dma_wait3A_319 = tpu.memref_slice %arg2[%mul3A_311] : memref<45056xi32, #tpu.memory_space<hbm>> -> memref<4096xi32, #tpu.memory_space<hbm>>
    tpu.wait_dma2 semaphore(%arg13 : memref<!tpu.dma_semaphore, #tpu.memory_space<semaphore_mem>>) src(%dma_wait3A_319 : memref<4096xi32, #tpu.memory_space<hbm>>) dst(%arg11 : memref<4096xi32, #tpu.memory_space<vmem>>)
    %add3A_320 = arith.constant 5 : i32
    %add3A_321 = arith.addi %add3A, %add3A_320 : i32
    %rem3A_322 = arith.constant 11 : i32
    %rem3A_323 = arith.remsi %add3A_321, %rem3A_322 : i32
    %mul3A_324 = arith.constant 4096 : i32
    %mul3A_325 = arith.muli %rem3A_323, %mul3A_324 : i32
    %dma_start3A_326 = tpu.memref_slice %arg2[%mul3A_325] : memref<45056xi32, #tpu.memory_space<hbm>> -> memref<4096xi32, #tpu.memory_space<hbm>>
    %dma_start3A_327 = tpu.memref_slice %arg2[%mul3A_325] : memref<45056xi32, #tpu.memory_space<hbm>> -> memref<4096xi32, #tpu.memory_space<hbm>>
    tpu.enqueue_dma source(%dma_start3A_327 : memref<4096xi32, #tpu.memory_space<hbm>>) target(%arg12 : memref<4096xi32, #tpu.memory_space<vmem>>) target_semaphore(%arg14 : memref<!tpu.dma_semaphore, #tpu.memory_space<semaphore_mem>>)
    %parallel_loop3A_328 = arith.constant 0 : i32
    %parallel_loop3A_329 = arith.constant 4096 : i32
    %parallel_loop3A_330 = arith.constant 16 : i32
    %parallel_loop3A_331 = arith.constant 48672 : i32
    scf.for %parallel_loop3A_455 = %parallel_loop3A_328 to %parallel_loop3A_329 step %parallel_loop3A_330  : i32 {
      %parallel_loop3A_456 = arith.index_cast %parallel_loop3A_455 : i32 to index
      %parallel_loop3A_457 = tpu.vector_load %arg11[%parallel_loop3A_456] {strides = array<i32>} : memref<4096xi32, #tpu.memory_space<vmem>>, vector<16xi32>,
      %parallel_loop3A_458 = vector.broadcast %mul3A_246 : i32 to vector<16xi32>
      %parallel_loop3A_459 = arith.subi %parallel_loop3A_457, %parallel_loop3A_458 : vector<16xi32>
      %parallel_loop3A_460 = vector.broadcast %parallel_loop3A_331 : i32 to vector<16xi32>
      %parallel_loop3A_461 = arith.cmpi ult, %parallel_loop3A_459, %parallel_loop3A_460 : vector<16xi32>
      tpu.vector_store_idx %arg8[%parallel_loop3A_459], %broadcast_in_dim3A_250 masked %parallel_loop3A_461 {add = true} : memref<48672xf32, #tpu.memory_space<vmem>>[vector<16xi32>], vector<16xf32>, vector<16xi1>
    } {sc.loop_unroll_factor = 8 : i64, sc.parallel_access}
    %dma_wait3A_332 = tpu.memref_slice %arg2[%mul3A_325] : memref<45056xi32, #tpu.memory_space<hbm>> -> memref<4096xi32, #tpu.memory_space<hbm>>
    %dma_wait3A_333 = tpu.memref_slice %arg2[%mul3A_325] : memref<45056xi32, #tpu.memory_space<hbm>> -> memref<4096xi32, #tpu.memory_space<hbm>>
    tpu.wait_dma2 semaphore(%arg14 : memref<!tpu.dma_semaphore, #tpu.memory_space<semaphore_mem>>) src(%dma_wait3A_333 : memref<4096xi32, #tpu.memory_space<hbm>>) dst(%arg12 : memref<4096xi32, #tpu.memory_space<vmem>>)
    %add3A_334 = arith.constant 6 : i32
    %add3A_335 = arith.addi %add3A, %add3A_334 : i32
    %rem3A_336 = arith.constant 11 : i32
    %rem3A_337 = arith.remsi %add3A_335, %rem3A_336 : i32
    %mul3A_338 = arith.constant 4096 : i32
    %mul3A_339 = arith.muli %rem3A_337, %mul3A_338 : i32
    %dma_start3A_340 = tpu.memref_slice %arg2[%mul3A_339] : memref<45056xi32, #tpu.memory_space<hbm>> -> memref<4096xi32, #tpu.memory_space<hbm>>
    %dma_start3A_341 = tpu.memref_slice %arg2[%mul3A_339] : memref<45056xi32, #tpu.memory_space<hbm>> -> memref<4096xi32, #tpu.memory_space<hbm>>
    tpu.enqueue_dma source(%dma_start3A_341 : memref<4096xi32, #tpu.memory_space<hbm>>) target(%arg11 : memref<4096xi32, #tpu.memory_space<vmem>>) target_semaphore(%arg13 : memref<!tpu.dma_semaphore, #tpu.memory_space<semaphore_mem>>)
    %parallel_loop3A_342 = arith.constant 0 : i32
    %parallel_loop3A_343 = arith.constant 4096 : i32
    %parallel_loop3A_344 = arith.constant 16 : i32
    %parallel_loop3A_345 = arith.constant 48672 : i32
    scf.for %parallel_loop3A_455 = %parallel_loop3A_342 to %parallel_loop3A_343 step %parallel_loop3A_344  : i32 {
      %parallel_loop3A_456 = arith.index_cast %parallel_loop3A_455 : i32 to index
      %parallel_loop3A_457 = tpu.vector_load %arg12[%parallel_loop3A_456] {strides = array<i32>} : memref<4096xi32, #tpu.memory_space<vmem>>, vector<16xi32>,
      %parallel_loop3A_458 = vector.broadcast %mul3A_246 : i32 to vector<16xi32>
      %parallel_loop3A_459 = arith.subi %parallel_loop3A_457, %parallel_loop3A_458 : vector<16xi32>
      %parallel_loop3A_460 = vector.broadcast %parallel_loop3A_345 : i32 to vector<16xi32>
      %parallel_loop3A_461 = arith.cmpi ult, %parallel_loop3A_459, %parallel_loop3A_460 : vector<16xi32>
      tpu.vector_store_idx %arg8[%parallel_loop3A_459], %broadcast_in_dim3A_250 masked %parallel_loop3A_461 {add = true} : memref<48672xf32, #tpu.memory_space<vmem>>[vector<16xi32>], vector<16xf32>, vector<16xi1>
    } {sc.loop_unroll_factor = 8 : i64, sc.parallel_access}
    %dma_wait3A_346 = tpu.memref_slice %arg2[%mul3A_339] : memref<45056xi32, #tpu.memory_space<hbm>> -> memref<4096xi32, #tpu.memory_space<hbm>>
    %dma_wait3A_347 = tpu.memref_slice %arg2[%mul3A_339] : memref<45056xi32, #tpu.memory_space<hbm>> -> memref<4096xi32, #tpu.memory_space<hbm>>
    tpu.wait_dma2 semaphore(%arg13 : memref<!tpu.dma_semaphore, #tpu.memory_space<semaphore_mem>>) src(%dma_wait3A_347 : memref<4096xi32, #tpu.memory_space<hbm>>) dst(%arg11 : memref<4096xi32, #tpu.memory_space<vmem>>)
    %add3A_348 = arith.constant 7 : i32
    %add3A_349 = arith.addi %add3A, %add3A_348 : i32
    %rem3A_350 = arith.constant 11 : i32
    %rem3A_351 = arith.remsi %add3A_349, %rem3A_350 : i32
    %mul3A_352 = arith.constant 4096 : i32
    %mul3A_353 = arith.muli %rem3A_351, %mul3A_352 : i32
    %dma_start3A_354 = tpu.memref_slice %arg2[%mul3A_353] : memref<45056xi32, #tpu.memory_space<hbm>> -> memref<4096xi32, #tpu.memory_space<hbm>>
    %dma_start3A_355 = tpu.memref_slice %arg2[%mul3A_353] : memref<45056xi32, #tpu.memory_space<hbm>> -> memref<4096xi32, #tpu.memory_space<hbm>>
    tpu.enqueue_dma source(%dma_start3A_355 : memref<4096xi32, #tpu.memory_space<hbm>>) target(%arg12 : memref<4096xi32, #tpu.memory_space<vmem>>) target_semaphore(%arg14 : memref<!tpu.dma_semaphore, #tpu.memory_space<semaphore_mem>>)
    %parallel_loop3A_356 = arith.constant 0 : i32
    %parallel_loop3A_357 = arith.constant 4096 : i32
    %parallel_loop3A_358 = arith.constant 16 : i32
    %parallel_loop3A_359 = arith.constant 48672 : i32
    scf.for %parallel_loop3A_455 = %parallel_loop3A_356 to %parallel_loop3A_357 step %parallel_loop3A_358  : i32 {
      %parallel_loop3A_456 = arith.index_cast %parallel_loop3A_455 : i32 to index
      %parallel_loop3A_457 = tpu.vector_load %arg11[%parallel_loop3A_456] {strides = array<i32>} : memref<4096xi32, #tpu.memory_space<vmem>>, vector<16xi32>,
      %parallel_loop3A_458 = vector.broadcast %mul3A_246 : i32 to vector<16xi32>
      %parallel_loop3A_459 = arith.subi %parallel_loop3A_457, %parallel_loop3A_458 : vector<16xi32>
      %parallel_loop3A_460 = vector.broadcast %parallel_loop3A_359 : i32 to vector<16xi32>
      %parallel_loop3A_461 = arith.cmpi ult, %parallel_loop3A_459, %parallel_loop3A_460 : vector<16xi32>
      tpu.vector_store_idx %arg8[%parallel_loop3A_459], %broadcast_in_dim3A_250 masked %parallel_loop3A_461 {add = true} : memref<48672xf32, #tpu.memory_space<vmem>>[vector<16xi32>], vector<16xf32>, vector<16xi1>
    } {sc.loop_unroll_factor = 8 : i64, sc.parallel_access}
    %dma_wait3A_360 = tpu.memref_slice %arg2[%mul3A_353] : memref<45056xi32, #tpu.memory_space<hbm>> -> memref<4096xi32, #tpu.memory_space<hbm>>
    %dma_wait3A_361 = tpu.memref_slice %arg2[%mul3A_353] : memref<45056xi32, #tpu.memory_space<hbm>> -> memref<4096xi32, #tpu.memory_space<hbm>>
    tpu.wait_dma2 semaphore(%arg14 : memref<!tpu.dma_semaphore, #tpu.memory_space<semaphore_mem>>) src(%dma_wait3A_361 : memref<4096xi32, #tpu.memory_space<hbm>>) dst(%arg12 : memref<4096xi32, #tpu.memory_space<vmem>>)
    %add3A_362 = arith.constant 8 : i32
    %add3A_363 = arith.addi %add3A, %add3A_362 : i32
    %rem3A_364 = arith.constant 11 : i32
    %rem3A_365 = arith.remsi %add3A_363, %rem3A_364 : i32
    %mul3A_366 = arith.constant 4096 : i32
    %mul3A_367 = arith.muli %rem3A_365, %mul3A_366 : i32
    %dma_start3A_368 = tpu.memref_slice %arg2[%mul3A_367] : memref<45056xi32, #tpu.memory_space<hbm>> -> memref<4096xi32, #tpu.memory_space<hbm>>
    %dma_start3A_369 = tpu.memref_slice %arg2[%mul3A_367] : memref<45056xi32, #tpu.memory_space<hbm>> -> memref<4096xi32, #tpu.memory_space<hbm>>
    tpu.enqueue_dma source(%dma_start3A_369 : memref<4096xi32, #tpu.memory_space<hbm>>) target(%arg11 : memref<4096xi32, #tpu.memory_space<vmem>>) target_semaphore(%arg13 : memref<!tpu.dma_semaphore, #tpu.memory_space<semaphore_mem>>)
    %parallel_loop3A_370 = arith.constant 0 : i32
    %parallel_loop3A_371 = arith.constant 4096 : i32
    %parallel_loop3A_372 = arith.constant 16 : i32
    %parallel_loop3A_373 = arith.constant 48672 : i32
    scf.for %parallel_loop3A_455 = %parallel_loop3A_370 to %parallel_loop3A_371 step %parallel_loop3A_372  : i32 {
      %parallel_loop3A_456 = arith.index_cast %parallel_loop3A_455 : i32 to index
      %parallel_loop3A_457 = tpu.vector_load %arg12[%parallel_loop3A_456] {strides = array<i32>} : memref<4096xi32, #tpu.memory_space<vmem>>, vector<16xi32>,
      %parallel_loop3A_458 = vector.broadcast %mul3A_246 : i32 to vector<16xi32>
      %parallel_loop3A_459 = arith.subi %parallel_loop3A_457, %parallel_loop3A_458 : vector<16xi32>
      %parallel_loop3A_460 = vector.broadcast %parallel_loop3A_373 : i32 to vector<16xi32>
      %parallel_loop3A_461 = arith.cmpi ult, %parallel_loop3A_459, %parallel_loop3A_460 : vector<16xi32>
      tpu.vector_store_idx %arg8[%parallel_loop3A_459], %broadcast_in_dim3A_250 masked %parallel_loop3A_461 {add = true} : memref<48672xf32, #tpu.memory_space<vmem>>[vector<16xi32>], vector<16xf32>, vector<16xi1>
    } {sc.loop_unroll_factor = 8 : i64, sc.parallel_access}
    %dma_wait3A_374 = tpu.memref_slice %arg2[%mul3A_367] : memref<45056xi32, #tpu.memory_space<hbm>> -> memref<4096xi32, #tpu.memory_space<hbm>>
    %dma_wait3A_375 = tpu.memref_slice %arg2[%mul3A_367] : memref<45056xi32, #tpu.memory_space<hbm>> -> memref<4096xi32, #tpu.memory_space<hbm>>
    tpu.wait_dma2 semaphore(%arg13 : memref<!tpu.dma_semaphore, #tpu.memory_space<semaphore_mem>>) src(%dma_wait3A_375 : memref<4096xi32, #tpu.memory_space<hbm>>) dst(%arg11 : memref<4096xi32, #tpu.memory_space<vmem>>)
    %add3A_376 = arith.constant 9 : i32
    %add3A_377 = arith.addi %add3A, %add3A_376 : i32
    %rem3A_378 = arith.constant 11 : i32
    %rem3A_379 = arith.remsi %add3A_377, %rem3A_378 : i32
    %mul3A_380 = arith.constant 4096 : i32
    %mul3A_381 = arith.muli %rem3A_379, %mul3A_380 : i32
    %dma_start3A_382 = tpu.memref_slice %arg2[%mul3A_381] : memref<45056xi32, #tpu.memory_space<hbm>> -> memref<4096xi32, #tpu.memory_space<hbm>>
    %dma_start3A_383 = tpu.memref_slice %arg2[%mul3A_381] : memref<45056xi32, #tpu.memory_space<hbm>> -> memref<4096xi32, #tpu.memory_space<hbm>>
    tpu.enqueue_dma source(%dma_start3A_383 : memref<4096xi32, #tpu.memory_space<hbm>>) target(%arg12 : memref<4096xi32, #tpu.memory_space<vmem>>) target_semaphore(%arg14 : memref<!tpu.dma_semaphore, #tpu.memory_space<semaphore_mem>>)
    %parallel_loop3A_384 = arith.constant 0 : i32
    %parallel_loop3A_385 = arith.constant 4096 : i32
    %parallel_loop3A_386 = arith.constant 16 : i32
    %parallel_loop3A_387 = arith.constant 48672 : i32
    scf.for %parallel_loop3A_455 = %parallel_loop3A_384 to %parallel_loop3A_385 step %parallel_loop3A_386  : i32 {
      %parallel_loop3A_456 = arith.index_cast %parallel_loop3A_455 : i32 to index
      %parallel_loop3A_457 = tpu.vector_load %arg11[%parallel_loop3A_456] {strides = array<i32>} : memref<4096xi32, #tpu.memory_space<vmem>>, vector<16xi32>,
      %parallel_loop3A_458 = vector.broadcast %mul3A_246 : i32 to vector<16xi32>
      %parallel_loop3A_459 = arith.subi %parallel_loop3A_457, %parallel_loop3A_458 : vector<16xi32>
      %parallel_loop3A_460 = vector.broadcast %parallel_loop3A_387 : i32 to vector<16xi32>
      %parallel_loop3A_461 = arith.cmpi ult, %parallel_loop3A_459, %parallel_loop3A_460 : vector<16xi32>
      tpu.vector_store_idx %arg8[%parallel_loop3A_459], %broadcast_in_dim3A_250 masked %parallel_loop3A_461 {add = true} : memref<48672xf32, #tpu.memory_space<vmem>>[vector<16xi32>], vector<16xf32>, vector<16xi1>
    } {sc.loop_unroll_factor = 8 : i64, sc.parallel_access}
    %dma_wait3A_388 = tpu.memref_slice %arg2[%mul3A_381] : memref<45056xi32, #tpu.memory_space<hbm>> -> memref<4096xi32, #tpu.memory_space<hbm>>
    %dma_wait3A_389 = tpu.memref_slice %arg2[%mul3A_381] : memref<45056xi32, #tpu.memory_space<hbm>> -> memref<4096xi32, #tpu.memory_space<hbm>>
    tpu.wait_dma2 semaphore(%arg14 : memref<!tpu.dma_semaphore, #tpu.memory_space<semaphore_mem>>) src(%dma_wait3A_389 : memref<4096xi32, #tpu.memory_space<hbm>>) dst(%arg12 : memref<4096xi32, #tpu.memory_space<vmem>>)
    %add3A_390 = arith.constant 10 : i32
    %add3A_391 = arith.addi %add3A, %add3A_390 : i32
    %rem3A_392 = arith.constant 11 : i32
    %rem3A_393 = arith.remsi %add3A_391, %rem3A_392 : i32
    %mul3A_394 = arith.constant 4096 : i32
    %mul3A_395 = arith.muli %rem3A_393, %mul3A_394 : i32
    %dma_start3A_396 = tpu.memref_slice %arg2[%mul3A_395] : memref<45056xi32, #tpu.memory_space<hbm>> -> memref<4096xi32, #tpu.memory_space<hbm>>
    %dma_start3A_397 = tpu.memref_slice %arg2[%mul3A_395] : memref<45056xi32, #tpu.memory_space<hbm>> -> memref<4096xi32, #tpu.memory_space<hbm>>
    tpu.enqueue_dma source(%dma_start3A_397 : memref<4096xi32, #tpu.memory_space<hbm>>) target(%arg11 : memref<4096xi32, #tpu.memory_space<vmem>>) target_semaphore(%arg13 : memref<!tpu.dma_semaphore, #tpu.memory_space<semaphore_mem>>)
    %parallel_loop3A_398 = arith.constant 0 : i32
    %parallel_loop3A_399 = arith.constant 4096 : i32
    %parallel_loop3A_400 = arith.constant 16 : i32
    %parallel_loop3A_401 = arith.constant 48672 : i32
    scf.for %parallel_loop3A_455 = %parallel_loop3A_398 to %parallel_loop3A_399 step %parallel_loop3A_400  : i32 {
      %parallel_loop3A_456 = arith.index_cast %parallel_loop3A_455 : i32 to index
      %parallel_loop3A_457 = tpu.vector_load %arg12[%parallel_loop3A_456] {strides = array<i32>} : memref<4096xi32, #tpu.memory_space<vmem>>, vector<16xi32>,
      %parallel_loop3A_458 = vector.broadcast %mul3A_246 : i32 to vector<16xi32>
      %parallel_loop3A_459 = arith.subi %parallel_loop3A_457, %parallel_loop3A_458 : vector<16xi32>
      %parallel_loop3A_460 = vector.broadcast %parallel_loop3A_401 : i32 to vector<16xi32>
      %parallel_loop3A_461 = arith.cmpi ult, %parallel_loop3A_459, %parallel_loop3A_460 : vector<16xi32>
      tpu.vector_store_idx %arg8[%parallel_loop3A_459], %broadcast_in_dim3A_250 masked %parallel_loop3A_461 {add = true} : memref<48672xf32, #tpu.memory_space<vmem>>[vector<16xi32>], vector<16xf32>, vector<16xi1>
    } {sc.loop_unroll_factor = 8 : i64, sc.parallel_access}
    %dma_wait3A_402 = tpu.memref_slice %arg2[%mul3A_395] : memref<45056xi32, #tpu.memory_space<hbm>> -> memref<4096xi32, #tpu.memory_space<hbm>>
    %dma_wait3A_403 = tpu.memref_slice %arg2[%mul3A_395] : memref<45056xi32, #tpu.memory_space<hbm>> -> memref<4096xi32, #tpu.memory_space<hbm>>
    tpu.wait_dma2 semaphore(%arg13 : memref<!tpu.dma_semaphore, #tpu.memory_space<semaphore_mem>>) src(%dma_wait3A_403 : memref<4096xi32, #tpu.memory_space<hbm>>) dst(%arg11 : memref<4096xi32, #tpu.memory_space<vmem>>)
    %parallel_loop3A_404 = arith.constant 0 : i32
    %parallel_loop3A_405 = arith.constant 4096 : i32
    %parallel_loop3A_406 = arith.constant 16 : i32
    %parallel_loop3A_407 = arith.constant 48672 : i32
    scf.for %parallel_loop3A_455 = %parallel_loop3A_404 to %parallel_loop3A_405 step %parallel_loop3A_406  : i32 {
      %parallel_loop3A_456 = arith.index_cast %parallel_loop3A_455 : i32 to index
      %parallel_loop3A_457 = tpu.vector_load %arg11[%parallel_loop3A_456] {strides = array<i32>} : memref<4096xi32, #tpu.memory_space<vmem>>, vector<16xi32>,
      %parallel_loop3A_458 = vector.broadcast %mul3A_246 : i32 to vector<16xi32>
      %parallel_loop3A_459 = arith.subi %parallel_loop3A_457, %parallel_loop3A_458 : vector<16xi32>
      %parallel_loop3A_460 = vector.broadcast %parallel_loop3A_407 : i32 to vector<16xi32>
      %parallel_loop3A_461 = arith.cmpi ult, %parallel_loop3A_459, %parallel_loop3A_460 : vector<16xi32>
      tpu.vector_store_idx %arg8[%parallel_loop3A_459], %broadcast_in_dim3A_250 masked %parallel_loop3A_461 {add = true} : memref<48672xf32, #tpu.memory_space<vmem>>[vector<16xi32>], vector<16xf32>, vector<16xi1>
    } {sc.loop_unroll_factor = 8 : i64, sc.parallel_access}
    %dma_start3A_408 = tpu.memref_slice %arg5[%mul3A_246] : memref<1557504xf32, #tpu.memory_space<hbm>> -> memref<48672xf32, #tpu.memory_space<hbm>>
    %dma_start3A_409 = tpu.memref_slice %arg5[%mul3A_246] : memref<1557504xf32, #tpu.memory_space<hbm>> -> memref<48672xf32, #tpu.memory_space<hbm>>
    tpu.enqueue_dma source(%arg8 : memref<48672xf32, #tpu.memory_space<vmem>>) target(%dma_start3A_409 : memref<48672xf32, #tpu.memory_space<hbm>>) target_semaphore(%arg15 : memref<!tpu.dma_semaphore, #tpu.memory_space<semaphore_mem>>)
    %mul3A_410 = arith.constant 5408 : i32
    %mul3A_411 = arith.muli %add3A, %mul3A_410 : i32
    %broadcast_in_dim3A_412 = arith.constant 0.000000e+00 : f32
    %broadcast_in_dim3A_413 = vector.broadcast %broadcast_in_dim3A_412 : f32 to vector<16xf32>
    %broadcast_in_dim3A_414 = arith.constant 1.000000e+00 : f32
    %broadcast_in_dim3A_415 = vector.broadcast %broadcast_in_dim3A_414 : f32 to vector<16xf32>
    %parallel_loop3A_416 = arith.constant 0 : i32
    %parallel_loop3A_417 = arith.constant 5408 : i32
    %parallel_loop3A_418 = arith.constant 16 : i32
    scf.for %parallel_loop3A_455 = %parallel_loop3A_416 to %parallel_loop3A_417 step %parallel_loop3A_418  : i32 {
      %parallel_loop3A_456 = arith.index_cast %parallel_loop3A_455 : i32 to index
      %parallel_loop3A_457 = tpu.vector_load %arg9[%parallel_loop3A_456] {strides = array<i32>} : memref<5408xf32, #tpu.memory_space<vmem>>, vector<16xf32>,
      tpu.vector_store %arg9[%parallel_loop3A_456], %broadcast_in_dim3A_413 {strides = array<i32>} : memref<5408xf32, #tpu.memory_space<vmem>>, vector<16xf32>,
    } {sc.loop_unroll_factor = 8 : i64, sc.parallel_access}
    %add3A_419 = arith.constant 0 : i32
    %add3A_420 = arith.addi %add3A, %add3A_419 : i32
    %rem3A_421 = arith.constant 2 : i32
    %rem3A_422 = arith.remsi %add3A_420, %rem3A_421 : i32
    %mul3A_423 = arith.constant 4096 : i32
    %mul3A_424 = arith.muli %rem3A_422, %mul3A_423 : i32
    %dma_start3A_425 = tpu.memref_slice %arg3[%mul3A_424] : memref<8192xi32, #tpu.memory_space<hbm>> -> memref<4096xi32, #tpu.memory_space<hbm>>
    %dma_start3A_426 = tpu.memref_slice %arg3[%mul3A_424] : memref<8192xi32, #tpu.memory_space<hbm>> -> memref<4096xi32, #tpu.memory_space<hbm>>
    tpu.enqueue_dma source(%dma_start3A_426 : memref<4096xi32, #tpu.memory_space<hbm>>) target(%arg11 : memref<4096xi32, #tpu.memory_space<vmem>>) target_semaphore(%arg13 : memref<!tpu.dma_semaphore, #tpu.memory_space<semaphore_mem>>)
    %dma_wait3A_427 = tpu.memref_slice %arg3[%mul3A_424] : memref<8192xi32, #tpu.memory_space<hbm>> -> memref<4096xi32, #tpu.memory_space<hbm>>
    %dma_wait3A_428 = tpu.memref_slice %arg3[%mul3A_424] : memref<8192xi32, #tpu.memory_space<hbm>> -> memref<4096xi32, #tpu.memory_space<hbm>>
    tpu.wait_dma2 semaphore(%arg13 : memref<!tpu.dma_semaphore, #tpu.memory_space<semaphore_mem>>) src(%dma_wait3A_428 : memref<4096xi32, #tpu.memory_space<hbm>>) dst(%arg11 : memref<4096xi32, #tpu.memory_space<vmem>>)
    %add3A_429 = arith.constant 1 : i32
    %add3A_430 = arith.addi %add3A, %add3A_429 : i32
    %rem3A_431 = arith.constant 2 : i32
    %rem3A_432 = arith.remsi %add3A_430, %rem3A_431 : i32
    %mul3A_433 = arith.constant 4096 : i32
    %mul3A_434 = arith.muli %rem3A_432, %mul3A_433 : i32
    %dma_start3A_435 = tpu.memref_slice %arg3[%mul3A_434] : memref<8192xi32, #tpu.memory_space<hbm>> -> memref<4096xi32, #tpu.memory_space<hbm>>
    %dma_start3A_436 = tpu.memref_slice %arg3[%mul3A_434] : memref<8192xi32, #tpu.memory_space<hbm>> -> memref<4096xi32, #tpu.memory_space<hbm>>
    tpu.enqueue_dma source(%dma_start3A_436 : memref<4096xi32, #tpu.memory_space<hbm>>) target(%arg12 : memref<4096xi32, #tpu.memory_space<vmem>>) target_semaphore(%arg14 : memref<!tpu.dma_semaphore, #tpu.memory_space<semaphore_mem>>)
    %parallel_loop3A_437 = arith.constant 0 : i32
    %parallel_loop3A_438 = arith.constant 4096 : i32
    %parallel_loop3A_439 = arith.constant 16 : i32
    %parallel_loop3A_440 = arith.constant 5408 : i32
    scf.for %parallel_loop3A_455 = %parallel_loop3A_437 to %parallel_loop3A_438 step %parallel_loop3A_439  : i32 {
      %parallel_loop3A_456 = arith.index_cast %parallel_loop3A_455 : i32 to index
      %parallel_loop3A_457 = tpu.vector_load %arg11[%parallel_loop3A_456] {strides = array<i32>} : memref<4096xi32, #tpu.memory_space<vmem>>, vector<16xi32>,
      %parallel_loop3A_458 = vector.broadcast %mul3A_411 : i32 to vector<16xi32>
      %parallel_loop3A_459 = arith.subi %parallel_loop3A_457, %parallel_loop3A_458 : vector<16xi32>
      %parallel_loop3A_460 = vector.broadcast %parallel_loop3A_440 : i32 to vector<16xi32>
      %parallel_loop3A_461 = arith.cmpi ult, %parallel_loop3A_459, %parallel_loop3A_460 : vector<16xi32>
      tpu.vector_store_idx %arg9[%parallel_loop3A_459], %broadcast_in_dim3A_415 masked %parallel_loop3A_461 {add = true} : memref<5408xf32, #tpu.memory_space<vmem>>[vector<16xi32>], vector<16xf32>, vector<16xi1>
    } {sc.loop_unroll_factor = 8 : i64, sc.parallel_access}
    %dma_wait3A_441 = tpu.memref_slice %arg3[%mul3A_434] : memref<8192xi32, #tpu.memory_space<hbm>> -> memref<4096xi32, #tpu.memory_space<hbm>>
    %dma_wait3A_442 = tpu.memref_slice %arg3[%mul3A_434] : memref<8192xi32, #tpu.memory_space<hbm>> -> memref<4096xi32, #tpu.memory_space<hbm>>
    tpu.wait_dma2 semaphore(%arg14 : memref<!tpu.dma_semaphore, #tpu.memory_space<semaphore_mem>>) src(%dma_wait3A_442 : memref<4096xi32, #tpu.memory_space<hbm>>) dst(%arg12 : memref<4096xi32, #tpu.memory_space<vmem>>)
    %parallel_loop3A_443 = arith.constant 0 : i32
    %parallel_loop3A_444 = arith.constant 4096 : i32
    %parallel_loop3A_445 = arith.constant 16 : i32
    %parallel_loop3A_446 = arith.constant 5408 : i32
    scf.for %parallel_loop3A_455 = %parallel_loop3A_443 to %parallel_loop3A_444 step %parallel_loop3A_445  : i32 {
      %parallel_loop3A_456 = arith.index_cast %parallel_loop3A_455 : i32 to index
      %parallel_loop3A_457 = tpu.vector_load %arg12[%parallel_loop3A_456] {strides = array<i32>} : memref<4096xi32, #tpu.memory_space<vmem>>, vector<16xi32>,
      %parallel_loop3A_458 = vector.broadcast %mul3A_411 : i32 to vector<16xi32>
      %parallel_loop3A_459 = arith.subi %parallel_loop3A_457, %parallel_loop3A_458 : vector<16xi32>
      %parallel_loop3A_460 = vector.broadcast %parallel_loop3A_446 : i32 to vector<16xi32>
      %parallel_loop3A_461 = arith.cmpi ult, %parallel_loop3A_459, %parallel_loop3A_460 : vector<16xi32>
      tpu.vector_store_idx %arg9[%parallel_loop3A_459], %broadcast_in_dim3A_415 masked %parallel_loop3A_461 {add = true} : memref<5408xf32, #tpu.memory_space<vmem>>[vector<16xi32>], vector<16xf32>, vector<16xi1>
    } {sc.loop_unroll_factor = 8 : i64, sc.parallel_access}
    %dma_start3A_447 = tpu.memref_slice %arg6[%mul3A_411] : memref<173056xf32, #tpu.memory_space<hbm>> -> memref<5408xf32, #tpu.memory_space<hbm>>
    %dma_start3A_448 = tpu.memref_slice %arg6[%mul3A_411] : memref<173056xf32, #tpu.memory_space<hbm>> -> memref<5408xf32, #tpu.memory_space<hbm>>
    tpu.enqueue_dma source(%arg9 : memref<5408xf32, #tpu.memory_space<vmem>>) target(%dma_start3A_448 : memref<5408xf32, #tpu.memory_space<hbm>>) target_semaphore(%arg15 : memref<!tpu.dma_semaphore, #tpu.memory_space<semaphore_mem>>)
    %dma_wait3A_449 = tpu.memref_slice %arg7[%mul3A_2] : memref<692224xf32, #tpu.memory_space<hbm>> -> memref<21632xf32, #tpu.memory_space<hbm>>
    %dma_wait3A_450 = tpu.memref_slice %arg7[%mul3A_2] : memref<692224xf32, #tpu.memory_space<hbm>> -> memref<21632xf32, #tpu.memory_space<hbm>>
    tpu.wait_dma2 semaphore(%arg15 : memref<!tpu.dma_semaphore, #tpu.memory_space<semaphore_mem>>) src(%arg10 : memref<21632xf32, #tpu.memory_space<vmem>>) dst(%dma_wait3A_450 : memref<21632xf32, #tpu.memory_space<hbm>>)
    %dma_wait3A_451 = tpu.memref_slice %arg5[%mul3A_246] : memref<1557504xf32, #tpu.memory_space<hbm>> -> memref<48672xf32, #tpu.memory_space<hbm>>
    %dma_wait3A_452 = tpu.memref_slice %arg5[%mul3A_246] : memref<1557504xf32, #tpu.memory_space<hbm>> -> memref<48672xf32, #tpu.memory_space<hbm>>
    tpu.wait_dma2 semaphore(%arg15 : memref<!tpu.dma_semaphore, #tpu.memory_space<semaphore_mem>>) src(%arg8 : memref<48672xf32, #tpu.memory_space<vmem>>) dst(%dma_wait3A_452 : memref<48672xf32, #tpu.memory_space<hbm>>)
    %dma_wait3A_453 = tpu.memref_slice %arg6[%mul3A_411] : memref<173056xf32, #tpu.memory_space<hbm>> -> memref<5408xf32, #tpu.memory_space<hbm>>
    %dma_wait3A_454 = tpu.memref_slice %arg6[%mul3A_411] : memref<173056xf32, #tpu.memory_space<hbm>> -> memref<5408xf32, #tpu.memory_space<hbm>>
    tpu.wait_dma2 semaphore(%arg15 : memref<!tpu.dma_semaphore, #tpu.memory_space<semaphore_mem>>) src(%arg9 : memref<5408xf32, #tpu.memory_space<vmem>>) dst(%dma_wait3A_454 : memref<5408xf32, #tpu.memory_space<hbm>>)
    return
  }
}

module attributes {stable_mosaic.version = 14 : i64} {
  func.func @_tc_body(%arg0: memref<1248x1248xf32, #tpu.memory_space<vmem>>, %arg1: memref<416x416xf32, #tpu.memory_space<vmem>>, %arg2: memref<832x832xf32, #tpu.memory_space<vmem>>, %arg3: memref<1201x256xf32, #tpu.memory_space<vmem>>, %arg4: memref<390x256xf32, #tpu.memory_space<vmem>>, %arg5: memref<811x256xf32, #tpu.memory_space<vmem>>, %arg6: memref<811x811xf32, #tpu.memory_space<vmem>>, %arg7: memref<512x390xf32, #tpu.memory_space<vmem>>, %arg8: memref<256x256xf32, #tpu.memory_space<vmem>>, %arg9: memref<256x256xf32, #tpu.memory_space<vmem>>, %arg10: memref<256x256xf32, #tpu.memory_space<vmem>>, %arg11: memref<256x256xf32, #tpu.memory_space<vmem>>, %arg12: memref<256x256xf32, #tpu.memory_space<vmem>>, %arg13: memref<256x256xf32, #tpu.memory_space<vmem>>, %arg14: memref<256x256xf32, #tpu.memory_space<vmem>>, %arg15: memref<256x1067xf32, #tpu.memory_space<vmem>>, %arg16: memref<256x256xf32, #tpu.memory_space<vmem>>, %arg17: memref<256xf32, #tpu.memory_space<vmem>>, %arg18: memref<256xf32, #tpu.memory_space<vmem>>, %arg19: memref<256xf32, #tpu.memory_space<vmem>>, %arg20: memref<256xf32, #tpu.memory_space<vmem>>, %arg21: memref<256xf32, #tpu.memory_space<vmem>>, %arg22: memref<256xf32, #tpu.memory_space<vmem>>, %arg23: memref<256xf32, #tpu.memory_space<vmem>>, %arg24: memref<256xf32, #tpu.memory_space<vmem>>, %arg25: memref<256xf32, #tpu.memory_space<vmem>>, %arg26: memref<256xf32, #tpu.memory_space<vmem>>, %arg27: memref<256xf32, #tpu.memory_space<vmem>>, %arg28: memref<256xf32, #tpu.memory_space<vmem>>, %arg29: memref<256xf32, #tpu.memory_space<vmem>>, %arg30: memref<256xf32, #tpu.memory_space<vmem>>, %arg31: memref<256xf32, #tpu.memory_space<vmem>>, %arg32: memref<512x811xf32, #tpu.memory_space<vmem>>) attributes {dimension_semantics = [], scalar_prefetch = 0 : i64, scratch_operands = 0 : i64, tpu.core_type = #tpu.core_type<tc>} {
    %get3A = arith.constant 0 : index
    %get3A_0 = arith.constant 0 : index
    %get3A_1 = vector.load %arg0[%get3A, %get3A_0] : memref<1248x1248xf32, #tpu.memory_space<vmem>>, vector<1248x1248xf32>
    %reduce_sum3A = arith.constant dense<0.000000e+00> : vector<1248xf32>
    %reduce_sum3A_2 = vector.multi_reduction <add>, %get3A_1, %reduce_sum3A [1] : vector<1248x1248xf32> to vector<1248xf32>
    %broadcast_in_dim3A = vector.shape_cast %reduce_sum3A_2 : vector<1248xf32> to vector<1248x1xf32>
    %gt3A = arith.constant 0.000000e+00 : f32
    %gt3A_3 = vector.broadcast %gt3A : f32 to vector<1248x1xf32>
    %gt3A_4 = arith.cmpf ogt, %broadcast_in_dim3A, %gt3A_3 : vector<1248x1xf32>
    %max3A = arith.constant 1.000000e+00 : f32
    %max3A_5 = vector.broadcast %max3A : f32 to vector<1248x1xf32>
    %max3A_6 = arith.maximumf %broadcast_in_dim3A, %max3A_5 : vector<1248x1xf32>
    %div3A = arith.constant 1.000000e+00 : f32
    %div3A_7 = vector.broadcast %div3A : f32 to vector<1248x1xf32>
    %div3A_8 = arith.divf %div3A_7, %max3A_6 : vector<1248x1xf32>
    %get3A_9 = arith.constant 0 : index
    %get3A_10 = arith.constant 0 : index
    %get3A_11 = vector.load %arg3[%get3A_9, %get3A_10] : memref<1201x256xf32, #tpu.memory_space<vmem>>, vector<1201x256xf32>
    %jit3A = arith.constant 0 : i32
    %convert_element_type3A = arith.sitofp %jit3A : i32 to f32
    %pad3A = vector.broadcast %convert_element_type3A : f32 to vector<47x256xf32>
    %pad3A_12 = tpu.concatenate %get3A_11, %pad3A in 0 : vector<1201x256xf32>, vector<47x256xf32> -> vector<1248x256xf32>
    %get3A_13 = arith.constant 0 : index
    %get3A_14 = vector.load %arg17[%get3A_13] : memref<256xf32, #tpu.memory_space<vmem>>, vector<256xf32>
    %reshape3A = vector.shape_cast %get3A_14 : vector<256xf32> to vector<1x256xf32>
    %get3A_15 = arith.constant 0 : index
    %get3A_16 = arith.constant 0 : index
    %get3A_17 = vector.load %arg8[%get3A_15, %get3A_16] : memref<256x256xf32, #tpu.memory_space<vmem>>, vector<256x256xf32>
    %dot_general3A = arith.constant dense<0.000000e+00> : vector<1248x256xf32>
    %dot_general3A_18 = tpu.matmul %pad3A_12, %get3A_17, %dot_general3A {dimension_numbers = #tpu.dot_dimension_numbers<[1], [1], [0], [0], [0, 0, 1, 0], [], []>, transpose_lhs_hint = false} : vector<1248x256xf32>, vector<256x256xf32>, vector<1248x256xf32> -> vector<1248x256xf32>
    %convert_element_type3A_19 = arith.truncf %dot_general3A_18 : vector<1248x256xf32> to vector<1248x256xbf16>
    %convert_element_type3A_20 = arith.extf %convert_element_type3A_19 : vector<1248x256xbf16> to vector<1248x256xf32>
    %dot_general3A_21 = arith.constant dense<0.000000e+00> : vector<1248x256xf32>
    %dot_general3A_22 = tpu.matmul %get3A_1, %convert_element_type3A_20, %dot_general3A_21 {dimension_numbers = #tpu.dot_dimension_numbers<[1], [0], [0], [1], [0, 0, 1, 1], [], []>, transpose_lhs_hint = false} : vector<1248x1248xf32>, vector<1248x256xf32>, vector<1248x256xf32> -> vector<1248x256xf32>
    %sub3A = arith.subf %dot_general3A_18, %convert_element_type3A_20 : vector<1248x256xf32>
    %dot_general3A_23 = arith.constant dense<0.000000e+00> : vector<1248x256xf32>
    %dot_general3A_24 = tpu.matmul %get3A_1, %sub3A, %dot_general3A_23 {dimension_numbers = #tpu.dot_dimension_numbers<[1], [0], [0], [1], [0, 0, 1, 1], [], []>, transpose_lhs_hint = false} : vector<1248x1248xf32>, vector<1248x256xf32>, vector<1248x256xf32> -> vector<1248x256xf32>
    %add3A = arith.addf %dot_general3A_22, %dot_general3A_24 : vector<1248x256xf32>
    %mul3A = vector.broadcast %div3A_8 : vector<1248x1xf32> to vector<1248x256xf32>
    %mul3A_25 = arith.mulf %add3A, %mul3A : vector<1248x256xf32>
    %add3A_26 = vector.broadcast %reshape3A : vector<1x256xf32> to vector<1248x256xf32>
    %add3A_27 = arith.addf %mul3A_25, %add3A_26 : vector<1248x256xf32>
    %jit3A_28 = arith.constant 0.000000e+00 : f32
    %broadcast_in_dim3A_29 = vector.shape_cast %gt3A_4 : vector<1248x1xi1> to vector<1248x1xi1>
    %broadcast_in_dim3A_30 = vector.broadcast %broadcast_in_dim3A_29 : vector<1248x1xi1> to vector<1248x256xi1>
    %broadcast_in_dim3A_31 = vector.broadcast %jit3A_28 : f32 to vector<1248x256xf32>
    %select_n3A = arith.select %broadcast_in_dim3A_30, %add3A_27, %broadcast_in_dim3A_31 : vector<1248x256xi1>, vector<1248x256xf32>
    %tanh3A = math.tanh %select_n3A : vector<1248x256xf32>
    %get3A_32 = arith.constant 0 : index
    %get3A_33 = vector.load %arg18[%get3A_32] : memref<256xf32, #tpu.memory_space<vmem>>, vector<256xf32>
    %reshape3A_34 = vector.shape_cast %get3A_33 : vector<256xf32> to vector<1x256xf32>
    %get3A_35 = arith.constant 0 : index
    %get3A_36 = arith.constant 0 : index
    %get3A_37 = vector.load %arg9[%get3A_35, %get3A_36] : memref<256x256xf32, #tpu.memory_space<vmem>>, vector<256x256xf32>
    %dot_general3A_38 = arith.constant dense<0.000000e+00> : vector<1248x256xf32>
    %dot_general3A_39 = tpu.matmul %tanh3A, %get3A_37, %dot_general3A_38 {dimension_numbers = #tpu.dot_dimension_numbers<[1], [1], [0], [0], [0, 0, 1, 0], [], []>, transpose_lhs_hint = false} : vector<1248x256xf32>, vector<256x256xf32>, vector<1248x256xf32> -> vector<1248x256xf32>
    %convert_element_type3A_40 = arith.truncf %dot_general3A_39 : vector<1248x256xf32> to vector<1248x256xbf16>
    %convert_element_type3A_41 = arith.extf %convert_element_type3A_40 : vector<1248x256xbf16> to vector<1248x256xf32>
    %dot_general3A_42 = arith.constant dense<0.000000e+00> : vector<1248x256xf32>
    %dot_general3A_43 = tpu.matmul %get3A_1, %convert_element_type3A_41, %dot_general3A_42 {dimension_numbers = #tpu.dot_dimension_numbers<[1], [0], [0], [1], [0, 0, 1, 1], [], []>, transpose_lhs_hint = false} : vector<1248x1248xf32>, vector<1248x256xf32>, vector<1248x256xf32> -> vector<1248x256xf32>
    %sub3A_44 = arith.subf %dot_general3A_39, %convert_element_type3A_41 : vector<1248x256xf32>
    %dot_general3A_45 = arith.constant dense<0.000000e+00> : vector<1248x256xf32>
    %dot_general3A_46 = tpu.matmul %get3A_1, %sub3A_44, %dot_general3A_45 {dimension_numbers = #tpu.dot_dimension_numbers<[1], [0], [0], [1], [0, 0, 1, 1], [], []>, transpose_lhs_hint = false} : vector<1248x1248xf32>, vector<1248x256xf32>, vector<1248x256xf32> -> vector<1248x256xf32>
    %add3A_47 = arith.addf %dot_general3A_43, %dot_general3A_46 : vector<1248x256xf32>
    %mul3A_48 = vector.broadcast %div3A_8 : vector<1248x1xf32> to vector<1248x256xf32>
    %mul3A_49 = arith.mulf %add3A_47, %mul3A_48 : vector<1248x256xf32>
    %add3A_50 = vector.broadcast %reshape3A_34 : vector<1x256xf32> to vector<1248x256xf32>
    %add3A_51 = arith.addf %mul3A_49, %add3A_50 : vector<1248x256xf32>
    %jit3A_52 = arith.constant 0.000000e+00 : f32
    %broadcast_in_dim3A_53 = vector.shape_cast %gt3A_4 : vector<1248x1xi1> to vector<1248x1xi1>
    %broadcast_in_dim3A_54 = vector.broadcast %broadcast_in_dim3A_53 : vector<1248x1xi1> to vector<1248x256xi1>
    %broadcast_in_dim3A_55 = vector.broadcast %jit3A_52 : f32 to vector<1248x256xf32>
    %select_n3A_56 = arith.select %broadcast_in_dim3A_54, %add3A_51, %broadcast_in_dim3A_55 : vector<1248x256xi1>, vector<1248x256xf32>
    %tanh3A_57 = math.tanh %select_n3A_56 : vector<1248x256xf32>
    %add3A_58 = arith.addf %pad3A_12, %tanh3A : vector<1248x256xf32>
    %add3A_59 = arith.addf %add3A_58, %tanh3A_57 : vector<1248x256xf32>
    %mul3A_60 = arith.constant 0.333333343 : f32
    %mul3A_61 = vector.broadcast %mul3A_60 : f32 to vector<1248x256xf32>
    %mul3A_62 = arith.mulf %add3A_59, %mul3A_61 : vector<1248x256xf32>
    %get3A_63 = arith.constant 0 : index
    %get3A_64 = arith.constant 0 : index
    %get3A_65 = vector.load %arg12[%get3A_63, %get3A_64] : memref<256x256xf32, #tpu.memory_space<vmem>>, vector<256x256xf32>
    %dot_general3A_66 = arith.constant dense<0.000000e+00> : vector<1248x256xf32>
    %dot_general3A_67 = tpu.matmul %mul3A_62, %get3A_65, %dot_general3A_66 {dimension_numbers = #tpu.dot_dimension_numbers<[1], [1], [0], [0], [0, 0, 1, 0], [], []>, transpose_lhs_hint = false} : vector<1248x256xf32>, vector<256x256xf32>, vector<1248x256xf32> -> vector<1248x256xf32>
    %get3A_68 = arith.constant 0 : index
    %get3A_69 = vector.load %arg21[%get3A_68] : memref<256xf32, #tpu.memory_space<vmem>>, vector<256xf32>
    %reshape3A_70 = vector.shape_cast %get3A_69 : vector<256xf32> to vector<1x256xf32>
    %add3A_71 = vector.broadcast %reshape3A_70 : vector<1x256xf32> to vector<1248x256xf32>
    %add3A_72 = arith.addf %dot_general3A_67, %add3A_71 : vector<1248x256xf32>
    %slice3A = vector.extract_strided_slice %add3A_72 {offsets = [0, 0], sizes = [1201, 256], strides = [1, 1]} : vector<1248x256xf32> to vector<1201x256xf32>
    %reduce_sum3A_73 = arith.constant dense<0.000000e+00> : vector<256xf32>
    %reduce_sum3A_74 = vector.multi_reduction <add>, %slice3A, %reduce_sum3A_73 [0] : vector<1201x256xf32> to vector<256xf32>
    %broadcast_in_dim3A_75 = vector.shape_cast %reduce_sum3A_74 : vector<256xf32> to vector<1x256xf32>
    %div3A_76 = arith.constant 1.201000e+03 : f32
    %div3A_77 = vector.broadcast %div3A_76 : f32 to vector<1x256xf32>
    %div3A_78 = arith.divf %broadcast_in_dim3A_75, %div3A_77 : vector<1x256xf32>
    %sub3A_79 = vector.broadcast %div3A_78 : vector<1x256xf32> to vector<1201x256xf32>
    %sub3A_80 = arith.subf %slice3A, %sub3A_79 : vector<1201x256xf32>
    %integer_pow3A = arith.mulf %sub3A_80, %sub3A_80 : vector<1201x256xf32>
    %reduce_sum3A_81 = arith.constant dense<0.000000e+00> : vector<256xf32>
    %reduce_sum3A_82 = vector.multi_reduction <add>, %integer_pow3A, %reduce_sum3A_81 [0] : vector<1201x256xf32> to vector<256xf32>
    %broadcast_in_dim3A_83 = vector.shape_cast %reduce_sum3A_82 : vector<256xf32> to vector<1x256xf32>
    %div3A_84 = arith.constant 1.201000e+03 : f32
    %div3A_85 = vector.broadcast %div3A_84 : f32 to vector<1x256xf32>
    %div3A_86 = arith.divf %broadcast_in_dim3A_83, %div3A_85 : vector<1x256xf32>
    %get3A_87 = arith.constant 0 : index
    %get3A_88 = vector.load %arg26[%get3A_87] : memref<256xf32, #tpu.memory_space<vmem>>, vector<256xf32>
    %reshape3A_89 = vector.shape_cast %get3A_88 : vector<256xf32> to vector<1x256xf32>
    %sub3A_90 = vector.broadcast %div3A_78 : vector<1x256xf32> to vector<1248x256xf32>
    %sub3A_91 = arith.subf %add3A_72, %sub3A_90 : vector<1248x256xf32>
    %mul3A_92 = vector.broadcast %reshape3A_89 : vector<1x256xf32> to vector<1248x256xf32>
    %mul3A_93 = arith.mulf %mul3A_92, %sub3A_91 : vector<1248x256xf32>
    %add3A_94 = arith.constant 9.99999974E-6 : f32
    %add3A_95 = vector.broadcast %add3A_94 : f32 to vector<1x256xf32>
    %add3A_96 = arith.addf %div3A_86, %add3A_95 : vector<1x256xf32>
    %sqrt3A = math.sqrt %add3A_96 : vector<1x256xf32>
    %div3A_97 = vector.broadcast %sqrt3A : vector<1x256xf32> to vector<1248x256xf32>
    %div3A_98 = arith.divf %mul3A_93, %div3A_97 : vector<1248x256xf32>
    %get3A_99 = arith.constant 0 : index
    %get3A_100 = vector.load %arg27[%get3A_99] : memref<256xf32, #tpu.memory_space<vmem>>, vector<256xf32>
    %reshape3A_101 = vector.shape_cast %get3A_100 : vector<256xf32> to vector<1x256xf32>
    %add3A_102 = vector.broadcast %reshape3A_101 : vector<1x256xf32> to vector<1248x256xf32>
    %add3A_103 = arith.addf %div3A_98, %add3A_102 : vector<1248x256xf32>
    %tanh3A_104 = math.tanh %add3A_103 : vector<1248x256xf32>
    %get3A_105 = arith.constant 0 : index
    %get3A_106 = vector.load %arg19[%get3A_105] : memref<256xf32, #tpu.memory_space<vmem>>, vector<256xf32>
    %reshape3A_107 = vector.shape_cast %get3A_106 : vector<256xf32> to vector<1x256xf32>
    %get3A_108 = arith.constant 0 : index
    %get3A_109 = arith.constant 0 : index
    %get3A_110 = vector.load %arg10[%get3A_108, %get3A_109] : memref<256x256xf32, #tpu.memory_space<vmem>>, vector<256x256xf32>
    %dot_general3A_111 = arith.constant dense<0.000000e+00> : vector<1248x256xf32>
    %dot_general3A_112 = tpu.matmul %pad3A_12, %get3A_110, %dot_general3A_111 {dimension_numbers = #tpu.dot_dimension_numbers<[1], [1], [0], [0], [0, 0, 1, 0], [], []>, transpose_lhs_hint = false} : vector<1248x256xf32>, vector<256x256xf32>, vector<1248x256xf32> -> vector<1248x256xf32>
    %convert_element_type3A_113 = arith.truncf %dot_general3A_112 : vector<1248x256xf32> to vector<1248x256xbf16>
    %convert_element_type3A_114 = arith.extf %convert_element_type3A_113 : vector<1248x256xbf16> to vector<1248x256xf32>
    %dot_general3A_115 = arith.constant dense<0.000000e+00> : vector<1248x256xf32>
    %dot_general3A_116 = tpu.matmul %get3A_1, %convert_element_type3A_114, %dot_general3A_115 {dimension_numbers = #tpu.dot_dimension_numbers<[1], [0], [0], [1], [0, 0, 1, 1], [], []>, transpose_lhs_hint = false} : vector<1248x1248xf32>, vector<1248x256xf32>, vector<1248x256xf32> -> vector<1248x256xf32>
    %sub3A_117 = arith.subf %dot_general3A_112, %convert_element_type3A_114 : vector<1248x256xf32>
    %dot_general3A_118 = arith.constant dense<0.000000e+00> : vector<1248x256xf32>
    %dot_general3A_119 = tpu.matmul %get3A_1, %sub3A_117, %dot_general3A_118 {dimension_numbers = #tpu.dot_dimension_numbers<[1], [0], [0], [1], [0, 0, 1, 1], [], []>, transpose_lhs_hint = false} : vector<1248x1248xf32>, vector<1248x256xf32>, vector<1248x256xf32> -> vector<1248x256xf32>
    %add3A_120 = arith.addf %dot_general3A_116, %dot_general3A_119 : vector<1248x256xf32>
    %mul3A_121 = vector.broadcast %div3A_8 : vector<1248x1xf32> to vector<1248x256xf32>
    %mul3A_122 = arith.mulf %add3A_120, %mul3A_121 : vector<1248x256xf32>
    %add3A_123 = vector.broadcast %reshape3A_107 : vector<1x256xf32> to vector<1248x256xf32>
    %add3A_124 = arith.addf %mul3A_122, %add3A_123 : vector<1248x256xf32>
    %jit3A_125 = arith.constant 0.000000e+00 : f32
    %broadcast_in_dim3A_126 = vector.shape_cast %gt3A_4 : vector<1248x1xi1> to vector<1248x1xi1>
    %broadcast_in_dim3A_127 = vector.broadcast %broadcast_in_dim3A_126 : vector<1248x1xi1> to vector<1248x256xi1>
    %broadcast_in_dim3A_128 = vector.broadcast %jit3A_125 : f32 to vector<1248x256xf32>
    %select_n3A_129 = arith.select %broadcast_in_dim3A_127, %add3A_124, %broadcast_in_dim3A_128 : vector<1248x256xi1>, vector<1248x256xf32>
    %tanh3A_130 = math.tanh %select_n3A_129 : vector<1248x256xf32>
    %get3A_131 = arith.constant 0 : index
    %get3A_132 = vector.load %arg20[%get3A_131] : memref<256xf32, #tpu.memory_space<vmem>>, vector<256xf32>
    %reshape3A_133 = vector.shape_cast %get3A_132 : vector<256xf32> to vector<1x256xf32>
    %get3A_134 = arith.constant 0 : index
    %get3A_135 = arith.constant 0 : index
    %get3A_136 = vector.load %arg11[%get3A_134, %get3A_135] : memref<256x256xf32, #tpu.memory_space<vmem>>, vector<256x256xf32>
    %dot_general3A_137 = arith.constant dense<0.000000e+00> : vector<1248x256xf32>
    %dot_general3A_138 = tpu.matmul %tanh3A_130, %get3A_136, %dot_general3A_137 {dimension_numbers = #tpu.dot_dimension_numbers<[1], [1], [0], [0], [0, 0, 1, 0], [], []>, transpose_lhs_hint = false} : vector<1248x256xf32>, vector<256x256xf32>, vector<1248x256xf32> -> vector<1248x256xf32>
    %convert_element_type3A_139 = arith.truncf %dot_general3A_138 : vector<1248x256xf32> to vector<1248x256xbf16>
    %convert_element_type3A_140 = arith.extf %convert_element_type3A_139 : vector<1248x256xbf16> to vector<1248x256xf32>
    %dot_general3A_141 = arith.constant dense<0.000000e+00> : vector<1248x256xf32>
    %dot_general3A_142 = tpu.matmul %get3A_1, %convert_element_type3A_140, %dot_general3A_141 {dimension_numbers = #tpu.dot_dimension_numbers<[1], [0], [0], [1], [0, 0, 1, 1], [], []>, transpose_lhs_hint = false} : vector<1248x1248xf32>, vector<1248x256xf32>, vector<1248x256xf32> -> vector<1248x256xf32>
    %sub3A_143 = arith.subf %dot_general3A_138, %convert_element_type3A_140 : vector<1248x256xf32>
    %dot_general3A_144 = arith.constant dense<0.000000e+00> : vector<1248x256xf32>
    %dot_general3A_145 = tpu.matmul %get3A_1, %sub3A_143, %dot_general3A_144 {dimension_numbers = #tpu.dot_dimension_numbers<[1], [0], [0], [1], [0, 0, 1, 1], [], []>, transpose_lhs_hint = false} : vector<1248x1248xf32>, vector<1248x256xf32>, vector<1248x256xf32> -> vector<1248x256xf32>
    %add3A_146 = arith.addf %dot_general3A_142, %dot_general3A_145 : vector<1248x256xf32>
    %mul3A_147 = vector.broadcast %div3A_8 : vector<1248x1xf32> to vector<1248x256xf32>
    %mul3A_148 = arith.mulf %add3A_146, %mul3A_147 : vector<1248x256xf32>
    %add3A_149 = vector.broadcast %reshape3A_133 : vector<1x256xf32> to vector<1248x256xf32>
    %add3A_150 = arith.addf %mul3A_148, %add3A_149 : vector<1248x256xf32>
    %jit3A_151 = arith.constant 0.000000e+00 : f32
    %broadcast_in_dim3A_152 = vector.shape_cast %gt3A_4 : vector<1248x1xi1> to vector<1248x1xi1>
    %broadcast_in_dim3A_153 = vector.broadcast %broadcast_in_dim3A_152 : vector<1248x1xi1> to vector<1248x256xi1>
    %broadcast_in_dim3A_154 = vector.broadcast %jit3A_151 : f32 to vector<1248x256xf32>
    %select_n3A_155 = arith.select %broadcast_in_dim3A_153, %add3A_150, %broadcast_in_dim3A_154 : vector<1248x256xi1>, vector<1248x256xf32>
    %tanh3A_156 = math.tanh %select_n3A_155 : vector<1248x256xf32>
    %add3A_157 = arith.addf %pad3A_12, %tanh3A_130 : vector<1248x256xf32>
    %add3A_158 = arith.addf %add3A_157, %tanh3A_156 : vector<1248x256xf32>
    %mul3A_159 = arith.constant 0.333333343 : f32
    %mul3A_160 = vector.broadcast %mul3A_159 : f32 to vector<1248x256xf32>
    %mul3A_161 = arith.mulf %add3A_158, %mul3A_160 : vector<1248x256xf32>
    %get3A_162 = arith.constant 0 : index
    %get3A_163 = arith.constant 0 : index
    %get3A_164 = vector.load %arg13[%get3A_162, %get3A_163] : memref<256x256xf32, #tpu.memory_space<vmem>>, vector<256x256xf32>
    %dot_general3A_165 = arith.constant dense<0.000000e+00> : vector<1248x256xf32>
    %dot_general3A_166 = tpu.matmul %mul3A_161, %get3A_164, %dot_general3A_165 {dimension_numbers = #tpu.dot_dimension_numbers<[1], [1], [0], [0], [0, 0, 1, 0], [], []>, transpose_lhs_hint = false} : vector<1248x256xf32>, vector<256x256xf32>, vector<1248x256xf32> -> vector<1248x256xf32>
    %get3A_167 = arith.constant 0 : index
    %get3A_168 = vector.load %arg22[%get3A_167] : memref<256xf32, #tpu.memory_space<vmem>>, vector<256xf32>
    %reshape3A_169 = vector.shape_cast %get3A_168 : vector<256xf32> to vector<1x256xf32>
    %add3A_170 = vector.broadcast %reshape3A_169 : vector<1x256xf32> to vector<1248x256xf32>
    %add3A_171 = arith.addf %dot_general3A_166, %add3A_170 : vector<1248x256xf32>
    %slice3A_172 = vector.extract_strided_slice %add3A_171 {offsets = [0, 0], sizes = [1201, 256], strides = [1, 1]} : vector<1248x256xf32> to vector<1201x256xf32>
    %reduce_sum3A_173 = arith.constant dense<0.000000e+00> : vector<256xf32>
    %reduce_sum3A_174 = vector.multi_reduction <add>, %slice3A_172, %reduce_sum3A_173 [0] : vector<1201x256xf32> to vector<256xf32>
    %broadcast_in_dim3A_175 = vector.shape_cast %reduce_sum3A_174 : vector<256xf32> to vector<1x256xf32>
    %div3A_176 = arith.constant 1.201000e+03 : f32
    %div3A_177 = vector.broadcast %div3A_176 : f32 to vector<1x256xf32>
    %div3A_178 = arith.divf %broadcast_in_dim3A_175, %div3A_177 : vector<1x256xf32>
    %sub3A_179 = vector.broadcast %div3A_178 : vector<1x256xf32> to vector<1201x256xf32>
    %sub3A_180 = arith.subf %slice3A_172, %sub3A_179 : vector<1201x256xf32>
    %integer_pow3A_181 = arith.mulf %sub3A_180, %sub3A_180 : vector<1201x256xf32>
    %reduce_sum3A_182 = arith.constant dense<0.000000e+00> : vector<256xf32>
    %reduce_sum3A_183 = vector.multi_reduction <add>, %integer_pow3A_181, %reduce_sum3A_182 [0] : vector<1201x256xf32> to vector<256xf32>
    %broadcast_in_dim3A_184 = vector.shape_cast %reduce_sum3A_183 : vector<256xf32> to vector<1x256xf32>
    %div3A_185 = arith.constant 1.201000e+03 : f32
    %div3A_186 = vector.broadcast %div3A_185 : f32 to vector<1x256xf32>
    %div3A_187 = arith.divf %broadcast_in_dim3A_184, %div3A_186 : vector<1x256xf32>
    %get3A_188 = arith.constant 0 : index
    %get3A_189 = vector.load %arg28[%get3A_188] : memref<256xf32, #tpu.memory_space<vmem>>, vector<256xf32>
    %reshape3A_190 = vector.shape_cast %get3A_189 : vector<256xf32> to vector<1x256xf32>
    %sub3A_191 = vector.broadcast %div3A_178 : vector<1x256xf32> to vector<1248x256xf32>
    %sub3A_192 = arith.subf %add3A_171, %sub3A_191 : vector<1248x256xf32>
    %mul3A_193 = vector.broadcast %reshape3A_190 : vector<1x256xf32> to vector<1248x256xf32>
    %mul3A_194 = arith.mulf %mul3A_193, %sub3A_192 : vector<1248x256xf32>
    %add3A_195 = arith.constant 9.99999974E-6 : f32
    %add3A_196 = vector.broadcast %add3A_195 : f32 to vector<1x256xf32>
    %add3A_197 = arith.addf %div3A_187, %add3A_196 : vector<1x256xf32>
    %sqrt3A_198 = math.sqrt %add3A_197 : vector<1x256xf32>
    %div3A_199 = vector.broadcast %sqrt3A_198 : vector<1x256xf32> to vector<1248x256xf32>
    %div3A_200 = arith.divf %mul3A_194, %div3A_199 : vector<1248x256xf32>
    %get3A_201 = arith.constant 0 : index
    %get3A_202 = vector.load %arg29[%get3A_201] : memref<256xf32, #tpu.memory_space<vmem>>, vector<256xf32>
    %reshape3A_203 = vector.shape_cast %get3A_202 : vector<256xf32> to vector<1x256xf32>
    %add3A_204 = vector.broadcast %reshape3A_203 : vector<1x256xf32> to vector<1248x256xf32>
    %add3A_205 = arith.addf %div3A_200, %add3A_204 : vector<1248x256xf32>
    %tanh3A_206 = math.tanh %add3A_205 : vector<1248x256xf32>
    %get3A_207 = arith.constant 0 : index
    %get3A_208 = arith.constant 0 : index
    %get3A_209 = vector.load %arg1[%get3A_207, %get3A_208] : memref<416x416xf32, #tpu.memory_space<vmem>>, vector<416x416xf32>
    %reduce_sum3A_210 = arith.constant dense<0.000000e+00> : vector<416xf32>
    %reduce_sum3A_211 = vector.multi_reduction <add>, %get3A_209, %reduce_sum3A_210 [1] : vector<416x416xf32> to vector<416xf32>
    %broadcast_in_dim3A_212 = vector.shape_cast %reduce_sum3A_211 : vector<416xf32> to vector<416x1xf32>
    %get3A_213 = arith.constant 0 : index
    %get3A_214 = arith.constant 0 : index
    %get3A_215 = vector.load %arg4[%get3A_213, %get3A_214] : memref<390x256xf32, #tpu.memory_space<vmem>>, vector<390x256xf32>
    %jit3A_216 = arith.constant 0 : i32
    %convert_element_type3A_217 = arith.sitofp %jit3A_216 : i32 to f32
    %pad3A_218 = vector.broadcast %convert_element_type3A_217 : f32 to vector<26x256xf32>
    %pad3A_219 = tpu.concatenate %get3A_215, %pad3A_218 in 0 : vector<390x256xf32>, vector<26x256xf32> -> vector<416x256xf32>
    %get3A_220 = arith.constant 0 : index
    %get3A_221 = arith.constant 0 : index
    %get3A_222 = vector.load %arg14[%get3A_220, %get3A_221] : memref<256x256xf32, #tpu.memory_space<vmem>>, vector<256x256xf32>
    %dot_general3A_223 = arith.constant dense<0.000000e+00> : vector<416x256xf32>
    %dot_general3A_224 = tpu.matmul %pad3A_219, %get3A_222, %dot_general3A_223 {dimension_numbers = #tpu.dot_dimension_numbers<[1], [1], [0], [0], [0, 0, 1, 0], [], []>, transpose_lhs_hint = false} : vector<416x256xf32>, vector<256x256xf32>, vector<416x256xf32> -> vector<416x256xf32>
    %convert_element_type3A_225 = arith.truncf %dot_general3A_224 : vector<416x256xf32> to vector<416x256xbf16>
    %convert_element_type3A_226 = arith.extf %convert_element_type3A_225 : vector<416x256xbf16> to vector<416x256xf32>
    %dot_general3A_227 = arith.constant dense<0.000000e+00> : vector<416x256xf32>
    %dot_general3A_228 = tpu.matmul %get3A_209, %convert_element_type3A_226, %dot_general3A_227 {dimension_numbers = #tpu.dot_dimension_numbers<[1], [0], [0], [1], [0, 0, 1, 1], [], []>, transpose_lhs_hint = false} : vector<416x416xf32>, vector<416x256xf32>, vector<416x256xf32> -> vector<416x256xf32>
    %sub3A_229 = arith.subf %dot_general3A_224, %convert_element_type3A_226 : vector<416x256xf32>
    %dot_general3A_230 = arith.constant dense<0.000000e+00> : vector<416x256xf32>
    %dot_general3A_231 = tpu.matmul %get3A_209, %sub3A_229, %dot_general3A_230 {dimension_numbers = #tpu.dot_dimension_numbers<[1], [0], [0], [1], [0, 0, 1, 1], [], []>, transpose_lhs_hint = false} : vector<416x416xf32>, vector<416x256xf32>, vector<416x256xf32> -> vector<416x256xf32>
    %add3A_232 = arith.addf %dot_general3A_228, %dot_general3A_231 : vector<416x256xf32>
    %get3A_233 = arith.constant 0 : index
    %get3A_234 = vector.load %arg23[%get3A_233] : memref<256xf32, #tpu.memory_space<vmem>>, vector<256xf32>
    %reshape3A_235 = vector.shape_cast %get3A_234 : vector<256xf32> to vector<1x256xf32>
    %mul3A_236 = vector.broadcast %broadcast_in_dim3A_212 : vector<416x1xf32> to vector<416x256xf32>
    %mul3A_237 = vector.broadcast %reshape3A_235 : vector<1x256xf32> to vector<416x256xf32>
    %mul3A_238 = arith.mulf %mul3A_236, %mul3A_237 : vector<416x256xf32>
    %add3A_239 = arith.addf %add3A_232, %mul3A_238 : vector<416x256xf32>
    %tanh3A_240 = math.tanh %add3A_239 : vector<416x256xf32>
    %get3A_241 = arith.constant 0 : index
    %get3A_242 = arith.constant 0 : index
    %get3A_243 = vector.load %arg2[%get3A_241, %get3A_242] : memref<832x832xf32, #tpu.memory_space<vmem>>, vector<832x832xf32>
    %reduce_sum3A_244 = arith.constant dense<0.000000e+00> : vector<832xf32>
    %reduce_sum3A_245 = vector.multi_reduction <add>, %get3A_243, %reduce_sum3A_244 [1] : vector<832x832xf32> to vector<832xf32>
    %broadcast_in_dim3A_246 = vector.shape_cast %reduce_sum3A_245 : vector<832xf32> to vector<832x1xf32>
    %get3A_247 = arith.constant 0 : index
    %get3A_248 = arith.constant 0 : index
    %get3A_249 = vector.load %arg15[%get3A_247, %get3A_248] : memref<256x1067xf32, #tpu.memory_space<vmem>>, vector<256x1067xf32>
    %get3A_250 = arith.constant 0 : index
    %get3A_251 = arith.constant 0 : index
    %get3A_252 = vector.load %arg6[%get3A_250, %get3A_251] : memref<811x811xf32, #tpu.memory_space<vmem>>, vector<811x811xf32>
    %jit3A_253 = arith.constant 0 : i32
    %convert_element_type3A_254 = arith.sitofp %jit3A_253 : i32 to f32
    %pad3A_255 = vector.broadcast %convert_element_type3A_254 : f32 to vector<21x811xf32>
    %pad3A_256 = tpu.concatenate %get3A_252, %pad3A_255 in 0 : vector<811x811xf32>, vector<21x811xf32> -> vector<832x811xf32>
    %pad3A_257 = vector.broadcast %convert_element_type3A_254 : f32 to vector<832x21xf32>
    %pad3A_258 = tpu.concatenate %pad3A_256, %pad3A_257 in 1 : vector<832x811xf32>, vector<832x21xf32> -> vector<832x832xf32>
    %slice3A_259 = vector.extract_strided_slice %get3A_249 {offsets = [0, 256], sizes = [256, 811], strides = [1, 1]} : vector<256x1067xf32> to vector<256x811xf32>
    %jit3A_260 = arith.constant 0 : i32
    %convert_element_type3A_261 = arith.sitofp %jit3A_260 : i32 to f32
    %pad3A_262 = vector.broadcast %convert_element_type3A_261 : f32 to vector<256x21xf32>
    %pad3A_263 = tpu.concatenate %slice3A_259, %pad3A_262 in 1 : vector<256x811xf32>, vector<256x21xf32> -> vector<256x832xf32>
    %get3A_264 = arith.constant 0 : index
    %get3A_265 = arith.constant 0 : index
    %get3A_266 = vector.load %arg5[%get3A_264, %get3A_265] : memref<811x256xf32, #tpu.memory_space<vmem>>, vector<811x256xf32>
    %jit3A_267 = arith.constant 0 : i32
    %convert_element_type3A_268 = arith.sitofp %jit3A_267 : i32 to f32
    %pad3A_269 = vector.broadcast %convert_element_type3A_268 : f32 to vector<21x256xf32>
    %pad3A_270 = tpu.concatenate %get3A_266, %pad3A_269 in 0 : vector<811x256xf32>, vector<21x256xf32> -> vector<832x256xf32>
    %slice3A_271 = vector.extract_strided_slice %get3A_249 {offsets = [0, 0], sizes = [256, 256], strides = [1, 1]} : vector<256x1067xf32> to vector<256x256xf32>
    %dot_general3A_272 = arith.constant dense<0.000000e+00> : vector<832x256xf32>
    %dot_general3A_273 = tpu.matmul %pad3A_270, %slice3A_271, %dot_general3A_272 {dimension_numbers = #tpu.dot_dimension_numbers<[1], [1], [0], [0], [0, 0, 1, 0], [], []>, transpose_lhs_hint = false} : vector<832x256xf32>, vector<256x256xf32>, vector<832x256xf32> -> vector<832x256xf32>
    %dot_general3A_274 = arith.constant dense<0.000000e+00> : vector<832x256xf32>
    %dot_general3A_275 = tpu.matmul %pad3A_258, %pad3A_263, %dot_general3A_274 {dimension_numbers = #tpu.dot_dimension_numbers<[1], [1], [0], [0], [0, 0, 1, 0], [], []>, transpose_lhs_hint = false} : vector<832x832xf32>, vector<256x832xf32>, vector<832x256xf32> -> vector<832x256xf32>
    %add3A_276 = arith.addf %dot_general3A_273, %dot_general3A_275 : vector<832x256xf32>
    %convert_element_type3A_277 = arith.truncf %add3A_276 : vector<832x256xf32> to vector<832x256xbf16>
    %convert_element_type3A_278 = arith.extf %convert_element_type3A_277 : vector<832x256xbf16> to vector<832x256xf32>
    %dot_general3A_279 = arith.constant dense<0.000000e+00> : vector<832x256xf32>
    %dot_general3A_280 = tpu.matmul %get3A_243, %convert_element_type3A_278, %dot_general3A_279 {dimension_numbers = #tpu.dot_dimension_numbers<[1], [0], [0], [1], [0, 0, 1, 1], [], []>, transpose_lhs_hint = false} : vector<832x832xf32>, vector<832x256xf32>, vector<832x256xf32> -> vector<832x256xf32>
    %sub3A_281 = arith.subf %add3A_276, %convert_element_type3A_278 : vector<832x256xf32>
    %dot_general3A_282 = arith.constant dense<0.000000e+00> : vector<832x256xf32>
    %dot_general3A_283 = tpu.matmul %get3A_243, %sub3A_281, %dot_general3A_282 {dimension_numbers = #tpu.dot_dimension_numbers<[1], [0], [0], [1], [0, 0, 1, 1], [], []>, transpose_lhs_hint = false} : vector<832x832xf32>, vector<832x256xf32>, vector<832x256xf32> -> vector<832x256xf32>
    %add3A_284 = arith.addf %dot_general3A_280, %dot_general3A_283 : vector<832x256xf32>
    %get3A_285 = arith.constant 0 : index
    %get3A_286 = vector.load %arg24[%get3A_285] : memref<256xf32, #tpu.memory_space<vmem>>, vector<256xf32>
    %reshape3A_287 = vector.shape_cast %get3A_286 : vector<256xf32> to vector<1x256xf32>
    %mul3A_288 = vector.broadcast %broadcast_in_dim3A_246 : vector<832x1xf32> to vector<832x256xf32>
    %mul3A_289 = vector.broadcast %reshape3A_287 : vector<1x256xf32> to vector<832x256xf32>
    %mul3A_290 = arith.mulf %mul3A_288, %mul3A_289 : vector<832x256xf32>
    %add3A_291 = arith.addf %add3A_284, %mul3A_290 : vector<832x256xf32>
    %tanh3A_292 = math.tanh %add3A_291 : vector<832x256xf32>
    %slice3A_293 = vector.extract_strided_slice %tanh3A_104 {offsets = [0, 0], sizes = [416, 256], strides = [1, 1]} : vector<1248x256xf32> to vector<416x256xf32>
    %add3A_294 = arith.addf %slice3A_293, %tanh3A_240 : vector<416x256xf32>
    %slice3A_295 = vector.extract_strided_slice %tanh3A_206 {offsets = [390, 0], sizes = [832, 256], strides = [1, 1]} : vector<1248x256xf32> to vector<832x256xf32>
    %add3A_296 = arith.addf %slice3A_295, %tanh3A_292 : vector<832x256xf32>
    %get3A_297 = arith.constant 0 : index
    %get3A_298 = arith.constant 0 : index
    %get3A_299 = vector.load %arg7[%get3A_297, %get3A_298] : memref<512x390xf32, #tpu.memory_space<vmem>>, vector<512x390xf32>
    %jit3A_300 = arith.constant 0 : i32
    %convert_element_type3A_301 = arith.sitofp %jit3A_300 : i32 to f32
    %pad3A_302 = vector.broadcast %convert_element_type3A_301 : f32 to vector<512x26xf32>
    %pad3A_303 = tpu.concatenate %get3A_299, %pad3A_302 in 1 : vector<512x390xf32>, vector<512x26xf32> -> vector<512x416xf32>
    %dot_general3A_304 = arith.constant dense<0.000000e+00> : vector<512x256xf32>
    %dot_general3A_305 = tpu.matmul %pad3A_303, %add3A_294, %dot_general3A_304 {dimension_numbers = #tpu.dot_dimension_numbers<[1], [0], [0], [1], [0, 0, 1, 1], [], []>, transpose_lhs_hint = false} : vector<512x416xf32>, vector<416x256xf32>, vector<512x256xf32> -> vector<512x256xf32>
    %reduce_sum3A_306 = arith.constant dense<0.000000e+00> : vector<512xf32>
    %reduce_sum3A_307 = vector.multi_reduction <add>, %pad3A_303, %reduce_sum3A_306 [1] : vector<512x416xf32> to vector<512xf32>
    %broadcast_in_dim3A_308 = vector.shape_cast %reduce_sum3A_307 : vector<512xf32> to vector<512x1xf32>
    %div3A_309 = vector.broadcast %broadcast_in_dim3A_308 : vector<512x1xf32> to vector<512x256xf32>
    %div3A_310 = arith.divf %dot_general3A_305, %div3A_309 : vector<512x256xf32>
    %get3A_311 = arith.constant 0 : index
    %get3A_312 = arith.constant 0 : index
    %get3A_313 = vector.load %arg16[%get3A_311, %get3A_312] : memref<256x256xf32, #tpu.memory_space<vmem>>, vector<256x256xf32>
    %dot_general3A_314 = arith.constant dense<0.000000e+00> : vector<512x256xf32>
    %dot_general3A_315 = tpu.matmul %div3A_310, %get3A_313, %dot_general3A_314 {dimension_numbers = #tpu.dot_dimension_numbers<[1], [1], [0], [0], [0, 0, 1, 0], [], []>, transpose_lhs_hint = false} : vector<512x256xf32>, vector<256x256xf32>, vector<512x256xf32> -> vector<512x256xf32>
    %get3A_316 = arith.constant 0 : index
    %get3A_317 = vector.load %arg25[%get3A_316] : memref<256xf32, #tpu.memory_space<vmem>>, vector<256xf32>
    %reshape3A_318 = vector.shape_cast %get3A_317 : vector<256xf32> to vector<1x256xf32>
    %add3A_319 = vector.broadcast %reshape3A_318 : vector<1x256xf32> to vector<512x256xf32>
    %add3A_320 = arith.addf %dot_general3A_315, %add3A_319 : vector<512x256xf32>
    %reduce_sum3A_321 = arith.constant dense<0.000000e+00> : vector<256xf32>
    %reduce_sum3A_322 = vector.multi_reduction <add>, %add3A_320, %reduce_sum3A_321 [0] : vector<512x256xf32> to vector<256xf32>
    %broadcast_in_dim3A_323 = vector.shape_cast %reduce_sum3A_322 : vector<256xf32> to vector<1x256xf32>
    %div3A_324 = arith.constant 5.120000e+02 : f32
    %div3A_325 = vector.broadcast %div3A_324 : f32 to vector<1x256xf32>
    %div3A_326 = arith.divf %broadcast_in_dim3A_323, %div3A_325 : vector<1x256xf32>
    %sub3A_327 = vector.broadcast %div3A_326 : vector<1x256xf32> to vector<512x256xf32>
    %sub3A_328 = arith.subf %add3A_320, %sub3A_327 : vector<512x256xf32>
    %integer_pow3A_329 = arith.mulf %sub3A_328, %sub3A_328 : vector<512x256xf32>
    %reduce_sum3A_330 = arith.constant dense<0.000000e+00> : vector<256xf32>
    %reduce_sum3A_331 = vector.multi_reduction <add>, %integer_pow3A_329, %reduce_sum3A_330 [0] : vector<512x256xf32> to vector<256xf32>
    %broadcast_in_dim3A_332 = vector.shape_cast %reduce_sum3A_331 : vector<256xf32> to vector<1x256xf32>
    %div3A_333 = arith.constant 5.120000e+02 : f32
    %div3A_334 = vector.broadcast %div3A_333 : f32 to vector<1x256xf32>
    %div3A_335 = arith.divf %broadcast_in_dim3A_332, %div3A_334 : vector<1x256xf32>
    %get3A_336 = arith.constant 0 : index
    %get3A_337 = vector.load %arg30[%get3A_336] : memref<256xf32, #tpu.memory_space<vmem>>, vector<256xf32>
    %reshape3A_338 = vector.shape_cast %get3A_337 : vector<256xf32> to vector<1x256xf32>
    %sub3A_339 = vector.broadcast %div3A_326 : vector<1x256xf32> to vector<512x256xf32>
    %sub3A_340 = arith.subf %add3A_320, %sub3A_339 : vector<512x256xf32>
    %mul3A_341 = vector.broadcast %reshape3A_338 : vector<1x256xf32> to vector<512x256xf32>
    %mul3A_342 = arith.mulf %mul3A_341, %sub3A_340 : vector<512x256xf32>
    %add3A_343 = arith.constant 9.99999974E-6 : f32
    %add3A_344 = vector.broadcast %add3A_343 : f32 to vector<1x256xf32>
    %add3A_345 = arith.addf %div3A_335, %add3A_344 : vector<1x256xf32>
    %sqrt3A_346 = math.sqrt %add3A_345 : vector<1x256xf32>
    %div3A_347 = vector.broadcast %sqrt3A_346 : vector<1x256xf32> to vector<512x256xf32>
    %div3A_348 = arith.divf %mul3A_342, %div3A_347 : vector<512x256xf32>
    %get3A_349 = arith.constant 0 : index
    %get3A_350 = vector.load %arg31[%get3A_349] : memref<256xf32, #tpu.memory_space<vmem>>, vector<256xf32>
    %reshape3A_351 = vector.shape_cast %get3A_350 : vector<256xf32> to vector<1x256xf32>
    %add3A_352 = vector.broadcast %reshape3A_351 : vector<1x256xf32> to vector<512x256xf32>
    %add3A_353 = arith.addf %div3A_348, %add3A_352 : vector<512x256xf32>
    %max3A_354 = arith.constant 0.000000e+00 : f32
    %max3A_355 = vector.broadcast %max3A_354 : f32 to vector<512x256xf32>
    %max3A_356 = arith.maximumf %add3A_353, %max3A_355 : vector<512x256xf32>
    %dot_general3A_357 = arith.constant dense<0.000000e+00> : vector<512x832xf32>
    %dot_general3A_358 = tpu.matmul %max3A_356, %add3A_296, %dot_general3A_357 {dimension_numbers = #tpu.dot_dimension_numbers<[1], [1], [0], [0], [0, 0, 1, 0], [], []>, transpose_lhs_hint = false} : vector<512x256xf32>, vector<832x256xf32>, vector<512x832xf32> -> vector<512x832xf32>
    %slice3A_359 = vector.extract_strided_slice %dot_general3A_358 {offsets = [0, 0], sizes = [512, 811], strides = [1, 1]} : vector<512x832xf32> to vector<512x811xf32>
    %swap3A = arith.constant 0 : index
    %swap3A_360 = arith.constant 0 : index
    %swap3A_361 = vector.load %arg32[%swap3A, %swap3A_360] : memref<512x811xf32, #tpu.memory_space<vmem>>, vector<512x811xf32>
    tpu.vector_store %arg32[%swap3A, %swap3A_360], %slice3A_359 {strides = array<i32>} : memref<512x811xf32, #tpu.memory_space<vmem>>, vector<512x811xf32>,
    return
  }
}

</mosaic_0001>

<sc_bundles>
// kernel: kernel.4.cloned.1.call-start
scs
__scs_entry_jumppad:
0x0: {  	(pc) =	sbr.rel $0x88, $3  }
0x1: {  	(tag) =	ssettag $0x0;
	lr =	simm.s32 $0x1  }
0x2: {  	[smem:$0x3F81] =	sst lr;
	_ =	strace $0xD0000000  }
0x3: {  	_ = 	snop  }
0x4: {  	_ = 	snop  }
0x5: {  	_ = 	snop  }
0x6: {  	_ = 	snop  }
0x7: {  	_ = 	snop  }
__scs_overlays_trampoline_lowered:
0x8: {  	[smem:$0x3F90] =	sst s0  }
0x9: {  	[smem:$0x3F91] =	sst s1  }
0xa: {  	[smem:$0x3F92] =	sst s2  }
0xb: {  	[smem:$0x3F93] =	sst s3  }
0xc: {  	[smem:$0x3F94] =	sst s4  }
0xd: {  	[smem:$0x3F95] =	sst s5  }
0xe: {  	[smem:$0x3F96] =	sst s6  }
0xf: {  	[smem:$0x3F97] =	sst s7  }
0x10: {  	[smem:$0x3F98] =	sst s8  }
0x11: {  	[smem:$0x3F99] =	sst s9;
	s0 =	simm.s32 @!p0 $0x0  }
0x12: {  	s1 =	sld [smem:$0x3F7F];
	s0 =	simm.s32 @p0 $0x1  }
0x13: {  	[smem:$0x3F9A] =	sst s0;
	s0 =	simm.s32 @!p1 $0x0  }
0x14: {  	s2 =	sld [smem:$0x3F7E];
	s0 =	simm.s32 @p1 $0x1  }
0x15: {  	[smem:$0x3F9B] =	sst s0;
	s0 =	simm.s32 @!p2 $0x0  }
0x16: {  	s3 =	sld [smem:$0x3FDB];
	s0 =	simm.s32 @p2 $0x1  }
0x17: {  	s4 =	simm.s32 $0x1BF5;
	[smem:$0x3F9D] =	sst s0  }
0x18: {  	s0 =	sld [smem:$0x3F80];
	_ =	swait.ge [sflag:s4], $0x0  }
0x19: {  	s7 =	sld [smem:$0x3F81]  }
0x1a: {  	s8 =	sadd.s32 $0xFFFFE003, lr  }
0x1b: {  	s9 =	sadd.s32 $0xFFFFFEF7, lr;
	s5 =	simm.s32 $0xFFFFFFFF;
	p2 =	slt.u32 s8, $0xFFFFF086  }
0x1c: {  	p1 =	slt.u32 s9, $0xF7A;
	s5 =	simm.s32 @!p2 $0x0  }
0x1d: {  	s5 =	simm.s32 @p1 $0x1;
	p0 =	seq.s32 s7, s2  }
0x1e: {  	s7 =	smul.u32 @!p0 $0xF7A, s2;
	p2 =	seq.s32 @!p0 s5, $0x0  }
0x1f: {  	s9 =	smul.u32 $0xF7A, s1;
	s8 =	simm.s32 @!p0 $0x1BF5;
	p2 =	por !p2, p0  }
0x20: {  	[sflag:s8] =	ssyncset.s32 @!p0 $0xFFFFF086;
	s6 =	sadd.s32 @!p0 s3, s7;
	s7 =	simm.s32 @!p0 $0x108  }
0x21: {  	s3 =	sadd.s32 s3, s9;
	s6 =	sadd.s32 @!p0 $0x88, s6;
	s7 =	simm.s32 @p2 $0x1082  }
0x22: {  	[simem:s7], [sflag:s8] =	dma.local @!p0 [hbm:s6], $0xF7A  }
0x23: {  	s9 =	sor.u32 $0xD0000000, s2;
	s6 =	simm.s32 $0x108;
	_ =	swait.ge @!p0 [sflag:s8], $0x0  }
0x24: {  	s3 =	sadd.s32 $0x88, s3;
	s6 =	simm.s32 @!p1 $0x1082;
	[sflag:s4] =	ssyncset.s32 $0xFFFFF086  }
0x25: {  	[simem:s6], [sflag:s4] =	dma.local [hbm:s3], $0xF7A  }
0x26: {  	[smem:$0x3F81] =	sst s1;
	(tag) =	ssettag s2;
	_ =	strace s9  }
0x27: {  	s1 =	sld [smem:$0x3F91]  }
0x28: {  	s2 =	sld [smem:$0x3F92]  }
0x29: {  	s4 =	sld [smem:$0x3F94]  }
0x2a: {  	p0 =	seq.s32 s5, $0x0;
	s5 =	sld [smem:$0x3F95]  }
0x2b: {  	s6 =	sld [smem:$0x3F96]  }
0x2c: {  	s7 =	sld [smem:$0x3F97]  }
0x2d: {  	s3 =	simm.s32 $0x108;
	s8 =	sld [smem:$0x3F98]  }
0x2e: {  	s3 =	simm.s32 @!p0 $0x1082;
	s9 =	sld [smem:$0x3F99]  }
0x2f: {  	lr =	sadd.s32 s0, s3;
	s0 =	sld [smem:$0x3F90]  }
0x30: {  	s3 =	sld [smem:$0x3F93]  }
0x31: {  	[smem:$0x3F9C] =	sst s10  }
0x32: {  	s10 =	sld [smem:$0x3F9A];
	_ =	sdelay $0x3  }
0x33: {  	p0 =	seq.s32 s10, $0x1;
	s10 =	sld [smem:$0x3F9C];
	_ =	sdelay $0x3  }
0x34: {  	[smem:$0x3F9C] =	sst s10  }
0x35: {  	s10 =	sld [smem:$0x3F9B];
	_ =	sdelay $0x3  }
0x36: {  	p1 =	seq.s32 s10, $0x1;
	s10 =	sld [smem:$0x3F9C];
	_ =	sdelay $0x3  }
0x37: {  	[smem:$0x3F9C] =	sst s10  }
0x38: {  	s10 =	sld [smem:$0x3F9D]  }
0x39: {  	_ = 	snop;
	(pc) =	sbr.ind lr, $3  }
0x3a: {  	_ = 	snop  }
0x3b: {  	_ = 	snop  }
0x3c: {  	p2 =	seq.s32 s10, $0x1;
	s10 =	sld [smem:$0x3F9C]  }
0x3d: {  	_ =	shalt  }
0x3e: {  	_ =	shalt  }
0x3f: {  	_ =	shalt  }
0x40: {  	_ =	shalt  }
0x41: {  	_ =	shalt  }
0x42: {  	_ =	shalt  }
0x43: {  	_ =	shalt  }
0x44: {  	_ =	shalt  }
0x45: {  	_ =	shalt  }
0x46: {  	_ =	shalt  }
0x47: {  	_ =	shalt  }
0x48: {  	_ =	shalt  }
0x49: {  	_ =	shalt  }
0x4a: {  	_ =	shalt  }
0x4b: {  	_ =	shalt  }
0x4c: {  	_ =	shalt  }
0x4d: {  	_ =	shalt  }
0x4e: {  	_ =	shalt  }
0x4f: {  	_ =	shalt  }
0x50: {  	_ =	shalt  }
0x51: {  	_ =	shalt  }
0x52: {  	_ =	shalt  }
0x53: {  	_ =	shalt  }
0x54: {  	_ =	shalt  }
0x55: {  	_ =	shalt  }
0x56: {  	_ =	shalt  }
0x57: {  	_ =	shalt  }
0x58: {  	_ =	shalt  }
0x59: {  	_ =	shalt  }
0x5a: {  	_ =	shalt  }
0x5b: {  	_ =	shalt  }
0x5c: {  	_ =	shalt  }
0x5d: {  	_ =	shalt  }
0x5e: {  	_ =	shalt  }
0x5f: {  	_ =	shalt  }
0x60: {  	_ =	shalt  }
0x61: {  	_ =	shalt  }
0x62: {  	_ =	shalt  }
0x63: {  	_ =	shalt  }
0x64: {  	_ =	shalt  }
0x65: {  	_ =	shalt  }
0x66: {  	_ =	shalt  }
0x67: {  	_ =	shalt  }
0x68: {  	_ =	shalt  }
0x69: {  	_ =	shalt  }
0x6a: {  	_ =	shalt  }
0x6b: {  	_ =	shalt  }
0x6c: {  	_ =	shalt  }
0x6d: {  	_ =	shalt  }
0x6e: {  	_ =	shalt  }
0x6f: {  	_ =	shalt  }
0x70: {  	_ =	shalt  }
0x71: {  	_ =	shalt  }
0x72: {  	_ =	shalt  }
0x73: {  	_ =	shalt  }
0x74: {  	_ =	shalt  }
0x75: {  	_ =	shalt  }
0x76: {  	_ =	shalt  }
0x77: {  	_ =	shalt  }
0x78: {  	_ =	shalt  }
0x79: {  	_ =	shalt  }
0x7a: {  	_ =	shalt  }
0x7b: {  	_ =	shalt  }
0x7c: {  	_ =	shalt  }
0x7d: {  	_ =	shalt  }
0x7e: {  	_ =	shalt  }
0x7f: {  	_ =	shalt  }
0x80: {  	_ =	shalt  }
0x81: {  	_ =	shalt  }
0x82: {  	_ =	shalt  }
0x83: {  	_ =	shalt  }
0x84: {  	_ =	shalt  }
0x85: {  	_ =	shalt  }
0x86: {  	_ =	shalt  }
0x87: {  	_ =	shalt  }
.Lfunc_end0:
.L_simem_size_0:
called_computation_lowered:
.L_overlay_start_0:
0x88: {  	s2 =	sld [smem:$0x3FD9]  }
0x89: {  	s3 =	sld [smem:$0x3FFE];
	_ =	sdelay $0x1  }
0x8a: {  	s1 =	srdreg.scid  }
0x8b: {  	s0 =	sand.u32 $0x1, s1  }
0x8c: {  	s17 =	sshll.u32 s0, $0xA;
	s2 =	sadd.s32 s3, s2  }
0x8d: {  	s2 =	sadd.s32 s2, s17  }
0x8e: {  	[smem:$0x3FA8] =	sst s2  }
0x8f: {  	_ = 	snop  }
0x90: {  	s2 =	sld [smem:$0x3FD0];
	(tm) =	ssettm $0x1  }
0x91: {  	s18 =	sld [smem:$0x3FFB];
	_ =	sdelay $0x3  }
0x92: {  	_ =	strace s18  }
0x93: {  	s3 =	sld [smem:$0x3FFC];
	_ =	sdelay $0x3  }
0x94: {  	_ =	strace s3  }
0x95: {  	s3 =	sld [smem:$0x3FFD];
	_ =	sdelay $0x3  }
0x96: {  	_ =	strace s3  }
0x97: {  	_ =	strace $0x8FFFFFFF  }
0x98: {  	s19 =	sld [smem:$0x3FDB];
	_ =	sdelay $0x1  }
0x99: {  	s4 =	simm.s32 $_scs_section_size  }
0x9a: {  	s5 =	simm.s32 $_size__tile_overlayer_lowered;
	s6 =	simm.s32 $_tile_overlayer_lowered  }
0x9b: {  	s22 =	simm.s32 $0x1BFF;
	s21 =	sshll.u32 s6, $0x1;
	s3 =	sadd.s32 s4, s19  }
0x9c: {  	s7 =	simm.s32 $0x0;
	s20 =	sshll.u32 s5, $0x1;
	s5 =	sadd.s32 s21, s3  }
0x9d: {  	[timem:s7], [sflag:s22] =	dma.local [hbm:s5], s20  }
0x9e: {  	_ =	swait.ge [sflag:s22], s20  }
0x9f: {  	s4 =	ssub.s32 $0x0, s20;
	[sflag:s22] =	ssyncset.done $0x0  }
0xa0: {  	[sflag:s22] =	ssyncadd.s32 s4;
	_ =	sdelay $0x1  }
0xa1: {  	s23 =	simm.s32 $0x1B8B  }
0xa2: {  	_ =	swait.ge [sflag:s23], $0x1  }
0xa3: {  	[sflag:s23] =	ssyncset.done $0x0  }
0xa4: {  	s25 =	simm.s32 $0x1B8E;
	s24 =	sld [smem:$0x3FFE];
	[sflag:s23] =	ssyncadd.s32 $0xFFFFFFFF  }
0xa5: {  	s26 =	simm.s32 $execute0_lowered;
	[smem:$0x3FD2] =	sst s25  }
0xa6: {  	s5 =	sshll.u32 s26, $0x1;
	_ =	strace $0x80000046;
	[dreg:$0x1] =	wrdreg $0xFFFFFFFF  }
0xa7: {  	s28 =	simm.s32 $_size_execute0_lowered;
	s3 =	sadd.s32 s3, s5;
	[dreg:$0x0] =	wrdreg $0x0  }
0xa8: {  	s5 =	sshll.u32 s28, $0x1;
	[dreg:$0x2] =	wrdreg s3  }
0xa9: {  	[dreg:$0x3] =	wrdreg s5  }
0xaa: {  	[dreg:$0x4] =	wrdreg $0xC0  }
0xab: {  	_ =	task [dreg:s7], $0x5FFFF  }
0xac: {  	[dreg:$0x1] =	wrdreg $0xFFFFFFFF  }
0xad: {  	[dreg:$0x0] =	wrdreg $0x60  }
0xae: {  	[dreg:$0x2] =	wrdreg s24  }
0xaf: {  	[dreg:$0x3] =	wrdreg s2  }
0xb0: {  	[dreg:$0x4] =	wrdreg $0x9  }
0xb1: {  	_ =	task.clear_ibuf [dreg:s7], $0x5FFFF;
	_ =	strace $0x90000046  }
0xb2: {  	s29 =	simm.s32 $0x9;
	_ =	strace $0x80000048  }
0xb3: {  	_ =	swait.ge [sflag:s29], $0x1  }
0xb4: {  	[sflag:s29] =	ssyncadd.s32 $0xFFFFFFFF  }
0xb5: {  	_ =	strace $0x90000048  }
0xb6: {  	_ =	sfence  }
0xb7: {  	s30 =	sld [smem:$0x0];
	_ =	sdelay $0x2  }
0xb8: {  	s31 =	sshll.u32 s1, $0xD;
	s1 =	sshrl.u32 s1, $0x2  }
0xb9: {  	s3 =	sand.u32 $0x4000, s31;
	s1 =	sadd.s32 s1, s30  }
0xba: {  	s0 =	sor.u32 s3, s0;
	s1 =	sshll.u32 s1, $0x11  }
0xbb: {  	s0 =	sor.u32 s1, s0  }
0xbc: {  	s0 =	sadd.s32 $0x8F2B, s0  }
0xbd: {  	[sflag:s0] =	ssyncadd.remote.s32 $0x1  }
0xbe: {  	_ =	sfence.sel $0xFFFF  }
0xbf: {  	[dreg:$0x0] =	wrdreg $0xFFFFFFFF;
	(pc) =	sbr.abs _section_cstart, $3  }
0xc0: {  	[dreg:$0x1] =	wrdreg $0xFFFFFFFF  }
0xc1: {  	_ =	task.clear_ibuf [dreg:s7], $0x2FFFF;
	_ =	strace $0x9FFFFFFF  }
0xc2: {  	(tm) =	ssettm $0x7FFFFFFF  }
0xc3: {  	_ =	shalt  }
tec
execute0_lowered:
.L_overlay_start_1:
0x0: {  	(tag) =	ssettag $0x1  }
0x1: {  	s0 =	srdreg.scid  }
0x2: {  	s1 =	stileid.u32;
	s2 =	rddreg [dreg:$0x0]  }
0x3: {  	s0 =	sand.u32 $0x1, s0;
	s1 =	sshll.u32 s1, $0x1;
	s17 =	sadd.s32 $0x3600, s2  }
0x4: {  	[dreg:$0x14] =	wrdreg s0;
	s1 =	sor.u32 s0, s1;
	s4 =	ssub.s32 $0x2, s0  }
0x5: {  	s5 =	sshll.u32 s1, $0x9;
	p0 =	slt.u32 s1, $0x11;
	s19 =	sadd.s32 $0x1, s1  }
0x6: {  	s7 =	sshrl.u32 s4, $0x1;
	s9 =	sadd.s32 $0xB, s1;
	s10 =	sadd.s32 $0xC, s1  }
0x7: {  	s15 =	sadd.s32 $0xD, s1;
	s16 =	sadd.s32 $0xE, s1;
	s20 =	sadd.s32 $0xF, s1  }
0x8: {  	s25 =	sadd.s32 $0x10, s1;
	s6 =	sadd.s32 $0xFFFFDE00, s5;
	s0 =	ssub.s32 s4, s7  }
0x9: {  	s7 =	sadd.s32 $0xFFFFFFF1, s1;
	s8 =	sand.u32 $0xFF, s9;
	s12 =	sand.u32 $0xFF, s10  }
0xa: {  	s13 =	sand.u32 $0xFF, s15;
	s23 =	sand.u32 $0xFF, s16;
	s8 =	smul.u32 $0xF1, s8  }
0xb: {  	s26 =	sand.u32 $0xFF, s25;
	s6 =	smov.u32 @p0 s5;
	s12 =	smul.u32 $0xF1, s12  }
0xc: {  	s5 =	sadd.s32 $0xFFFFFFF0, s1;
	p0 =	slt.u32 s19, $0x11;
	s13 =	smul.u32 $0xF1, s13  }
0xd: {  	[dreg:$0x13] =	wrdreg s0;
	s2 =	smul.u32 $0xF1, s26;
	s21 =	sadd.s32 s17, s6  }
0xe: {  	[dreg:$0x15] =	wrdreg s21;
	s14 =	sshrl.u32 s8, $0xC;
	s21 =	smul.u32 $0xF1, s23  }
0xf: {  	s5 =	smov.u32 @p0 s19;
	s12 =	sshrl.u32 s12, $0xC;
	s14 =	smul.u32 $0x11, s14  }
0x10: {  	s8 =	sadd.s32 $0x4, s1;
	s13 =	sshrl.u32 s13, $0xC;
	s12 =	smul.u32 $0x11, s12  }
0x11: {  	s5 =	sshll.u32 s5, $0x9;
	s18 =	smul.u32 $0x11, s13;
	s23 =	sand.u32 $0xFF, s8  }
0x12: {  	s22 =	sadd.s32 s17, s5;
	s5 =	sadd.s32 $0x3, s1;
	s3 =	smul.u32 $0xF1, s23  }
0x13: {  	s6 =	sadd.s32 $0x2, s1;
	s4 =	sand.u32 $0xFF, s5;
	s23 =	smul.u32 $0x75, s23  }
0x14: {  	[dreg:$0x3] =	wrdreg s22;
	s22 =	sand.u32 $0xFF, s20;
	s11 =	smul.u32 $0xF1, s4  }
0x15: {  	p0 =	slt.u32 s6, $0x11;
	s0 =	sshrl.u32 s21, $0xC;
	s24 =	smul.u32 $0xF1, s22  }
0x16: {  	s7 =	smov.u32 @p0 s6;
	s13 =	ssub.s32 s9, s14;
	s21 =	smul.u32 $0x11, s0  }
0x17: {  	s14 =	ssub.s32 s10, s12;
	s12 =	sshrl.u32 s2, $0xC;
	s4 =	smul.u32 $0x75, s4  }
0x18: {  	s29 =	ssub.s32 s15, s18;
	s10 =	sadd.s32 $0x5, s1;
	s12 =	smul.u32 $0x11, s12  }
0x19: {  	s22 =	sshrl.u32 s3, $0xC;
	s9 =	sshrl.u32 s24, $0xC;
	s15 =	ssub.s32 s16, s21  }
0x1a: {  	s24 =	sand.u32 $0xFF, s10;
	s11 =	sshrl.u32 s11, $0xC;
	s9 =	smul.u32 $0x11, s9  }
0x1b: {  	s21 =	sshll.u32 s7, $0x9;
	s18 =	smul.u32 $0x11, s22;
	s7 =	sadd.s32 $0x6, s1  }
0x1c: {  	s26 =	sadd.s32 s17, s21;
	s28 =	ssub.s32 s20, s9;
	s20 =	smul.u32 $0xF1, s24  }
0x1d: {  	s16 =	ssub.s32 s25, s12;
	s18 =	ssub.s32 s8, s18;
	[dreg:$0x4] =	wrdreg s26  }
0x1e: {  	s9 =	smul.u32 $0x11, s11;
	s18 =	sand.u32 $0xFF, s18;
	s11 =	sshrl.u32 s20, $0xC  }
0x1f: {  	s18 =	sshll.u32 s18, $0x9;
	s20 =	sand.u32 $0xFF, s7;
	s11 =	smul.u32 $0x11, s11  }
0x20: {  	s9 =	ssub.s32 s5, s9;
	s18 =	sadd.s32 s17, s18;
	s25 =	smul.u32 $0xF1, s20  }
0x21: {  	s9 =	sand.u32 $0xFF, s9;
	[dreg:$0x6] =	wrdreg s18;
	s18 =	sadd.s32 $0xA, s1  }
0x22: {  	s2 =	sshll.u32 s9, $0x9;
	s9 =	sadd.s32 $0x7, s1;
	s21 =	sshrl.u32 s25, $0xC  }
0x23: {  	s11 =	ssub.s32 s10, s11;
	s22 =	sand.u32 $0xFF, s9;
	s21 =	smul.u32 $0x11, s21  }
0x24: {  	s12 =	sadd.s32 s17, s2;
	s11 =	sand.u32 $0xFF, s11;
	s3 =	smul.u32 $0xF1, s22  }
0x25: {  	[dreg:$0x5] =	wrdreg s12;
	s12 =	sadd.s32 $0x9, s1;
	s11 =	sshll.u32 s11, $0x9  }
0x26: {  	s26 =	sadd.s32 s17, s11;
	s2 =	sshrl.u32 s3, $0xC;
	s11 =	sadd.s32 $0x8, s1  }
0x27: {  	s21 =	ssub.s32 s7, s21;
	s30 =	smul.u32 $0x11, s2;
	s25 =	sand.u32 $0xFF, s11  }
0x28: {  	[dreg:$0x7] =	wrdreg s26;
	s26 =	sand.u32 $0xFF, s12;
	s31 =	smul.u32 $0xF1, s25  }
0x29: {  	s3 =	sand.u32 $0xFF, s21;
	s21 =	sand.u32 $0xFF, s18;
	s2 =	smul.u32 $0xF1, s26  }
0x2a: {  	s3 =	sshll.u32 s3, $0x9;
	s0 =	smul.u32 $0xF1, s21;
	s30 =	ssub.s32 s9, s30  }
0x2b: {  	s3 =	sadd.s32 s17, s3;
	s31 =	sshrl.u32 s31, $0xC;
	s2 =	sshrl.u32 s2, $0xC  }
0x2c: {  	s30 =	sand.u32 $0xFF, s30;
	s0 =	sshrl.u32 s0, $0xC;
	s31 =	smul.u32 $0x11, s31  }
0x2d: {  	[dreg:$0x8] =	wrdreg s3;
	s2 =	smul.u32 $0x11, s2;
	s3 =	sshll.u32 s30, $0x9  }
0x2e: {  	s4 =	sshrl.u32 s4, $0x8;
	s0 =	smul.u32 $0x11, s0;
	s3 =	sadd.s32 s17, s3  }
0x2f: {  	s30 =	simm.s32 $0x0;
	[dreg:$0x9] =	wrdreg s3;
	s3 =	ssub.s32 s11, s31  }
0x30: {  	[smem:$0x7FF] =	sst s30;
	s2 =	ssub.s32 s12, s2;
	s3 =	sand.u32 $0xFF, s3  }
0x31: {  	s0 =	ssub.s32 s18, s0;
	s2 =	sand.u32 $0xFF, s2;
	s3 =	sshll.u32 s3, $0x9  }
0x32: {  	s0 =	sand.u32 $0xFF, s0;
	s2 =	sshll.u32 s2, $0x9;
	s3 =	sadd.s32 s17, s3  }
0x33: {  	s0 =	sshll.u32 s0, $0x9;
	s2 =	sadd.s32 s17, s2;
	[dreg:$0xa] =	wrdreg s3  }
0x34: {  	s16 =	sand.u32 $0xFF, s16;
	s0 =	sadd.s32 s17, s0;
	[dreg:$0xb] =	wrdreg s2  }
0x35: {  	s20 =	smul.u32 $0x75, s20;
	[dreg:$0xc] =	wrdreg s0;
	s3 =	sand.u32 $0xFF, s13  }
0x36: {  	s13 =	sand.u32 $0xFF, s14;
	s14 =	sand.u32 $0xFF, s29;
	s0 =	sshll.u32 s3, $0x9  }
0x37: {  	s2 =	sshll.u32 s13, $0x9;
	s14 =	sshll.u32 s14, $0x9;
	s0 =	sadd.s32 s17, s0  }
0x38: {  	s3 =	sand.u32 $0xFF, s1;
	s13 =	sadd.s32 s17, s2;
	[dreg:$0xd] =	wrdreg s0  }
0x39: {  	s2 =	sand.u32 $0xFF, s15;
	[dreg:$0xe] =	wrdreg s13;
	s0 =	sadd.s32 s17, s14  }
0x3a: {  	s15 =	sand.u32 $0xFF, s6;
	[dreg:$0xf] =	wrdreg s0;
	s0 =	sshll.u32 s2, $0x9  }
0x3b: {  	s13 =	sand.u32 $0xFF, s28;
	s2 =	smul.u32 $0x75, s3;
	s0 =	sadd.s32 s17, s0  }
0x3c: {  	s14 =	sshll.u32 s13, $0x9;
	s3 =	smul.u32 $0x75, s15;
	[dreg:$0x10] =	wrdreg s0  }
0x3d: {  	s2 =	sshrl.u32 s2, $0x8;
	s0 =	sadd.s32 s17, s14;
	s14 =	sshll.u32 s16, $0x9  }
0x3e: {  	s3 =	sshrl.u32 s3, $0x8;
	[dreg:$0x11] =	wrdreg s0;
	s15 =	ssub.s32 s1, s2  }
0x3f: {  	s0 =	sadd.s32 s17, s14;
	s17 =	ssub.s32 s6, s3;
	s13 =	sand.u32 $0xFE, s15  }
0x40: {  	[dreg:$0x12] =	wrdreg s0;
	s16 =	sshrl.u32 s13, $0x1;
	s13 =	sand.u32 $0xFE, s17  }
0x41: {  	s0 =	sadd.s32 s2, s16;
	s15 =	sshrl.u32 s13, $0x1;
	s16 =	ssub.s32 s5, s4  }
0x42: {  	s13 =	sshrl.u32 s23, $0x8;
	s23 =	smul.u32 $0x75, s24;
	s2 =	sadd.s32 s3, s15  }
0x43: {  	s17 =	sand.u32 $0xFE, s16;
	s24 =	ssub.s32 s8, s13;
	s0 =	sshrl.u32 s0, $0x3  }
0x44: {  	s3 =	sshrl.u32 s17, $0x1;
	s16 =	sand.u32 $0xFE, s24;
	s17 =	sand.u32 $0xFF, s19  }
0x45: {  	s14 =	sshrl.u32 s23, $0x8;
	s2 =	sshrl.u32 s2, $0x3;
	s0 =	smul.u32 $0xB, s0  }
0x46: {  	s3 =	sadd.s32 s4, s3;
	s15 =	smul.u32 $0x75, s17;
	s4 =	sshrl.u32 s16, $0x1  }
0x47: {  	s23 =	ssub.s32 s10, s14;
	s2 =	smul.u32 $0xB, s2;
	s4 =	sadd.s32 s13, s4  }
0x48: {  	s13 =	sand.u32 $0xFE, s23;
	s3 =	sshrl.u32 s3, $0x3;
	s23 =	smul.u32 $0x75, s22  }
0x49: {  	s0 =	ssub.s32 s1, s0;
	s15 =	sshrl.u32 s15, $0x8;
	s13 =	sshrl.u32 s13, $0x1  }
0x4a: {  	s3 =	smul.u32 $0xB, s3;
	s4 =	sshrl.u32 s4, $0x3;
	s2 =	ssub.s32 s6, s2  }
0x4b: {  	s0 =	sand.u32 $0xFF, s0;
	s24 =	ssub.s32 s19, s15;
	s13 =	sadd.s32 s14, s13  }
0x4c: {  	s4 =	smul.u32 $0xB, s4;
	s0 =	sshll.u32 s0, $0x9;
	s13 =	sshrl.u32 s13, $0x3  }
0x4d: {  	s17 =	sand.u32 $0xFE, s24;
	s3 =	ssub.s32 s5, s3;
	s6 =	smul.u32 $0xB, s13  }
0x4e: {  	s5 =	sshrl.u32 s23, $0x8;
	s14 =	sshrl.u32 s17, $0x1;
	s17 =	smul.u32 $0x75, s25  }
0x4f: {  	s13 =	sshrl.u32 s20, $0x8;
	s4 =	ssub.s32 s8, s4;
	s20 =	smul.u32 $0x75, s26  }
0x50: {  	s22 =	ssub.s32 s9, s5;
	s14 =	sadd.s32 s15, s14;
	s24 =	ssub.s32 s7, s13  }
0x51: {  	s16 =	sand.u32 $0xFE, s24;
	s6 =	ssub.s32 s10, s6;
	s10 =	sand.u32 $0xFE, s22  }
0x52: {  	s23 =	sshrl.u32 s17, $0x8;
	s24 =	sshrl.u32 s20, $0x8;
	s22 =	smul.u32 $0x75, s21  }
0x53: {  	s14 =	sshrl.u32 s14, $0x3;
	s8 =	sshrl.u32 s16, $0x1;
	s10 =	sshrl.u32 s10, $0x1  }
0x54: {  	s25 =	ssub.s32 s11, s23;
	s26 =	ssub.s32 s12, s24;
	s14 =	smul.u32 $0xB, s14  }
0x55: {  	s8 =	sadd.s32 s13, s8;
	s16 =	sand.u32 $0xFE, s25;
	s20 =	sand.u32 $0xFE, s26  }
0x56: {  	s5 =	sadd.s32 s5, s10;
	s10 =	sshrl.u32 s16, $0x1;
	s16 =	sshrl.u32 s20, $0x1  }
0x57: {  	s8 =	sshrl.u32 s8, $0x3;
	s5 =	sshrl.u32 s5, $0x3;
	s21 =	ssub.s32 s19, s14  }
0x58: {  	s10 =	sadd.s32 s23, s10;
	s23 =	sadd.s32 s24, s16;
	s8 =	smul.u32 $0xB, s8  }
0x59: {  	s24 =	sshrl.u32 s22, $0x8;
	s5 =	smul.u32 $0xB, s5;
	s22 =	sand.u32 $0xFF, s2  }
0x5a: {  	s25 =	ssub.s32 s18, s24;
	s10 =	sshrl.u32 s10, $0x3;
	s13 =	sshrl.u32 s23, $0x3  }
0x5b: {  	s23 =	sand.u32 $0xFF, s3;
	s3 =	sand.u32 $0xFF, s6;
	s10 =	smul.u32 $0xB, s10  }
0x5c: {  	s16 =	sand.u32 $0xFE, s25;
	s7 =	ssub.s32 s7, s8;
	s26 =	smul.u32 $0xB, s13  }
0x5d: {  	s5 =	ssub.s32 s9, s5;
	s13 =	rddreg [dreg:$0x0];
	s16 =	sshrl.u32 s16, $0x1  }
0x5e: {  	s25 =	sshll.u32 s23, $0x9;
	s6 =	sand.u32 $0xFF, s5;
	s15 =	sadd.s32 s24, s16  }
0x5f: {  	s16 =	ssub.s32 s11, s10;
	s8 =	ssub.s32 s12, s26;
	s11 =	sand.u32 $0xFF, s21  }
0x60: {  	s12 =	sadd.s32 $0x5800, s13;
	s24 =	sand.u32 $0xFF, s4;
	s4 =	sand.u32 $0xFF, s7  }
0x61: {  	s15 =	sshrl.u32 s15, $0x3;
	s11 =	sshll.u32 s11, $0x9;
	s26 =	sshll.u32 s24, $0x9  }
0x62: {  	s21 =	sadd.s32 s12, s25;
	s7 =	sshll.u32 s4, $0x9;
	s14 =	sand.u32 $0xFF, s16  }
0x63: {  	s20 =	smul.u32 $0xB, s15;
	s17 =	sadd.s32 s12, s11;
	s11 =	sshll.u32 s6, $0x9  }
0x64: {  	s24 =	sadd.s32 s12, s7;
	s15 =	sand.u32 $0xFF, s8;
	s7 =	smul.u32 $0xBE20, s1  }
0x65: {  	s8 =	smul.u32 $0x5480, s1;
	s25 =	sadd.s32 s12, s11;
	s2 =	sshll.u32 s15, $0x9  }
0x66: {  	s11 =	smul.u32 $0x1520, s1;
	s10 =	ssub.s32 s18, s20;
	s18 =	sadd.s32 s12, s0  }
0x67: {  	s0 =	sshll.u32 s22, $0x9;
	s22 =	sadd.s32 s12, s26;
	s28 =	sadd.s32 s12, s2  }
0x68: {  	s5 =	sshrl.u32 s7, $0x3;
	s6 =	sshrl.u32 s8, $0x3;
	v1 =	vmov s7;
	s7 =	simm.s32 $0x137C0  }
0x69: {  	v0 =	vmov s8;
	s8 =	simm.s32 $0xD340;
	s20 =	sadd.s32 s12, s0;
	s0 =	sshll.u32 s3, $0x9  }
0x6a: {  	s16 =	sand.u32 $0xFF, s10;
	s9 =	sadd.s32 s5, s13;
	s2 =	sadd.s32 s6, s13  }
0x6b: {  	s10 =	sadd.s32 $0x6E00, s13;
	s13 =	sshll.u32 s19, $0x9;
	s19 =	rddreg [dreg:$0x15]  }
0x6c: {  	s15 =	sshrl.u32 s11, $0x3;
	s5 =	simm.s32 $0x127C0;
	s6 =	simm.s32 $0x1  }
0x6d: {  	v2 =	vmov s11;
	s11 =	simm.s32 $0x3;
	s23 =	sadd.s32 s12, s0;
	s0 =	sshll.u32 s14, $0x9  }
0x6e: {  	s4 =	sshll.u32 s16, $0x9;
	s14 =	rddreg [dreg:$0x1];
	s2 =	sadd.s32 $0x36C00, s2  }
0x6f: {  	s3 =	sadd.s32 $0x7200, s9;
	s9 =	simm.s32 $0x2;
	s26 =	sadd.s32 s12, s0  }
0x70: {  	s29 =	sadd.s32 s12, s4;
	s12 =	rddreg [dreg:$0x14];
	_ =	strace $0x80000047  }
0x71: {  	s1 =	sshll.u32 s12, $0x9;
	s16 =	rddreg [dreg:$0x13];
	s12 =	simm.s32 $0x0  }
0x72: {  	s31 =	sadd.s32 s10, s1;
	s1 =	sand.u32 $0x200, s13;
	s4 =	smax.u32 s16, $0x1  }
0x73: {  	v3 =	vimm.f32 $0.0e+00;
	v4 =	vimm.f32 $1.000000000e+00;
	s0 =	sadd.s32 s10, s1;
	s1 =	sadd.s32 s14, s15;
	s10 =	simm.s32 $0xBE20  }
.LBB2_1:
0x74: {  	s13 =	simm.s32 $0xD380  }
0x75: {  	[tilespmem:s13+$0xFFFFFFC0] =	vst v3  }
0x76: {  	[tilespmem:s13+$0x30] =	vst v3  }
0x77: {  	[tilespmem:s13+$0x20] =	vst v3  }
0x78: {  	[tilespmem:s13+$0x10] =	vst v3  }
0x79: {  	[tilespmem:s13+$0x0] =	vst v3  }
0x7a: {  	[tilespmem:s13+$0xFFFFFFF0] =	vst v3  }
0x7b: {  	s14 =	simm.s32 $0x0;
	[tilespmem:s13+$0xFFFFFFE0] =	vst v3  }
.LBB2_2:
0x7c: {  	s14 =	sadd.s32 $0x80, s14;
	[tilespmem:s13+$0xFFFFFFD0] =	vst v3;
	s13 =	sadd.s32 $0x80, s13  }
0x7d: {  	[tilespmem:s13+$0xFFFFFFC0] =	vst v3;
	p0 =	slt.u32 s14, $0x5400  }
0x7e: {  	[tilespmem:s13+$0x30] =	vst v3  }
.Ltmp0:
0x7f: {  	[tilespmem:s13+$0x20] =	vst v3;
	(pc) =	sbr.rel @p0 .LBB2_2-.Ltmp0, $4  }
0x80: {  	[tilespmem:s13+$0x10] =	vst v3  }
0x81: {  	[tilespmem:s13+$0x0] =	vst v3  }
0x82: {  	[tilespmem:s13+$0xFFFFFFF0] =	vst v3  }
0x83: {  	[tilespmem:s13+$0xFFFFFFE0] =	vst v3  }
0x84: {  	[tilespmem:s13+$0xFFFFFFD0] =	vst v3  }
0x85: {  	[tilespmem:s5], [sflag:$0x1] =	stream.linear.gather [hbm4b:s19+s30], $0x1000, $0x38;
	[tilespmem:$0x147C0] =	vst v63  }
0x86: {  	_ =	swait.ge [sflag:s6], $0x1000  }
0x87: {  	[sflag:s6] =	ssyncset.done $0x0  }
0x88: {  	s16 =	simm.s32 $0x12800;
	s15 =	rddreg [dreg:$0x3];
	[sflag:s6] =	ssyncadd.s32 $0xFFFFF000  }
0x89: {  	[tilespmem:s7], [sflag:$0x2] =	stream.linear.gather [hbm4b:s15+s30], $0x1000, $0x38;
	[tilespmem:$0x147C0] =	vst v63  }
0x8a: {  	v5 =	vld [tilespmem:s16+$0x30]  }
0x8b: {  	v7 =	vld [tilespmem:s16+$0xFFFFFFD0]  }
0x8c: {  	v8 =	vld [tilespmem:s16+$0xFFFFFFE0]  }
0x8d: {  	v12 =	vld [tilespmem:s16+$0xFFFFFFF0]  }
0x8e: {  	v14 =	vld [tilespmem:s16+$0x0]  }
0x8f: {  	v18 =	vld [tilespmem:s16+$0x10]  }
0x90: {  	v16 =	vld [tilespmem:s16+$0xFFFFFFC0]  }
0x91: {  	v19 =	vld [tilespmem:s16+$0x20]  }
0x92: {  	v6 =	vsub.s32 v5, v0  }
0x93: {  	v5 =	vand.u32 $0x7, v5;
	v21 =	vsub.s32 v7, v0;
	v22 =	vsub.s32 v8, v0  }
0x94: {  	v25 =	vand.u32 $0x7, v7;
	v7 =	vsub.s32 v14, v0;
	v15 =	vand.u32 $0x7, v8  }
0x95: {  	v11 =	vsub.s32 v18, v0;
	v17 =	vand.u32 $0x7, v12;
	v26 =	vsub.s32 v16, v0  }
0x96: {  	v13 =	vsub.s32 v19, v0;
	vm1 =	vlt.u32 v6, $0x5480;
	v6 =	vand.u32 $0xFFFFFFF8, v6  }
0x97: {  	v8 =	vand.u32 $0x7, v16;
	v20 =	vand.u32 $0x7, v14;
	v23 =	vor.u32 v5, v6  }
0x98: {  	v18 =	vand.u32 $0x7, v18;
	v19 =	vand.u32 $0x7, v19;
	v24 =	vand.u32 $0xFFFFFFF8, v21  }
0x99: {  	v10 =	vand.u32 $0xFFFFFFF8, v7;
	v16 =	vand.u32 $0xFFFFFFF8, v26;
	vm0 =	vlt.u32 v26, $0x5480  }
0x9a: {  	vm2 =	vlt.u32 v21, $0x5480;
	v5 =	vand.u32 $0xFFFFFFF8, v22;
	v6 =	vsub.s32 v12, v0  }
0x9b: {  	v12 =	vand.u32 $0xFFFFFFF8, v11;
	v8 =	vor.u32 v8, v16;
	v16 =	vand.u32 $0xFFFFFFF8, v13  }
0x9c: {  	s13 =	simm.s32 $0x0;
	s14 =	simm.s32 $0x12880;
	v14 =	vor.u32 v25, v24;
	v9 =	vand.u32 $0xFFFFFFF8, v6;
	[tilespmem:v23+s8+$0x0] =	vst.idx.add.f32.msk vm1, v4;
	vm1 =	vlt.u32 v22, $0x5480  }
.LBB2_4:
0x9d: {  	v21 =	vld [tilespmem:s14+$0x30];
	s13 =	sadd.s32 $0x80, s13;
	v22 =	vor.u32 v15, v5;
	vm6 =	vlt.u32 v6, $0x5480;
	v23 =	vor.u32 v17, v9  }
0x9e: {  	vm5 =	vlt.u32 v7, $0x5480;
	v24 =	vor.u32 v20, v10;
	vm4 =	vlt.u32 v11, $0x5480;
	v9 =	vld [tilespmem:s14+$0xFFFFFFD0];
	p0 =	slt.u32 s13, $0xF80  }
0x9f: {  	v25 =	vor.u32 v18, v12;
	vm3 =	vlt.u32 v13, $0x5480;
	v26 =	vor.u32 v19, v16;
	v10 =	vld [tilespmem:s14+$0xFFFFFFE0]  }
0xa0: {  	v12 =	vld [tilespmem:s14+$0xFFFFFFF0]  }
0xa1: {  	v18 =	vld [tilespmem:s14+$0x0]  }
0xa2: {  	v19 =	vld [tilespmem:s14+$0x10];
	v5 =	vsub.s32 v21, v0  }
0xa3: {  	v6 =	vand.u32 $0x7, v21;
	v27 =	vld [tilespmem:s14+$0x20];
	vm7 =	vlt.u32 v5, $0x5480;
	v5 =	vand.u32 $0xFFFFFFF8, v5  }
0xa4: {  	v21 =	vsub.s32 v9, v0;
	v16 =	vld [tilespmem:s14+$0xFFFFFFC0];
	v28 =	vsub.s32 v10, v0;
	v20 =	vor.u32 v6, v5  }
0xa5: {  	v29 =	vand.u32 $0xFFFFFFF8, v21;
	v5 =	vand.u32 $0xFFFFFFF8, v28;
	v6 =	vsub.s32 v12, v0;
	[tilespmem:v8+s8+$0x0] =	vst.idx.add.f32.msk vm0, v4  }
0xa6: {  	v30 =	vand.u32 $0x7, v9;
	v9 =	vand.u32 $0xFFFFFFF8, v6;
	v7 =	vsub.s32 v18, v0;
	[tilespmem:v14+s8+$0x0] =	vst.idx.add.f32.msk vm2, v4  }
0xa7: {  	v15 =	vand.u32 $0x7, v10;
	v10 =	vand.u32 $0xFFFFFFF8, v7;
	v11 =	vsub.s32 v19, v0;
	[tilespmem:v22+s8+$0x0] =	vst.idx.add.f32.msk vm1, v4  }
.Ltmp1:
0xa8: {  	v17 =	vand.u32 $0x7, v12;
	v12 =	vand.u32 $0xFFFFFFF8, v11;
	v13 =	vsub.s32 v27, v0;
	[tilespmem:v23+s8+$0x0] =	vst.idx.add.f32.msk vm6, v4;
	(pc) =	sbr.rel @p0 .LBB2_4-.Ltmp1, $4  }
0xa9: {  	v8 =	vsub.s32 v16, v0;
	v14 =	vand.u32 $0x7, v16;
	v16 =	vand.u32 $0xFFFFFFF8, v13;
	[tilespmem:v20+s8+$0x0] =	vst.idx.add.f32.msk vm7, v4  }
0xaa: {  	v20 =	vand.u32 $0x7, v18;
	v18 =	vand.u32 $0x7, v19;
	v22 =	vand.u32 $0xFFFFFFF8, v8;
	[tilespmem:v24+s8+$0x0] =	vst.idx.add.f32.msk vm5, v4  }
0xab: {  	v19 =	vand.u32 $0x7, v27;
	vm0 =	vlt.u32 v8, $0x5480;
	v8 =	vor.u32 v14, v22;
	[tilespmem:v25+s8+$0x0] =	vst.idx.add.f32.msk vm4, v4  }
0xac: {  	s14 =	sadd.s32 $0x80, s14;
	vm2 =	vlt.u32 v21, $0x5480;
	vm1 =	vlt.u32 v28, $0x5480;
	v14 =	vor.u32 v30, v29;
	[tilespmem:v26+s8+$0x0] =	vst.idx.add.f32.msk vm3, v4  }
0xad: {  	_ =	sdelay $0x1  }
0xae: {  	v5 =	vor.u32 v15, v5;
	vm3 =	vlt.u32 v6, $0x5480  }
0xaf: {  	v6 =	vor.u32 v17, v9;
	vm4 =	vlt.u32 v7, $0x5480  }
0xb0: {  	v7 =	vor.u32 v20, v10;
	vm5 =	vlt.u32 v11, $0x5480  }
0xb1: {  	v9 =	vor.u32 v18, v12;
	vm6 =	vlt.u32 v13, $0x5480;
	[tilespmem:v8+s8+$0x0] =	vst.idx.add.f32.msk vm0, v4  }
0xb2: {  	v8 =	vor.u32 v19, v16;
	[tilespmem:v14+s8+$0x0] =	vst.idx.add.f32.msk vm2, v4  }
0xb3: {  	[tilespmem:v5+s8+$0x0] =	vst.idx.add.f32.msk vm1, v4  }
0xb4: {  	[tilespmem:v6+s8+$0x0] =	vst.idx.add.f32.msk vm3, v4  }
0xb5: {  	[tilespmem:v7+s8+$0x0] =	vst.idx.add.f32.msk vm4, v4  }
0xb6: {  	[tilespmem:v9+s8+$0x0] =	vst.idx.add.f32.msk vm5, v4  }
0xb7: {  	[tilespmem:v8+s8+$0x0] =	vst.idx.add.f32.msk vm6, v4  }
0xb8: {  	_ =	swait.ge [sflag:s9], $0x1000  }
0xb9: {  	[sflag:s9] =	ssyncset.done $0x0  }
0xba: {  	s16 =	simm.s32 $0x13800;
	s13 =	rddreg [dreg:$0x4];
	[sflag:s9] =	ssyncadd.s32 $0xFFFFF000  }
0xbb: {  	[tilespmem:s5], [sflag:$0x1] =	stream.linear.gather [hbm4b:s13+s30], $0x1000, $0x38;
	[tilespmem:$0x147C0] =	vst v63  }
0xbc: {  	v5 =	vld [tilespmem:s16+$0x30]  }
0xbd: {  	v7 =	vld [tilespmem:s16+$0xFFFFFFD0]  }
0xbe: {  	v8 =	vld [tilespmem:s16+$0xFFFFFFE0]  }
0xbf: {  	v12 =	vld [tilespmem:s16+$0xFFFFFFF0]  }
0xc0: {  	v14 =	vld [tilespmem:s16+$0x0]  }
0xc1: {  	v18 =	vld [tilespmem:s16+$0x10]  }
0xc2: {  	v16 =	vld [tilespmem:s16+$0xFFFFFFC0]  }
0xc3: {  	v19 =	vld [tilespmem:s16+$0x20]  }
0xc4: {  	v6 =	vsub.s32 v5, v0  }
0xc5: {  	v5 =	vand.u32 $0x7, v5;
	v21 =	vsub.s32 v7, v0;
	v22 =	vsub.s32 v8, v0  }
0xc6: {  	v25 =	vand.u32 $0x7, v7;
	v7 =	vsub.s32 v14, v0;
	v15 =	vand.u32 $0x7, v8  }
0xc7: {  	v11 =	vsub.s32 v18, v0;
	v17 =	vand.u32 $0x7, v12;
	v26 =	vsub.s32 v16, v0  }
0xc8: {  	v13 =	vsub.s32 v19, v0;
	vm1 =	vlt.u32 v6, $0x5480;
	v6 =	vand.u32 $0xFFFFFFF8, v6  }
0xc9: {  	v8 =	vand.u32 $0x7, v16;
	v20 =	vand.u32 $0x7, v14;
	v23 =	vor.u32 v5, v6  }
0xca: {  	v18 =	vand.u32 $0x7, v18;
	v19 =	vand.u32 $0x7, v19;
	v24 =	vand.u32 $0xFFFFFFF8, v21  }
0xcb: {  	v10 =	vand.u32 $0xFFFFFFF8, v7;
	v16 =	vand.u32 $0xFFFFFFF8, v26;
	vm0 =	vlt.u32 v26, $0x5480  }
0xcc: {  	vm2 =	vlt.u32 v21, $0x5480;
	v5 =	vand.u32 $0xFFFFFFF8, v22;
	v6 =	vsub.s32 v12, v0  }
0xcd: {  	v12 =	vand.u32 $0xFFFFFFF8, v11;
	v8 =	vor.u32 v8, v16;
	v16 =	vand.u32 $0xFFFFFFF8, v13  }
0xce: {  	s14 =	simm.s32 $0x13880;
	s13 =	simm.s32 $0x0;
	v14 =	vor.u32 v25, v24;
	v9 =	vand.u32 $0xFFFFFFF8, v6;
	[tilespmem:v23+s8+$0x0] =	vst.idx.add.f32.msk vm1, v4;
	vm1 =	vlt.u32 v22, $0x5480  }
.LBB2_6:
0xcf: {  	v21 =	vld [tilespmem:s14+$0x30];
	s13 =	sadd.s32 $0x80, s13;
	v22 =	vor.u32 v15, v5;
	vm6 =	vlt.u32 v6, $0x5480;
	v23 =	vor.u32 v17, v9  }
0xd0: {  	vm5 =	vlt.u32 v7, $0x5480;
	v24 =	vor.u32 v20, v10;
	vm4 =	vlt.u32 v11, $0x5480;
	v9 =	vld [tilespmem:s14+$0xFFFFFFD0];
	p0 =	slt.u32 s13, $0xF80  }
0xd1: {  	v25 =	vor.u32 v18, v12;
	vm3 =	vlt.u32 v13, $0x5480;
	v26 =	vor.u32 v19, v16;
	v10 =	vld [tilespmem:s14+$0xFFFFFFE0]  }
0xd2: {  	v12 =	vld [tilespmem:s14+$0xFFFFFFF0]  }
0xd3: {  	v18 =	vld [tilespmem:s14+$0x0]  }
0xd4: {  	v19 =	vld [tilespmem:s14+$0x10];
	v5 =	vsub.s32 v21, v0  }
0xd5: {  	v6 =	vand.u32 $0x7, v21;
	v27 =	vld [tilespmem:s14+$0x20];
	vm7 =	vlt.u32 v5, $0x5480;
	v5 =	vand.u32 $0xFFFFFFF8, v5  }
0xd6: {  	v21 =	vsub.s32 v9, v0;
	v16 =	vld [tilespmem:s14+$0xFFFFFFC0];
	v28 =	vsub.s32 v10, v0;
	v20 =	vor.u32 v6, v5  }
0xd7: {  	v29 =	vand.u32 $0xFFFFFFF8, v21;
	v5 =	vand.u32 $0xFFFFFFF8, v28;
	v6 =	vsub.s32 v12, v0;
	[tilespmem:v8+s8+$0x0] =	vst.idx.add.f32.msk vm0, v4  }
0xd8: {  	v30 =	vand.u32 $0x7, v9;
	v9 =	vand.u32 $0xFFFFFFF8, v6;
	v7 =	vsub.s32 v18, v0;
	[tilespmem:v14+s8+$0x0] =	vst.idx.add.f32.msk vm2, v4  }
0xd9: {  	v15 =	vand.u32 $0x7, v10;
	v10 =	vand.u32 $0xFFFFFFF8, v7;
	v11 =	vsub.s32 v19, v0;
	[tilespmem:v22+s8+$0x0] =	vst.idx.add.f32.msk vm1, v4  }
.Ltmp2:
0xda: {  	v17 =	vand.u32 $0x7, v12;
	v12 =	vand.u32 $0xFFFFFFF8, v11;
	v13 =	vsub.s32 v27, v0;
	[tilespmem:v23+s8+$0x0] =	vst.idx.add.f32.msk vm6, v4;
	(pc) =	sbr.rel @p0 .LBB2_6-.Ltmp2, $4  }
0xdb: {  	v8 =	vsub.s32 v16, v0;
	v14 =	vand.u32 $0x7, v16;
	v16 =	vand.u32 $0xFFFFFFF8, v13;
	[tilespmem:v20+s8+$0x0] =	vst.idx.add.f32.msk vm7, v4  }
0xdc: {  	v20 =	vand.u32 $0x7, v18;
	v18 =	vand.u32 $0x7, v19;
	v22 =	vand.u32 $0xFFFFFFF8, v8;
	[tilespmem:v24+s8+$0x0] =	vst.idx.add.f32.msk vm5, v4  }
0xdd: {  	v19 =	vand.u32 $0x7, v27;
	vm0 =	vlt.u32 v8, $0x5480;
	v8 =	vor.u32 v14, v22;
	[tilespmem:v25+s8+$0x0] =	vst.idx.add.f32.msk vm4, v4  }
0xde: {  	s14 =	sadd.s32 $0x80, s14;
	vm2 =	vlt.u32 v21, $0x5480;
	vm1 =	vlt.u32 v28, $0x5480;
	v14 =	vor.u32 v30, v29;
	[tilespmem:v26+s8+$0x0] =	vst.idx.add.f32.msk vm3, v4  }
0xdf: {  	_ =	sdelay $0x1  }
0xe0: {  	v5 =	vor.u32 v15, v5;
	vm3 =	vlt.u32 v6, $0x5480  }
0xe1: {  	v6 =	vor.u32 v17, v9;
	vm4 =	vlt.u32 v7, $0x5480  }
0xe2: {  	v7 =	vor.u32 v20, v10;
	vm5 =	vlt.u32 v11, $0x5480  }
0xe3: {  	v9 =	vor.u32 v18, v12;
	vm6 =	vlt.u32 v13, $0x5480;
	[tilespmem:v8+s8+$0x0] =	vst.idx.add.f32.msk vm0, v4  }
0xe4: {  	v8 =	vor.u32 v19, v16;
	[tilespmem:v14+s8+$0x0] =	vst.idx.add.f32.msk vm2, v4  }
0xe5: {  	[tilespmem:v5+s8+$0x0] =	vst.idx.add.f32.msk vm1, v4  }
0xe6: {  	[tilespmem:v6+s8+$0x0] =	vst.idx.add.f32.msk vm3, v4  }
0xe7: {  	[tilespmem:v7+s8+$0x0] =	vst.idx.add.f32.msk vm4, v4  }
0xe8: {  	[tilespmem:v9+s8+$0x0] =	vst.idx.add.f32.msk vm5, v4  }
0xe9: {  	[tilespmem:v8+s8+$0x0] =	vst.idx.add.f32.msk vm6, v4  }
0xea: {  	_ =	swait.ge [sflag:s6], $0x1000  }
0xeb: {  	[sflag:s6] =	ssyncset.done $0x0  }
0xec: {  	s16 =	simm.s32 $0x12800;
	s13 =	rddreg [dreg:$0x5];
	[sflag:s6] =	ssyncadd.s32 $0xFFFFF000  }
0xed: {  	[tilespmem:s7], [sflag:$0x2] =	stream.linear.gather [hbm4b:s13+s30], $0x1000, $0x38;
	[tilespmem:$0x147C0] =	vst v63  }
0xee: {  	v5 =	vld [tilespmem:s16+$0x30]  }
0xef: {  	v7 =	vld [tilespmem:s16+$0xFFFFFFD0]  }
0xf0: {  	v8 =	vld [tilespmem:s16+$0xFFFFFFE0]  }
0xf1: {  	v12 =	vld [tilespmem:s16+$0xFFFFFFF0]  }
0xf2: {  	v14 =	vld [tilespmem:s16+$0x0]  }
0xf3: {  	v18 =	vld [tilespmem:s16+$0x10]  }
0xf4: {  	v16 =	vld [tilespmem:s16+$0xFFFFFFC0]  }
0xf5: {  	v19 =	vld [tilespmem:s16+$0x20]  }
0xf6: {  	v6 =	vsub.s32 v5, v0  }
0xf7: {  	v5 =	vand.u32 $0x7, v5;
	v21 =	vsub.s32 v7, v0;
	v22 =	vsub.s32 v8, v0  }
0xf8: {  	v25 =	vand.u32 $0x7, v7;
	v7 =	vsub.s32 v14, v0;
	v15 =	vand.u32 $0x7, v8  }
0xf9: {  	v11 =	vsub.s32 v18, v0;
	v17 =	vand.u32 $0x7, v12;
	v26 =	vsub.s32 v16, v0  }
0xfa: {  	v13 =	vsub.s32 v19, v0;
	vm1 =	vlt.u32 v6, $0x5480;
	v6 =	vand.u32 $0xFFFFFFF8, v6  }
0xfb: {  	v8 =	vand.u32 $0x7, v16;
	v20 =	vand.u32 $0x7, v14;
	v23 =	vor.u32 v5, v6  }
0xfc: {  	v18 =	vand.u32 $0x7, v18;
	v19 =	vand.u32 $0x7, v19;
	v24 =	vand.u32 $0xFFFFFFF8, v21  }
0xfd: {  	v10 =	vand.u32 $0xFFFFFFF8, v7;
	v16 =	vand.u32 $0xFFFFFFF8, v26;
	vm0 =	vlt.u32 v26, $0x5480  }
0xfe: {  	vm2 =	vlt.u32 v21, $0x5480;
	v5 =	vand.u32 $0xFFFFFFF8, v22;
	v6 =	vsub.s32 v12, v0  }
0xff: {  	v12 =	vand.u32 $0xFFFFFFF8, v11;
	v8 =	vor.u32 v8, v16;
	v16 =	vand.u32 $0xFFFFFFF8, v13  }
0x100: {  	s14 =	simm.s32 $0x12880;
	s13 =	simm.s32 $0x0;
	v14 =	vor.u32 v25, v24;
	v9 =	vand.u32 $0xFFFFFFF8, v6;
	[tilespmem:v23+s8+$0x0] =	vst.idx.add.f32.msk vm1, v4;
	vm1 =	vlt.u32 v22, $0x5480  }
.LBB2_8:
0x101: {  	v21 =	vld [tilespmem:s14+$0x30];
	s13 =	sadd.s32 $0x80, s13;
	v22 =	vor.u32 v15, v5;
	vm6 =	vlt.u32 v6, $0x5480;
	v23 =	vor.u32 v17, v9  }
0x102: {  	vm5 =	vlt.u32 v7, $0x5480;
	v24 =	vor.u32 v20, v10;
	vm4 =	vlt.u32 v11, $0x5480;
	v9 =	vld [tilespmem:s14+$0xFFFFFFD0];
	p0 =	slt.u32 s13, $0xF80  }
0x103: {  	v25 =	vor.u32 v18, v12;
	vm3 =	vlt.u32 v13, $0x5480;
	v26 =	vor.u32 v19, v16;
	v10 =	vld [tilespmem:s14+$0xFFFFFFE0]  }
0x104: {  	v12 =	vld [tilespmem:s14+$0xFFFFFFF0]  }
0x105: {  	v18 =	vld [tilespmem:s14+$0x0]  }
0x106: {  	v19 =	vld [tilespmem:s14+$0x10];
	v5 =	vsub.s32 v21, v0  }
0x107: {  	v6 =	vand.u32 $0x7, v21;
	v27 =	vld [tilespmem:s14+$0x20];
	vm7 =	vlt.u32 v5, $0x5480;
	v5 =	vand.u32 $0xFFFFFFF8, v5  }
0x108: {  	v21 =	vsub.s32 v9, v0;
	v16 =	vld [tilespmem:s14+$0xFFFFFFC0];
	v28 =	vsub.s32 v10, v0;
	v20 =	vor.u32 v6, v5  }
0x109: {  	v29 =	vand.u32 $0xFFFFFFF8, v21;
	v5 =	vand.u32 $0xFFFFFFF8, v28;
	v6 =	vsub.s32 v12, v0;
	[tilespmem:v8+s8+$0x0] =	vst.idx.add.f32.msk vm0, v4  }
0x10a: {  	v30 =	vand.u32 $0x7, v9;
	v9 =	vand.u32 $0xFFFFFFF8, v6;
	v7 =	vsub.s32 v18, v0;
	[tilespmem:v14+s8+$0x0] =	vst.idx.add.f32.msk vm2, v4  }
0x10b: {  	v15 =	vand.u32 $0x7, v10;
	v10 =	vand.u32 $0xFFFFFFF8, v7;
	v11 =	vsub.s32 v19, v0;
	[tilespmem:v22+s8+$0x0] =	vst.idx.add.f32.msk vm1, v4  }
.Ltmp3:
0x10c: {  	v17 =	vand.u32 $0x7, v12;
	v12 =	vand.u32 $0xFFFFFFF8, v11;
	v13 =	vsub.s32 v27, v0;
	[tilespmem:v23+s8+$0x0] =	vst.idx.add.f32.msk vm6, v4;
	(pc) =	sbr.rel @p0 .LBB2_8-.Ltmp3, $4  }
0x10d: {  	v8 =	vsub.s32 v16, v0;
	v14 =	vand.u32 $0x7, v16;
	v16 =	vand.u32 $0xFFFFFFF8, v13;
	[tilespmem:v20+s8+$0x0] =	vst.idx.add.f32.msk vm7, v4  }
0x10e: {  	v20 =	vand.u32 $0x7, v18;
	v18 =	vand.u32 $0x7, v19;
	v22 =	vand.u32 $0xFFFFFFF8, v8;
	[tilespmem:v24+s8+$0x0] =	vst.idx.add.f32.msk vm5, v4  }
0x10f: {  	v19 =	vand.u32 $0x7, v27;
	vm0 =	vlt.u32 v8, $0x5480;
	v8 =	vor.u32 v14, v22;
	[tilespmem:v25+s8+$0x0] =	vst.idx.add.f32.msk vm4, v4  }
0x110: {  	s14 =	sadd.s32 $0x80, s14;
	vm2 =	vlt.u32 v21, $0x5480;
	vm1 =	vlt.u32 v28, $0x5480;
	v14 =	vor.u32 v30, v29;
	[tilespmem:v26+s8+$0x0] =	vst.idx.add.f32.msk vm3, v4  }
0x111: {  	_ =	sdelay $0x1  }
0x112: {  	v5 =	vor.u32 v15, v5;
	vm3 =	vlt.u32 v6, $0x5480  }
0x113: {  	v6 =	vor.u32 v17, v9;
	vm4 =	vlt.u32 v7, $0x5480  }
0x114: {  	v7 =	vor.u32 v20, v10;
	vm5 =	vlt.u32 v11, $0x5480  }
0x115: {  	v9 =	vor.u32 v18, v12;
	vm6 =	vlt.u32 v13, $0x5480;
	[tilespmem:v8+s8+$0x0] =	vst.idx.add.f32.msk vm0, v4  }
0x116: {  	v8 =	vor.u32 v19, v16;
	[tilespmem:v14+s8+$0x0] =	vst.idx.add.f32.msk vm2, v4  }
0x117: {  	[tilespmem:v5+s8+$0x0] =	vst.idx.add.f32.msk vm1, v4  }
0x118: {  	[tilespmem:v6+s8+$0x0] =	vst.idx.add.f32.msk vm3, v4  }
0x119: {  	[tilespmem:v7+s8+$0x0] =	vst.idx.add.f32.msk vm4, v4  }
0x11a: {  	[tilespmem:v9+s8+$0x0] =	vst.idx.add.f32.msk vm5, v4  }
0x11b: {  	[tilespmem:v8+s8+$0x0] =	vst.idx.add.f32.msk vm6, v4  }
0x11c: {  	_ =	swait.ge [sflag:s9], $0x1000  }
0x11d: {  	[sflag:s9] =	ssyncset.done $0x0  }
0x11e: {  	s16 =	simm.s32 $0x13800;
	s13 =	rddreg [dreg:$0x6];
	[sflag:s9] =	ssyncadd.s32 $0xFFFFF000  }
0x11f: {  	[tilespmem:s5], [sflag:$0x1] =	stream.linear.gather [hbm4b:s13+s30], $0x1000, $0x38;
	[tilespmem:$0x147C0] =	vst v63  }
0x120: {  	v5 =	vld [tilespmem:s16+$0x30]  }
0x121: {  	v7 =	vld [tilespmem:s16+$0xFFFFFFD0]  }
0x122: {  	v8 =	vld [tilespmem:s16+$0xFFFFFFE0]  }
0x123: {  	v12 =	vld [tilespmem:s16+$0xFFFFFFF0]  }
0x124: {  	v14 =	vld [tilespmem:s16+$0x0]  }
0x125: {  	v18 =	vld [tilespmem:s16+$0x10]  }
0x126: {  	v16 =	vld [tilespmem:s16+$0xFFFFFFC0]  }
0x127: {  	v19 =	vld [tilespmem:s16+$0x20]  }
0x128: {  	v6 =	vsub.s32 v5, v0  }
0x129: {  	v5 =	vand.u32 $0x7, v5;
	v21 =	vsub.s32 v7, v0;
	v22 =	vsub.s32 v8, v0  }
0x12a: {  	v25 =	vand.u32 $0x7, v7;
	v7 =	vsub.s32 v14, v0;
	v15 =	vand.u32 $0x7, v8  }
0x12b: {  	v11 =	vsub.s32 v18, v0;
	v17 =	vand.u32 $0x7, v12;
	v26 =	vsub.s32 v16, v0  }
0x12c: {  	v13 =	vsub.s32 v19, v0;
	vm1 =	vlt.u32 v6, $0x5480;
	v6 =	vand.u32 $0xFFFFFFF8, v6  }
0x12d: {  	v8 =	vand.u32 $0x7, v16;
	v20 =	vand.u32 $0x7, v14;
	v23 =	vor.u32 v5, v6  }
0x12e: {  	v18 =	vand.u32 $0x7, v18;
	v19 =	vand.u32 $0x7, v19;
	v24 =	vand.u32 $0xFFFFFFF8, v21  }
0x12f: {  	v10 =	vand.u32 $0xFFFFFFF8, v7;
	v16 =	vand.u32 $0xFFFFFFF8, v26;
	vm0 =	vlt.u32 v26, $0x5480  }
0x130: {  	vm2 =	vlt.u32 v21, $0x5480;
	v5 =	vand.u32 $0xFFFFFFF8, v22;
	v6 =	vsub.s32 v12, v0  }
0x131: {  	v12 =	vand.u32 $0xFFFFFFF8, v11;
	v8 =	vor.u32 v8, v16;
	v16 =	vand.u32 $0xFFFFFFF8, v13  }
0x132: {  	s14 =	simm.s32 $0x13880;
	s13 =	simm.s32 $0x0;
	v14 =	vor.u32 v25, v24;
	v9 =	vand.u32 $0xFFFFFFF8, v6;
	[tilespmem:v23+s8+$0x0] =	vst.idx.add.f32.msk vm1, v4;
	vm1 =	vlt.u32 v22, $0x5480  }
.LBB2_10:
0x133: {  	v21 =	vld [tilespmem:s14+$0x30];
	s13 =	sadd.s32 $0x80, s13;
	v22 =	vor.u32 v15, v5;
	vm6 =	vlt.u32 v6, $0x5480;
	v23 =	vor.u32 v17, v9  }
0x134: {  	vm5 =	vlt.u32 v7, $0x5480;
	v24 =	vor.u32 v20, v10;
	vm4 =	vlt.u32 v11, $0x5480;
	v9 =	vld [tilespmem:s14+$0xFFFFFFD0];
	p0 =	slt.u32 s13, $0xF80  }
0x135: {  	v25 =	vor.u32 v18, v12;
	vm3 =	vlt.u32 v13, $0x5480;
	v26 =	vor.u32 v19, v16;
	v10 =	vld [tilespmem:s14+$0xFFFFFFE0]  }
0x136: {  	v12 =	vld [tilespmem:s14+$0xFFFFFFF0]  }
0x137: {  	v18 =	vld [tilespmem:s14+$0x0]  }
0x138: {  	v19 =	vld [tilespmem:s14+$0x10];
	v5 =	vsub.s32 v21, v0  }
0x139: {  	v6 =	vand.u32 $0x7, v21;
	v27 =	vld [tilespmem:s14+$0x20];
	vm7 =	vlt.u32 v5, $0x5480;
	v5 =	vand.u32 $0xFFFFFFF8, v5  }
0x13a: {  	v21 =	vsub.s32 v9, v0;
	v16 =	vld [tilespmem:s14+$0xFFFFFFC0];
	v28 =	vsub.s32 v10, v0;
	v20 =	vor.u32 v6, v5  }
0x13b: {  	v29 =	vand.u32 $0xFFFFFFF8, v21;
	v5 =	vand.u32 $0xFFFFFFF8, v28;
	v6 =	vsub.s32 v12, v0;
	[tilespmem:v8+s8+$0x0] =	vst.idx.add.f32.msk vm0, v4  }
0x13c: {  	v30 =	vand.u32 $0x7, v9;
	v9 =	vand.u32 $0xFFFFFFF8, v6;
	v7 =	vsub.s32 v18, v0;
	[tilespmem:v14+s8+$0x0] =	vst.idx.add.f32.msk vm2, v4  }
0x13d: {  	v15 =	vand.u32 $0x7, v10;
	v10 =	vand.u32 $0xFFFFFFF8, v7;
	v11 =	vsub.s32 v19, v0;
	[tilespmem:v22+s8+$0x0] =	vst.idx.add.f32.msk vm1, v4  }
.Ltmp4:
0x13e: {  	v17 =	vand.u32 $0x7, v12;
	v12 =	vand.u32 $0xFFFFFFF8, v11;
	v13 =	vsub.s32 v27, v0;
	[tilespmem:v23+s8+$0x0] =	vst.idx.add.f32.msk vm6, v4;
	(pc) =	sbr.rel @p0 .LBB2_10-.Ltmp4, $4  }
0x13f: {  	v8 =	vsub.s32 v16, v0;
	v14 =	vand.u32 $0x7, v16;
	v16 =	vand.u32 $0xFFFFFFF8, v13;
	[tilespmem:v20+s8+$0x0] =	vst.idx.add.f32.msk vm7, v4  }
0x140: {  	v20 =	vand.u32 $0x7, v18;
	v18 =	vand.u32 $0x7, v19;
	v22 =	vand.u32 $0xFFFFFFF8, v8;
	[tilespmem:v24+s8+$0x0] =	vst.idx.add.f32.msk vm5, v4  }
0x141: {  	v19 =	vand.u32 $0x7, v27;
	vm0 =	vlt.u32 v8, $0x5480;
	v8 =	vor.u32 v14, v22;
	[tilespmem:v25+s8+$0x0] =	vst.idx.add.f32.msk vm4, v4  }
0x142: {  	s14 =	sadd.s32 $0x80, s14;
	vm2 =	vlt.u32 v21, $0x5480;
	vm1 =	vlt.u32 v28, $0x5480;
	v14 =	vor.u32 v30, v29;
	[tilespmem:v26+s8+$0x0] =	vst.idx.add.f32.msk vm3, v4  }
0x143: {  	_ =	sdelay $0x1  }
0x144: {  	v5 =	vor.u32 v15, v5;
	vm3 =	vlt.u32 v6, $0x5480  }
0x145: {  	v6 =	vor.u32 v17, v9;
	vm4 =	vlt.u32 v7, $0x5480  }
0x146: {  	v7 =	vor.u32 v20, v10;
	vm5 =	vlt.u32 v11, $0x5480  }
0x147: {  	v9 =	vor.u32 v18, v12;
	vm6 =	vlt.u32 v13, $0x5480;
	[tilespmem:v8+s8+$0x0] =	vst.idx.add.f32.msk vm0, v4  }
0x148: {  	v8 =	vor.u32 v19, v16;
	[tilespmem:v14+s8+$0x0] =	vst.idx.add.f32.msk vm2, v4  }
0x149: {  	[tilespmem:v5+s8+$0x0] =	vst.idx.add.f32.msk vm1, v4  }
0x14a: {  	[tilespmem:v6+s8+$0x0] =	vst.idx.add.f32.msk vm3, v4  }
0x14b: {  	[tilespmem:v7+s8+$0x0] =	vst.idx.add.f32.msk vm4, v4  }
0x14c: {  	[tilespmem:v9+s8+$0x0] =	vst.idx.add.f32.msk vm5, v4  }
0x14d: {  	[tilespmem:v8+s8+$0x0] =	vst.idx.add.f32.msk vm6, v4  }
0x14e: {  	_ =	swait.ge [sflag:s6], $0x1000  }
0x14f: {  	[sflag:s6] =	ssyncset.done $0x0  }
0x150: {  	s16 =	simm.s32 $0x12800;
	s13 =	rddreg [dreg:$0x7];
	[sflag:s6] =	ssyncadd.s32 $0xFFFFF000  }
0x151: {  	[tilespmem:s7], [sflag:$0x2] =	stream.linear.gather [hbm4b:s13+s30], $0x1000, $0x38;
	[tilespmem:$0x147C0] =	vst v63  }
0x152: {  	v5 =	vld [tilespmem:s16+$0x30]  }
0x153: {  	v7 =	vld [tilespmem:s16+$0xFFFFFFD0]  }
0x154: {  	v8 =	vld [tilespmem:s16+$0xFFFFFFE0]  }
0x155: {  	v12 =	vld [tilespmem:s16+$0xFFFFFFF0]  }
0x156: {  	v14 =	vld [tilespmem:s16+$0x0]  }
0x157: {  	v18 =	vld [tilespmem:s16+$0x10]  }
0x158: {  	v16 =	vld [tilespmem:s16+$0xFFFFFFC0]  }
0x159: {  	v19 =	vld [tilespmem:s16+$0x20]  }
0x15a: {  	v6 =	vsub.s32 v5, v0  }
0x15b: {  	v5 =	vand.u32 $0x7, v5;
	v21 =	vsub.s32 v7, v0;
	v22 =	vsub.s32 v8, v0  }
0x15c: {  	v25 =	vand.u32 $0x7, v7;
	v7 =	vsub.s32 v14, v0;
	v15 =	vand.u32 $0x7, v8  }
0x15d: {  	v11 =	vsub.s32 v18, v0;
	v17 =	vand.u32 $0x7, v12;
	v26 =	vsub.s32 v16, v0  }
0x15e: {  	v13 =	vsub.s32 v19, v0;
	vm1 =	vlt.u32 v6, $0x5480;
	v6 =	vand.u32 $0xFFFFFFF8, v6  }
0x15f: {  	v8 =	vand.u32 $0x7, v16;
	v20 =	vand.u32 $0x7, v14;
	v23 =	vor.u32 v5, v6  }
0x160: {  	v18 =	vand.u32 $0x7, v18;
	v19 =	vand.u32 $0x7, v19;
	v24 =	vand.u32 $0xFFFFFFF8, v21  }
0x161: {  	v10 =	vand.u32 $0xFFFFFFF8, v7;
	v16 =	vand.u32 $0xFFFFFFF8, v26;
	vm0 =	vlt.u32 v26, $0x5480  }
0x162: {  	vm2 =	vlt.u32 v21, $0x5480;
	v5 =	vand.u32 $0xFFFFFFF8, v22;
	v6 =	vsub.s32 v12, v0  }
0x163: {  	v12 =	vand.u32 $0xFFFFFFF8, v11;
	v8 =	vor.u32 v8, v16;
	v16 =	vand.u32 $0xFFFFFFF8, v13  }
0x164: {  	s14 =	simm.s32 $0x12880;
	s13 =	simm.s32 $0x0;
	v14 =	vor.u32 v25, v24;
	v9 =	vand.u32 $0xFFFFFFF8, v6;
	[tilespmem:v23+s8+$0x0] =	vst.idx.add.f32.msk vm1, v4;
	vm1 =	vlt.u32 v22, $0x5480  }
.LBB2_12:
0x165: {  	v21 =	vld [tilespmem:s14+$0x30];
	s13 =	sadd.s32 $0x80, s13;
	v22 =	vor.u32 v15, v5;
	vm6 =	vlt.u32 v6, $0x5480;
	v23 =	vor.u32 v17, v9  }
0x166: {  	vm5 =	vlt.u32 v7, $0x5480;
	v24 =	vor.u32 v20, v10;
	vm4 =	vlt.u32 v11, $0x5480;
	v9 =	vld [tilespmem:s14+$0xFFFFFFD0];
	p0 =	slt.u32 s13, $0xF80  }
0x167: {  	v25 =	vor.u32 v18, v12;
	vm3 =	vlt.u32 v13, $0x5480;
	v26 =	vor.u32 v19, v16;
	v10 =	vld [tilespmem:s14+$0xFFFFFFE0]  }
0x168: {  	v12 =	vld [tilespmem:s14+$0xFFFFFFF0]  }
0x169: {  	v18 =	vld [tilespmem:s14+$0x0]  }
0x16a: {  	v19 =	vld [tilespmem:s14+$0x10];
	v5 =	vsub.s32 v21, v0  }
0x16b: {  	v6 =	vand.u32 $0x7, v21;
	v27 =	vld [tilespmem:s14+$0x20];
	vm7 =	vlt.u32 v5, $0x5480;
	v5 =	vand.u32 $0xFFFFFFF8, v5  }
0x16c: {  	v21 =	vsub.s32 v9, v0;
	v16 =	vld [tilespmem:s14+$0xFFFFFFC0];
	v28 =	vsub.s32 v10, v0;
	v20 =	vor.u32 v6, v5  }
0x16d: {  	v29 =	vand.u32 $0xFFFFFFF8, v21;
	v5 =	vand.u32 $0xFFFFFFF8, v28;
	v6 =	vsub.s32 v12, v0;
	[tilespmem:v8+s8+$0x0] =	vst.idx.add.f32.msk vm0, v4  }
0x16e: {  	v30 =	vand.u32 $0x7, v9;
	v9 =	vand.u32 $0xFFFFFFF8, v6;
	v7 =	vsub.s32 v18, v0;
	[tilespmem:v14+s8+$0x0] =	vst.idx.add.f32.msk vm2, v4  }
0x16f: {  	v15 =	vand.u32 $0x7, v10;
	v10 =	vand.u32 $0xFFFFFFF8, v7;
	v11 =	vsub.s32 v19, v0;
	[tilespmem:v22+s8+$0x0] =	vst.idx.add.f32.msk vm1, v4  }
.Ltmp5:
0x170: {  	v17 =	vand.u32 $0x7, v12;
	v12 =	vand.u32 $0xFFFFFFF8, v11;
	v13 =	vsub.s32 v27, v0;
	[tilespmem:v23+s8+$0x0] =	vst.idx.add.f32.msk vm6, v4;
	(pc) =	sbr.rel @p0 .LBB2_12-.Ltmp5, $4  }
0x171: {  	v8 =	vsub.s32 v16, v0;
	v14 =	vand.u32 $0x7, v16;
	v16 =	vand.u32 $0xFFFFFFF8, v13;
	[tilespmem:v20+s8+$0x0] =	vst.idx.add.f32.msk vm7, v4  }
0x172: {  	v20 =	vand.u32 $0x7, v18;
	v18 =	vand.u32 $0x7, v19;
	v22 =	vand.u32 $0xFFFFFFF8, v8;
	[tilespmem:v24+s8+$0x0] =	vst.idx.add.f32.msk vm5, v4  }
0x173: {  	v19 =	vand.u32 $0x7, v27;
	vm0 =	vlt.u32 v8, $0x5480;
	v8 =	vor.u32 v14, v22;
	[tilespmem:v25+s8+$0x0] =	vst.idx.add.f32.msk vm4, v4  }
0x174: {  	s14 =	sadd.s32 $0x80, s14;
	vm2 =	vlt.u32 v21, $0x5480;
	vm1 =	vlt.u32 v28, $0x5480;
	v14 =	vor.u32 v30, v29;
	[tilespmem:v26+s8+$0x0] =	vst.idx.add.f32.msk vm3, v4  }
0x175: {  	_ =	sdelay $0x1  }
0x176: {  	v5 =	vor.u32 v15, v5;
	vm3 =	vlt.u32 v6, $0x5480  }
0x177: {  	v6 =	vor.u32 v17, v9;
	vm4 =	vlt.u32 v7, $0x5480  }
0x178: {  	v7 =	vor.u32 v20, v10;
	vm5 =	vlt.u32 v11, $0x5480  }
0x179: {  	v9 =	vor.u32 v18, v12;
	vm6 =	vlt.u32 v13, $0x5480;
	[tilespmem:v8+s8+$0x0] =	vst.idx.add.f32.msk vm0, v4  }
0x17a: {  	v8 =	vor.u32 v19, v16;
	[tilespmem:v14+s8+$0x0] =	vst.idx.add.f32.msk vm2, v4  }
0x17b: {  	[tilespmem:v5+s8+$0x0] =	vst.idx.add.f32.msk vm1, v4  }
0x17c: {  	[tilespmem:v6+s8+$0x0] =	vst.idx.add.f32.msk vm3, v4  }
0x17d: {  	[tilespmem:v7+s8+$0x0] =	vst.idx.add.f32.msk vm4, v4  }
0x17e: {  	[tilespmem:v9+s8+$0x0] =	vst.idx.add.f32.msk vm5, v4  }
0x17f: {  	[tilespmem:v8+s8+$0x0] =	vst.idx.add.f32.msk vm6, v4  }
0x180: {  	_ =	swait.ge [sflag:s9], $0x1000  }
0x181: {  	[sflag:s9] =	ssyncset.done $0x0  }
0x182: {  	s16 =	simm.s32 $0x13800;
	s13 =	rddreg [dreg:$0x8];
	[sflag:s9] =	ssyncadd.s32 $0xFFFFF000  }
0x183: {  	[tilespmem:s5], [sflag:$0x1] =	stream.linear.gather [hbm4b:s13+s30], $0x1000, $0x38;
	[tilespmem:$0x147C0] =	vst v63  }
0x184: {  	v5 =	vld [tilespmem:s16+$0x30]  }
0x185: {  	v7 =	vld [tilespmem:s16+$0xFFFFFFD0]  }
0x186: {  	v8 =	vld [tilespmem:s16+$0xFFFFFFE0]  }
0x187: {  	v12 =	vld [tilespmem:s16+$0xFFFFFFF0]  }
0x188: {  	v14 =	vld [tilespmem:s16+$0x0]  }
0x189: {  	v18 =	vld [tilespmem:s16+$0x10]  }
0x18a: {  	v16 =	vld [tilespmem:s16+$0xFFFFFFC0]  }
0x18b: {  	v19 =	vld [tilespmem:s16+$0x20]  }
0x18c: {  	v6 =	vsub.s32 v5, v0  }
0x18d: {  	v5 =	vand.u32 $0x7, v5;
	v21 =	vsub.s32 v7, v0;
	v22 =	vsub.s32 v8, v0  }
0x18e: {  	v25 =	vand.u32 $0x7, v7;
	v7 =	vsub.s32 v14, v0;
	v15 =	vand.u32 $0x7, v8  }
0x18f: {  	v11 =	vsub.s32 v18, v0;
	v17 =	vand.u32 $0x7, v12;
	v26 =	vsub.s32 v16, v0  }
0x190: {  	v13 =	vsub.s32 v19, v0;
	vm1 =	vlt.u32 v6, $0x5480;
	v6 =	vand.u32 $0xFFFFFFF8, v6  }
0x191: {  	v8 =	vand.u32 $0x7, v16;
	v20 =	vand.u32 $0x7, v14;
	v23 =	vor.u32 v5, v6  }
0x192: {  	v18 =	vand.u32 $0x7, v18;
	v19 =	vand.u32 $0x7, v19;
	v24 =	vand.u32 $0xFFFFFFF8, v21  }
0x193: {  	v10 =	vand.u32 $0xFFFFFFF8, v7;
	v16 =	vand.u32 $0xFFFFFFF8, v26;
	vm0 =	vlt.u32 v26, $0x5480  }
0x194: {  	vm2 =	vlt.u32 v21, $0x5480;
	v5 =	vand.u32 $0xFFFFFFF8, v22;
	v6 =	vsub.s32 v12, v0  }
0x195: {  	v12 =	vand.u32 $0xFFFFFFF8, v11;
	v8 =	vor.u32 v8, v16;
	v16 =	vand.u32 $0xFFFFFFF8, v13  }
0x196: {  	s14 =	simm.s32 $0x13880;
	s13 =	simm.s32 $0x0;
	v14 =	vor.u32 v25, v24;
	v9 =	vand.u32 $0xFFFFFFF8, v6;
	[tilespmem:v23+s8+$0x0] =	vst.idx.add.f32.msk vm1, v4;
	vm1 =	vlt.u32 v22, $0x5480  }
.LBB2_14:
0x197: {  	v21 =	vld [tilespmem:s14+$0x30];
	s13 =	sadd.s32 $0x80, s13;
	v22 =	vor.u32 v15, v5;
	vm6 =	vlt.u32 v6, $0x5480;
	v23 =	vor.u32 v17, v9  }
0x198: {  	vm5 =	vlt.u32 v7, $0x5480;
	v24 =	vor.u32 v20, v10;
	vm4 =	vlt.u32 v11, $0x5480;
	v9 =	vld [tilespmem:s14+$0xFFFFFFD0];
	p0 =	slt.u32 s13, $0xF80  }
0x199: {  	v25 =	vor.u32 v18, v12;
	vm3 =	vlt.u32 v13, $0x5480;
	v26 =	vor.u32 v19, v16;
	v10 =	vld [tilespmem:s14+$0xFFFFFFE0]  }
0x19a: {  	v12 =	vld [tilespmem:s14+$0xFFFFFFF0]  }
0x19b: {  	v18 =	vld [tilespmem:s14+$0x0]  }
0x19c: {  	v19 =	vld [tilespmem:s14+$0x10];
	v5 =	vsub.s32 v21, v0  }
0x19d: {  	v6 =	vand.u32 $0x7, v21;
	v27 =	vld [tilespmem:s14+$0x20];
	vm7 =	vlt.u32 v5, $0x5480;
	v5 =	vand.u32 $0xFFFFFFF8, v5  }
0x19e: {  	v21 =	vsub.s32 v9, v0;
	v16 =	vld [tilespmem:s14+$0xFFFFFFC0];
	v28 =	vsub.s32 v10, v0;
	v20 =	vor.u32 v6, v5  }
0x19f: {  	v29 =	vand.u32 $0xFFFFFFF8, v21;
	v5 =	vand.u32 $0xFFFFFFF8, v28;
	v6 =	vsub.s32 v12, v0;
	[tilespmem:v8+s8+$0x0] =	vst.idx.add.f32.msk vm0, v4  }
0x1a0: {  	v30 =	vand.u32 $0x7, v9;
	v9 =	vand.u32 $0xFFFFFFF8, v6;
	v7 =	vsub.s32 v18, v0;
	[tilespmem:v14+s8+$0x0] =	vst.idx.add.f32.msk vm2, v4  }
0x1a1: {  	v15 =	vand.u32 $0x7, v10;
	v10 =	vand.u32 $0xFFFFFFF8, v7;
	v11 =	vsub.s32 v19, v0;
	[tilespmem:v22+s8+$0x0] =	vst.idx.add.f32.msk vm1, v4  }
.Ltmp6:
0x1a2: {  	v17 =	vand.u32 $0x7, v12;
	v12 =	vand.u32 $0xFFFFFFF8, v11;
	v13 =	vsub.s32 v27, v0;
	[tilespmem:v23+s8+$0x0] =	vst.idx.add.f32.msk vm6, v4;
	(pc) =	sbr.rel @p0 .LBB2_14-.Ltmp6, $4  }
0x1a3: {  	v8 =	vsub.s32 v16, v0;
	v14 =	vand.u32 $0x7, v16;
	v16 =	vand.u32 $0xFFFFFFF8, v13;
	[tilespmem:v20+s8+$0x0] =	vst.idx.add.f32.msk vm7, v4  }
0x1a4: {  	v20 =	vand.u32 $0x7, v18;
	v18 =	vand.u32 $0x7, v19;
	v22 =	vand.u32 $0xFFFFFFF8, v8;
	[tilespmem:v24+s8+$0x0] =	vst.idx.add.f32.msk vm5, v4  }
0x1a5: {  	v19 =	vand.u32 $0x7, v27;
	vm0 =	vlt.u32 v8, $0x5480;
	v8 =	vor.u32 v14, v22;
	[tilespmem:v25+s8+$0x0] =	vst.idx.add.f32.msk vm4, v4  }
0x1a6: {  	s14 =	sadd.s32 $0x80, s14;
	vm2 =	vlt.u32 v21, $0x5480;
	vm1 =	vlt.u32 v28, $0x5480;
	v14 =	vor.u32 v30, v29;
	[tilespmem:v26+s8+$0x0] =	vst.idx.add.f32.msk vm3, v4  }
0x1a7: {  	_ =	sdelay $0x1  }
0x1a8: {  	v5 =	vor.u32 v15, v5;
	vm3 =	vlt.u32 v6, $0x5480  }
0x1a9: {  	v6 =	vor.u32 v17, v9;
	vm4 =	vlt.u32 v7, $0x5480  }
0x1aa: {  	v7 =	vor.u32 v20, v10;
	vm5 =	vlt.u32 v11, $0x5480  }
0x1ab: {  	v9 =	vor.u32 v18, v12;
	vm6 =	vlt.u32 v13, $0x5480;
	[tilespmem:v8+s8+$0x0] =	vst.idx.add.f32.msk vm0, v4  }
0x1ac: {  	v8 =	vor.u32 v19, v16;
	[tilespmem:v14+s8+$0x0] =	vst.idx.add.f32.msk vm2, v4  }
0x1ad: {  	[tilespmem:v5+s8+$0x0] =	vst.idx.add.f32.msk vm1, v4  }
0x1ae: {  	[tilespmem:v6+s8+$0x0] =	vst.idx.add.f32.msk vm3, v4  }
0x1af: {  	[tilespmem:v7+s8+$0x0] =	vst.idx.add.f32.msk vm4, v4  }
0x1b0: {  	[tilespmem:v9+s8+$0x0] =	vst.idx.add.f32.msk vm5, v4  }
0x1b1: {  	[tilespmem:v8+s8+$0x0] =	vst.idx.add.f32.msk vm6, v4  }
0x1b2: {  	_ =	swait.ge [sflag:s6], $0x1000  }
0x1b3: {  	[sflag:s6] =	ssyncset.done $0x0  }
0x1b4: {  	s16 =	simm.s32 $0x12800;
	s13 =	rddreg [dreg:$0x9];
	[sflag:s6] =	ssyncadd.s32 $0xFFFFF000  }
0x1b5: {  	[tilespmem:s7], [sflag:$0x2] =	stream.linear.gather [hbm4b:s13+s30], $0x1000, $0x38;
	[tilespmem:$0x147C0] =	vst v63  }
0x1b6: {  	v5 =	vld [tilespmem:s16+$0x30]  }
0x1b7: {  	v7 =	vld [tilespmem:s16+$0xFFFFFFD0]  }
0x1b8: {  	v8 =	vld [tilespmem:s16+$0xFFFFFFE0]  }
0x1b9: {  	v12 =	vld [tilespmem:s16+$0xFFFFFFF0]  }
0x1ba: {  	v14 =	vld [tilespmem:s16+$0x0]  }
0x1bb: {  	v18 =	vld [tilespmem:s16+$0x10]  }
0x1bc: {  	v16 =	vld [tilespmem:s16+$0xFFFFFFC0]  }
0x1bd: {  	v19 =	vld [tilespmem:s16+$0x20]  }
0x1be: {  	v6 =	vsub.s32 v5, v0  }
0x1bf: {  	v5 =	vand.u32 $0x7, v5;
	v21 =	vsub.s32 v7, v0;
	v22 =	vsub.s32 v8, v0  }
0x1c0: {  	v25 =	vand.u32 $0x7, v7;
	v7 =	vsub.s32 v14, v0;
	v15 =	vand.u32 $0x7, v8  }
0x1c1: {  	v11 =	vsub.s32 v18, v0;
	v17 =	vand.u32 $0x7, v12;
	v26 =	vsub.s32 v16, v0  }
0x1c2: {  	v13 =	vsub.s32 v19, v0;
	vm1 =	vlt.u32 v6, $0x5480;
	v6 =	vand.u32 $0xFFFFFFF8, v6  }
0x1c3: {  	v8 =	vand.u32 $0x7, v16;
	v20 =	vand.u32 $0x7, v14;
	v23 =	vor.u32 v5, v6  }
0x1c4: {  	v18 =	vand.u32 $0x7, v18;
	v19 =	vand.u32 $0x7, v19;
	v24 =	vand.u32 $0xFFFFFFF8, v21  }
0x1c5: {  	v10 =	vand.u32 $0xFFFFFFF8, v7;
	v16 =	vand.u32 $0xFFFFFFF8, v26;
	vm0 =	vlt.u32 v26, $0x5480  }
0x1c6: {  	vm2 =	vlt.u32 v21, $0x5480;
	v5 =	vand.u32 $0xFFFFFFF8, v22;
	v6 =	vsub.s32 v12, v0  }
0x1c7: {  	v12 =	vand.u32 $0xFFFFFFF8, v11;
	v8 =	vor.u32 v8, v16;
	v16 =	vand.u32 $0xFFFFFFF8, v13  }
0x1c8: {  	s14 =	simm.s32 $0x12880;
	s13 =	simm.s32 $0x0;
	v14 =	vor.u32 v25, v24;
	v9 =	vand.u32 $0xFFFFFFF8, v6;
	[tilespmem:v23+s8+$0x0] =	vst.idx.add.f32.msk vm1, v4;
	vm1 =	vlt.u32 v22, $0x5480  }
.LBB2_16:
0x1c9: {  	v21 =	vld [tilespmem:s14+$0x30];
	s13 =	sadd.s32 $0x80, s13;
	v22 =	vor.u32 v15, v5;
	vm6 =	vlt.u32 v6, $0x5480;
	v23 =	vor.u32 v17, v9  }
0x1ca: {  	vm5 =	vlt.u32 v7, $0x5480;
	v24 =	vor.u32 v20, v10;
	vm4 =	vlt.u32 v11, $0x5480;
	v9 =	vld [tilespmem:s14+$0xFFFFFFD0];
	p0 =	slt.u32 s13, $0xF80  }
0x1cb: {  	v25 =	vor.u32 v18, v12;
	vm3 =	vlt.u32 v13, $0x5480;
	v26 =	vor.u32 v19, v16;
	v10 =	vld [tilespmem:s14+$0xFFFFFFE0]  }
0x1cc: {  	v12 =	vld [tilespmem:s14+$0xFFFFFFF0]  }
0x1cd: {  	v18 =	vld [tilespmem:s14+$0x0]  }
0x1ce: {  	v19 =	vld [tilespmem:s14+$0x10];
	v5 =	vsub.s32 v21, v0  }
0x1cf: {  	v6 =	vand.u32 $0x7, v21;
	v27 =	vld [tilespmem:s14+$0x20];
	vm7 =	vlt.u32 v5, $0x5480;
	v5 =	vand.u32 $0xFFFFFFF8, v5  }
0x1d0: {  	v21 =	vsub.s32 v9, v0;
	v16 =	vld [tilespmem:s14+$0xFFFFFFC0];
	v28 =	vsub.s32 v10, v0;
	v20 =	vor.u32 v6, v5  }
0x1d1: {  	v29 =	vand.u32 $0xFFFFFFF8, v21;
	v5 =	vand.u32 $0xFFFFFFF8, v28;
	v6 =	vsub.s32 v12, v0;
	[tilespmem:v8+s8+$0x0] =	vst.idx.add.f32.msk vm0, v4  }
0x1d2: {  	v30 =	vand.u32 $0x7, v9;
	v9 =	vand.u32 $0xFFFFFFF8, v6;
	v7 =	vsub.s32 v18, v0;
	[tilespmem:v14+s8+$0x0] =	vst.idx.add.f32.msk vm2, v4  }
0x1d3: {  	v15 =	vand.u32 $0x7, v10;
	v10 =	vand.u32 $0xFFFFFFF8, v7;
	v11 =	vsub.s32 v19, v0;
	[tilespmem:v22+s8+$0x0] =	vst.idx.add.f32.msk vm1, v4  }
.Ltmp7:
0x1d4: {  	v17 =	vand.u32 $0x7, v12;
	v12 =	vand.u32 $0xFFFFFFF8, v11;
	v13 =	vsub.s32 v27, v0;
	[tilespmem:v23+s8+$0x0] =	vst.idx.add.f32.msk vm6, v4;
	(pc) =	sbr.rel @p0 .LBB2_16-.Ltmp7, $4  }
0x1d5: {  	v8 =	vsub.s32 v16, v0;
	v14 =	vand.u32 $0x7, v16;
	v16 =	vand.u32 $0xFFFFFFF8, v13;
	[tilespmem:v20+s8+$0x0] =	vst.idx.add.f32.msk vm7, v4  }
0x1d6: {  	v20 =	vand.u32 $0x7, v18;
	v18 =	vand.u32 $0x7, v19;
	v22 =	vand.u32 $0xFFFFFFF8, v8;
	[tilespmem:v24+s8+$0x0] =	vst.idx.add.f32.msk vm5, v4  }
0x1d7: {  	v19 =	vand.u32 $0x7, v27;
	vm0 =	vlt.u32 v8, $0x5480;
	v8 =	vor.u32 v14, v22;
	[tilespmem:v25+s8+$0x0] =	vst.idx.add.f32.msk vm4, v4  }
0x1d8: {  	s14 =	sadd.s32 $0x80, s14;
	vm2 =	vlt.u32 v21, $0x5480;
	vm1 =	vlt.u32 v28, $0x5480;
	v14 =	vor.u32 v30, v29;
	[tilespmem:v26+s8+$0x0] =	vst.idx.add.f32.msk vm3, v4  }
0x1d9: {  	_ =	sdelay $0x1  }
0x1da: {  	v5 =	vor.u32 v15, v5;
	vm3 =	vlt.u32 v6, $0x5480  }
0x1db: {  	v6 =	vor.u32 v17, v9;
	vm4 =	vlt.u32 v7, $0x5480  }
0x1dc: {  	v7 =	vor.u32 v20, v10;
	vm5 =	vlt.u32 v11, $0x5480  }
0x1dd: {  	v9 =	vor.u32 v18, v12;
	vm6 =	vlt.u32 v13, $0x5480;
	[tilespmem:v8+s8+$0x0] =	vst.idx.add.f32.msk vm0, v4  }
0x1de: {  	v8 =	vor.u32 v19, v16;
	[tilespmem:v14+s8+$0x0] =	vst.idx.add.f32.msk vm2, v4  }
0x1df: {  	[tilespmem:v5+s8+$0x0] =	vst.idx.add.f32.msk vm1, v4  }
0x1e0: {  	[tilespmem:v6+s8+$0x0] =	vst.idx.add.f32.msk vm3, v4  }
0x1e1: {  	[tilespmem:v7+s8+$0x0] =	vst.idx.add.f32.msk vm4, v4  }
0x1e2: {  	[tilespmem:v9+s8+$0x0] =	vst.idx.add.f32.msk vm5, v4  }
0x1e3: {  	[tilespmem:v8+s8+$0x0] =	vst.idx.add.f32.msk vm6, v4  }
0x1e4: {  	_ =	swait.ge [sflag:s9], $0x1000  }
0x1e5: {  	[sflag:s9] =	ssyncset.done $0x0  }
0x1e6: {  	s16 =	simm.s32 $0x13800;
	s13 =	rddreg [dreg:$0xa];
	[sflag:s9] =	ssyncadd.s32 $0xFFFFF000  }
0x1e7: {  	[tilespmem:s5], [sflag:$0x1] =	stream.linear.gather [hbm4b:s13+s30], $0x1000, $0x38;
	[tilespmem:$0x147C0] =	vst v63  }
0x1e8: {  	v5 =	vld [tilespmem:s16+$0x30]  }
0x1e9: {  	v7 =	vld [tilespmem:s16+$0xFFFFFFD0]  }
0x1ea: {  	v8 =	vld [tilespmem:s16+$0xFFFFFFE0]  }
0x1eb: {  	v12 =	vld [tilespmem:s16+$0xFFFFFFF0]  }
0x1ec: {  	v14 =	vld [tilespmem:s16+$0x0]  }
0x1ed: {  	v18 =	vld [tilespmem:s16+$0x10]  }
0x1ee: {  	v16 =	vld [tilespmem:s16+$0xFFFFFFC0]  }
0x1ef: {  	v19 =	vld [tilespmem:s16+$0x20]  }
0x1f0: {  	v6 =	vsub.s32 v5, v0  }
0x1f1: {  	v5 =	vand.u32 $0x7, v5;
	v21 =	vsub.s32 v7, v0;
	v22 =	vsub.s32 v8, v0  }
0x1f2: {  	v25 =	vand.u32 $0x7, v7;
	v7 =	vsub.s32 v14, v0;
	v15 =	vand.u32 $0x7, v8  }
0x1f3: {  	v11 =	vsub.s32 v18, v0;
	v17 =	vand.u32 $0x7, v12;
	v26 =	vsub.s32 v16, v0  }
0x1f4: {  	v13 =	vsub.s32 v19, v0;
	vm1 =	vlt.u32 v6, $0x5480;
	v6 =	vand.u32 $0xFFFFFFF8, v6  }
0x1f5: {  	v8 =	vand.u32 $0x7, v16;
	v20 =	vand.u32 $0x7, v14;
	v23 =	vor.u32 v5, v6  }
0x1f6: {  	v18 =	vand.u32 $0x7, v18;
	v19 =	vand.u32 $0x7, v19;
	v24 =	vand.u32 $0xFFFFFFF8, v21  }
0x1f7: {  	v10 =	vand.u32 $0xFFFFFFF8, v7;
	v16 =	vand.u32 $0xFFFFFFF8, v26;
	vm0 =	vlt.u32 v26, $0x5480  }
0x1f8: {  	vm2 =	vlt.u32 v21, $0x5480;
	v5 =	vand.u32 $0xFFFFFFF8, v22;
	v6 =	vsub.s32 v12, v0  }
0x1f9: {  	v12 =	vand.u32 $0xFFFFFFF8, v11;
	v8 =	vor.u32 v8, v16;
	v16 =	vand.u32 $0xFFFFFFF8, v13  }
0x1fa: {  	s14 =	simm.s32 $0x13880;
	s13 =	simm.s32 $0x0;
	v14 =	vor.u32 v25, v24;
	v9 =	vand.u32 $0xFFFFFFF8, v6;
	[tilespmem:v23+s8+$0x0] =	vst.idx.add.f32.msk vm1, v4;
	vm1 =	vlt.u32 v22, $0x5480  }
.LBB2_18:
0x1fb: {  	v21 =	vld [tilespmem:s14+$0x30];
	s13 =	sadd.s32 $0x80, s13;
	v22 =	vor.u32 v15, v5;
	vm6 =	vlt.u32 v6, $0x5480;
	v23 =	vor.u32 v17, v9  }
0x1fc: {  	vm5 =	vlt.u32 v7, $0x5480;
	v24 =	vor.u32 v20, v10;
	vm4 =	vlt.u32 v11, $0x5480;
	v9 =	vld [tilespmem:s14+$0xFFFFFFD0];
	p0 =	slt.u32 s13, $0xF80  }
0x1fd: {  	v25 =	vor.u32 v18, v12;
	vm3 =	vlt.u32 v13, $0x5480;
	v26 =	vor.u32 v19, v16;
	v10 =	vld [tilespmem:s14+$0xFFFFFFE0]  }
0x1fe: {  	v12 =	vld [tilespmem:s14+$0xFFFFFFF0]  }
0x1ff: {  	v18 =	vld [tilespmem:s14+$0x0]  }
0x200: {  	v19 =	vld [tilespmem:s14+$0x10];
	v5 =	vsub.s32 v21, v0  }
0x201: {  	v6 =	vand.u32 $0x7, v21;
	v27 =	vld [tilespmem:s14+$0x20];
	vm7 =	vlt.u32 v5, $0x5480;
	v5 =	vand.u32 $0xFFFFFFF8, v5  }
0x202: {  	v21 =	vsub.s32 v9, v0;
	v16 =	vld [tilespmem:s14+$0xFFFFFFC0];
	v28 =	vsub.s32 v10, v0;
	v20 =	vor.u32 v6, v5  }
0x203: {  	v29 =	vand.u32 $0xFFFFFFF8, v21;
	v5 =	vand.u32 $0xFFFFFFF8, v28;
	v6 =	vsub.s32 v12, v0;
	[tilespmem:v8+s8+$0x0] =	vst.idx.add.f32.msk vm0, v4  }
0x204: {  	v30 =	vand.u32 $0x7, v9;
	v9 =	vand.u32 $0xFFFFFFF8, v6;
	v7 =	vsub.s32 v18, v0;
	[tilespmem:v14+s8+$0x0] =	vst.idx.add.f32.msk vm2, v4  }
0x205: {  	v15 =	vand.u32 $0x7, v10;
	v10 =	vand.u32 $0xFFFFFFF8, v7;
	v11 =	vsub.s32 v19, v0;
	[tilespmem:v22+s8+$0x0] =	vst.idx.add.f32.msk vm1, v4  }
.Ltmp8:
0x206: {  	v17 =	vand.u32 $0x7, v12;
	v12 =	vand.u32 $0xFFFFFFF8, v11;
	v13 =	vsub.s32 v27, v0;
	[tilespmem:v23+s8+$0x0] =	vst.idx.add.f32.msk vm6, v4;
	(pc) =	sbr.rel @p0 .LBB2_18-.Ltmp8, $4  }
0x207: {  	v8 =	vsub.s32 v16, v0;
	v14 =	vand.u32 $0x7, v16;
	v16 =	vand.u32 $0xFFFFFFF8, v13;
	[tilespmem:v20+s8+$0x0] =	vst.idx.add.f32.msk vm7, v4  }
0x208: {  	v20 =	vand.u32 $0x7, v18;
	v18 =	vand.u32 $0x7, v19;
	v22 =	vand.u32 $0xFFFFFFF8, v8;
	[tilespmem:v24+s8+$0x0] =	vst.idx.add.f32.msk vm5, v4  }
0x209: {  	v19 =	vand.u32 $0x7, v27;
	vm0 =	vlt.u32 v8, $0x5480;
	v8 =	vor.u32 v14, v22;
	[tilespmem:v25+s8+$0x0] =	vst.idx.add.f32.msk vm4, v4  }
0x20a: {  	s14 =	sadd.s32 $0x80, s14;
	vm2 =	vlt.u32 v21, $0x5480;
	vm1 =	vlt.u32 v28, $0x5480;
	v14 =	vor.u32 v30, v29;
	[tilespmem:v26+s8+$0x0] =	vst.idx.add.f32.msk vm3, v4  }
0x20b: {  	_ =	sdelay $0x1  }
0x20c: {  	v5 =	vor.u32 v15, v5;
	vm3 =	vlt.u32 v6, $0x5480  }
0x20d: {  	v6 =	vor.u32 v17, v9;
	vm4 =	vlt.u32 v7, $0x5480  }
0x20e: {  	v7 =	vor.u32 v20, v10;
	vm5 =	vlt.u32 v11, $0x5480  }
0x20f: {  	v9 =	vor.u32 v18, v12;
	vm6 =	vlt.u32 v13, $0x5480;
	[tilespmem:v8+s8+$0x0] =	vst.idx.add.f32.msk vm0, v4  }
0x210: {  	v8 =	vor.u32 v19, v16;
	[tilespmem:v14+s8+$0x0] =	vst.idx.add.f32.msk vm2, v4  }
0x211: {  	[tilespmem:v5+s8+$0x0] =	vst.idx.add.f32.msk vm1, v4  }
0x212: {  	[tilespmem:v6+s8+$0x0] =	vst.idx.add.f32.msk vm3, v4  }
0x213: {  	[tilespmem:v7+s8+$0x0] =	vst.idx.add.f32.msk vm4, v4  }
0x214: {  	[tilespmem:v9+s8+$0x0] =	vst.idx.add.f32.msk vm5, v4  }
0x215: {  	[tilespmem:v8+s8+$0x0] =	vst.idx.add.f32.msk vm6, v4  }
0x216: {  	_ =	swait.ge [sflag:s6], $0x1000  }
0x217: {  	[sflag:s6] =	ssyncset.done $0x0  }
0x218: {  	s16 =	simm.s32 $0x12800;
	s13 =	rddreg [dreg:$0xb];
	[sflag:s6] =	ssyncadd.s32 $0xFFFFF000  }
0x219: {  	[tilespmem:s7], [sflag:$0x2] =	stream.linear.gather [hbm4b:s13+s30], $0x1000, $0x38;
	[tilespmem:$0x147C0] =	vst v63  }
0x21a: {  	v5 =	vld [tilespmem:s16+$0x30]  }
0x21b: {  	v7 =	vld [tilespmem:s16+$0xFFFFFFD0]  }
0x21c: {  	v8 =	vld [tilespmem:s16+$0xFFFFFFE0]  }
0x21d: {  	v12 =	vld [tilespmem:s16+$0xFFFFFFF0]  }
0x21e: {  	v14 =	vld [tilespmem:s16+$0x0]  }
0x21f: {  	v18 =	vld [tilespmem:s16+$0x10]  }
0x220: {  	v16 =	vld [tilespmem:s16+$0xFFFFFFC0]  }
0x221: {  	v19 =	vld [tilespmem:s16+$0x20]  }
0x222: {  	v6 =	vsub.s32 v5, v0  }
0x223: {  	v5 =	vand.u32 $0x7, v5;
	v21 =	vsub.s32 v7, v0;
	v22 =	vsub.s32 v8, v0  }
0x224: {  	v25 =	vand.u32 $0x7, v7;
	v7 =	vsub.s32 v14, v0;
	v15 =	vand.u32 $0x7, v8  }
0x225: {  	v11 =	vsub.s32 v18, v0;
	v17 =	vand.u32 $0x7, v12;
	v26 =	vsub.s32 v16, v0  }
0x226: {  	v13 =	vsub.s32 v19, v0;
	vm1 =	vlt.u32 v6, $0x5480;
	v6 =	vand.u32 $0xFFFFFFF8, v6  }
0x227: {  	v8 =	vand.u32 $0x7, v16;
	v20 =	vand.u32 $0x7, v14;
	v23 =	vor.u32 v5, v6  }
0x228: {  	v18 =	vand.u32 $0x7, v18;
	v19 =	vand.u32 $0x7, v19;
	v24 =	vand.u32 $0xFFFFFFF8, v21  }
0x229: {  	v10 =	vand.u32 $0xFFFFFFF8, v7;
	v16 =	vand.u32 $0xFFFFFFF8, v26;
	vm0 =	vlt.u32 v26, $0x5480  }
0x22a: {  	vm2 =	vlt.u32 v21, $0x5480;
	v5 =	vand.u32 $0xFFFFFFF8, v22;
	v6 =	vsub.s32 v12, v0  }
0x22b: {  	v12 =	vand.u32 $0xFFFFFFF8, v11;
	v8 =	vor.u32 v8, v16;
	v16 =	vand.u32 $0xFFFFFFF8, v13  }
0x22c: {  	s14 =	simm.s32 $0x12880;
	s13 =	simm.s32 $0x0;
	v14 =	vor.u32 v25, v24;
	v9 =	vand.u32 $0xFFFFFFF8, v6;
	[tilespmem:v23+s8+$0x0] =	vst.idx.add.f32.msk vm1, v4;
	vm1 =	vlt.u32 v22, $0x5480  }
.LBB2_20:
0x22d: {  	v21 =	vld [tilespmem:s14+$0x30];
	s13 =	sadd.s32 $0x80, s13;
	v22 =	vor.u32 v15, v5;
	vm6 =	vlt.u32 v6, $0x5480;
	v23 =	vor.u32 v17, v9  }
0x22e: {  	vm5 =	vlt.u32 v7, $0x5480;
	v24 =	vor.u32 v20, v10;
	vm4 =	vlt.u32 v11, $0x5480;
	v9 =	vld [tilespmem:s14+$0xFFFFFFD0];
	p0 =	slt.u32 s13, $0xF80  }
0x22f: {  	v25 =	vor.u32 v18, v12;
	vm3 =	vlt.u32 v13, $0x5480;
	v26 =	vor.u32 v19, v16;
	v10 =	vld [tilespmem:s14+$0xFFFFFFE0]  }
0x230: {  	v12 =	vld [tilespmem:s14+$0xFFFFFFF0]  }
0x231: {  	v18 =	vld [tilespmem:s14+$0x0]  }
0x232: {  	v19 =	vld [tilespmem:s14+$0x10];
	v5 =	vsub.s32 v21, v0  }
0x233: {  	v6 =	vand.u32 $0x7, v21;
	v27 =	vld [tilespmem:s14+$0x20];
	vm7 =	vlt.u32 v5, $0x5480;
	v5 =	vand.u32 $0xFFFFFFF8, v5  }
0x234: {  	v21 =	vsub.s32 v9, v0;
	v16 =	vld [tilespmem:s14+$0xFFFFFFC0];
	v28 =	vsub.s32 v10, v0;
	v20 =	vor.u32 v6, v5  }
0x235: {  	v29 =	vand.u32 $0xFFFFFFF8, v21;
	v5 =	vand.u32 $0xFFFFFFF8, v28;
	v6 =	vsub.s32 v12, v0;
	[tilespmem:v8+s8+$0x0] =	vst.idx.add.f32.msk vm0, v4  }
0x236: {  	v30 =	vand.u32 $0x7, v9;
	v9 =	vand.u32 $0xFFFFFFF8, v6;
	v7 =	vsub.s32 v18, v0;
	[tilespmem:v14+s8+$0x0] =	vst.idx.add.f32.msk vm2, v4  }
0x237: {  	v15 =	vand.u32 $0x7, v10;
	v10 =	vand.u32 $0xFFFFFFF8, v7;
	v11 =	vsub.s32 v19, v0;
	[tilespmem:v22+s8+$0x0] =	vst.idx.add.f32.msk vm1, v4  }
.Ltmp9:
0x238: {  	v17 =	vand.u32 $0x7, v12;
	v12 =	vand.u32 $0xFFFFFFF8, v11;
	v13 =	vsub.s32 v27, v0;
	[tilespmem:v23+s8+$0x0] =	vst.idx.add.f32.msk vm6, v4;
	(pc) =	sbr.rel @p0 .LBB2_20-.Ltmp9, $4  }
0x239: {  	v8 =	vsub.s32 v16, v0;
	v14 =	vand.u32 $0x7, v16;
	v16 =	vand.u32 $0xFFFFFFF8, v13;
	[tilespmem:v20+s8+$0x0] =	vst.idx.add.f32.msk vm7, v4  }
0x23a: {  	v20 =	vand.u32 $0x7, v18;
	v18 =	vand.u32 $0x7, v19;
	v22 =	vand.u32 $0xFFFFFFF8, v8;
	[tilespmem:v24+s8+$0x0] =	vst.idx.add.f32.msk vm5, v4  }
0x23b: {  	v19 =	vand.u32 $0x7, v27;
	vm0 =	vlt.u32 v8, $0x5480;
	v8 =	vor.u32 v14, v22;
	[tilespmem:v25+s8+$0x0] =	vst.idx.add.f32.msk vm4, v4  }
0x23c: {  	s14 =	sadd.s32 $0x80, s14;
	vm2 =	vlt.u32 v21, $0x5480;
	vm1 =	vlt.u32 v28, $0x5480;
	v14 =	vor.u32 v30, v29;
	[tilespmem:v26+s8+$0x0] =	vst.idx.add.f32.msk vm3, v4  }
0x23d: {  	_ =	sdelay $0x1  }
0x23e: {  	v5 =	vor.u32 v15, v5;
	vm3 =	vlt.u32 v6, $0x5480  }
0x23f: {  	v6 =	vor.u32 v17, v9;
	vm4 =	vlt.u32 v7, $0x5480  }
0x240: {  	v7 =	vor.u32 v20, v10;
	vm5 =	vlt.u32 v11, $0x5480  }
0x241: {  	v9 =	vor.u32 v18, v12;
	vm6 =	vlt.u32 v13, $0x5480;
	[tilespmem:v8+s8+$0x0] =	vst.idx.add.f32.msk vm0, v4  }
0x242: {  	v8 =	vor.u32 v19, v16;
	[tilespmem:v14+s8+$0x0] =	vst.idx.add.f32.msk vm2, v4  }
0x243: {  	[tilespmem:v5+s8+$0x0] =	vst.idx.add.f32.msk vm1, v4  }
0x244: {  	[tilespmem:v6+s8+$0x0] =	vst.idx.add.f32.msk vm3, v4  }
0x245: {  	[tilespmem:v7+s8+$0x0] =	vst.idx.add.f32.msk vm4, v4  }
0x246: {  	[tilespmem:v9+s8+$0x0] =	vst.idx.add.f32.msk vm5, v4  }
0x247: {  	[tilespmem:v8+s8+$0x0] =	vst.idx.add.f32.msk vm6, v4  }
0x248: {  	_ =	swait.ge [sflag:s9], $0x1000  }
0x249: {  	[sflag:s9] =	ssyncset.done $0x0  }
0x24a: {  	s16 =	simm.s32 $0x13800;
	s13 =	rddreg [dreg:$0xc];
	[sflag:s9] =	ssyncadd.s32 $0xFFFFF000  }
0x24b: {  	[tilespmem:s5], [sflag:$0x1] =	stream.linear.gather [hbm4b:s13+s30], $0x1000, $0x38;
	[tilespmem:$0x147C0] =	vst v63  }
0x24c: {  	v5 =	vld [tilespmem:s16+$0x30]  }
0x24d: {  	v7 =	vld [tilespmem:s16+$0xFFFFFFD0]  }
0x24e: {  	v8 =	vld [tilespmem:s16+$0xFFFFFFE0]  }
0x24f: {  	v12 =	vld [tilespmem:s16+$0xFFFFFFF0]  }
0x250: {  	v14 =	vld [tilespmem:s16+$0x0]  }
0x251: {  	v18 =	vld [tilespmem:s16+$0x10]  }
0x252: {  	v16 =	vld [tilespmem:s16+$0xFFFFFFC0]  }
0x253: {  	v19 =	vld [tilespmem:s16+$0x20]  }
0x254: {  	v6 =	vsub.s32 v5, v0  }
0x255: {  	v5 =	vand.u32 $0x7, v5;
	v21 =	vsub.s32 v7, v0;
	v22 =	vsub.s32 v8, v0  }
0x256: {  	v25 =	vand.u32 $0x7, v7;
	v7 =	vsub.s32 v14, v0;
	v15 =	vand.u32 $0x7, v8  }
0x257: {  	v11 =	vsub.s32 v18, v0;
	v17 =	vand.u32 $0x7, v12;
	v26 =	vsub.s32 v16, v0  }
0x258: {  	v13 =	vsub.s32 v19, v0;
	vm1 =	vlt.u32 v6, $0x5480;
	v6 =	vand.u32 $0xFFFFFFF8, v6  }
0x259: {  	v8 =	vand.u32 $0x7, v16;
	v20 =	vand.u32 $0x7, v14;
	v23 =	vor.u32 v5, v6  }
0x25a: {  	v18 =	vand.u32 $0x7, v18;
	v19 =	vand.u32 $0x7, v19;
	v24 =	vand.u32 $0xFFFFFFF8, v21  }
0x25b: {  	v10 =	vand.u32 $0xFFFFFFF8, v7;
	v16 =	vand.u32 $0xFFFFFFF8, v26;
	vm0 =	vlt.u32 v26, $0x5480  }
0x25c: {  	vm2 =	vlt.u32 v21, $0x5480;
	v5 =	vand.u32 $0xFFFFFFF8, v22;
	v6 =	vsub.s32 v12, v0  }
0x25d: {  	v12 =	vand.u32 $0xFFFFFFF8, v11;
	v8 =	vor.u32 v8, v16;
	v16 =	vand.u32 $0xFFFFFFF8, v13  }
0x25e: {  	s14 =	simm.s32 $0x13880;
	s13 =	simm.s32 $0x0;
	v14 =	vor.u32 v25, v24;
	v9 =	vand.u32 $0xFFFFFFF8, v6;
	[tilespmem:v23+s8+$0x0] =	vst.idx.add.f32.msk vm1, v4;
	vm1 =	vlt.u32 v22, $0x5480  }
.LBB2_22:
0x25f: {  	v21 =	vld [tilespmem:s14+$0x30];
	s13 =	sadd.s32 $0x80, s13;
	v22 =	vor.u32 v15, v5;
	vm6 =	vlt.u32 v6, $0x5480;
	v23 =	vor.u32 v17, v9  }
0x260: {  	vm5 =	vlt.u32 v7, $0x5480;
	v24 =	vor.u32 v20, v10;
	vm4 =	vlt.u32 v11, $0x5480;
	v9 =	vld [tilespmem:s14+$0xFFFFFFD0];
	p0 =	slt.u32 s13, $0xF80  }
0x261: {  	v25 =	vor.u32 v18, v12;
	vm3 =	vlt.u32 v13, $0x5480;
	v26 =	vor.u32 v19, v16;
	v10 =	vld [tilespmem:s14+$0xFFFFFFE0]  }
0x262: {  	v12 =	vld [tilespmem:s14+$0xFFFFFFF0]  }
0x263: {  	v18 =	vld [tilespmem:s14+$0x0]  }
0x264: {  	v19 =	vld [tilespmem:s14+$0x10];
	v5 =	vsub.s32 v21, v0  }
0x265: {  	v6 =	vand.u32 $0x7, v21;
	v27 =	vld [tilespmem:s14+$0x20];
	vm7 =	vlt.u32 v5, $0x5480;
	v5 =	vand.u32 $0xFFFFFFF8, v5  }
0x266: {  	v21 =	vsub.s32 v9, v0;
	v16 =	vld [tilespmem:s14+$0xFFFFFFC0];
	v28 =	vsub.s32 v10, v0;
	v20 =	vor.u32 v6, v5  }
0x267: {  	v29 =	vand.u32 $0xFFFFFFF8, v21;
	v5 =	vand.u32 $0xFFFFFFF8, v28;
	v6 =	vsub.s32 v12, v0;
	[tilespmem:v8+s8+$0x0] =	vst.idx.add.f32.msk vm0, v4  }
0x268: {  	v30 =	vand.u32 $0x7, v9;
	v9 =	vand.u32 $0xFFFFFFF8, v6;
	v7 =	vsub.s32 v18, v0;
	[tilespmem:v14+s8+$0x0] =	vst.idx.add.f32.msk vm2, v4  }
0x269: {  	v15 =	vand.u32 $0x7, v10;
	v10 =	vand.u32 $0xFFFFFFF8, v7;
	v11 =	vsub.s32 v19, v0;
	[tilespmem:v22+s8+$0x0] =	vst.idx.add.f32.msk vm1, v4  }
.Ltmp10:
0x26a: {  	v17 =	vand.u32 $0x7, v12;
	v12 =	vand.u32 $0xFFFFFFF8, v11;
	v13 =	vsub.s32 v27, v0;
	[tilespmem:v23+s8+$0x0] =	vst.idx.add.f32.msk vm6, v4;
	(pc) =	sbr.rel @p0 .LBB2_22-.Ltmp10, $4  }
0x26b: {  	v8 =	vsub.s32 v16, v0;
	v14 =	vand.u32 $0x7, v16;
	v16 =	vand.u32 $0xFFFFFFF8, v13;
	[tilespmem:v20+s8+$0x0] =	vst.idx.add.f32.msk vm7, v4  }
0x26c: {  	v20 =	vand.u32 $0x7, v18;
	v18 =	vand.u32 $0x7, v19;
	v22 =	vand.u32 $0xFFFFFFF8, v8;
	[tilespmem:v24+s8+$0x0] =	vst.idx.add.f32.msk vm5, v4  }
0x26d: {  	v19 =	vand.u32 $0x7, v27;
	vm0 =	vlt.u32 v8, $0x5480;
	v8 =	vor.u32 v14, v22;
	[tilespmem:v25+s8+$0x0] =	vst.idx.add.f32.msk vm4, v4  }
0x26e: {  	s14 =	sadd.s32 $0x80, s14;
	vm2 =	vlt.u32 v21, $0x5480;
	vm1 =	vlt.u32 v28, $0x5480;
	v14 =	vor.u32 v30, v29;
	[tilespmem:v26+s8+$0x0] =	vst.idx.add.f32.msk vm3, v4  }
0x26f: {  	_ =	sdelay $0x1  }
0x270: {  	v5 =	vor.u32 v15, v5;
	vm3 =	vlt.u32 v6, $0x5480  }
0x271: {  	v6 =	vor.u32 v17, v9;
	vm4 =	vlt.u32 v7, $0x5480  }
0x272: {  	v7 =	vor.u32 v20, v10;
	vm5 =	vlt.u32 v11, $0x5480  }
0x273: {  	v9 =	vor.u32 v18, v12;
	vm6 =	vlt.u32 v13, $0x5480;
	[tilespmem:v8+s8+$0x0] =	vst.idx.add.f32.msk vm0, v4  }
0x274: {  	v8 =	vor.u32 v19, v16;
	[tilespmem:v14+s8+$0x0] =	vst.idx.add.f32.msk vm2, v4  }
0x275: {  	[tilespmem:v5+s8+$0x0] =	vst.idx.add.f32.msk vm1, v4  }
0x276: {  	[tilespmem:v6+s8+$0x0] =	vst.idx.add.f32.msk vm3, v4  }
0x277: {  	[tilespmem:v7+s8+$0x0] =	vst.idx.add.f32.msk vm4, v4  }
0x278: {  	[tilespmem:v9+s8+$0x0] =	vst.idx.add.f32.msk vm5, v4  }
0x279: {  	[tilespmem:v8+s8+$0x0] =	vst.idx.add.f32.msk vm6, v4  }
0x27a: {  	_ =	swait.ge [sflag:s6], $0x1000  }
0x27b: {  	[sflag:s6] =	ssyncset.done $0x0  }
0x27c: {  	s16 =	simm.s32 $0x12800;
	s13 =	rddreg [dreg:$0xd];
	[sflag:s6] =	ssyncadd.s32 $0xFFFFF000  }
0x27d: {  	[tilespmem:s7], [sflag:$0x2] =	stream.linear.gather [hbm4b:s13+s30], $0x1000, $0x38;
	[tilespmem:$0x147C0] =	vst v63  }
0x27e: {  	v5 =	vld [tilespmem:s16+$0x30]  }
0x27f: {  	v7 =	vld [tilespmem:s16+$0xFFFFFFD0]  }
0x280: {  	v8 =	vld [tilespmem:s16+$0xFFFFFFE0]  }
0x281: {  	v12 =	vld [tilespmem:s16+$0xFFFFFFF0]  }
0x282: {  	v14 =	vld [tilespmem:s16+$0x0]  }
0x283: {  	v18 =	vld [tilespmem:s16+$0x10]  }
0x284: {  	v16 =	vld [tilespmem:s16+$0xFFFFFFC0]  }
0x285: {  	v19 =	vld [tilespmem:s16+$0x20]  }
0x286: {  	v6 =	vsub.s32 v5, v0  }
0x287: {  	v5 =	vand.u32 $0x7, v5;
	v21 =	vsub.s32 v7, v0;
	v22 =	vsub.s32 v8, v0  }
0x288: {  	v25 =	vand.u32 $0x7, v7;
	v7 =	vsub.s32 v14, v0;
	v15 =	vand.u32 $0x7, v8  }
0x289: {  	v11 =	vsub.s32 v18, v0;
	v17 =	vand.u32 $0x7, v12;
	v26 =	vsub.s32 v16, v0  }
0x28a: {  	v13 =	vsub.s32 v19, v0;
	vm1 =	vlt.u32 v6, $0x5480;
	v6 =	vand.u32 $0xFFFFFFF8, v6  }
0x28b: {  	v8 =	vand.u32 $0x7, v16;
	v20 =	vand.u32 $0x7, v14;
	v23 =	vor.u32 v5, v6  }
0x28c: {  	v18 =	vand.u32 $0x7, v18;
	v19 =	vand.u32 $0x7, v19;
	v24 =	vand.u32 $0xFFFFFFF8, v21  }
0x28d: {  	v10 =	vand.u32 $0xFFFFFFF8, v7;
	v16 =	vand.u32 $0xFFFFFFF8, v26;
	vm0 =	vlt.u32 v26, $0x5480  }
0x28e: {  	vm2 =	vlt.u32 v21, $0x5480;
	v5 =	vand.u32 $0xFFFFFFF8, v22;
	v6 =	vsub.s32 v12, v0  }
0x28f: {  	v12 =	vand.u32 $0xFFFFFFF8, v11;
	v8 =	vor.u32 v8, v16;
	v16 =	vand.u32 $0xFFFFFFF8, v13  }
0x290: {  	s14 =	simm.s32 $0x12880;
	s13 =	simm.s32 $0x0;
	v14 =	vor.u32 v25, v24;
	v9 =	vand.u32 $0xFFFFFFF8, v6;
	[tilespmem:v23+s8+$0x0] =	vst.idx.add.f32.msk vm1, v4;
	vm1 =	vlt.u32 v22, $0x5480  }
.LBB2_24:
0x291: {  	v21 =	vld [tilespmem:s14+$0x30];
	s13 =	sadd.s32 $0x80, s13;
	v22 =	vor.u32 v15, v5;
	vm6 =	vlt.u32 v6, $0x5480;
	v23 =	vor.u32 v17, v9  }
0x292: {  	vm5 =	vlt.u32 v7, $0x5480;
	v24 =	vor.u32 v20, v10;
	vm4 =	vlt.u32 v11, $0x5480;
	v9 =	vld [tilespmem:s14+$0xFFFFFFD0];
	p0 =	slt.u32 s13, $0xF80  }
0x293: {  	v25 =	vor.u32 v18, v12;
	vm3 =	vlt.u32 v13, $0x5480;
	v26 =	vor.u32 v19, v16;
	v10 =	vld [tilespmem:s14+$0xFFFFFFE0]  }
0x294: {  	v12 =	vld [tilespmem:s14+$0xFFFFFFF0]  }
0x295: {  	v18 =	vld [tilespmem:s14+$0x0]  }
0x296: {  	v19 =	vld [tilespmem:s14+$0x10];
	v5 =	vsub.s32 v21, v0  }
0x297: {  	v6 =	vand.u32 $0x7, v21;
	v27 =	vld [tilespmem:s14+$0x20];
	vm7 =	vlt.u32 v5, $0x5480;
	v5 =	vand.u32 $0xFFFFFFF8, v5  }
0x298: {  	v21 =	vsub.s32 v9, v0;
	v16 =	vld [tilespmem:s14+$0xFFFFFFC0];
	v28 =	vsub.s32 v10, v0;
	v20 =	vor.u32 v6, v5  }
0x299: {  	v29 =	vand.u32 $0xFFFFFFF8, v21;
	v5 =	vand.u32 $0xFFFFFFF8, v28;
	v6 =	vsub.s32 v12, v0;
	[tilespmem:v8+s8+$0x0] =	vst.idx.add.f32.msk vm0, v4  }
0x29a: {  	v30 =	vand.u32 $0x7, v9;
	v9 =	vand.u32 $0xFFFFFFF8, v6;
	v7 =	vsub.s32 v18, v0;
	[tilespmem:v14+s8+$0x0] =	vst.idx.add.f32.msk vm2, v4  }
0x29b: {  	v15 =	vand.u32 $0x7, v10;
	v10 =	vand.u32 $0xFFFFFFF8, v7;
	v11 =	vsub.s32 v19, v0;
	[tilespmem:v22+s8+$0x0] =	vst.idx.add.f32.msk vm1, v4  }
.Ltmp11:
0x29c: {  	v17 =	vand.u32 $0x7, v12;
	v12 =	vand.u32 $0xFFFFFFF8, v11;
	v13 =	vsub.s32 v27, v0;
	[tilespmem:v23+s8+$0x0] =	vst.idx.add.f32.msk vm6, v4;
	(pc) =	sbr.rel @p0 .LBB2_24-.Ltmp11, $4  }
0x29d: {  	v8 =	vsub.s32 v16, v0;
	v14 =	vand.u32 $0x7, v16;
	v16 =	vand.u32 $0xFFFFFFF8, v13;
	[tilespmem:v20+s8+$0x0] =	vst.idx.add.f32.msk vm7, v4  }
0x29e: {  	v20 =	vand.u32 $0x7, v18;
	v18 =	vand.u32 $0x7, v19;
	v22 =	vand.u32 $0xFFFFFFF8, v8;
	[tilespmem:v24+s8+$0x0] =	vst.idx.add.f32.msk vm5, v4  }
0x29f: {  	v19 =	vand.u32 $0x7, v27;
	vm0 =	vlt.u32 v8, $0x5480;
	v8 =	vor.u32 v14, v22;
	[tilespmem:v25+s8+$0x0] =	vst.idx.add.f32.msk vm4, v4  }
0x2a0: {  	s14 =	sadd.s32 $0x80, s14;
	vm2 =	vlt.u32 v21, $0x5480;
	vm1 =	vlt.u32 v28, $0x5480;
	v14 =	vor.u32 v30, v29;
	[tilespmem:v26+s8+$0x0] =	vst.idx.add.f32.msk vm3, v4  }
0x2a1: {  	_ =	sdelay $0x1  }
0x2a2: {  	v5 =	vor.u32 v15, v5;
	vm3 =	vlt.u32 v6, $0x5480  }
0x2a3: {  	v6 =	vor.u32 v17, v9;
	vm4 =	vlt.u32 v7, $0x5480  }
0x2a4: {  	v7 =	vor.u32 v20, v10;
	vm5 =	vlt.u32 v11, $0x5480  }
0x2a5: {  	v9 =	vor.u32 v18, v12;
	vm6 =	vlt.u32 v13, $0x5480;
	[tilespmem:v8+s8+$0x0] =	vst.idx.add.f32.msk vm0, v4  }
0x2a6: {  	v8 =	vor.u32 v19, v16;
	[tilespmem:v14+s8+$0x0] =	vst.idx.add.f32.msk vm2, v4  }
0x2a7: {  	[tilespmem:v5+s8+$0x0] =	vst.idx.add.f32.msk vm1, v4  }
0x2a8: {  	[tilespmem:v6+s8+$0x0] =	vst.idx.add.f32.msk vm3, v4  }
0x2a9: {  	[tilespmem:v7+s8+$0x0] =	vst.idx.add.f32.msk vm4, v4  }
0x2aa: {  	[tilespmem:v9+s8+$0x0] =	vst.idx.add.f32.msk vm5, v4  }
0x2ab: {  	[tilespmem:v8+s8+$0x0] =	vst.idx.add.f32.msk vm6, v4  }
0x2ac: {  	_ =	swait.ge [sflag:s9], $0x1000  }
0x2ad: {  	[sflag:s9] =	ssyncset.done $0x0  }
0x2ae: {  	s16 =	simm.s32 $0x13800;
	s13 =	rddreg [dreg:$0xe];
	[sflag:s9] =	ssyncadd.s32 $0xFFFFF000  }
0x2af: {  	[tilespmem:s5], [sflag:$0x1] =	stream.linear.gather [hbm4b:s13+s30], $0x1000, $0x38;
	[tilespmem:$0x147C0] =	vst v63  }
0x2b0: {  	v5 =	vld [tilespmem:s16+$0x30]  }
0x2b1: {  	v7 =	vld [tilespmem:s16+$0xFFFFFFD0]  }
0x2b2: {  	v8 =	vld [tilespmem:s16+$0xFFFFFFE0]  }
0x2b3: {  	v12 =	vld [tilespmem:s16+$0xFFFFFFF0]  }
0x2b4: {  	v14 =	vld [tilespmem:s16+$0x0]  }
0x2b5: {  	v18 =	vld [tilespmem:s16+$0x10]  }
0x2b6: {  	v16 =	vld [tilespmem:s16+$0xFFFFFFC0]  }
0x2b7: {  	v19 =	vld [tilespmem:s16+$0x20]  }
0x2b8: {  	v6 =	vsub.s32 v5, v0  }
0x2b9: {  	v5 =	vand.u32 $0x7, v5;
	v21 =	vsub.s32 v7, v0;
	v22 =	vsub.s32 v8, v0  }
0x2ba: {  	v25 =	vand.u32 $0x7, v7;
	v7 =	vsub.s32 v14, v0;
	v15 =	vand.u32 $0x7, v8  }
0x2bb: {  	v11 =	vsub.s32 v18, v0;
	v17 =	vand.u32 $0x7, v12;
	v26 =	vsub.s32 v16, v0  }
0x2bc: {  	v13 =	vsub.s32 v19, v0;
	vm1 =	vlt.u32 v6, $0x5480;
	v6 =	vand.u32 $0xFFFFFFF8, v6  }
0x2bd: {  	v8 =	vand.u32 $0x7, v16;
	v20 =	vand.u32 $0x7, v14;
	v23 =	vor.u32 v5, v6  }
0x2be: {  	v18 =	vand.u32 $0x7, v18;
	v19 =	vand.u32 $0x7, v19;
	v24 =	vand.u32 $0xFFFFFFF8, v21  }
0x2bf: {  	v10 =	vand.u32 $0xFFFFFFF8, v7;
	v16 =	vand.u32 $0xFFFFFFF8, v26;
	vm0 =	vlt.u32 v26, $0x5480  }
0x2c0: {  	vm2 =	vlt.u32 v21, $0x5480;
	v5 =	vand.u32 $0xFFFFFFF8, v22;
	v6 =	vsub.s32 v12, v0  }
0x2c1: {  	v12 =	vand.u32 $0xFFFFFFF8, v11;
	v8 =	vor.u32 v8, v16;
	v16 =	vand.u32 $0xFFFFFFF8, v13  }
0x2c2: {  	s14 =	simm.s32 $0x13880;
	s13 =	simm.s32 $0x0;
	v14 =	vor.u32 v25, v24;
	v9 =	vand.u32 $0xFFFFFFF8, v6;
	[tilespmem:v23+s8+$0x0] =	vst.idx.add.f32.msk vm1, v4;
	vm1 =	vlt.u32 v22, $0x5480  }
.LBB2_26:
0x2c3: {  	v21 =	vld [tilespmem:s14+$0x30];
	s13 =	sadd.s32 $0x80, s13;
	v22 =	vor.u32 v15, v5;
	vm6 =	vlt.u32 v6, $0x5480;
	v23 =	vor.u32 v17, v9  }
0x2c4: {  	vm5 =	vlt.u32 v7, $0x5480;
	v24 =	vor.u32 v20, v10;
	vm4 =	vlt.u32 v11, $0x5480;
	v9 =	vld [tilespmem:s14+$0xFFFFFFD0];
	p0 =	slt.u32 s13, $0xF80  }
0x2c5: {  	v25 =	vor.u32 v18, v12;
	vm3 =	vlt.u32 v13, $0x5480;
	v26 =	vor.u32 v19, v16;
	v10 =	vld [tilespmem:s14+$0xFFFFFFE0]  }
0x2c6: {  	v12 =	vld [tilespmem:s14+$0xFFFFFFF0]  }
0x2c7: {  	v18 =	vld [tilespmem:s14+$0x0]  }
0x2c8: {  	v19 =	vld [tilespmem:s14+$0x10];
	v5 =	vsub.s32 v21, v0  }
0x2c9: {  	v6 =	vand.u32 $0x7, v21;
	v27 =	vld [tilespmem:s14+$0x20];
	vm7 =	vlt.u32 v5, $0x5480;
	v5 =	vand.u32 $0xFFFFFFF8, v5  }
0x2ca: {  	v21 =	vsub.s32 v9, v0;
	v16 =	vld [tilespmem:s14+$0xFFFFFFC0];
	v28 =	vsub.s32 v10, v0;
	v20 =	vor.u32 v6, v5  }
0x2cb: {  	v29 =	vand.u32 $0xFFFFFFF8, v21;
	v5 =	vand.u32 $0xFFFFFFF8, v28;
	v6 =	vsub.s32 v12, v0;
	[tilespmem:v8+s8+$0x0] =	vst.idx.add.f32.msk vm0, v4  }
0x2cc: {  	v30 =	vand.u32 $0x7, v9;
	v9 =	vand.u32 $0xFFFFFFF8, v6;
	v7 =	vsub.s32 v18, v0;
	[tilespmem:v14+s8+$0x0] =	vst.idx.add.f32.msk vm2, v4  }
0x2cd: {  	v15 =	vand.u32 $0x7, v10;
	v10 =	vand.u32 $0xFFFFFFF8, v7;
	v11 =	vsub.s32 v19, v0;
	[tilespmem:v22+s8+$0x0] =	vst.idx.add.f32.msk vm1, v4  }
.Ltmp12:
0x2ce: {  	v17 =	vand.u32 $0x7, v12;
	v12 =	vand.u32 $0xFFFFFFF8, v11;
	v13 =	vsub.s32 v27, v0;
	[tilespmem:v23+s8+$0x0] =	vst.idx.add.f32.msk vm6, v4;
	(pc) =	sbr.rel @p0 .LBB2_26-.Ltmp12, $4  }
0x2cf: {  	v8 =	vsub.s32 v16, v0;
	v14 =	vand.u32 $0x7, v16;
	v16 =	vand.u32 $0xFFFFFFF8, v13;
	[tilespmem:v20+s8+$0x0] =	vst.idx.add.f32.msk vm7, v4  }
0x2d0: {  	v20 =	vand.u32 $0x7, v18;
	v18 =	vand.u32 $0x7, v19;
	v22 =	vand.u32 $0xFFFFFFF8, v8;
	[tilespmem:v24+s8+$0x0] =	vst.idx.add.f32.msk vm5, v4  }
0x2d1: {  	v19 =	vand.u32 $0x7, v27;
	vm0 =	vlt.u32 v8, $0x5480;
	v8 =	vor.u32 v14, v22;
	[tilespmem:v25+s8+$0x0] =	vst.idx.add.f32.msk vm4, v4  }
0x2d2: {  	s14 =	sadd.s32 $0x80, s14;
	vm2 =	vlt.u32 v21, $0x5480;
	vm1 =	vlt.u32 v28, $0x5480;
	v14 =	vor.u32 v30, v29;
	[tilespmem:v26+s8+$0x0] =	vst.idx.add.f32.msk vm3, v4  }
0x2d3: {  	_ =	sdelay $0x1  }
0x2d4: {  	v5 =	vor.u32 v15, v5;
	vm3 =	vlt.u32 v6, $0x5480  }
0x2d5: {  	v6 =	vor.u32 v17, v9;
	vm4 =	vlt.u32 v7, $0x5480  }
0x2d6: {  	v7 =	vor.u32 v20, v10;
	vm5 =	vlt.u32 v11, $0x5480  }
0x2d7: {  	v9 =	vor.u32 v18, v12;
	vm6 =	vlt.u32 v13, $0x5480;
	[tilespmem:v8+s8+$0x0] =	vst.idx.add.f32.msk vm0, v4  }
0x2d8: {  	v8 =	vor.u32 v19, v16;
	[tilespmem:v14+s8+$0x0] =	vst.idx.add.f32.msk vm2, v4  }
0x2d9: {  	[tilespmem:v5+s8+$0x0] =	vst.idx.add.f32.msk vm1, v4  }
0x2da: {  	[tilespmem:v6+s8+$0x0] =	vst.idx.add.f32.msk vm3, v4  }
0x2db: {  	[tilespmem:v7+s8+$0x0] =	vst.idx.add.f32.msk vm4, v4  }
0x2dc: {  	[tilespmem:v9+s8+$0x0] =	vst.idx.add.f32.msk vm5, v4  }
0x2dd: {  	[tilespmem:v8+s8+$0x0] =	vst.idx.add.f32.msk vm6, v4  }
0x2de: {  	_ =	swait.ge [sflag:s6], $0x1000  }
0x2df: {  	[sflag:s6] =	ssyncset.done $0x0  }
0x2e0: {  	s16 =	simm.s32 $0x12800;
	s13 =	rddreg [dreg:$0xf];
	[sflag:s6] =	ssyncadd.s32 $0xFFFFF000  }
0x2e1: {  	[tilespmem:s7], [sflag:$0x2] =	stream.linear.gather [hbm4b:s13+s30], $0x1000, $0x38;
	[tilespmem:$0x147C0] =	vst v63  }
0x2e2: {  	v5 =	vld [tilespmem:s16+$0x30]  }
0x2e3: {  	v7 =	vld [tilespmem:s16+$0xFFFFFFD0]  }
0x2e4: {  	v8 =	vld [tilespmem:s16+$0xFFFFFFE0]  }
0x2e5: {  	v12 =	vld [tilespmem:s16+$0xFFFFFFF0]  }
0x2e6: {  	v14 =	vld [tilespmem:s16+$0x0]  }
0x2e7: {  	v18 =	vld [tilespmem:s16+$0x10]  }
0x2e8: {  	v16 =	vld [tilespmem:s16+$0xFFFFFFC0]  }
0x2e9: {  	v19 =	vld [tilespmem:s16+$0x20]  }
0x2ea: {  	v6 =	vsub.s32 v5, v0  }
0x2eb: {  	v5 =	vand.u32 $0x7, v5;
	v21 =	vsub.s32 v7, v0;
	v22 =	vsub.s32 v8, v0  }
0x2ec: {  	v25 =	vand.u32 $0x7, v7;
	v7 =	vsub.s32 v14, v0;
	v15 =	vand.u32 $0x7, v8  }
0x2ed: {  	v11 =	vsub.s32 v18, v0;
	v17 =	vand.u32 $0x7, v12;
	v26 =	vsub.s32 v16, v0  }
0x2ee: {  	v13 =	vsub.s32 v19, v0;
	vm1 =	vlt.u32 v6, $0x5480;
	v6 =	vand.u32 $0xFFFFFFF8, v6  }
0x2ef: {  	v8 =	vand.u32 $0x7, v16;
	v20 =	vand.u32 $0x7, v14;
	v23 =	vor.u32 v5, v6  }
0x2f0: {  	v18 =	vand.u32 $0x7, v18;
	v19 =	vand.u32 $0x7, v19;
	v24 =	vand.u32 $0xFFFFFFF8, v21  }
0x2f1: {  	v10 =	vand.u32 $0xFFFFFFF8, v7;
	v16 =	vand.u32 $0xFFFFFFF8, v26;
	vm0 =	vlt.u32 v26, $0x5480  }
0x2f2: {  	vm2 =	vlt.u32 v21, $0x5480;
	v5 =	vand.u32 $0xFFFFFFF8, v22;
	v6 =	vsub.s32 v12, v0  }
0x2f3: {  	v12 =	vand.u32 $0xFFFFFFF8, v11;
	v8 =	vor.u32 v8, v16;
	v16 =	vand.u32 $0xFFFFFFF8, v13  }
0x2f4: {  	s14 =	simm.s32 $0x12880;
	s13 =	simm.s32 $0x0;
	v14 =	vor.u32 v25, v24;
	v9 =	vand.u32 $0xFFFFFFF8, v6;
	[tilespmem:v23+s8+$0x0] =	vst.idx.add.f32.msk vm1, v4;
	vm1 =	vlt.u32 v22, $0x5480  }
.LBB2_28:
0x2f5: {  	v21 =	vld [tilespmem:s14+$0x30];
	s13 =	sadd.s32 $0x80, s13;
	v22 =	vor.u32 v15, v5;
	vm6 =	vlt.u32 v6, $0x5480;
	v23 =	vor.u32 v17, v9  }
0x2f6: {  	vm5 =	vlt.u32 v7, $0x5480;
	v24 =	vor.u32 v20, v10;
	vm4 =	vlt.u32 v11, $0x5480;
	v9 =	vld [tilespmem:s14+$0xFFFFFFD0];
	p0 =	slt.u32 s13, $0xF80  }
0x2f7: {  	v25 =	vor.u32 v18, v12;
	vm3 =	vlt.u32 v13, $0x5480;
	v26 =	vor.u32 v19, v16;
	v10 =	vld [tilespmem:s14+$0xFFFFFFE0]  }
0x2f8: {  	v12 =	vld [tilespmem:s14+$0xFFFFFFF0]  }
0x2f9: {  	v18 =	vld [tilespmem:s14+$0x0]  }
0x2fa: {  	v19 =	vld [tilespmem:s14+$0x10];
	v5 =	vsub.s32 v21, v0  }
0x2fb: {  	v6 =	vand.u32 $0x7, v21;
	v27 =	vld [tilespmem:s14+$0x20];
	vm7 =	vlt.u32 v5, $0x5480;
	v5 =	vand.u32 $0xFFFFFFF8, v5  }
0x2fc: {  	v21 =	vsub.s32 v9, v0;
	v16 =	vld [tilespmem:s14+$0xFFFFFFC0];
	v28 =	vsub.s32 v10, v0;
	v20 =	vor.u32 v6, v5  }
0x2fd: {  	v29 =	vand.u32 $0xFFFFFFF8, v21;
	v5 =	vand.u32 $0xFFFFFFF8, v28;
	v6 =	vsub.s32 v12, v0;
	[tilespmem:v8+s8+$0x0] =	vst.idx.add.f32.msk vm0, v4  }
0x2fe: {  	v30 =	vand.u32 $0x7, v9;
	v9 =	vand.u32 $0xFFFFFFF8, v6;
	v7 =	vsub.s32 v18, v0;
	[tilespmem:v14+s8+$0x0] =	vst.idx.add.f32.msk vm2, v4  }
0x2ff: {  	v15 =	vand.u32 $0x7, v10;
	v10 =	vand.u32 $0xFFFFFFF8, v7;
	v11 =	vsub.s32 v19, v0;
	[tilespmem:v22+s8+$0x0] =	vst.idx.add.f32.msk vm1, v4  }
.Ltmp13:
0x300: {  	v17 =	vand.u32 $0x7, v12;
	v12 =	vand.u32 $0xFFFFFFF8, v11;
	v13 =	vsub.s32 v27, v0;
	[tilespmem:v23+s8+$0x0] =	vst.idx.add.f32.msk vm6, v4;
	(pc) =	sbr.rel @p0 .LBB2_28-.Ltmp13, $4  }
0x301: {  	v8 =	vsub.s32 v16, v0;
	v14 =	vand.u32 $0x7, v16;
	v16 =	vand.u32 $0xFFFFFFF8, v13;
	[tilespmem:v20+s8+$0x0] =	vst.idx.add.f32.msk vm7, v4  }
0x302: {  	v20 =	vand.u32 $0x7, v18;
	v18 =	vand.u32 $0x7, v19;
	v22 =	vand.u32 $0xFFFFFFF8, v8;
	[tilespmem:v24+s8+$0x0] =	vst.idx.add.f32.msk vm5, v4  }
0x303: {  	v19 =	vand.u32 $0x7, v27;
	vm0 =	vlt.u32 v8, $0x5480;
	v8 =	vor.u32 v14, v22;
	[tilespmem:v25+s8+$0x0] =	vst.idx.add.f32.msk vm4, v4  }
0x304: {  	s14 =	sadd.s32 $0x80, s14;
	vm2 =	vlt.u32 v21, $0x5480;
	vm1 =	vlt.u32 v28, $0x5480;
	v14 =	vor.u32 v30, v29;
	[tilespmem:v26+s8+$0x0] =	vst.idx.add.f32.msk vm3, v4  }
0x305: {  	_ =	sdelay $0x1  }
0x306: {  	v5 =	vor.u32 v15, v5;
	vm3 =	vlt.u32 v6, $0x5480  }
0x307: {  	v6 =	vor.u32 v17, v9;
	vm4 =	vlt.u32 v7, $0x5480  }
0x308: {  	v7 =	vor.u32 v20, v10;
	vm5 =	vlt.u32 v11, $0x5480  }
0x309: {  	v9 =	vor.u32 v18, v12;
	vm6 =	vlt.u32 v13, $0x5480;
	[tilespmem:v8+s8+$0x0] =	vst.idx.add.f32.msk vm0, v4  }
0x30a: {  	v8 =	vor.u32 v19, v16;
	[tilespmem:v14+s8+$0x0] =	vst.idx.add.f32.msk vm2, v4  }
0x30b: {  	[tilespmem:v5+s8+$0x0] =	vst.idx.add.f32.msk vm1, v4  }
0x30c: {  	[tilespmem:v6+s8+$0x0] =	vst.idx.add.f32.msk vm3, v4  }
0x30d: {  	[tilespmem:v7+s8+$0x0] =	vst.idx.add.f32.msk vm4, v4  }
0x30e: {  	[tilespmem:v9+s8+$0x0] =	vst.idx.add.f32.msk vm5, v4  }
0x30f: {  	[tilespmem:v8+s8+$0x0] =	vst.idx.add.f32.msk vm6, v4  }
0x310: {  	_ =	swait.ge [sflag:s9], $0x1000  }
0x311: {  	[sflag:s9] =	ssyncset.done $0x0  }
0x312: {  	s16 =	simm.s32 $0x13800;
	s13 =	rddreg [dreg:$0x10];
	[sflag:s9] =	ssyncadd.s32 $0xFFFFF000  }
0x313: {  	[tilespmem:s5], [sflag:$0x1] =	stream.linear.gather [hbm4b:s13+s30], $0x1000, $0x38;
	[tilespmem:$0x147C0] =	vst v63  }
0x314: {  	v5 =	vld [tilespmem:s16+$0x30]  }
0x315: {  	v7 =	vld [tilespmem:s16+$0xFFFFFFD0]  }
0x316: {  	v8 =	vld [tilespmem:s16+$0xFFFFFFE0]  }
0x317: {  	v12 =	vld [tilespmem:s16+$0xFFFFFFF0]  }
0x318: {  	v14 =	vld [tilespmem:s16+$0x0]  }
0x319: {  	v18 =	vld [tilespmem:s16+$0x10]  }
0x31a: {  	v16 =	vld [tilespmem:s16+$0xFFFFFFC0]  }
0x31b: {  	v19 =	vld [tilespmem:s16+$0x20]  }
0x31c: {  	v6 =	vsub.s32 v5, v0  }
0x31d: {  	v5 =	vand.u32 $0x7, v5;
	v21 =	vsub.s32 v7, v0;
	v22 =	vsub.s32 v8, v0  }
0x31e: {  	v25 =	vand.u32 $0x7, v7;
	v7 =	vsub.s32 v14, v0;
	v15 =	vand.u32 $0x7, v8  }
0x31f: {  	v11 =	vsub.s32 v18, v0;
	v17 =	vand.u32 $0x7, v12;
	v26 =	vsub.s32 v16, v0  }
0x320: {  	v13 =	vsub.s32 v19, v0;
	vm1 =	vlt.u32 v6, $0x5480;
	v6 =	vand.u32 $0xFFFFFFF8, v6  }
0x321: {  	v8 =	vand.u32 $0x7, v16;
	v20 =	vand.u32 $0x7, v14;
	v23 =	vor.u32 v5, v6  }
0x322: {  	v18 =	vand.u32 $0x7, v18;
	v19 =	vand.u32 $0x7, v19;
	v24 =	vand.u32 $0xFFFFFFF8, v21  }
0x323: {  	v10 =	vand.u32 $0xFFFFFFF8, v7;
	v16 =	vand.u32 $0xFFFFFFF8, v26;
	vm0 =	vlt.u32 v26, $0x5480  }
0x324: {  	vm2 =	vlt.u32 v21, $0x5480;
	v5 =	vand.u32 $0xFFFFFFF8, v22;
	v6 =	vsub.s32 v12, v0  }
0x325: {  	v12 =	vand.u32 $0xFFFFFFF8, v11;
	v8 =	vor.u32 v8, v16;
	v16 =	vand.u32 $0xFFFFFFF8, v13  }
0x326: {  	s14 =	simm.s32 $0x13880;
	s13 =	simm.s32 $0x0;
	v14 =	vor.u32 v25, v24;
	v9 =	vand.u32 $0xFFFFFFF8, v6;
	[tilespmem:v23+s8+$0x0] =	vst.idx.add.f32.msk vm1, v4;
	vm1 =	vlt.u32 v22, $0x5480  }
.LBB2_30:
0x327: {  	v21 =	vld [tilespmem:s14+$0x30];
	s13 =	sadd.s32 $0x80, s13;
	v22 =	vor.u32 v15, v5;
	vm6 =	vlt.u32 v6, $0x5480;
	v23 =	vor.u32 v17, v9  }
0x328: {  	vm5 =	vlt.u32 v7, $0x5480;
	v24 =	vor.u32 v20, v10;
	vm4 =	vlt.u32 v11, $0x5480;
	v9 =	vld [tilespmem:s14+$0xFFFFFFD0];
	p0 =	slt.u32 s13, $0xF80  }
0x329: {  	v25 =	vor.u32 v18, v12;
	vm3 =	vlt.u32 v13, $0x5480;
	v26 =	vor.u32 v19, v16;
	v10 =	vld [tilespmem:s14+$0xFFFFFFE0]  }
0x32a: {  	v12 =	vld [tilespmem:s14+$0xFFFFFFF0]  }
0x32b: {  	v18 =	vld [tilespmem:s14+$0x0]  }
0x32c: {  	v19 =	vld [tilespmem:s14+$0x10];
	v5 =	vsub.s32 v21, v0  }
0x32d: {  	v6 =	vand.u32 $0x7, v21;
	v27 =	vld [tilespmem:s14+$0x20];
	vm7 =	vlt.u32 v5, $0x5480;
	v5 =	vand.u32 $0xFFFFFFF8, v5  }
0x32e: {  	v21 =	vsub.s32 v9, v0;
	v16 =	vld [tilespmem:s14+$0xFFFFFFC0];
	v28 =	vsub.s32 v10, v0;
	v20 =	vor.u32 v6, v5  }
0x32f: {  	v29 =	vand.u32 $0xFFFFFFF8, v21;
	v5 =	vand.u32 $0xFFFFFFF8, v28;
	v6 =	vsub.s32 v12, v0;
	[tilespmem:v8+s8+$0x0] =	vst.idx.add.f32.msk vm0, v4  }
0x330: {  	v30 =	vand.u32 $0x7, v9;
	v9 =	vand.u32 $0xFFFFFFF8, v6;
	v7 =	vsub.s32 v18, v0;
	[tilespmem:v14+s8+$0x0] =	vst.idx.add.f32.msk vm2, v4  }
0x331: {  	v15 =	vand.u32 $0x7, v10;
	v10 =	vand.u32 $0xFFFFFFF8, v7;
	v11 =	vsub.s32 v19, v0;
	[tilespmem:v22+s8+$0x0] =	vst.idx.add.f32.msk vm1, v4  }
.Ltmp14:
0x332: {  	v17 =	vand.u32 $0x7, v12;
	v12 =	vand.u32 $0xFFFFFFF8, v11;
	v13 =	vsub.s32 v27, v0;
	[tilespmem:v23+s8+$0x0] =	vst.idx.add.f32.msk vm6, v4;
	(pc) =	sbr.rel @p0 .LBB2_30-.Ltmp14, $4  }
0x333: {  	v8 =	vsub.s32 v16, v0;
	v14 =	vand.u32 $0x7, v16;
	v16 =	vand.u32 $0xFFFFFFF8, v13;
	[tilespmem:v20+s8+$0x0] =	vst.idx.add.f32.msk vm7, v4  }
0x334: {  	v20 =	vand.u32 $0x7, v18;
	v18 =	vand.u32 $0x7, v19;
	v22 =	vand.u32 $0xFFFFFFF8, v8;
	[tilespmem:v24+s8+$0x0] =	vst.idx.add.f32.msk vm5, v4  }
0x335: {  	v19 =	vand.u32 $0x7, v27;
	vm0 =	vlt.u32 v8, $0x5480;
	v8 =	vor.u32 v14, v22;
	[tilespmem:v25+s8+$0x0] =	vst.idx.add.f32.msk vm4, v4  }
0x336: {  	s14 =	sadd.s32 $0x80, s14;
	vm2 =	vlt.u32 v21, $0x5480;
	vm1 =	vlt.u32 v28, $0x5480;
	v14 =	vor.u32 v30, v29;
	[tilespmem:v26+s8+$0x0] =	vst.idx.add.f32.msk vm3, v4  }
0x337: {  	_ =	sdelay $0x1  }
0x338: {  	v5 =	vor.u32 v15, v5;
	vm3 =	vlt.u32 v6, $0x5480  }
0x339: {  	v6 =	vor.u32 v17, v9;
	vm4 =	vlt.u32 v7, $0x5480  }
0x33a: {  	v7 =	vor.u32 v20, v10;
	vm5 =	vlt.u32 v11, $0x5480  }
0x33b: {  	v9 =	vor.u32 v18, v12;
	vm6 =	vlt.u32 v13, $0x5480;
	[tilespmem:v8+s8+$0x0] =	vst.idx.add.f32.msk vm0, v4  }
0x33c: {  	v8 =	vor.u32 v19, v16;
	[tilespmem:v14+s8+$0x0] =	vst.idx.add.f32.msk vm2, v4  }
0x33d: {  	[tilespmem:v5+s8+$0x0] =	vst.idx.add.f32.msk vm1, v4  }
0x33e: {  	[tilespmem:v6+s8+$0x0] =	vst.idx.add.f32.msk vm3, v4  }
0x33f: {  	[tilespmem:v7+s8+$0x0] =	vst.idx.add.f32.msk vm4, v4  }
0x340: {  	[tilespmem:v9+s8+$0x0] =	vst.idx.add.f32.msk vm5, v4  }
0x341: {  	[tilespmem:v8+s8+$0x0] =	vst.idx.add.f32.msk vm6, v4  }
0x342: {  	_ =	swait.ge [sflag:s6], $0x1000  }
0x343: {  	[sflag:s6] =	ssyncset.done $0x0  }
0x344: {  	s16 =	simm.s32 $0x12800;
	s13 =	rddreg [dreg:$0x11];
	[sflag:s6] =	ssyncadd.s32 $0xFFFFF000  }
0x345: {  	[tilespmem:s7], [sflag:$0x2] =	stream.linear.gather [hbm4b:s13+s30], $0x1000, $0x38;
	[tilespmem:$0x147C0] =	vst v63  }
0x346: {  	v5 =	vld [tilespmem:s16+$0x30]  }
0x347: {  	v7 =	vld [tilespmem:s16+$0xFFFFFFD0]  }
0x348: {  	v8 =	vld [tilespmem:s16+$0xFFFFFFE0]  }
0x349: {  	v12 =	vld [tilespmem:s16+$0xFFFFFFF0]  }
0x34a: {  	v14 =	vld [tilespmem:s16+$0x0]  }
0x34b: {  	v18 =	vld [tilespmem:s16+$0x10]  }
0x34c: {  	v16 =	vld [tilespmem:s16+$0xFFFFFFC0]  }
0x34d: {  	v19 =	vld [tilespmem:s16+$0x20]  }
0x34e: {  	v6 =	vsub.s32 v5, v0  }
0x34f: {  	v5 =	vand.u32 $0x7, v5;
	v21 =	vsub.s32 v7, v0;
	v22 =	vsub.s32 v8, v0  }
0x350: {  	v25 =	vand.u32 $0x7, v7;
	v7 =	vsub.s32 v14, v0;
	v15 =	vand.u32 $0x7, v8  }
0x351: {  	v11 =	vsub.s32 v18, v0;
	v17 =	vand.u32 $0x7, v12;
	v26 =	vsub.s32 v16, v0  }
0x352: {  	v13 =	vsub.s32 v19, v0;
	vm1 =	vlt.u32 v6, $0x5480;
	v6 =	vand.u32 $0xFFFFFFF8, v6  }
0x353: {  	v8 =	vand.u32 $0x7, v16;
	v20 =	vand.u32 $0x7, v14;
	v23 =	vor.u32 v5, v6  }
0x354: {  	v18 =	vand.u32 $0x7, v18;
	v19 =	vand.u32 $0x7, v19;
	v24 =	vand.u32 $0xFFFFFFF8, v21  }
0x355: {  	v10 =	vand.u32 $0xFFFFFFF8, v7;
	v16 =	vand.u32 $0xFFFFFFF8, v26;
	vm0 =	vlt.u32 v26, $0x5480  }
0x356: {  	vm2 =	vlt.u32 v21, $0x5480;
	v5 =	vand.u32 $0xFFFFFFF8, v22;
	v6 =	vsub.s32 v12, v0  }
0x357: {  	v12 =	vand.u32 $0xFFFFFFF8, v11;
	v8 =	vor.u32 v8, v16;
	v16 =	vand.u32 $0xFFFFFFF8, v13  }
0x358: {  	s14 =	simm.s32 $0x12880;
	s13 =	simm.s32 $0x0;
	v14 =	vor.u32 v25, v24;
	v9 =	vand.u32 $0xFFFFFFF8, v6;
	[tilespmem:v23+s8+$0x0] =	vst.idx.add.f32.msk vm1, v4;
	vm1 =	vlt.u32 v22, $0x5480  }
.LBB2_32:
0x359: {  	v21 =	vld [tilespmem:s14+$0x30];
	s13 =	sadd.s32 $0x80, s13;
	v22 =	vor.u32 v15, v5;
	vm6 =	vlt.u32 v6, $0x5480;
	v23 =	vor.u32 v17, v9  }
0x35a: {  	vm5 =	vlt.u32 v7, $0x5480;
	v24 =	vor.u32 v20, v10;
	vm4 =	vlt.u32 v11, $0x5480;
	v9 =	vld [tilespmem:s14+$0xFFFFFFD0];
	p0 =	slt.u32 s13, $0xF80  }
0x35b: {  	v25 =	vor.u32 v18, v12;
	vm3 =	vlt.u32 v13, $0x5480;
	v26 =	vor.u32 v19, v16;
	v10 =	vld [tilespmem:s14+$0xFFFFFFE0]  }
0x35c: {  	v12 =	vld [tilespmem:s14+$0xFFFFFFF0]  }
0x35d: {  	v18 =	vld [tilespmem:s14+$0x0]  }
0x35e: {  	v19 =	vld [tilespmem:s14+$0x10];
	v5 =	vsub.s32 v21, v0  }
0x35f: {  	v6 =	vand.u32 $0x7, v21;
	v27 =	vld [tilespmem:s14+$0x20];
	vm7 =	vlt.u32 v5, $0x5480;
	v5 =	vand.u32 $0xFFFFFFF8, v5  }
0x360: {  	v21 =	vsub.s32 v9, v0;
	v16 =	vld [tilespmem:s14+$0xFFFFFFC0];
	v28 =	vsub.s32 v10, v0;
	v20 =	vor.u32 v6, v5  }
0x361: {  	v29 =	vand.u32 $0xFFFFFFF8, v21;
	v5 =	vand.u32 $0xFFFFFFF8, v28;
	v6 =	vsub.s32 v12, v0;
	[tilespmem:v8+s8+$0x0] =	vst.idx.add.f32.msk vm0, v4  }
0x362: {  	v30 =	vand.u32 $0x7, v9;
	v9 =	vand.u32 $0xFFFFFFF8, v6;
	v7 =	vsub.s32 v18, v0;
	[tilespmem:v14+s8+$0x0] =	vst.idx.add.f32.msk vm2, v4  }
0x363: {  	v15 =	vand.u32 $0x7, v10;
	v10 =	vand.u32 $0xFFFFFFF8, v7;
	v11 =	vsub.s32 v19, v0;
	[tilespmem:v22+s8+$0x0] =	vst.idx.add.f32.msk vm1, v4  }
.Ltmp15:
0x364: {  	v17 =	vand.u32 $0x7, v12;
	v12 =	vand.u32 $0xFFFFFFF8, v11;
	v13 =	vsub.s32 v27, v0;
	[tilespmem:v23+s8+$0x0] =	vst.idx.add.f32.msk vm6, v4;
	(pc) =	sbr.rel @p0 .LBB2_32-.Ltmp15, $4  }
0x365: {  	v8 =	vsub.s32 v16, v0;
	v14 =	vand.u32 $0x7, v16;
	v16 =	vand.u32 $0xFFFFFFF8, v13;
	[tilespmem:v20+s8+$0x0] =	vst.idx.add.f32.msk vm7, v4  }
0x366: {  	v20 =	vand.u32 $0x7, v18;
	v18 =	vand.u32 $0x7, v19;
	v22 =	vand.u32 $0xFFFFFFF8, v8;
	[tilespmem:v24+s8+$0x0] =	vst.idx.add.f32.msk vm5, v4  }
0x367: {  	v19 =	vand.u32 $0x7, v27;
	vm0 =	vlt.u32 v8, $0x5480;
	v8 =	vor.u32 v14, v22;
	[tilespmem:v25+s8+$0x0] =	vst.idx.add.f32.msk vm4, v4  }
0x368: {  	s14 =	sadd.s32 $0x80, s14;
	vm2 =	vlt.u32 v21, $0x5480;
	vm1 =	vlt.u32 v28, $0x5480;
	v14 =	vor.u32 v30, v29;
	[tilespmem:v26+s8+$0x0] =	vst.idx.add.f32.msk vm3, v4  }
0x369: {  	_ =	sdelay $0x1  }
0x36a: {  	v5 =	vor.u32 v15, v5;
	vm3 =	vlt.u32 v6, $0x5480  }
0x36b: {  	v6 =	vor.u32 v17, v9;
	vm4 =	vlt.u32 v7, $0x5480  }
0x36c: {  	v7 =	vor.u32 v20, v10;
	vm5 =	vlt.u32 v11, $0x5480  }
0x36d: {  	v9 =	vor.u32 v18, v12;
	vm6 =	vlt.u32 v13, $0x5480;
	[tilespmem:v8+s8+$0x0] =	vst.idx.add.f32.msk vm0, v4  }
0x36e: {  	v8 =	vor.u32 v19, v16;
	[tilespmem:v14+s8+$0x0] =	vst.idx.add.f32.msk vm2, v4  }
0x36f: {  	[tilespmem:v5+s8+$0x0] =	vst.idx.add.f32.msk vm1, v4  }
0x370: {  	[tilespmem:v6+s8+$0x0] =	vst.idx.add.f32.msk vm3, v4  }
0x371: {  	[tilespmem:v7+s8+$0x0] =	vst.idx.add.f32.msk vm4, v4  }
0x372: {  	[tilespmem:v9+s8+$0x0] =	vst.idx.add.f32.msk vm5, v4  }
0x373: {  	[tilespmem:v8+s8+$0x0] =	vst.idx.add.f32.msk vm6, v4  }
0x374: {  	_ =	swait.ge [sflag:s9], $0x1000  }
0x375: {  	[sflag:s9] =	ssyncset.done $0x0  }
0x376: {  	s16 =	simm.s32 $0x13800;
	s13 =	rddreg [dreg:$0x12];
	[sflag:s9] =	ssyncadd.s32 $0xFFFFF000  }
0x377: {  	[tilespmem:s5], [sflag:$0x1] =	stream.linear.gather [hbm4b:s13+s30], $0x1000, $0x38;
	[tilespmem:$0x147C0] =	vst v63  }
0x378: {  	v5 =	vld [tilespmem:s16+$0x30]  }
0x379: {  	v7 =	vld [tilespmem:s16+$0xFFFFFFD0]  }
0x37a: {  	v8 =	vld [tilespmem:s16+$0xFFFFFFE0]  }
0x37b: {  	v12 =	vld [tilespmem:s16+$0xFFFFFFF0]  }
0x37c: {  	v14 =	vld [tilespmem:s16+$0x0]  }
0x37d: {  	v18 =	vld [tilespmem:s16+$0x10]  }
0x37e: {  	v16 =	vld [tilespmem:s16+$0xFFFFFFC0]  }
0x37f: {  	v19 =	vld [tilespmem:s16+$0x20]  }
0x380: {  	v6 =	vsub.s32 v5, v0  }
0x381: {  	v5 =	vand.u32 $0x7, v5;
	v21 =	vsub.s32 v7, v0;
	v22 =	vsub.s32 v8, v0  }
0x382: {  	v25 =	vand.u32 $0x7, v7;
	v7 =	vsub.s32 v14, v0;
	v15 =	vand.u32 $0x7, v8  }
0x383: {  	v11 =	vsub.s32 v18, v0;
	v17 =	vand.u32 $0x7, v12;
	v26 =	vsub.s32 v16, v0  }
0x384: {  	v13 =	vsub.s32 v19, v0;
	vm1 =	vlt.u32 v6, $0x5480;
	v6 =	vand.u32 $0xFFFFFFF8, v6  }
0x385: {  	v8 =	vand.u32 $0x7, v16;
	v20 =	vand.u32 $0x7, v14;
	v23 =	vor.u32 v5, v6  }
0x386: {  	v18 =	vand.u32 $0x7, v18;
	v19 =	vand.u32 $0x7, v19;
	v24 =	vand.u32 $0xFFFFFFF8, v21  }
0x387: {  	v10 =	vand.u32 $0xFFFFFFF8, v7;
	v16 =	vand.u32 $0xFFFFFFF8, v26;
	vm0 =	vlt.u32 v26, $0x5480  }
0x388: {  	vm2 =	vlt.u32 v21, $0x5480;
	v5 =	vand.u32 $0xFFFFFFF8, v22;
	v6 =	vsub.s32 v12, v0  }
0x389: {  	v12 =	vand.u32 $0xFFFFFFF8, v11;
	v8 =	vor.u32 v8, v16;
	v16 =	vand.u32 $0xFFFFFFF8, v13  }
0x38a: {  	s14 =	simm.s32 $0x13880;
	s13 =	simm.s32 $0x0;
	v14 =	vor.u32 v25, v24;
	v9 =	vand.u32 $0xFFFFFFF8, v6;
	[tilespmem:v23+s8+$0x0] =	vst.idx.add.f32.msk vm1, v4;
	vm1 =	vlt.u32 v22, $0x5480  }
.LBB2_34:
0x38b: {  	v21 =	vld [tilespmem:s14+$0x30];
	s13 =	sadd.s32 $0x80, s13;
	v22 =	vor.u32 v15, v5;
	vm6 =	vlt.u32 v6, $0x5480;
	v23 =	vor.u32 v17, v9  }
0x38c: {  	vm5 =	vlt.u32 v7, $0x5480;
	v24 =	vor.u32 v20, v10;
	vm4 =	vlt.u32 v11, $0x5480;
	v9 =	vld [tilespmem:s14+$0xFFFFFFD0];
	p0 =	slt.u32 s13, $0xF80  }
0x38d: {  	v25 =	vor.u32 v18, v12;
	vm3 =	vlt.u32 v13, $0x5480;
	v26 =	vor.u32 v19, v16;
	v10 =	vld [tilespmem:s14+$0xFFFFFFE0]  }
0x38e: {  	v12 =	vld [tilespmem:s14+$0xFFFFFFF0]  }
0x38f: {  	v18 =	vld [tilespmem:s14+$0x0]  }
0x390: {  	v19 =	vld [tilespmem:s14+$0x10];
	v5 =	vsub.s32 v21, v0  }
0x391: {  	v6 =	vand.u32 $0x7, v21;
	v27 =	vld [tilespmem:s14+$0x20];
	vm7 =	vlt.u32 v5, $0x5480;
	v5 =	vand.u32 $0xFFFFFFF8, v5  }
0x392: {  	v21 =	vsub.s32 v9, v0;
	v16 =	vld [tilespmem:s14+$0xFFFFFFC0];
	v28 =	vsub.s32 v10, v0;
	v20 =	vor.u32 v6, v5  }
0x393: {  	v29 =	vand.u32 $0xFFFFFFF8, v21;
	v5 =	vand.u32 $0xFFFFFFF8, v28;
	v6 =	vsub.s32 v12, v0;
	[tilespmem:v8+s8+$0x0] =	vst.idx.add.f32.msk vm0, v4  }
0x394: {  	v30 =	vand.u32 $0x7, v9;
	v9 =	vand.u32 $0xFFFFFFF8, v6;
	v7 =	vsub.s32 v18, v0;
	[tilespmem:v14+s8+$0x0] =	vst.idx.add.f32.msk vm2, v4  }
0x395: {  	v15 =	vand.u32 $0x7, v10;
	v10 =	vand.u32 $0xFFFFFFF8, v7;
	v11 =	vsub.s32 v19, v0;
	[tilespmem:v22+s8+$0x0] =	vst.idx.add.f32.msk vm1, v4  }
.Ltmp16:
0x396: {  	v17 =	vand.u32 $0x7, v12;
	v12 =	vand.u32 $0xFFFFFFF8, v11;
	v13 =	vsub.s32 v27, v0;
	[tilespmem:v23+s8+$0x0] =	vst.idx.add.f32.msk vm6, v4;
	(pc) =	sbr.rel @p0 .LBB2_34-.Ltmp16, $4  }
0x397: {  	v8 =	vsub.s32 v16, v0;
	v14 =	vand.u32 $0x7, v16;
	v16 =	vand.u32 $0xFFFFFFF8, v13;
	[tilespmem:v20+s8+$0x0] =	vst.idx.add.f32.msk vm7, v4  }
0x398: {  	v20 =	vand.u32 $0x7, v18;
	v18 =	vand.u32 $0x7, v19;
	v22 =	vand.u32 $0xFFFFFFF8, v8;
	[tilespmem:v24+s8+$0x0] =	vst.idx.add.f32.msk vm5, v4  }
0x399: {  	v19 =	vand.u32 $0x7, v27;
	vm0 =	vlt.u32 v8, $0x5480;
	v8 =	vor.u32 v14, v22;
	[tilespmem:v25+s8+$0x0] =	vst.idx.add.f32.msk vm4, v4  }
0x39a: {  	s14 =	sadd.s32 $0x80, s14;
	vm2 =	vlt.u32 v21, $0x5480;
	vm1 =	vlt.u32 v28, $0x5480;
	v14 =	vor.u32 v30, v29;
	[tilespmem:v26+s8+$0x0] =	vst.idx.add.f32.msk vm3, v4  }
0x39b: {  	_ =	sdelay $0x1  }
0x39c: {  	v5 =	vor.u32 v15, v5;
	vm3 =	vlt.u32 v6, $0x5480  }
0x39d: {  	v6 =	vor.u32 v17, v9;
	vm4 =	vlt.u32 v7, $0x5480  }
0x39e: {  	v7 =	vor.u32 v20, v10;
	vm5 =	vlt.u32 v11, $0x5480  }
0x39f: {  	v9 =	vor.u32 v18, v12;
	vm6 =	vlt.u32 v13, $0x5480;
	[tilespmem:v8+s8+$0x0] =	vst.idx.add.f32.msk vm0, v4  }
0x3a0: {  	v8 =	vor.u32 v19, v16;
	[tilespmem:v14+s8+$0x0] =	vst.idx.add.f32.msk vm2, v4  }
0x3a1: {  	[tilespmem:v5+s8+$0x0] =	vst.idx.add.f32.msk vm1, v4  }
0x3a2: {  	[tilespmem:v6+s8+$0x0] =	vst.idx.add.f32.msk vm3, v4  }
0x3a3: {  	[tilespmem:v7+s8+$0x0] =	vst.idx.add.f32.msk vm4, v4  }
0x3a4: {  	[tilespmem:v9+s8+$0x0] =	vst.idx.add.f32.msk vm5, v4  }
0x3a5: {  	[tilespmem:v8+s8+$0x0] =	vst.idx.add.f32.msk vm6, v4  }
0x3a6: {  	_ =	swait.ge [sflag:s6], $0x1000  }
0x3a7: {  	[sflag:s6] =	ssyncset.done $0x0  }
0x3a8: {  	s13 =	simm.s32 $0x12800;
	[sflag:s6] =	ssyncadd.s32 $0xFFFFF000  }
0x3a9: {  	v5 =	vld [tilespmem:s13+$0x30]  }
0x3aa: {  	v7 =	vld [tilespmem:s13+$0xFFFFFFD0]  }
0x3ab: {  	v8 =	vld [tilespmem:s13+$0xFFFFFFE0]  }
0x3ac: {  	v12 =	vld [tilespmem:s13+$0xFFFFFFF0]  }
0x3ad: {  	v14 =	vld [tilespmem:s13+$0x0]  }
0x3ae: {  	v18 =	vld [tilespmem:s13+$0x10]  }
0x3af: {  	v16 =	vld [tilespmem:s13+$0xFFFFFFC0]  }
0x3b0: {  	v19 =	vld [tilespmem:s13+$0x20]  }
0x3b1: {  	v6 =	vsub.s32 v5, v0  }
0x3b2: {  	v5 =	vand.u32 $0x7, v5;
	v21 =	vsub.s32 v7, v0;
	v22 =	vsub.s32 v8, v0  }
0x3b3: {  	v25 =	vand.u32 $0x7, v7;
	v7 =	vsub.s32 v14, v0;
	v15 =	vand.u32 $0x7, v8  }
0x3b4: {  	v11 =	vsub.s32 v18, v0;
	v17 =	vand.u32 $0x7, v12;
	v26 =	vsub.s32 v16, v0  }
0x3b5: {  	v13 =	vsub.s32 v19, v0;
	vm1 =	vlt.u32 v6, $0x5480;
	v6 =	vand.u32 $0xFFFFFFF8, v6  }
0x3b6: {  	v8 =	vand.u32 $0x7, v16;
	v20 =	vand.u32 $0x7, v14;
	v23 =	vor.u32 v5, v6  }
0x3b7: {  	v18 =	vand.u32 $0x7, v18;
	v19 =	vand.u32 $0x7, v19;
	v24 =	vand.u32 $0xFFFFFFF8, v21  }
0x3b8: {  	v10 =	vand.u32 $0xFFFFFFF8, v7;
	v16 =	vand.u32 $0xFFFFFFF8, v26;
	vm0 =	vlt.u32 v26, $0x5480  }
0x3b9: {  	vm2 =	vlt.u32 v21, $0x5480;
	v5 =	vand.u32 $0xFFFFFFF8, v22;
	v6 =	vsub.s32 v12, v0  }
0x3ba: {  	v12 =	vand.u32 $0xFFFFFFF8, v11;
	v8 =	vor.u32 v8, v16;
	v16 =	vand.u32 $0xFFFFFFF8, v13  }
0x3bb: {  	s14 =	simm.s32 $0x12880;
	s13 =	simm.s32 $0x0;
	v14 =	vor.u32 v25, v24;
	v9 =	vand.u32 $0xFFFFFFF8, v6;
	[tilespmem:v23+s8+$0x0] =	vst.idx.add.f32.msk vm1, v4;
	vm1 =	vlt.u32 v22, $0x5480  }
.LBB2_36:
0x3bc: {  	v21 =	vld [tilespmem:s14+$0x30];
	s13 =	sadd.s32 $0x80, s13;
	v22 =	vor.u32 v15, v5;
	vm6 =	vlt.u32 v6, $0x5480;
	v23 =	vor.u32 v17, v9  }
0x3bd: {  	vm5 =	vlt.u32 v7, $0x5480;
	v24 =	vor.u32 v20, v10;
	vm4 =	vlt.u32 v11, $0x5480;
	v9 =	vld [tilespmem:s14+$0xFFFFFFD0];
	p0 =	slt.u32 s13, $0xF80  }
0x3be: {  	v25 =	vor.u32 v18, v12;
	vm3 =	vlt.u32 v13, $0x5480;
	v26 =	vor.u32 v19, v16;
	v10 =	vld [tilespmem:s14+$0xFFFFFFE0]  }
0x3bf: {  	v12 =	vld [tilespmem:s14+$0xFFFFFFF0]  }
0x3c0: {  	v18 =	vld [tilespmem:s14+$0x0]  }
0x3c1: {  	v19 =	vld [tilespmem:s14+$0x10];
	v5 =	vsub.s32 v21, v0  }
0x3c2: {  	v6 =	vand.u32 $0x7, v21;
	v27 =	vld [tilespmem:s14+$0x20];
	vm7 =	vlt.u32 v5, $0x5480;
	v5 =	vand.u32 $0xFFFFFFF8, v5  }
0x3c3: {  	v21 =	vsub.s32 v9, v0;
	v16 =	vld [tilespmem:s14+$0xFFFFFFC0];
	v28 =	vsub.s32 v10, v0;
	v20 =	vor.u32 v6, v5  }
0x3c4: {  	v29 =	vand.u32 $0xFFFFFFF8, v21;
	v5 =	vand.u32 $0xFFFFFFF8, v28;
	v6 =	vsub.s32 v12, v0;
	[tilespmem:v8+s8+$0x0] =	vst.idx.add.f32.msk vm0, v4  }
0x3c5: {  	v30 =	vand.u32 $0x7, v9;
	v9 =	vand.u32 $0xFFFFFFF8, v6;
	v7 =	vsub.s32 v18, v0;
	[tilespmem:v14+s8+$0x0] =	vst.idx.add.f32.msk vm2, v4  }
0x3c6: {  	v15 =	vand.u32 $0x7, v10;
	v10 =	vand.u32 $0xFFFFFFF8, v7;
	v11 =	vsub.s32 v19, v0;
	[tilespmem:v22+s8+$0x0] =	vst.idx.add.f32.msk vm1, v4  }
.Ltmp17:
0x3c7: {  	v17 =	vand.u32 $0x7, v12;
	v12 =	vand.u32 $0xFFFFFFF8, v11;
	v13 =	vsub.s32 v27, v0;
	[tilespmem:v23+s8+$0x0] =	vst.idx.add.f32.msk vm6, v4;
	(pc) =	sbr.rel @p0 .LBB2_36-.Ltmp17, $4  }
0x3c8: {  	v8 =	vsub.s32 v16, v0;
	v14 =	vand.u32 $0x7, v16;
	v16 =	vand.u32 $0xFFFFFFF8, v13;
	[tilespmem:v20+s8+$0x0] =	vst.idx.add.f32.msk vm7, v4  }
0x3c9: {  	v20 =	vand.u32 $0x7, v18;
	v18 =	vand.u32 $0x7, v19;
	v22 =	vand.u32 $0xFFFFFFF8, v8;
	[tilespmem:v24+s8+$0x0] =	vst.idx.add.f32.msk vm5, v4  }
0x3ca: {  	v19 =	vand.u32 $0x7, v27;
	vm0 =	vlt.u32 v8, $0x5480;
	v8 =	vor.u32 v14, v22;
	[tilespmem:v25+s8+$0x0] =	vst.idx.add.f32.msk vm4, v4  }
0x3cb: {  	s14 =	sadd.s32 $0x80, s14;
	vm2 =	vlt.u32 v21, $0x5480;
	vm1 =	vlt.u32 v28, $0x5480;
	v14 =	vor.u32 v30, v29;
	[tilespmem:v26+s8+$0x0] =	vst.idx.add.f32.msk vm3, v4  }
0x3cc: {  	_ =	sdelay $0x1  }
0x3cd: {  	v5 =	vor.u32 v15, v5;
	vm3 =	vlt.u32 v6, $0x5480  }
0x3ce: {  	v6 =	vor.u32 v17, v9;
	vm4 =	vlt.u32 v7, $0x5480  }
0x3cf: {  	v7 =	vor.u32 v20, v10;
	vm5 =	vlt.u32 v11, $0x5480  }
0x3d0: {  	v62 =	vor.u32 v18, v12;
	vm6 =	vlt.u32 v13, $0x5480;
	[tilespmem:v8+s8+$0x0] =	vst.idx.add.f32.msk vm0, v4  }
0x3d1: {  	v63 =	vor.u32 v19, v16;
	[tilespmem:v14+s8+$0x0] =	vst.idx.add.f32.msk vm2, v4  }
0x3d2: {  	[tilespmem:v5+s8+$0x0] =	vst.idx.add.f32.msk vm1, v4  }
0x3d3: {  	[tilespmem:v6+s8+$0x0] =	vst.idx.add.f32.msk vm3, v4  }
0x3d4: {  	[tilespmem:v7+s8+$0x0] =	vst.idx.add.f32.msk vm4, v4  }
0x3d5: {  	[tilespmem:v62+s8+$0x0] =	vst.idx.add.f32.msk vm5, v4  }
0x3d6: {  	s13 =	simm.s32 $0x40;
	[tilespmem:v63+s8+$0x0] =	vst.idx.add.f32.msk vm6, v4  }
0x3d7: {  	[hbm4b:s2+s30] =	stream.linear.scatter [tilespmem:s8], [sflag:$0x3], $0x5480, $0x38;
	[tilespmem:$0x147C0] =	vst v63  }
0x3d8: {  	[tilespmem:s13+$0xFFFFFFC0] =	vst v3  }
0x3d9: {  	[tilespmem:s13+$0x30] =	vst v3  }
0x3da: {  	[tilespmem:s13+$0x20] =	vst v3  }
0x3db: {  	[tilespmem:s13+$0x10] =	vst v3  }
0x3dc: {  	[tilespmem:s13+$0x0] =	vst v3  }
0x3dd: {  	[tilespmem:s13+$0xFFFFFFF0] =	vst v3  }
0x3de: {  	s16 =	simm.s32 $0x0;
	s14 =	simm.s32 $0xBE00;
	[tilespmem:s13+$0xFFFFFFE0] =	vst v3  }
.LBB2_38:
0x3df: {  	s16 =	sadd.s32 $0x80, s16;
	[tilespmem:s13+$0xFFFFFFD0] =	vst v3;
	s13 =	sadd.s32 $0x80, s13;
	s15 =	simm.s32 $0xBDF0  }
0x3e0: {  	[tilespmem:s13+$0xFFFFFFC0] =	vst v3;
	p0 =	slt.u32 s16, $0xBD80  }
0x3e1: {  	[tilespmem:s13+$0x30] =	vst v3  }
.Ltmp18:
0x3e2: {  	[tilespmem:s13+$0x20] =	vst v3;
	(pc) =	sbr.rel @p0 .LBB2_38-.Ltmp18, $4  }
0x3e3: {  	[tilespmem:s13+$0x10] =	vst v3  }
0x3e4: {  	[tilespmem:s13+$0x0] =	vst v3  }
0x3e5: {  	[tilespmem:s13+$0xFFFFFFF0] =	vst v3  }
0x3e6: {  	[tilespmem:s13+$0xFFFFFFE0] =	vst v3  }
0x3e7: {  	[tilespmem:s13+$0xFFFFFFD0] =	vst v3  }
.LBB2_40:
0x3e8: {  	s15 =	sadd.s32 $0x10, s15  }
0x3e9: {  	p0 =	slt.u32 s15, $0xBE10  }
.Ltmp19:
0x3ea: {  	_ = 	snop;
	(pc) =	sbr.rel @p0 .LBB2_40-.Ltmp19, $2  }
0x3eb: {  	_ =	sdelay $0x2  }
0x3ec: {  	[tilespmem:s14+$0x0] =	vst v3;
	s14 =	sadd.s32 $0x10, s14  }
0x3ed: {  	[tilespmem:s5], [sflag:$0x1] =	stream.linear.gather [hbm4b:s18+s30], $0x1000, $0x38;
	[tilespmem:$0x147C0] =	vst v63  }
0x3ee: {  	_ =	swait.ge [sflag:s6], $0x1000  }
0x3ef: {  	[sflag:s6] =	ssyncset.done $0x0  }
0x3f0: {  	s13 =	simm.s32 $0x12800;
	[sflag:s6] =	ssyncadd.s32 $0xFFFFF000  }
0x3f1: {  	[tilespmem:s7], [sflag:$0x2] =	stream.linear.gather [hbm4b:s17+s30], $0x1000, $0x38;
	[tilespmem:$0x147C0] =	vst v63  }
0x3f2: {  	v5 =	vld [tilespmem:s13+$0x30]  }
0x3f3: {  	v7 =	vld [tilespmem:s13+$0xFFFFFFD0]  }
0x3f4: {  	v8 =	vld [tilespmem:s13+$0xFFFFFFE0]  }
0x3f5: {  	v12 =	vld [tilespmem:s13+$0xFFFFFFF0]  }
0x3f6: {  	v14 =	vld [tilespmem:s13+$0x0]  }
0x3f7: {  	v18 =	vld [tilespmem:s13+$0x10]  }
0x3f8: {  	v16 =	vld [tilespmem:s13+$0xFFFFFFC0]  }
0x3f9: {  	v19 =	vld [tilespmem:s13+$0x20]  }
0x3fa: {  	v6 =	vsub.s32 v5, v1  }
0x3fb: {  	v5 =	vand.u32 $0x7, v5;
	v21 =	vsub.s32 v7, v1;
	v22 =	vsub.s32 v8, v1  }
0x3fc: {  	v25 =	vand.u32 $0x7, v7;
	v7 =	vsub.s32 v14, v1;
	v15 =	vand.u32 $0x7, v8  }
0x3fd: {  	v11 =	vsub.s32 v18, v1;
	v17 =	vand.u32 $0x7, v12;
	v26 =	vsub.s32 v16, v1  }
0x3fe: {  	v13 =	vsub.s32 v19, v1;
	vm1 =	vlt.u32 v6, $0xBE20;
	v6 =	vand.u32 $0xFFFFFFF8, v6  }
0x3ff: {  	v8 =	vand.u32 $0x7, v16;
	v20 =	vand.u32 $0x7, v14;
	v23 =	vor.u32 v5, v6  }
0x400: {  	v18 =	vand.u32 $0x7, v18;
	v19 =	vand.u32 $0x7, v19;
	v24 =	vand.u32 $0xFFFFFFF8, v21  }
0x401: {  	v10 =	vand.u32 $0xFFFFFFF8, v7;
	v16 =	vand.u32 $0xFFFFFFF8, v26;
	vm0 =	vlt.u32 v26, $0xBE20  }
0x402: {  	vm2 =	vlt.u32 v21, $0xBE20;
	v5 =	vand.u32 $0xFFFFFFF8, v22;
	v6 =	vsub.s32 v12, v1  }
0x403: {  	v12 =	vand.u32 $0xFFFFFFF8, v11;
	v8 =	vor.u32 v8, v16;
	v16 =	vand.u32 $0xFFFFFFF8, v13  }
0x404: {  	s14 =	simm.s32 $0x12880;
	s13 =	simm.s32 $0x0;
	v14 =	vor.u32 v25, v24;
	v9 =	vand.u32 $0xFFFFFFF8, v6;
	[tilespmem:v23+s30+$0x0] =	vst.idx.add.f32.msk vm1, v4;
	vm1 =	vlt.u32 v22, $0xBE20  }
.LBB2_42:
0x405: {  	v21 =	vld [tilespmem:s14+$0x30];
	s13 =	sadd.s32 $0x80, s13;
	v22 =	vor.u32 v15, v5;
	vm6 =	vlt.u32 v6, $0xBE20;
	v23 =	vor.u32 v17, v9  }
0x406: {  	vm5 =	vlt.u32 v7, $0xBE20;
	v24 =	vor.u32 v20, v10;
	vm4 =	vlt.u32 v11, $0xBE20;
	v9 =	vld [tilespmem:s14+$0xFFFFFFD0];
	p0 =	slt.u32 s13, $0xF80  }
0x407: {  	v25 =	vor.u32 v18, v12;
	vm3 =	vlt.u32 v13, $0xBE20;
	v26 =	vor.u32 v19, v16;
	v10 =	vld [tilespmem:s14+$0xFFFFFFE0]  }
0x408: {  	v12 =	vld [tilespmem:s14+$0xFFFFFFF0]  }
0x409: {  	v18 =	vld [tilespmem:s14+$0x0]  }
0x40a: {  	v19 =	vld [tilespmem:s14+$0x10];
	v5 =	vsub.s32 v21, v1  }
0x40b: {  	v6 =	vand.u32 $0x7, v21;
	v27 =	vld [tilespmem:s14+$0x20];
	vm7 =	vlt.u32 v5, $0xBE20;
	v5 =	vand.u32 $0xFFFFFFF8, v5  }
0x40c: {  	v21 =	vsub.s32 v9, v1;
	v16 =	vld [tilespmem:s14+$0xFFFFFFC0];
	v28 =	vsub.s32 v10, v1;
	v20 =	vor.u32 v6, v5  }
0x40d: {  	v29 =	vand.u32 $0xFFFFFFF8, v21;
	v5 =	vand.u32 $0xFFFFFFF8, v28;
	v6 =	vsub.s32 v12, v1;
	[tilespmem:v8+s30+$0x0] =	vst.idx.add.f32.msk vm0, v4  }
0x40e: {  	v30 =	vand.u32 $0x7, v9;
	v9 =	vand.u32 $0xFFFFFFF8, v6;
	v7 =	vsub.s32 v18, v1;
	[tilespmem:v14+s30+$0x0] =	vst.idx.add.f32.msk vm2, v4  }
0x40f: {  	v15 =	vand.u32 $0x7, v10;
	v10 =	vand.u32 $0xFFFFFFF8, v7;
	v11 =	vsub.s32 v19, v1;
	[tilespmem:v22+s30+$0x0] =	vst.idx.add.f32.msk vm1, v4  }
.Ltmp20:
0x410: {  	v17 =	vand.u32 $0x7, v12;
	v12 =	vand.u32 $0xFFFFFFF8, v11;
	v13 =	vsub.s32 v27, v1;
	[tilespmem:v23+s30+$0x0] =	vst.idx.add.f32.msk vm6, v4;
	(pc) =	sbr.rel @p0 .LBB2_42-.Ltmp20, $4  }
0x411: {  	v8 =	vsub.s32 v16, v1;
	v14 =	vand.u32 $0x7, v16;
	v16 =	vand.u32 $0xFFFFFFF8, v13;
	[tilespmem:v20+s30+$0x0] =	vst.idx.add.f32.msk vm7, v4  }
0x412: {  	v20 =	vand.u32 $0x7, v18;
	v18 =	vand.u32 $0x7, v19;
	v22 =	vand.u32 $0xFFFFFFF8, v8;
	[tilespmem:v24+s30+$0x0] =	vst.idx.add.f32.msk vm5, v4  }
0x413: {  	v19 =	vand.u32 $0x7, v27;
	vm0 =	vlt.u32 v8, $0xBE20;
	v8 =	vor.u32 v14, v22;
	[tilespmem:v25+s30+$0x0] =	vst.idx.add.f32.msk vm4, v4  }
0x414: {  	s14 =	sadd.s32 $0x80, s14;
	vm2 =	vlt.u32 v21, $0xBE20;
	vm1 =	vlt.u32 v28, $0xBE20;
	v14 =	vor.u32 v30, v29;
	[tilespmem:v26+s30+$0x0] =	vst.idx.add.f32.msk vm3, v4  }
0x415: {  	_ =	sdelay $0x1  }
0x416: {  	v5 =	vor.u32 v15, v5;
	vm3 =	vlt.u32 v6, $0xBE20  }
0x417: {  	v6 =	vor.u32 v17, v9;
	vm4 =	vlt.u32 v7, $0xBE20  }
0x418: {  	v7 =	vor.u32 v20, v10;
	vm5 =	vlt.u32 v11, $0xBE20  }
0x419: {  	v9 =	vor.u32 v18, v12;
	vm6 =	vlt.u32 v13, $0xBE20;
	[tilespmem:v8+s30+$0x0] =	vst.idx.add.f32.msk vm0, v4  }
0x41a: {  	v8 =	vor.u32 v19, v16;
	[tilespmem:v14+s30+$0x0] =	vst.idx.add.f32.msk vm2, v4  }
0x41b: {  	[tilespmem:v5+s30+$0x0] =	vst.idx.add.f32.msk vm1, v4  }
0x41c: {  	[tilespmem:v6+s30+$0x0] =	vst.idx.add.f32.msk vm3, v4  }
0x41d: {  	[tilespmem:v7+s30+$0x0] =	vst.idx.add.f32.msk vm4, v4  }
0x41e: {  	[tilespmem:v9+s30+$0x0] =	vst.idx.add.f32.msk vm5, v4  }
0x41f: {  	[tilespmem:v8+s30+$0x0] =	vst.idx.add.f32.msk vm6, v4  }
0x420: {  	_ =	swait.ge [sflag:s9], $0x1000  }
0x421: {  	[sflag:s9] =	ssyncset.done $0x0  }
0x422: {  	s13 =	simm.s32 $0x13800;
	[sflag:s9] =	ssyncadd.s32 $0xFFFFF000  }
0x423: {  	[tilespmem:s5], [sflag:$0x1] =	stream.linear.gather [hbm4b:s20+s30], $0x1000, $0x38;
	[tilespmem:$0x147C0] =	vst v63  }
0x424: {  	v5 =	vld [tilespmem:s13+$0x30]  }
0x425: {  	v7 =	vld [tilespmem:s13+$0xFFFFFFD0]  }
0x426: {  	v8 =	vld [tilespmem:s13+$0xFFFFFFE0]  }
0x427: {  	v12 =	vld [tilespmem:s13+$0xFFFFFFF0]  }
0x428: {  	v14 =	vld [tilespmem:s13+$0x0]  }
0x429: {  	v18 =	vld [tilespmem:s13+$0x10]  }
0x42a: {  	v16 =	vld [tilespmem:s13+$0xFFFFFFC0]  }
0x42b: {  	v19 =	vld [tilespmem:s13+$0x20]  }
0x42c: {  	v6 =	vsub.s32 v5, v1  }
0x42d: {  	v5 =	vand.u32 $0x7, v5;
	v21 =	vsub.s32 v7, v1;
	v22 =	vsub.s32 v8, v1  }
0x42e: {  	v25 =	vand.u32 $0x7, v7;
	v7 =	vsub.s32 v14, v1;
	v15 =	vand.u32 $0x7, v8  }
0x42f: {  	v11 =	vsub.s32 v18, v1;
	v17 =	vand.u32 $0x7, v12;
	v26 =	vsub.s32 v16, v1  }
0x430: {  	v13 =	vsub.s32 v19, v1;
	vm1 =	vlt.u32 v6, $0xBE20;
	v6 =	vand.u32 $0xFFFFFFF8, v6  }
0x431: {  	v8 =	vand.u32 $0x7, v16;
	v20 =	vand.u32 $0x7, v14;
	v23 =	vor.u32 v5, v6  }
0x432: {  	v18 =	vand.u32 $0x7, v18;
	v19 =	vand.u32 $0x7, v19;
	v24 =	vand.u32 $0xFFFFFFF8, v21  }
0x433: {  	v10 =	vand.u32 $0xFFFFFFF8, v7;
	v16 =	vand.u32 $0xFFFFFFF8, v26;
	vm0 =	vlt.u32 v26, $0xBE20  }
0x434: {  	vm2 =	vlt.u32 v21, $0xBE20;
	v5 =	vand.u32 $0xFFFFFFF8, v22;
	v6 =	vsub.s32 v12, v1  }
0x435: {  	v12 =	vand.u32 $0xFFFFFFF8, v11;
	v8 =	vor.u32 v8, v16;
	v16 =	vand.u32 $0xFFFFFFF8, v13  }
0x436: {  	s14 =	simm.s32 $0x13880;
	s13 =	simm.s32 $0x0;
	v14 =	vor.u32 v25, v24;
	v9 =	vand.u32 $0xFFFFFFF8, v6;
	[tilespmem:v23+s30+$0x0] =	vst.idx.add.f32.msk vm1, v4;
	vm1 =	vlt.u32 v22, $0xBE20  }
.LBB2_44:
0x437: {  	v21 =	vld [tilespmem:s14+$0x30];
	s13 =	sadd.s32 $0x80, s13;
	v22 =	vor.u32 v15, v5;
	vm6 =	vlt.u32 v6, $0xBE20;
	v23 =	vor.u32 v17, v9  }
0x438: {  	vm5 =	vlt.u32 v7, $0xBE20;
	v24 =	vor.u32 v20, v10;
	vm4 =	vlt.u32 v11, $0xBE20;
	v9 =	vld [tilespmem:s14+$0xFFFFFFD0];
	p0 =	slt.u32 s13, $0xF80  }
0x439: {  	v25 =	vor.u32 v18, v12;
	vm3 =	vlt.u32 v13, $0xBE20;
	v26 =	vor.u32 v19, v16;
	v10 =	vld [tilespmem:s14+$0xFFFFFFE0]  }
0x43a: {  	v12 =	vld [tilespmem:s14+$0xFFFFFFF0]  }
0x43b: {  	v18 =	vld [tilespmem:s14+$0x0]  }
0x43c: {  	v19 =	vld [tilespmem:s14+$0x10];
	v5 =	vsub.s32 v21, v1  }
0x43d: {  	v6 =	vand.u32 $0x7, v21;
	v27 =	vld [tilespmem:s14+$0x20];
	vm7 =	vlt.u32 v5, $0xBE20;
	v5 =	vand.u32 $0xFFFFFFF8, v5  }
0x43e: {  	v21 =	vsub.s32 v9, v1;
	v16 =	vld [tilespmem:s14+$0xFFFFFFC0];
	v28 =	vsub.s32 v10, v1;
	v20 =	vor.u32 v6, v5  }
0x43f: {  	v29 =	vand.u32 $0xFFFFFFF8, v21;
	v5 =	vand.u32 $0xFFFFFFF8, v28;
	v6 =	vsub.s32 v12, v1;
	[tilespmem:v8+s30+$0x0] =	vst.idx.add.f32.msk vm0, v4  }
0x440: {  	v30 =	vand.u32 $0x7, v9;
	v9 =	vand.u32 $0xFFFFFFF8, v6;
	v7 =	vsub.s32 v18, v1;
	[tilespmem:v14+s30+$0x0] =	vst.idx.add.f32.msk vm2, v4  }
0x441: {  	v15 =	vand.u32 $0x7, v10;
	v10 =	vand.u32 $0xFFFFFFF8, v7;
	v11 =	vsub.s32 v19, v1;
	[tilespmem:v22+s30+$0x0] =	vst.idx.add.f32.msk vm1, v4  }
.Ltmp21:
0x442: {  	v17 =	vand.u32 $0x7, v12;
	v12 =	vand.u32 $0xFFFFFFF8, v11;
	v13 =	vsub.s32 v27, v1;
	[tilespmem:v23+s30+$0x0] =	vst.idx.add.f32.msk vm6, v4;
	(pc) =	sbr.rel @p0 .LBB2_44-.Ltmp21, $4  }
0x443: {  	v8 =	vsub.s32 v16, v1;
	v14 =	vand.u32 $0x7, v16;
	v16 =	vand.u32 $0xFFFFFFF8, v13;
	[tilespmem:v20+s30+$0x0] =	vst.idx.add.f32.msk vm7, v4  }
0x444: {  	v20 =	vand.u32 $0x7, v18;
	v18 =	vand.u32 $0x7, v19;
	v22 =	vand.u32 $0xFFFFFFF8, v8;
	[tilespmem:v24+s30+$0x0] =	vst.idx.add.f32.msk vm5, v4  }
0x445: {  	v19 =	vand.u32 $0x7, v27;
	vm0 =	vlt.u32 v8, $0xBE20;
	v8 =	vor.u32 v14, v22;
	[tilespmem:v25+s30+$0x0] =	vst.idx.add.f32.msk vm4, v4  }
0x446: {  	s14 =	sadd.s32 $0x80, s14;
	vm2 =	vlt.u32 v21, $0xBE20;
	vm1 =	vlt.u32 v28, $0xBE20;
	v14 =	vor.u32 v30, v29;
	[tilespmem:v26+s30+$0x0] =	vst.idx.add.f32.msk vm3, v4  }
0x447: {  	_ =	sdelay $0x1  }
0x448: {  	v5 =	vor.u32 v15, v5;
	vm3 =	vlt.u32 v6, $0xBE20  }
0x449: {  	v6 =	vor.u32 v17, v9;
	vm4 =	vlt.u32 v7, $0xBE20  }
0x44a: {  	v7 =	vor.u32 v20, v10;
	vm5 =	vlt.u32 v11, $0xBE20  }
0x44b: {  	v9 =	vor.u32 v18, v12;
	vm6 =	vlt.u32 v13, $0xBE20;
	[tilespmem:v8+s30+$0x0] =	vst.idx.add.f32.msk vm0, v4  }
0x44c: {  	v8 =	vor.u32 v19, v16;
	[tilespmem:v14+s30+$0x0] =	vst.idx.add.f32.msk vm2, v4  }
0x44d: {  	[tilespmem:v5+s30+$0x0] =	vst.idx.add.f32.msk vm1, v4  }
0x44e: {  	[tilespmem:v6+s30+$0x0] =	vst.idx.add.f32.msk vm3, v4  }
0x44f: {  	[tilespmem:v7+s30+$0x0] =	vst.idx.add.f32.msk vm4, v4  }
0x450: {  	[tilespmem:v9+s30+$0x0] =	vst.idx.add.f32.msk vm5, v4  }
0x451: {  	[tilespmem:v8+s30+$0x0] =	vst.idx.add.f32.msk vm6, v4  }
0x452: {  	_ =	swait.ge [sflag:s6], $0x1000  }
0x453: {  	[sflag:s6] =	ssyncset.done $0x0  }
0x454: {  	s13 =	simm.s32 $0x12800;
	[sflag:s6] =	ssyncadd.s32 $0xFFFFF000  }
0x455: {  	[tilespmem:s7], [sflag:$0x2] =	stream.linear.gather [hbm4b:s21+s30], $0x1000, $0x38;
	[tilespmem:$0x147C0] =	vst v63  }
0x456: {  	v5 =	vld [tilespmem:s13+$0x30]  }
0x457: {  	v7 =	vld [tilespmem:s13+$0xFFFFFFD0]  }
0x458: {  	v8 =	vld [tilespmem:s13+$0xFFFFFFE0]  }
0x459: {  	v12 =	vld [tilespmem:s13+$0xFFFFFFF0]  }
0x45a: {  	v14 =	vld [tilespmem:s13+$0x0]  }
0x45b: {  	v18 =	vld [tilespmem:s13+$0x10]  }
0x45c: {  	v16 =	vld [tilespmem:s13+$0xFFFFFFC0]  }
0x45d: {  	v19 =	vld [tilespmem:s13+$0x20]  }
0x45e: {  	v6 =	vsub.s32 v5, v1  }
0x45f: {  	v5 =	vand.u32 $0x7, v5;
	v21 =	vsub.s32 v7, v1;
	v22 =	vsub.s32 v8, v1  }
0x460: {  	v25 =	vand.u32 $0x7, v7;
	v7 =	vsub.s32 v14, v1;
	v15 =	vand.u32 $0x7, v8  }
0x461: {  	v11 =	vsub.s32 v18, v1;
	v17 =	vand.u32 $0x7, v12;
	v26 =	vsub.s32 v16, v1  }
0x462: {  	v13 =	vsub.s32 v19, v1;
	vm1 =	vlt.u32 v6, $0xBE20;
	v6 =	vand.u32 $0xFFFFFFF8, v6  }
0x463: {  	v8 =	vand.u32 $0x7, v16;
	v20 =	vand.u32 $0x7, v14;
	v23 =	vor.u32 v5, v6  }
0x464: {  	v18 =	vand.u32 $0x7, v18;
	v19 =	vand.u32 $0x7, v19;
	v24 =	vand.u32 $0xFFFFFFF8, v21  }
0x465: {  	v10 =	vand.u32 $0xFFFFFFF8, v7;
	v16 =	vand.u32 $0xFFFFFFF8, v26;
	vm0 =	vlt.u32 v26, $0xBE20  }
0x466: {  	vm2 =	vlt.u32 v21, $0xBE20;
	v5 =	vand.u32 $0xFFFFFFF8, v22;
	v6 =	vsub.s32 v12, v1  }
0x467: {  	v12 =	vand.u32 $0xFFFFFFF8, v11;
	v8 =	vor.u32 v8, v16;
	v16 =	vand.u32 $0xFFFFFFF8, v13  }
0x468: {  	s14 =	simm.s32 $0x12880;
	s13 =	simm.s32 $0x0;
	v14 =	vor.u32 v25, v24;
	v9 =	vand.u32 $0xFFFFFFF8, v6;
	[tilespmem:v23+s30+$0x0] =	vst.idx.add.f32.msk vm1, v4;
	vm1 =	vlt.u32 v22, $0xBE20  }
.LBB2_46:
0x469: {  	v21 =	vld [tilespmem:s14+$0x30];
	s13 =	sadd.s32 $0x80, s13;
	v22 =	vor.u32 v15, v5;
	vm6 =	vlt.u32 v6, $0xBE20;
	v23 =	vor.u32 v17, v9  }
0x46a: {  	vm5 =	vlt.u32 v7, $0xBE20;
	v24 =	vor.u32 v20, v10;
	vm4 =	vlt.u32 v11, $0xBE20;
	v9 =	vld [tilespmem:s14+$0xFFFFFFD0];
	p0 =	slt.u32 s13, $0xF80  }
0x46b: {  	v25 =	vor.u32 v18, v12;
	vm3 =	vlt.u32 v13, $0xBE20;
	v26 =	vor.u32 v19, v16;
	v10 =	vld [tilespmem:s14+$0xFFFFFFE0]  }
0x46c: {  	v12 =	vld [tilespmem:s14+$0xFFFFFFF0]  }
0x46d: {  	v18 =	vld [tilespmem:s14+$0x0]  }
0x46e: {  	v19 =	vld [tilespmem:s14+$0x10];
	v5 =	vsub.s32 v21, v1  }
0x46f: {  	v6 =	vand.u32 $0x7, v21;
	v27 =	vld [tilespmem:s14+$0x20];
	vm7 =	vlt.u32 v5, $0xBE20;
	v5 =	vand.u32 $0xFFFFFFF8, v5  }
0x470: {  	v21 =	vsub.s32 v9, v1;
	v16 =	vld [tilespmem:s14+$0xFFFFFFC0];
	v28 =	vsub.s32 v10, v1;
	v20 =	vor.u32 v6, v5  }
0x471: {  	v29 =	vand.u32 $0xFFFFFFF8, v21;
	v5 =	vand.u32 $0xFFFFFFF8, v28;
	v6 =	vsub.s32 v12, v1;
	[tilespmem:v8+s30+$0x0] =	vst.idx.add.f32.msk vm0, v4  }
0x472: {  	v30 =	vand.u32 $0x7, v9;
	v9 =	vand.u32 $0xFFFFFFF8, v6;
	v7 =	vsub.s32 v18, v1;
	[tilespmem:v14+s30+$0x0] =	vst.idx.add.f32.msk vm2, v4  }
0x473: {  	v15 =	vand.u32 $0x7, v10;
	v10 =	vand.u32 $0xFFFFFFF8, v7;
	v11 =	vsub.s32 v19, v1;
	[tilespmem:v22+s30+$0x0] =	vst.idx.add.f32.msk vm1, v4  }
.Ltmp22:
0x474: {  	v17 =	vand.u32 $0x7, v12;
	v12 =	vand.u32 $0xFFFFFFF8, v11;
	v13 =	vsub.s32 v27, v1;
	[tilespmem:v23+s30+$0x0] =	vst.idx.add.f32.msk vm6, v4;
	(pc) =	sbr.rel @p0 .LBB2_46-.Ltmp22, $4  }
0x475: {  	v8 =	vsub.s32 v16, v1;
	v14 =	vand.u32 $0x7, v16;
	v16 =	vand.u32 $0xFFFFFFF8, v13;
	[tilespmem:v20+s30+$0x0] =	vst.idx.add.f32.msk vm7, v4  }
0x476: {  	v20 =	vand.u32 $0x7, v18;
	v18 =	vand.u32 $0x7, v19;
	v22 =	vand.u32 $0xFFFFFFF8, v8;
	[tilespmem:v24+s30+$0x0] =	vst.idx.add.f32.msk vm5, v4  }
0x477: {  	v19 =	vand.u32 $0x7, v27;
	vm0 =	vlt.u32 v8, $0xBE20;
	v8 =	vor.u32 v14, v22;
	[tilespmem:v25+s30+$0x0] =	vst.idx.add.f32.msk vm4, v4  }
0x478: {  	s14 =	sadd.s32 $0x80, s14;
	vm2 =	vlt.u32 v21, $0xBE20;
	vm1 =	vlt.u32 v28, $0xBE20;
	v14 =	vor.u32 v30, v29;
	[tilespmem:v26+s30+$0x0] =	vst.idx.add.f32.msk vm3, v4  }
0x479: {  	_ =	sdelay $0x1  }
0x47a: {  	v5 =	vor.u32 v15, v5;
	vm3 =	vlt.u32 v6, $0xBE20  }
0x47b: {  	v6 =	vor.u32 v17, v9;
	vm4 =	vlt.u32 v7, $0xBE20  }
0x47c: {  	v7 =	vor.u32 v20, v10;
	vm5 =	vlt.u32 v11, $0xBE20  }
0x47d: {  	v9 =	vor.u32 v18, v12;
	vm6 =	vlt.u32 v13, $0xBE20;
	[tilespmem:v8+s30+$0x0] =	vst.idx.add.f32.msk vm0, v4  }
0x47e: {  	v8 =	vor.u32 v19, v16;
	[tilespmem:v14+s30+$0x0] =	vst.idx.add.f32.msk vm2, v4  }
0x47f: {  	[tilespmem:v5+s30+$0x0] =	vst.idx.add.f32.msk vm1, v4  }
0x480: {  	[tilespmem:v6+s30+$0x0] =	vst.idx.add.f32.msk vm3, v4  }
0x481: {  	[tilespmem:v7+s30+$0x0] =	vst.idx.add.f32.msk vm4, v4  }
0x482: {  	[tilespmem:v9+s30+$0x0] =	vst.idx.add.f32.msk vm5, v4  }
0x483: {  	[tilespmem:v8+s30+$0x0] =	vst.idx.add.f32.msk vm6, v4  }
0x484: {  	_ =	swait.ge [sflag:s9], $0x1000  }
0x485: {  	[sflag:s9] =	ssyncset.done $0x0  }
0x486: {  	s13 =	simm.s32 $0x13800;
	[sflag:s9] =	ssyncadd.s32 $0xFFFFF000  }
0x487: {  	[tilespmem:s5], [sflag:$0x1] =	stream.linear.gather [hbm4b:s22+s30], $0x1000, $0x38;
	[tilespmem:$0x147C0] =	vst v63  }
0x488: {  	v5 =	vld [tilespmem:s13+$0x30]  }
0x489: {  	v7 =	vld [tilespmem:s13+$0xFFFFFFD0]  }
0x48a: {  	v8 =	vld [tilespmem:s13+$0xFFFFFFE0]  }
0x48b: {  	v12 =	vld [tilespmem:s13+$0xFFFFFFF0]  }
0x48c: {  	v14 =	vld [tilespmem:s13+$0x0]  }
0x48d: {  	v18 =	vld [tilespmem:s13+$0x10]  }
0x48e: {  	v16 =	vld [tilespmem:s13+$0xFFFFFFC0]  }
0x48f: {  	v19 =	vld [tilespmem:s13+$0x20]  }
0x490: {  	v6 =	vsub.s32 v5, v1  }
0x491: {  	v5 =	vand.u32 $0x7, v5;
	v21 =	vsub.s32 v7, v1;
	v22 =	vsub.s32 v8, v1  }
0x492: {  	v25 =	vand.u32 $0x7, v7;
	v7 =	vsub.s32 v14, v1;
	v15 =	vand.u32 $0x7, v8  }
0x493: {  	v11 =	vsub.s32 v18, v1;
	v17 =	vand.u32 $0x7, v12;
	v26 =	vsub.s32 v16, v1  }
0x494: {  	v13 =	vsub.s32 v19, v1;
	vm1 =	vlt.u32 v6, $0xBE20;
	v6 =	vand.u32 $0xFFFFFFF8, v6  }
0x495: {  	v8 =	vand.u32 $0x7, v16;
	v20 =	vand.u32 $0x7, v14;
	v23 =	vor.u32 v5, v6  }
0x496: {  	v18 =	vand.u32 $0x7, v18;
	v19 =	vand.u32 $0x7, v19;
	v24 =	vand.u32 $0xFFFFFFF8, v21  }
0x497: {  	v10 =	vand.u32 $0xFFFFFFF8, v7;
	v16 =	vand.u32 $0xFFFFFFF8, v26;
	vm0 =	vlt.u32 v26, $0xBE20  }
0x498: {  	vm2 =	vlt.u32 v21, $0xBE20;
	v5 =	vand.u32 $0xFFFFFFF8, v22;
	v6 =	vsub.s32 v12, v1  }
0x499: {  	v12 =	vand.u32 $0xFFFFFFF8, v11;
	v8 =	vor.u32 v8, v16;
	v16 =	vand.u32 $0xFFFFFFF8, v13  }
0x49a: {  	s14 =	simm.s32 $0x13880;
	s13 =	simm.s32 $0x0;
	v14 =	vor.u32 v25, v24;
	v9 =	vand.u32 $0xFFFFFFF8, v6;
	[tilespmem:v23+s30+$0x0] =	vst.idx.add.f32.msk vm1, v4;
	vm1 =	vlt.u32 v22, $0xBE20  }
.LBB2_48:
0x49b: {  	v21 =	vld [tilespmem:s14+$0x30];
	s13 =	sadd.s32 $0x80, s13;
	v22 =	vor.u32 v15, v5;
	vm6 =	vlt.u32 v6, $0xBE20;
	v23 =	vor.u32 v17, v9  }
0x49c: {  	vm5 =	vlt.u32 v7, $0xBE20;
	v24 =	vor.u32 v20, v10;
	vm4 =	vlt.u32 v11, $0xBE20;
	v9 =	vld [tilespmem:s14+$0xFFFFFFD0];
	p0 =	slt.u32 s13, $0xF80  }
0x49d: {  	v25 =	vor.u32 v18, v12;
	vm3 =	vlt.u32 v13, $0xBE20;
	v26 =	vor.u32 v19, v16;
	v10 =	vld [tilespmem:s14+$0xFFFFFFE0]  }
0x49e: {  	v12 =	vld [tilespmem:s14+$0xFFFFFFF0]  }
0x49f: {  	v18 =	vld [tilespmem:s14+$0x0]  }
0x4a0: {  	v19 =	vld [tilespmem:s14+$0x10];
	v5 =	vsub.s32 v21, v1  }
0x4a1: {  	v6 =	vand.u32 $0x7, v21;
	v27 =	vld [tilespmem:s14+$0x20];
	vm7 =	vlt.u32 v5, $0xBE20;
	v5 =	vand.u32 $0xFFFFFFF8, v5  }
0x4a2: {  	v21 =	vsub.s32 v9, v1;
	v16 =	vld [tilespmem:s14+$0xFFFFFFC0];
	v28 =	vsub.s32 v10, v1;
	v20 =	vor.u32 v6, v5  }
0x4a3: {  	v29 =	vand.u32 $0xFFFFFFF8, v21;
	v5 =	vand.u32 $0xFFFFFFF8, v28;
	v6 =	vsub.s32 v12, v1;
	[tilespmem:v8+s30+$0x0] =	vst.idx.add.f32.msk vm0, v4  }
0x4a4: {  	v30 =	vand.u32 $0x7, v9;
	v9 =	vand.u32 $0xFFFFFFF8, v6;
	v7 =	vsub.s32 v18, v1;
	[tilespmem:v14+s30+$0x0] =	vst.idx.add.f32.msk vm2, v4  }
0x4a5: {  	v15 =	vand.u32 $0x7, v10;
	v10 =	vand.u32 $0xFFFFFFF8, v7;
	v11 =	vsub.s32 v19, v1;
	[tilespmem:v22+s30+$0x0] =	vst.idx.add.f32.msk vm1, v4  }
.Ltmp23:
0x4a6: {  	v17 =	vand.u32 $0x7, v12;
	v12 =	vand.u32 $0xFFFFFFF8, v11;
	v13 =	vsub.s32 v27, v1;
	[tilespmem:v23+s30+$0x0] =	vst.idx.add.f32.msk vm6, v4;
	(pc) =	sbr.rel @p0 .LBB2_48-.Ltmp23, $4  }
0x4a7: {  	v8 =	vsub.s32 v16, v1;
	v14 =	vand.u32 $0x7, v16;
	v16 =	vand.u32 $0xFFFFFFF8, v13;
	[tilespmem:v20+s30+$0x0] =	vst.idx.add.f32.msk vm7, v4  }
0x4a8: {  	v20 =	vand.u32 $0x7, v18;
	v18 =	vand.u32 $0x7, v19;
	v22 =	vand.u32 $0xFFFFFFF8, v8;
	[tilespmem:v24+s30+$0x0] =	vst.idx.add.f32.msk vm5, v4  }
0x4a9: {  	v19 =	vand.u32 $0x7, v27;
	vm0 =	vlt.u32 v8, $0xBE20;
	v8 =	vor.u32 v14, v22;
	[tilespmem:v25+s30+$0x0] =	vst.idx.add.f32.msk vm4, v4  }
0x4aa: {  	s14 =	sadd.s32 $0x80, s14;
	vm2 =	vlt.u32 v21, $0xBE20;
	vm1 =	vlt.u32 v28, $0xBE20;
	v14 =	vor.u32 v30, v29;
	[tilespmem:v26+s30+$0x0] =	vst.idx.add.f32.msk vm3, v4  }
0x4ab: {  	_ =	sdelay $0x1  }
0x4ac: {  	v5 =	vor.u32 v15, v5;
	vm3 =	vlt.u32 v6, $0xBE20  }
0x4ad: {  	v6 =	vor.u32 v17, v9;
	vm4 =	vlt.u32 v7, $0xBE20  }
0x4ae: {  	v7 =	vor.u32 v20, v10;
	vm5 =	vlt.u32 v11, $0xBE20  }
0x4af: {  	v9 =	vor.u32 v18, v12;
	vm6 =	vlt.u32 v13, $0xBE20;
	[tilespmem:v8+s30+$0x0] =	vst.idx.add.f32.msk vm0, v4  }
0x4b0: {  	v8 =	vor.u32 v19, v16;
	[tilespmem:v14+s30+$0x0] =	vst.idx.add.f32.msk vm2, v4  }
0x4b1: {  	[tilespmem:v5+s30+$0x0] =	vst.idx.add.f32.msk vm1, v4  }
0x4b2: {  	[tilespmem:v6+s30+$0x0] =	vst.idx.add.f32.msk vm3, v4  }
0x4b3: {  	[tilespmem:v7+s30+$0x0] =	vst.idx.add.f32.msk vm4, v4  }
0x4b4: {  	[tilespmem:v9+s30+$0x0] =	vst.idx.add.f32.msk vm5, v4  }
0x4b5: {  	[tilespmem:v8+s30+$0x0] =	vst.idx.add.f32.msk vm6, v4  }
0x4b6: {  	_ =	swait.ge [sflag:s6], $0x1000  }
0x4b7: {  	[sflag:s6] =	ssyncset.done $0x0  }
0x4b8: {  	s13 =	simm.s32 $0x12800;
	[sflag:s6] =	ssyncadd.s32 $0xFFFFF000  }
0x4b9: {  	[tilespmem:s7], [sflag:$0x2] =	stream.linear.gather [hbm4b:s23+s30], $0x1000, $0x38;
	[tilespmem:$0x147C0] =	vst v63  }
0x4ba: {  	v5 =	vld [tilespmem:s13+$0x30]  }
0x4bb: {  	v7 =	vld [tilespmem:s13+$0xFFFFFFD0]  }
0x4bc: {  	v8 =	vld [tilespmem:s13+$0xFFFFFFE0]  }
0x4bd: {  	v12 =	vld [tilespmem:s13+$0xFFFFFFF0]  }
0x4be: {  	v14 =	vld [tilespmem:s13+$0x0]  }
0x4bf: {  	v18 =	vld [tilespmem:s13+$0x10]  }
0x4c0: {  	v16 =	vld [tilespmem:s13+$0xFFFFFFC0]  }
0x4c1: {  	v19 =	vld [tilespmem:s13+$0x20]  }
0x4c2: {  	v6 =	vsub.s32 v5, v1  }
0x4c3: {  	v5 =	vand.u32 $0x7, v5;
	v21 =	vsub.s32 v7, v1;
	v22 =	vsub.s32 v8, v1  }
0x4c4: {  	v25 =	vand.u32 $0x7, v7;
	v7 =	vsub.s32 v14, v1;
	v15 =	vand.u32 $0x7, v8  }
0x4c5: {  	v11 =	vsub.s32 v18, v1;
	v17 =	vand.u32 $0x7, v12;
	v26 =	vsub.s32 v16, v1  }
0x4c6: {  	v13 =	vsub.s32 v19, v1;
	vm1 =	vlt.u32 v6, $0xBE20;
	v6 =	vand.u32 $0xFFFFFFF8, v6  }
0x4c7: {  	v8 =	vand.u32 $0x7, v16;
	v20 =	vand.u32 $0x7, v14;
	v23 =	vor.u32 v5, v6  }
0x4c8: {  	v18 =	vand.u32 $0x7, v18;
	v19 =	vand.u32 $0x7, v19;
	v24 =	vand.u32 $0xFFFFFFF8, v21  }
0x4c9: {  	v10 =	vand.u32 $0xFFFFFFF8, v7;
	v16 =	vand.u32 $0xFFFFFFF8, v26;
	vm0 =	vlt.u32 v26, $0xBE20  }
0x4ca: {  	vm2 =	vlt.u32 v21, $0xBE20;
	v5 =	vand.u32 $0xFFFFFFF8, v22;
	v6 =	vsub.s32 v12, v1  }
0x4cb: {  	v12 =	vand.u32 $0xFFFFFFF8, v11;
	v8 =	vor.u32 v8, v16;
	v16 =	vand.u32 $0xFFFFFFF8, v13  }
0x4cc: {  	s14 =	simm.s32 $0x12880;
	s13 =	simm.s32 $0x0;
	v14 =	vor.u32 v25, v24;
	v9 =	vand.u32 $0xFFFFFFF8, v6;
	[tilespmem:v23+s30+$0x0] =	vst.idx.add.f32.msk vm1, v4;
	vm1 =	vlt.u32 v22, $0xBE20  }
.LBB2_50:
0x4cd: {  	v21 =	vld [tilespmem:s14+$0x30];
	s13 =	sadd.s32 $0x80, s13;
	v22 =	vor.u32 v15, v5;
	vm6 =	vlt.u32 v6, $0xBE20;
	v23 =	vor.u32 v17, v9  }
0x4ce: {  	vm5 =	vlt.u32 v7, $0xBE20;
	v24 =	vor.u32 v20, v10;
	vm4 =	vlt.u32 v11, $0xBE20;
	v9 =	vld [tilespmem:s14+$0xFFFFFFD0];
	p0 =	slt.u32 s13, $0xF80  }
0x4cf: {  	v25 =	vor.u32 v18, v12;
	vm3 =	vlt.u32 v13, $0xBE20;
	v26 =	vor.u32 v19, v16;
	v10 =	vld [tilespmem:s14+$0xFFFFFFE0]  }
0x4d0: {  	v12 =	vld [tilespmem:s14+$0xFFFFFFF0]  }
0x4d1: {  	v18 =	vld [tilespmem:s14+$0x0]  }
0x4d2: {  	v19 =	vld [tilespmem:s14+$0x10];
	v5 =	vsub.s32 v21, v1  }
0x4d3: {  	v6 =	vand.u32 $0x7, v21;
	v27 =	vld [tilespmem:s14+$0x20];
	vm7 =	vlt.u32 v5, $0xBE20;
	v5 =	vand.u32 $0xFFFFFFF8, v5  }
0x4d4: {  	v21 =	vsub.s32 v9, v1;
	v16 =	vld [tilespmem:s14+$0xFFFFFFC0];
	v28 =	vsub.s32 v10, v1;
	v20 =	vor.u32 v6, v5  }
0x4d5: {  	v29 =	vand.u32 $0xFFFFFFF8, v21;
	v5 =	vand.u32 $0xFFFFFFF8, v28;
	v6 =	vsub.s32 v12, v1;
	[tilespmem:v8+s30+$0x0] =	vst.idx.add.f32.msk vm0, v4  }
0x4d6: {  	v30 =	vand.u32 $0x7, v9;
	v9 =	vand.u32 $0xFFFFFFF8, v6;
	v7 =	vsub.s32 v18, v1;
	[tilespmem:v14+s30+$0x0] =	vst.idx.add.f32.msk vm2, v4  }
0x4d7: {  	v15 =	vand.u32 $0x7, v10;
	v10 =	vand.u32 $0xFFFFFFF8, v7;
	v11 =	vsub.s32 v19, v1;
	[tilespmem:v22+s30+$0x0] =	vst.idx.add.f32.msk vm1, v4  }
.Ltmp24:
0x4d8: {  	v17 =	vand.u32 $0x7, v12;
	v12 =	vand.u32 $0xFFFFFFF8, v11;
	v13 =	vsub.s32 v27, v1;
	[tilespmem:v23+s30+$0x0] =	vst.idx.add.f32.msk vm6, v4;
	(pc) =	sbr.rel @p0 .LBB2_50-.Ltmp24, $4  }
0x4d9: {  	v8 =	vsub.s32 v16, v1;
	v14 =	vand.u32 $0x7, v16;
	v16 =	vand.u32 $0xFFFFFFF8, v13;
	[tilespmem:v20+s30+$0x0] =	vst.idx.add.f32.msk vm7, v4  }
0x4da: {  	v20 =	vand.u32 $0x7, v18;
	v18 =	vand.u32 $0x7, v19;
	v22 =	vand.u32 $0xFFFFFFF8, v8;
	[tilespmem:v24+s30+$0x0] =	vst.idx.add.f32.msk vm5, v4  }
0x4db: {  	v19 =	vand.u32 $0x7, v27;
	vm0 =	vlt.u32 v8, $0xBE20;
	v8 =	vor.u32 v14, v22;
	[tilespmem:v25+s30+$0x0] =	vst.idx.add.f32.msk vm4, v4  }
0x4dc: {  	s14 =	sadd.s32 $0x80, s14;
	vm2 =	vlt.u32 v21, $0xBE20;
	vm1 =	vlt.u32 v28, $0xBE20;
	v14 =	vor.u32 v30, v29;
	[tilespmem:v26+s30+$0x0] =	vst.idx.add.f32.msk vm3, v4  }
0x4dd: {  	_ =	sdelay $0x1  }
0x4de: {  	v5 =	vor.u32 v15, v5;
	vm3 =	vlt.u32 v6, $0xBE20  }
0x4df: {  	v6 =	vor.u32 v17, v9;
	vm4 =	vlt.u32 v7, $0xBE20  }
0x4e0: {  	v7 =	vor.u32 v20, v10;
	vm5 =	vlt.u32 v11, $0xBE20  }
0x4e1: {  	v9 =	vor.u32 v18, v12;
	vm6 =	vlt.u32 v13, $0xBE20;
	[tilespmem:v8+s30+$0x0] =	vst.idx.add.f32.msk vm0, v4  }
0x4e2: {  	v8 =	vor.u32 v19, v16;
	[tilespmem:v14+s30+$0x0] =	vst.idx.add.f32.msk vm2, v4  }
0x4e3: {  	[tilespmem:v5+s30+$0x0] =	vst.idx.add.f32.msk vm1, v4  }
0x4e4: {  	[tilespmem:v6+s30+$0x0] =	vst.idx.add.f32.msk vm3, v4  }
0x4e5: {  	[tilespmem:v7+s30+$0x0] =	vst.idx.add.f32.msk vm4, v4  }
0x4e6: {  	[tilespmem:v9+s30+$0x0] =	vst.idx.add.f32.msk vm5, v4  }
0x4e7: {  	[tilespmem:v8+s30+$0x0] =	vst.idx.add.f32.msk vm6, v4  }
0x4e8: {  	_ =	swait.ge [sflag:s9], $0x1000  }
0x4e9: {  	[sflag:s9] =	ssyncset.done $0x0  }
0x4ea: {  	s13 =	simm.s32 $0x13800;
	[sflag:s9] =	ssyncadd.s32 $0xFFFFF000  }
0x4eb: {  	[tilespmem:s5], [sflag:$0x1] =	stream.linear.gather [hbm4b:s24+s30], $0x1000, $0x38;
	[tilespmem:$0x147C0] =	vst v63  }
0x4ec: {  	v5 =	vld [tilespmem:s13+$0x30]  }
0x4ed: {  	v7 =	vld [tilespmem:s13+$0xFFFFFFD0]  }
0x4ee: {  	v8 =	vld [tilespmem:s13+$0xFFFFFFE0]  }
0x4ef: {  	v12 =	vld [tilespmem:s13+$0xFFFFFFF0]  }
0x4f0: {  	v14 =	vld [tilespmem:s13+$0x0]  }
0x4f1: {  	v18 =	vld [tilespmem:s13+$0x10]  }
0x4f2: {  	v16 =	vld [tilespmem:s13+$0xFFFFFFC0]  }
0x4f3: {  	v19 =	vld [tilespmem:s13+$0x20]  }
0x4f4: {  	v6 =	vsub.s32 v5, v1  }
0x4f5: {  	v5 =	vand.u32 $0x7, v5;
	v21 =	vsub.s32 v7, v1;
	v22 =	vsub.s32 v8, v1  }
0x4f6: {  	v25 =	vand.u32 $0x7, v7;
	v7 =	vsub.s32 v14, v1;
	v15 =	vand.u32 $0x7, v8  }
0x4f7: {  	v11 =	vsub.s32 v18, v1;
	v17 =	vand.u32 $0x7, v12;
	v26 =	vsub.s32 v16, v1  }
0x4f8: {  	v13 =	vsub.s32 v19, v1;
	vm1 =	vlt.u32 v6, $0xBE20;
	v6 =	vand.u32 $0xFFFFFFF8, v6  }
0x4f9: {  	v8 =	vand.u32 $0x7, v16;
	v20 =	vand.u32 $0x7, v14;
	v23 =	vor.u32 v5, v6  }
0x4fa: {  	v18 =	vand.u32 $0x7, v18;
	v19 =	vand.u32 $0x7, v19;
	v24 =	vand.u32 $0xFFFFFFF8, v21  }
0x4fb: {  	v10 =	vand.u32 $0xFFFFFFF8, v7;
	v16 =	vand.u32 $0xFFFFFFF8, v26;
	vm0 =	vlt.u32 v26, $0xBE20  }
0x4fc: {  	vm2 =	vlt.u32 v21, $0xBE20;
	v5 =	vand.u32 $0xFFFFFFF8, v22;
	v6 =	vsub.s32 v12, v1  }
0x4fd: {  	v12 =	vand.u32 $0xFFFFFFF8, v11;
	v8 =	vor.u32 v8, v16;
	v16 =	vand.u32 $0xFFFFFFF8, v13  }
0x4fe: {  	s14 =	simm.s32 $0x13880;
	s13 =	simm.s32 $0x0;
	v14 =	vor.u32 v25, v24;
	v9 =	vand.u32 $0xFFFFFFF8, v6;
	[tilespmem:v23+s30+$0x0] =	vst.idx.add.f32.msk vm1, v4;
	vm1 =	vlt.u32 v22, $0xBE20  }
.LBB2_52:
0x4ff: {  	v21 =	vld [tilespmem:s14+$0x30];
	s13 =	sadd.s32 $0x80, s13;
	v22 =	vor.u32 v15, v5;
	vm6 =	vlt.u32 v6, $0xBE20;
	v23 =	vor.u32 v17, v9  }
0x500: {  	vm5 =	vlt.u32 v7, $0xBE20;
	v24 =	vor.u32 v20, v10;
	vm4 =	vlt.u32 v11, $0xBE20;
	v9 =	vld [tilespmem:s14+$0xFFFFFFD0];
	p0 =	slt.u32 s13, $0xF80  }
0x501: {  	v25 =	vor.u32 v18, v12;
	vm3 =	vlt.u32 v13, $0xBE20;
	v26 =	vor.u32 v19, v16;
	v10 =	vld [tilespmem:s14+$0xFFFFFFE0]  }
0x502: {  	v12 =	vld [tilespmem:s14+$0xFFFFFFF0]  }
0x503: {  	v18 =	vld [tilespmem:s14+$0x0]  }
0x504: {  	v19 =	vld [tilespmem:s14+$0x10];
	v5 =	vsub.s32 v21, v1  }
0x505: {  	v6 =	vand.u32 $0x7, v21;
	v27 =	vld [tilespmem:s14+$0x20];
	vm7 =	vlt.u32 v5, $0xBE20;
	v5 =	vand.u32 $0xFFFFFFF8, v5  }
0x506: {  	v21 =	vsub.s32 v9, v1;
	v16 =	vld [tilespmem:s14+$0xFFFFFFC0];
	v28 =	vsub.s32 v10, v1;
	v20 =	vor.u32 v6, v5  }
0x507: {  	v29 =	vand.u32 $0xFFFFFFF8, v21;
	v5 =	vand.u32 $0xFFFFFFF8, v28;
	v6 =	vsub.s32 v12, v1;
	[tilespmem:v8+s30+$0x0] =	vst.idx.add.f32.msk vm0, v4  }
0x508: {  	v30 =	vand.u32 $0x7, v9;
	v9 =	vand.u32 $0xFFFFFFF8, v6;
	v7 =	vsub.s32 v18, v1;
	[tilespmem:v14+s30+$0x0] =	vst.idx.add.f32.msk vm2, v4  }
0x509: {  	v15 =	vand.u32 $0x7, v10;
	v10 =	vand.u32 $0xFFFFFFF8, v7;
	v11 =	vsub.s32 v19, v1;
	[tilespmem:v22+s30+$0x0] =	vst.idx.add.f32.msk vm1, v4  }
.Ltmp25:
0x50a: {  	v17 =	vand.u32 $0x7, v12;
	v12 =	vand.u32 $0xFFFFFFF8, v11;
	v13 =	vsub.s32 v27, v1;
	[tilespmem:v23+s30+$0x0] =	vst.idx.add.f32.msk vm6, v4;
	(pc) =	sbr.rel @p0 .LBB2_52-.Ltmp25, $4  }
0x50b: {  	v8 =	vsub.s32 v16, v1;
	v14 =	vand.u32 $0x7, v16;
	v16 =	vand.u32 $0xFFFFFFF8, v13;
	[tilespmem:v20+s30+$0x0] =	vst.idx.add.f32.msk vm7, v4  }
0x50c: {  	v20 =	vand.u32 $0x7, v18;
	v18 =	vand.u32 $0x7, v19;
	v22 =	vand.u32 $0xFFFFFFF8, v8;
	[tilespmem:v24+s30+$0x0] =	vst.idx.add.f32.msk vm5, v4  }
0x50d: {  	v19 =	vand.u32 $0x7, v27;
	vm0 =	vlt.u32 v8, $0xBE20;
	v8 =	vor.u32 v14, v22;
	[tilespmem:v25+s30+$0x0] =	vst.idx.add.f32.msk vm4, v4  }
0x50e: {  	s14 =	sadd.s32 $0x80, s14;
	vm2 =	vlt.u32 v21, $0xBE20;
	vm1 =	vlt.u32 v28, $0xBE20;
	v14 =	vor.u32 v30, v29;
	[tilespmem:v26+s30+$0x0] =	vst.idx.add.f32.msk vm3, v4  }
0x50f: {  	_ =	sdelay $0x1  }
0x510: {  	v5 =	vor.u32 v15, v5;
	vm3 =	vlt.u32 v6, $0xBE20  }
0x511: {  	v6 =	vor.u32 v17, v9;
	vm4 =	vlt.u32 v7, $0xBE20  }
0x512: {  	v7 =	vor.u32 v20, v10;
	vm5 =	vlt.u32 v11, $0xBE20  }
0x513: {  	v9 =	vor.u32 v18, v12;
	vm6 =	vlt.u32 v13, $0xBE20;
	[tilespmem:v8+s30+$0x0] =	vst.idx.add.f32.msk vm0, v4  }
0x514: {  	v8 =	vor.u32 v19, v16;
	[tilespmem:v14+s30+$0x0] =	vst.idx.add.f32.msk vm2, v4  }
0x515: {  	[tilespmem:v5+s30+$0x0] =	vst.idx.add.f32.msk vm1, v4  }
0x516: {  	[tilespmem:v6+s30+$0x0] =	vst.idx.add.f32.msk vm3, v4  }
0x517: {  	[tilespmem:v7+s30+$0x0] =	vst.idx.add.f32.msk vm4, v4  }
0x518: {  	[tilespmem:v9+s30+$0x0] =	vst.idx.add.f32.msk vm5, v4  }
0x519: {  	[tilespmem:v8+s30+$0x0] =	vst.idx.add.f32.msk vm6, v4  }
0x51a: {  	_ =	swait.ge [sflag:s6], $0x1000  }
0x51b: {  	[sflag:s6] =	ssyncset.done $0x0  }
0x51c: {  	s13 =	simm.s32 $0x12800;
	[sflag:s6] =	ssyncadd.s32 $0xFFFFF000  }
0x51d: {  	[tilespmem:s7], [sflag:$0x2] =	stream.linear.gather [hbm4b:s25+s30], $0x1000, $0x38;
	[tilespmem:$0x147C0] =	vst v63  }
0x51e: {  	v5 =	vld [tilespmem:s13+$0x30]  }
0x51f: {  	v7 =	vld [tilespmem:s13+$0xFFFFFFD0]  }
0x520: {  	v8 =	vld [tilespmem:s13+$0xFFFFFFE0]  }
0x521: {  	v12 =	vld [tilespmem:s13+$0xFFFFFFF0]  }
0x522: {  	v14 =	vld [tilespmem:s13+$0x0]  }
0x523: {  	v18 =	vld [tilespmem:s13+$0x10]  }
0x524: {  	v16 =	vld [tilespmem:s13+$0xFFFFFFC0]  }
0x525: {  	v19 =	vld [tilespmem:s13+$0x20]  }
0x526: {  	v6 =	vsub.s32 v5, v1  }
0x527: {  	v5 =	vand.u32 $0x7, v5;
	v21 =	vsub.s32 v7, v1;
	v22 =	vsub.s32 v8, v1  }
0x528: {  	v25 =	vand.u32 $0x7, v7;
	v7 =	vsub.s32 v14, v1;
	v15 =	vand.u32 $0x7, v8  }
0x529: {  	v11 =	vsub.s32 v18, v1;
	v17 =	vand.u32 $0x7, v12;
	v26 =	vsub.s32 v16, v1  }
0x52a: {  	v13 =	vsub.s32 v19, v1;
	vm1 =	vlt.u32 v6, $0xBE20;
	v6 =	vand.u32 $0xFFFFFFF8, v6  }
0x52b: {  	v8 =	vand.u32 $0x7, v16;
	v20 =	vand.u32 $0x7, v14;
	v23 =	vor.u32 v5, v6  }
0x52c: {  	v18 =	vand.u32 $0x7, v18;
	v19 =	vand.u32 $0x7, v19;
	v24 =	vand.u32 $0xFFFFFFF8, v21  }
0x52d: {  	v10 =	vand.u32 $0xFFFFFFF8, v7;
	v16 =	vand.u32 $0xFFFFFFF8, v26;
	vm0 =	vlt.u32 v26, $0xBE20  }
0x52e: {  	vm2 =	vlt.u32 v21, $0xBE20;
	v5 =	vand.u32 $0xFFFFFFF8, v22;
	v6 =	vsub.s32 v12, v1  }
0x52f: {  	v12 =	vand.u32 $0xFFFFFFF8, v11;
	v8 =	vor.u32 v8, v16;
	v16 =	vand.u32 $0xFFFFFFF8, v13  }
0x530: {  	s14 =	simm.s32 $0x12880;
	s13 =	simm.s32 $0x0;
	v14 =	vor.u32 v25, v24;
	v9 =	vand.u32 $0xFFFFFFF8, v6;
	[tilespmem:v23+s30+$0x0] =	vst.idx.add.f32.msk vm1, v4;
	vm1 =	vlt.u32 v22, $0xBE20  }
.LBB2_54:
0x531: {  	v21 =	vld [tilespmem:s14+$0x30];
	s13 =	sadd.s32 $0x80, s13;
	v22 =	vor.u32 v15, v5;
	vm6 =	vlt.u32 v6, $0xBE20;
	v23 =	vor.u32 v17, v9  }
0x532: {  	vm5 =	vlt.u32 v7, $0xBE20;
	v24 =	vor.u32 v20, v10;
	vm4 =	vlt.u32 v11, $0xBE20;
	v9 =	vld [tilespmem:s14+$0xFFFFFFD0];
	p0 =	slt.u32 s13, $0xF80  }
0x533: {  	v25 =	vor.u32 v18, v12;
	vm3 =	vlt.u32 v13, $0xBE20;
	v26 =	vor.u32 v19, v16;
	v10 =	vld [tilespmem:s14+$0xFFFFFFE0]  }
0x534: {  	v12 =	vld [tilespmem:s14+$0xFFFFFFF0]  }
0x535: {  	v18 =	vld [tilespmem:s14+$0x0]  }
0x536: {  	v19 =	vld [tilespmem:s14+$0x10];
	v5 =	vsub.s32 v21, v1  }
0x537: {  	v6 =	vand.u32 $0x7, v21;
	v27 =	vld [tilespmem:s14+$0x20];
	vm7 =	vlt.u32 v5, $0xBE20;
	v5 =	vand.u32 $0xFFFFFFF8, v5  }
0x538: {  	v21 =	vsub.s32 v9, v1;
	v16 =	vld [tilespmem:s14+$0xFFFFFFC0];
	v28 =	vsub.s32 v10, v1;
	v20 =	vor.u32 v6, v5  }
0x539: {  	v29 =	vand.u32 $0xFFFFFFF8, v21;
	v5 =	vand.u32 $0xFFFFFFF8, v28;
	v6 =	vsub.s32 v12, v1;
	[tilespmem:v8+s30+$0x0] =	vst.idx.add.f32.msk vm0, v4  }
0x53a: {  	v30 =	vand.u32 $0x7, v9;
	v9 =	vand.u32 $0xFFFFFFF8, v6;
	v7 =	vsub.s32 v18, v1;
	[tilespmem:v14+s30+$0x0] =	vst.idx.add.f32.msk vm2, v4  }
0x53b: {  	v15 =	vand.u32 $0x7, v10;
	v10 =	vand.u32 $0xFFFFFFF8, v7;
	v11 =	vsub.s32 v19, v1;
	[tilespmem:v22+s30+$0x0] =	vst.idx.add.f32.msk vm1, v4  }
.Ltmp26:
0x53c: {  	v17 =	vand.u32 $0x7, v12;
	v12 =	vand.u32 $0xFFFFFFF8, v11;
	v13 =	vsub.s32 v27, v1;
	[tilespmem:v23+s30+$0x0] =	vst.idx.add.f32.msk vm6, v4;
	(pc) =	sbr.rel @p0 .LBB2_54-.Ltmp26, $4  }
0x53d: {  	v8 =	vsub.s32 v16, v1;
	v14 =	vand.u32 $0x7, v16;
	v16 =	vand.u32 $0xFFFFFFF8, v13;
	[tilespmem:v20+s30+$0x0] =	vst.idx.add.f32.msk vm7, v4  }
0x53e: {  	v20 =	vand.u32 $0x7, v18;
	v18 =	vand.u32 $0x7, v19;
	v22 =	vand.u32 $0xFFFFFFF8, v8;
	[tilespmem:v24+s30+$0x0] =	vst.idx.add.f32.msk vm5, v4  }
0x53f: {  	v19 =	vand.u32 $0x7, v27;
	vm0 =	vlt.u32 v8, $0xBE20;
	v8 =	vor.u32 v14, v22;
	[tilespmem:v25+s30+$0x0] =	vst.idx.add.f32.msk vm4, v4  }
0x540: {  	s14 =	sadd.s32 $0x80, s14;
	vm2 =	vlt.u32 v21, $0xBE20;
	vm1 =	vlt.u32 v28, $0xBE20;
	v14 =	vor.u32 v30, v29;
	[tilespmem:v26+s30+$0x0] =	vst.idx.add.f32.msk vm3, v4  }
0x541: {  	_ =	sdelay $0x1  }
0x542: {  	v5 =	vor.u32 v15, v5;
	vm3 =	vlt.u32 v6, $0xBE20  }
0x543: {  	v6 =	vor.u32 v17, v9;
	vm4 =	vlt.u32 v7, $0xBE20  }
0x544: {  	v7 =	vor.u32 v20, v10;
	vm5 =	vlt.u32 v11, $0xBE20  }
0x545: {  	v9 =	vor.u32 v18, v12;
	vm6 =	vlt.u32 v13, $0xBE20;
	[tilespmem:v8+s30+$0x0] =	vst.idx.add.f32.msk vm0, v4  }
0x546: {  	v8 =	vor.u32 v19, v16;
	[tilespmem:v14+s30+$0x0] =	vst.idx.add.f32.msk vm2, v4  }
0x547: {  	[tilespmem:v5+s30+$0x0] =	vst.idx.add.f32.msk vm1, v4  }
0x548: {  	[tilespmem:v6+s30+$0x0] =	vst.idx.add.f32.msk vm3, v4  }
0x549: {  	[tilespmem:v7+s30+$0x0] =	vst.idx.add.f32.msk vm4, v4  }
0x54a: {  	[tilespmem:v9+s30+$0x0] =	vst.idx.add.f32.msk vm5, v4  }
0x54b: {  	[tilespmem:v8+s30+$0x0] =	vst.idx.add.f32.msk vm6, v4  }
0x54c: {  	_ =	swait.ge [sflag:s9], $0x1000  }
0x54d: {  	[sflag:s9] =	ssyncset.done $0x0  }
0x54e: {  	s13 =	simm.s32 $0x13800;
	[sflag:s9] =	ssyncadd.s32 $0xFFFFF000  }
0x54f: {  	[tilespmem:s5], [sflag:$0x1] =	stream.linear.gather [hbm4b:s26+s30], $0x1000, $0x38;
	[tilespmem:$0x147C0] =	vst v63  }
0x550: {  	v5 =	vld [tilespmem:s13+$0x30]  }
0x551: {  	v7 =	vld [tilespmem:s13+$0xFFFFFFD0]  }
0x552: {  	v8 =	vld [tilespmem:s13+$0xFFFFFFE0]  }
0x553: {  	v12 =	vld [tilespmem:s13+$0xFFFFFFF0]  }
0x554: {  	v14 =	vld [tilespmem:s13+$0x0]  }
0x555: {  	v18 =	vld [tilespmem:s13+$0x10]  }
0x556: {  	v16 =	vld [tilespmem:s13+$0xFFFFFFC0]  }
0x557: {  	v19 =	vld [tilespmem:s13+$0x20]  }
0x558: {  	v6 =	vsub.s32 v5, v1  }
0x559: {  	v5 =	vand.u32 $0x7, v5;
	v21 =	vsub.s32 v7, v1;
	v22 =	vsub.s32 v8, v1  }
0x55a: {  	v25 =	vand.u32 $0x7, v7;
	v7 =	vsub.s32 v14, v1;
	v15 =	vand.u32 $0x7, v8  }
0x55b: {  	v11 =	vsub.s32 v18, v1;
	v17 =	vand.u32 $0x7, v12;
	v26 =	vsub.s32 v16, v1  }
0x55c: {  	v13 =	vsub.s32 v19, v1;
	vm1 =	vlt.u32 v6, $0xBE20;
	v6 =	vand.u32 $0xFFFFFFF8, v6  }
0x55d: {  	v8 =	vand.u32 $0x7, v16;
	v20 =	vand.u32 $0x7, v14;
	v23 =	vor.u32 v5, v6  }
0x55e: {  	v18 =	vand.u32 $0x7, v18;
	v19 =	vand.u32 $0x7, v19;
	v24 =	vand.u32 $0xFFFFFFF8, v21  }
0x55f: {  	v10 =	vand.u32 $0xFFFFFFF8, v7;
	v16 =	vand.u32 $0xFFFFFFF8, v26;
	vm0 =	vlt.u32 v26, $0xBE20  }
0x560: {  	vm2 =	vlt.u32 v21, $0xBE20;
	v5 =	vand.u32 $0xFFFFFFF8, v22;
	v6 =	vsub.s32 v12, v1  }
0x561: {  	v12 =	vand.u32 $0xFFFFFFF8, v11;
	v8 =	vor.u32 v8, v16;
	v16 =	vand.u32 $0xFFFFFFF8, v13  }
0x562: {  	s14 =	simm.s32 $0x13880;
	s13 =	simm.s32 $0x0;
	v14 =	vor.u32 v25, v24;
	v9 =	vand.u32 $0xFFFFFFF8, v6;
	[tilespmem:v23+s30+$0x0] =	vst.idx.add.f32.msk vm1, v4;
	vm1 =	vlt.u32 v22, $0xBE20  }
.LBB2_56:
0x563: {  	v21 =	vld [tilespmem:s14+$0x30];
	s13 =	sadd.s32 $0x80, s13;
	v22 =	vor.u32 v15, v5;
	vm6 =	vlt.u32 v6, $0xBE20;
	v23 =	vor.u32 v17, v9  }
0x564: {  	vm5 =	vlt.u32 v7, $0xBE20;
	v24 =	vor.u32 v20, v10;
	vm4 =	vlt.u32 v11, $0xBE20;
	v9 =	vld [tilespmem:s14+$0xFFFFFFD0];
	p0 =	slt.u32 s13, $0xF80  }
0x565: {  	v25 =	vor.u32 v18, v12;
	vm3 =	vlt.u32 v13, $0xBE20;
	v26 =	vor.u32 v19, v16;
	v10 =	vld [tilespmem:s14+$0xFFFFFFE0]  }
0x566: {  	v12 =	vld [tilespmem:s14+$0xFFFFFFF0]  }
0x567: {  	v18 =	vld [tilespmem:s14+$0x0]  }
0x568: {  	v19 =	vld [tilespmem:s14+$0x10];
	v5 =	vsub.s32 v21, v1  }
0x569: {  	v6 =	vand.u32 $0x7, v21;
	v27 =	vld [tilespmem:s14+$0x20];
	vm7 =	vlt.u32 v5, $0xBE20;
	v5 =	vand.u32 $0xFFFFFFF8, v5  }
0x56a: {  	v21 =	vsub.s32 v9, v1;
	v16 =	vld [tilespmem:s14+$0xFFFFFFC0];
	v28 =	vsub.s32 v10, v1;
	v20 =	vor.u32 v6, v5  }
0x56b: {  	v29 =	vand.u32 $0xFFFFFFF8, v21;
	v5 =	vand.u32 $0xFFFFFFF8, v28;
	v6 =	vsub.s32 v12, v1;
	[tilespmem:v8+s30+$0x0] =	vst.idx.add.f32.msk vm0, v4  }
0x56c: {  	v30 =	vand.u32 $0x7, v9;
	v9 =	vand.u32 $0xFFFFFFF8, v6;
	v7 =	vsub.s32 v18, v1;
	[tilespmem:v14+s30+$0x0] =	vst.idx.add.f32.msk vm2, v4  }
0x56d: {  	v15 =	vand.u32 $0x7, v10;
	v10 =	vand.u32 $0xFFFFFFF8, v7;
	v11 =	vsub.s32 v19, v1;
	[tilespmem:v22+s30+$0x0] =	vst.idx.add.f32.msk vm1, v4  }
.Ltmp27:
0x56e: {  	v17 =	vand.u32 $0x7, v12;
	v12 =	vand.u32 $0xFFFFFFF8, v11;
	v13 =	vsub.s32 v27, v1;
	[tilespmem:v23+s30+$0x0] =	vst.idx.add.f32.msk vm6, v4;
	(pc) =	sbr.rel @p0 .LBB2_56-.Ltmp27, $4  }
0x56f: {  	v8 =	vsub.s32 v16, v1;
	v14 =	vand.u32 $0x7, v16;
	v16 =	vand.u32 $0xFFFFFFF8, v13;
	[tilespmem:v20+s30+$0x0] =	vst.idx.add.f32.msk vm7, v4  }
0x570: {  	v20 =	vand.u32 $0x7, v18;
	v18 =	vand.u32 $0x7, v19;
	v22 =	vand.u32 $0xFFFFFFF8, v8;
	[tilespmem:v24+s30+$0x0] =	vst.idx.add.f32.msk vm5, v4  }
0x571: {  	v19 =	vand.u32 $0x7, v27;
	vm0 =	vlt.u32 v8, $0xBE20;
	v8 =	vor.u32 v14, v22;
	[tilespmem:v25+s30+$0x0] =	vst.idx.add.f32.msk vm4, v4  }
0x572: {  	s14 =	sadd.s32 $0x80, s14;
	vm2 =	vlt.u32 v21, $0xBE20;
	vm1 =	vlt.u32 v28, $0xBE20;
	v14 =	vor.u32 v30, v29;
	[tilespmem:v26+s30+$0x0] =	vst.idx.add.f32.msk vm3, v4  }
0x573: {  	_ =	sdelay $0x1  }
0x574: {  	v5 =	vor.u32 v15, v5;
	vm3 =	vlt.u32 v6, $0xBE20  }
0x575: {  	v6 =	vor.u32 v17, v9;
	vm4 =	vlt.u32 v7, $0xBE20  }
0x576: {  	v7 =	vor.u32 v20, v10;
	vm5 =	vlt.u32 v11, $0xBE20  }
0x577: {  	v9 =	vor.u32 v18, v12;
	vm6 =	vlt.u32 v13, $0xBE20;
	[tilespmem:v8+s30+$0x0] =	vst.idx.add.f32.msk vm0, v4  }
0x578: {  	v8 =	vor.u32 v19, v16;
	[tilespmem:v14+s30+$0x0] =	vst.idx.add.f32.msk vm2, v4  }
0x579: {  	[tilespmem:v5+s30+$0x0] =	vst.idx.add.f32.msk vm1, v4  }
0x57a: {  	[tilespmem:v6+s30+$0x0] =	vst.idx.add.f32.msk vm3, v4  }
0x57b: {  	[tilespmem:v7+s30+$0x0] =	vst.idx.add.f32.msk vm4, v4  }
0x57c: {  	[tilespmem:v9+s30+$0x0] =	vst.idx.add.f32.msk vm5, v4  }
0x57d: {  	[tilespmem:v8+s30+$0x0] =	vst.idx.add.f32.msk vm6, v4  }
0x57e: {  	_ =	swait.ge [sflag:s6], $0x1000  }
0x57f: {  	[sflag:s6] =	ssyncset.done $0x0  }
0x580: {  	s13 =	simm.s32 $0x12800;
	[sflag:s6] =	ssyncadd.s32 $0xFFFFF000  }
0x581: {  	[tilespmem:s7], [sflag:$0x2] =	stream.linear.gather [hbm4b:s28+s30], $0x1000, $0x38;
	[tilespmem:$0x147C0] =	vst v63  }
0x582: {  	v5 =	vld [tilespmem:s13+$0x30]  }
0x583: {  	v7 =	vld [tilespmem:s13+$0xFFFFFFD0]  }
0x584: {  	v8 =	vld [tilespmem:s13+$0xFFFFFFE0]  }
0x585: {  	v12 =	vld [tilespmem:s13+$0xFFFFFFF0]  }
0x586: {  	v14 =	vld [tilespmem:s13+$0x0]  }
0x587: {  	v18 =	vld [tilespmem:s13+$0x10]  }
0x588: {  	v16 =	vld [tilespmem:s13+$0xFFFFFFC0]  }
0x589: {  	v19 =	vld [tilespmem:s13+$0x20]  }
0x58a: {  	v6 =	vsub.s32 v5, v1  }
0x58b: {  	v5 =	vand.u32 $0x7, v5;
	v21 =	vsub.s32 v7, v1;
	v22 =	vsub.s32 v8, v1  }
0x58c: {  	v25 =	vand.u32 $0x7, v7;
	v7 =	vsub.s32 v14, v1;
	v15 =	vand.u32 $0x7, v8  }
0x58d: {  	v11 =	vsub.s32 v18, v1;
	v17 =	vand.u32 $0x7, v12;
	v26 =	vsub.s32 v16, v1  }
0x58e: {  	v13 =	vsub.s32 v19, v1;
	vm1 =	vlt.u32 v6, $0xBE20;
	v6 =	vand.u32 $0xFFFFFFF8, v6  }
0x58f: {  	v8 =	vand.u32 $0x7, v16;
	v20 =	vand.u32 $0x7, v14;
	v23 =	vor.u32 v5, v6  }
0x590: {  	v18 =	vand.u32 $0x7, v18;
	v19 =	vand.u32 $0x7, v19;
	v24 =	vand.u32 $0xFFFFFFF8, v21  }
0x591: {  	v10 =	vand.u32 $0xFFFFFFF8, v7;
	v16 =	vand.u32 $0xFFFFFFF8, v26;
	vm0 =	vlt.u32 v26, $0xBE20  }
0x592: {  	vm2 =	vlt.u32 v21, $0xBE20;
	v5 =	vand.u32 $0xFFFFFFF8, v22;
	v6 =	vsub.s32 v12, v1  }
0x593: {  	v12 =	vand.u32 $0xFFFFFFF8, v11;
	v8 =	vor.u32 v8, v16;
	v16 =	vand.u32 $0xFFFFFFF8, v13  }
0x594: {  	s14 =	simm.s32 $0x12880;
	s13 =	simm.s32 $0x0;
	v14 =	vor.u32 v25, v24;
	v9 =	vand.u32 $0xFFFFFFF8, v6;
	[tilespmem:v23+s30+$0x0] =	vst.idx.add.f32.msk vm1, v4;
	vm1 =	vlt.u32 v22, $0xBE20  }
.LBB2_58:
0x595: {  	v21 =	vld [tilespmem:s14+$0x30];
	s13 =	sadd.s32 $0x80, s13;
	v22 =	vor.u32 v15, v5;
	vm6 =	vlt.u32 v6, $0xBE20;
	v23 =	vor.u32 v17, v9  }
0x596: {  	vm5 =	vlt.u32 v7, $0xBE20;
	v24 =	vor.u32 v20, v10;
	vm4 =	vlt.u32 v11, $0xBE20;
	v9 =	vld [tilespmem:s14+$0xFFFFFFD0];
	p0 =	slt.u32 s13, $0xF80  }
0x597: {  	v25 =	vor.u32 v18, v12;
	vm3 =	vlt.u32 v13, $0xBE20;
	v26 =	vor.u32 v19, v16;
	v10 =	vld [tilespmem:s14+$0xFFFFFFE0]  }
0x598: {  	v12 =	vld [tilespmem:s14+$0xFFFFFFF0]  }
0x599: {  	v18 =	vld [tilespmem:s14+$0x0]  }
0x59a: {  	v19 =	vld [tilespmem:s14+$0x10];
	v5 =	vsub.s32 v21, v1  }
0x59b: {  	v6 =	vand.u32 $0x7, v21;
	v27 =	vld [tilespmem:s14+$0x20];
	vm7 =	vlt.u32 v5, $0xBE20;
	v5 =	vand.u32 $0xFFFFFFF8, v5  }
0x59c: {  	v21 =	vsub.s32 v9, v1;
	v16 =	vld [tilespmem:s14+$0xFFFFFFC0];
	v28 =	vsub.s32 v10, v1;
	v20 =	vor.u32 v6, v5  }
0x59d: {  	v29 =	vand.u32 $0xFFFFFFF8, v21;
	v5 =	vand.u32 $0xFFFFFFF8, v28;
	v6 =	vsub.s32 v12, v1;
	[tilespmem:v8+s30+$0x0] =	vst.idx.add.f32.msk vm0, v4  }
0x59e: {  	v30 =	vand.u32 $0x7, v9;
	v9 =	vand.u32 $0xFFFFFFF8, v6;
	v7 =	vsub.s32 v18, v1;
	[tilespmem:v14+s30+$0x0] =	vst.idx.add.f32.msk vm2, v4  }
0x59f: {  	v15 =	vand.u32 $0x7, v10;
	v10 =	vand.u32 $0xFFFFFFF8, v7;
	v11 =	vsub.s32 v19, v1;
	[tilespmem:v22+s30+$0x0] =	vst.idx.add.f32.msk vm1, v4  }
.Ltmp28:
0x5a0: {  	v17 =	vand.u32 $0x7, v12;
	v12 =	vand.u32 $0xFFFFFFF8, v11;
	v13 =	vsub.s32 v27, v1;
	[tilespmem:v23+s30+$0x0] =	vst.idx.add.f32.msk vm6, v4;
	(pc) =	sbr.rel @p0 .LBB2_58-.Ltmp28, $4  }
0x5a1: {  	v8 =	vsub.s32 v16, v1;
	v14 =	vand.u32 $0x7, v16;
	v16 =	vand.u32 $0xFFFFFFF8, v13;
	[tilespmem:v20+s30+$0x0] =	vst.idx.add.f32.msk vm7, v4  }
0x5a2: {  	v20 =	vand.u32 $0x7, v18;
	v18 =	vand.u32 $0x7, v19;
	v22 =	vand.u32 $0xFFFFFFF8, v8;
	[tilespmem:v24+s30+$0x0] =	vst.idx.add.f32.msk vm5, v4  }
0x5a3: {  	v19 =	vand.u32 $0x7, v27;
	vm0 =	vlt.u32 v8, $0xBE20;
	v8 =	vor.u32 v14, v22;
	[tilespmem:v25+s30+$0x0] =	vst.idx.add.f32.msk vm4, v4  }
0x5a4: {  	s14 =	sadd.s32 $0x80, s14;
	vm2 =	vlt.u32 v21, $0xBE20;
	vm1 =	vlt.u32 v28, $0xBE20;
	v14 =	vor.u32 v30, v29;
	[tilespmem:v26+s30+$0x0] =	vst.idx.add.f32.msk vm3, v4  }
0x5a5: {  	_ =	sdelay $0x1  }
0x5a6: {  	v5 =	vor.u32 v15, v5;
	vm3 =	vlt.u32 v6, $0xBE20  }
0x5a7: {  	v6 =	vor.u32 v17, v9;
	vm4 =	vlt.u32 v7, $0xBE20  }
0x5a8: {  	v7 =	vor.u32 v20, v10;
	vm5 =	vlt.u32 v11, $0xBE20  }
0x5a9: {  	v9 =	vor.u32 v18, v12;
	vm6 =	vlt.u32 v13, $0xBE20;
	[tilespmem:v8+s30+$0x0] =	vst.idx.add.f32.msk vm0, v4  }
0x5aa: {  	v8 =	vor.u32 v19, v16;
	[tilespmem:v14+s30+$0x0] =	vst.idx.add.f32.msk vm2, v4  }
0x5ab: {  	[tilespmem:v5+s30+$0x0] =	vst.idx.add.f32.msk vm1, v4  }
0x5ac: {  	[tilespmem:v6+s30+$0x0] =	vst.idx.add.f32.msk vm3, v4  }
0x5ad: {  	[tilespmem:v7+s30+$0x0] =	vst.idx.add.f32.msk vm4, v4  }
0x5ae: {  	[tilespmem:v9+s30+$0x0] =	vst.idx.add.f32.msk vm5, v4  }
0x5af: {  	[tilespmem:v8+s30+$0x0] =	vst.idx.add.f32.msk vm6, v4  }
0x5b0: {  	_ =	swait.ge [sflag:s9], $0x1000  }
0x5b1: {  	[sflag:s9] =	ssyncset.done $0x0  }
0x5b2: {  	s13 =	simm.s32 $0x13800;
	[sflag:s9] =	ssyncadd.s32 $0xFFFFF000  }
0x5b3: {  	[tilespmem:s5], [sflag:$0x1] =	stream.linear.gather [hbm4b:s29+s30], $0x1000, $0x38;
	[tilespmem:$0x147C0] =	vst v63  }
0x5b4: {  	v5 =	vld [tilespmem:s13+$0x30]  }
0x5b5: {  	v7 =	vld [tilespmem:s13+$0xFFFFFFD0]  }
0x5b6: {  	v8 =	vld [tilespmem:s13+$0xFFFFFFE0]  }
0x5b7: {  	v12 =	vld [tilespmem:s13+$0xFFFFFFF0]  }
0x5b8: {  	v14 =	vld [tilespmem:s13+$0x0]  }
0x5b9: {  	v18 =	vld [tilespmem:s13+$0x10]  }
0x5ba: {  	v16 =	vld [tilespmem:s13+$0xFFFFFFC0]  }
0x5bb: {  	v19 =	vld [tilespmem:s13+$0x20]  }
0x5bc: {  	v6 =	vsub.s32 v5, v1  }
0x5bd: {  	v5 =	vand.u32 $0x7, v5;
	v21 =	vsub.s32 v7, v1;
	v22 =	vsub.s32 v8, v1  }
0x5be: {  	v25 =	vand.u32 $0x7, v7;
	v7 =	vsub.s32 v14, v1;
	v15 =	vand.u32 $0x7, v8  }
0x5bf: {  	v11 =	vsub.s32 v18, v1;
	v17 =	vand.u32 $0x7, v12;
	v26 =	vsub.s32 v16, v1  }
0x5c0: {  	v13 =	vsub.s32 v19, v1;
	vm1 =	vlt.u32 v6, $0xBE20;
	v6 =	vand.u32 $0xFFFFFFF8, v6  }
0x5c1: {  	v8 =	vand.u32 $0x7, v16;
	v20 =	vand.u32 $0x7, v14;
	v23 =	vor.u32 v5, v6  }
0x5c2: {  	v18 =	vand.u32 $0x7, v18;
	v19 =	vand.u32 $0x7, v19;
	v24 =	vand.u32 $0xFFFFFFF8, v21  }
0x5c3: {  	v10 =	vand.u32 $0xFFFFFFF8, v7;
	v16 =	vand.u32 $0xFFFFFFF8, v26;
	vm0 =	vlt.u32 v26, $0xBE20  }
0x5c4: {  	vm2 =	vlt.u32 v21, $0xBE20;
	v5 =	vand.u32 $0xFFFFFFF8, v22;
	v6 =	vsub.s32 v12, v1  }
0x5c5: {  	v12 =	vand.u32 $0xFFFFFFF8, v11;
	v8 =	vor.u32 v8, v16;
	v16 =	vand.u32 $0xFFFFFFF8, v13  }
0x5c6: {  	s14 =	simm.s32 $0x13880;
	s13 =	simm.s32 $0x0;
	v14 =	vor.u32 v25, v24;
	v9 =	vand.u32 $0xFFFFFFF8, v6;
	[tilespmem:v23+s30+$0x0] =	vst.idx.add.f32.msk vm1, v4;
	vm1 =	vlt.u32 v22, $0xBE20  }
.LBB2_60:
0x5c7: {  	v21 =	vld [tilespmem:s14+$0x30];
	s13 =	sadd.s32 $0x80, s13;
	v22 =	vor.u32 v15, v5;
	vm6 =	vlt.u32 v6, $0xBE20;
	v23 =	vor.u32 v17, v9  }
0x5c8: {  	vm5 =	vlt.u32 v7, $0xBE20;
	v24 =	vor.u32 v20, v10;
	vm4 =	vlt.u32 v11, $0xBE20;
	v9 =	vld [tilespmem:s14+$0xFFFFFFD0];
	p0 =	slt.u32 s13, $0xF80  }
0x5c9: {  	v25 =	vor.u32 v18, v12;
	vm3 =	vlt.u32 v13, $0xBE20;
	v26 =	vor.u32 v19, v16;
	v10 =	vld [tilespmem:s14+$0xFFFFFFE0]  }
0x5ca: {  	v12 =	vld [tilespmem:s14+$0xFFFFFFF0]  }
0x5cb: {  	v18 =	vld [tilespmem:s14+$0x0]  }
0x5cc: {  	v19 =	vld [tilespmem:s14+$0x10];
	v5 =	vsub.s32 v21, v1  }
0x5cd: {  	v6 =	vand.u32 $0x7, v21;
	v27 =	vld [tilespmem:s14+$0x20];
	vm7 =	vlt.u32 v5, $0xBE20;
	v5 =	vand.u32 $0xFFFFFFF8, v5  }
0x5ce: {  	v21 =	vsub.s32 v9, v1;
	v16 =	vld [tilespmem:s14+$0xFFFFFFC0];
	v28 =	vsub.s32 v10, v1;
	v20 =	vor.u32 v6, v5  }
0x5cf: {  	v29 =	vand.u32 $0xFFFFFFF8, v21;
	v5 =	vand.u32 $0xFFFFFFF8, v28;
	v6 =	vsub.s32 v12, v1;
	[tilespmem:v8+s30+$0x0] =	vst.idx.add.f32.msk vm0, v4  }
0x5d0: {  	v30 =	vand.u32 $0x7, v9;
	v9 =	vand.u32 $0xFFFFFFF8, v6;
	v7 =	vsub.s32 v18, v1;
	[tilespmem:v14+s30+$0x0] =	vst.idx.add.f32.msk vm2, v4  }
0x5d1: {  	v15 =	vand.u32 $0x7, v10;
	v10 =	vand.u32 $0xFFFFFFF8, v7;
	v11 =	vsub.s32 v19, v1;
	[tilespmem:v22+s30+$0x0] =	vst.idx.add.f32.msk vm1, v4  }
.Ltmp29:
0x5d2: {  	v17 =	vand.u32 $0x7, v12;
	v12 =	vand.u32 $0xFFFFFFF8, v11;
	v13 =	vsub.s32 v27, v1;
	[tilespmem:v23+s30+$0x0] =	vst.idx.add.f32.msk vm6, v4;
	(pc) =	sbr.rel @p0 .LBB2_60-.Ltmp29, $4  }
0x5d3: {  	v8 =	vsub.s32 v16, v1;
	v14 =	vand.u32 $0x7, v16;
	v16 =	vand.u32 $0xFFFFFFF8, v13;
	[tilespmem:v20+s30+$0x0] =	vst.idx.add.f32.msk vm7, v4  }
0x5d4: {  	v20 =	vand.u32 $0x7, v18;
	v18 =	vand.u32 $0x7, v19;
	v22 =	vand.u32 $0xFFFFFFF8, v8;
	[tilespmem:v24+s30+$0x0] =	vst.idx.add.f32.msk vm5, v4  }
0x5d5: {  	v19 =	vand.u32 $0x7, v27;
	vm0 =	vlt.u32 v8, $0xBE20;
	v8 =	vor.u32 v14, v22;
	[tilespmem:v25+s30+$0x0] =	vst.idx.add.f32.msk vm4, v4  }
0x5d6: {  	s14 =	sadd.s32 $0x80, s14;
	vm2 =	vlt.u32 v21, $0xBE20;
	vm1 =	vlt.u32 v28, $0xBE20;
	v14 =	vor.u32 v30, v29;
	[tilespmem:v26+s30+$0x0] =	vst.idx.add.f32.msk vm3, v4  }
0x5d7: {  	_ =	sdelay $0x1  }
0x5d8: {  	v5 =	vor.u32 v15, v5;
	vm3 =	vlt.u32 v6, $0xBE20  }
0x5d9: {  	v6 =	vor.u32 v17, v9;
	vm4 =	vlt.u32 v7, $0xBE20  }
0x5da: {  	v7 =	vor.u32 v20, v10;
	vm5 =	vlt.u32 v11, $0xBE20  }
0x5db: {  	v9 =	vor.u32 v18, v12;
	vm6 =	vlt.u32 v13, $0xBE20;
	[tilespmem:v8+s30+$0x0] =	vst.idx.add.f32.msk vm0, v4  }
0x5dc: {  	v8 =	vor.u32 v19, v16;
	[tilespmem:v14+s30+$0x0] =	vst.idx.add.f32.msk vm2, v4  }
0x5dd: {  	[tilespmem:v5+s30+$0x0] =	vst.idx.add.f32.msk vm1, v4  }
0x5de: {  	[tilespmem:v6+s30+$0x0] =	vst.idx.add.f32.msk vm3, v4  }
0x5df: {  	[tilespmem:v7+s30+$0x0] =	vst.idx.add.f32.msk vm4, v4  }
0x5e0: {  	[tilespmem:v9+s30+$0x0] =	vst.idx.add.f32.msk vm5, v4  }
0x5e1: {  	[tilespmem:v8+s30+$0x0] =	vst.idx.add.f32.msk vm6, v4  }
0x5e2: {  	_ =	swait.ge [sflag:s6], $0x1000  }
0x5e3: {  	[sflag:s6] =	ssyncset.done $0x0  }
0x5e4: {  	s13 =	simm.s32 $0x12800;
	[sflag:s6] =	ssyncadd.s32 $0xFFFFF000  }
0x5e5: {  	v5 =	vld [tilespmem:s13+$0x30]  }
0x5e6: {  	v7 =	vld [tilespmem:s13+$0xFFFFFFD0]  }
0x5e7: {  	v8 =	vld [tilespmem:s13+$0xFFFFFFE0]  }
0x5e8: {  	v12 =	vld [tilespmem:s13+$0xFFFFFFF0]  }
0x5e9: {  	v14 =	vld [tilespmem:s13+$0x0]  }
0x5ea: {  	v18 =	vld [tilespmem:s13+$0x10]  }
0x5eb: {  	v16 =	vld [tilespmem:s13+$0xFFFFFFC0]  }
0x5ec: {  	v19 =	vld [tilespmem:s13+$0x20]  }
0x5ed: {  	v6 =	vsub.s32 v5, v1  }
0x5ee: {  	v5 =	vand.u32 $0x7, v5;
	v21 =	vsub.s32 v7, v1;
	v22 =	vsub.s32 v8, v1  }
0x5ef: {  	v25 =	vand.u32 $0x7, v7;
	v7 =	vsub.s32 v14, v1;
	v15 =	vand.u32 $0x7, v8  }
0x5f0: {  	v11 =	vsub.s32 v18, v1;
	v17 =	vand.u32 $0x7, v12;
	v26 =	vsub.s32 v16, v1  }
0x5f1: {  	v13 =	vsub.s32 v19, v1;
	vm1 =	vlt.u32 v6, $0xBE20;
	v6 =	vand.u32 $0xFFFFFFF8, v6  }
0x5f2: {  	v8 =	vand.u32 $0x7, v16;
	v20 =	vand.u32 $0x7, v14;
	v23 =	vor.u32 v5, v6  }
0x5f3: {  	v18 =	vand.u32 $0x7, v18;
	v19 =	vand.u32 $0x7, v19;
	v24 =	vand.u32 $0xFFFFFFF8, v21  }
0x5f4: {  	v10 =	vand.u32 $0xFFFFFFF8, v7;
	v16 =	vand.u32 $0xFFFFFFF8, v26;
	vm0 =	vlt.u32 v26, $0xBE20  }
0x5f5: {  	vm2 =	vlt.u32 v21, $0xBE20;
	v5 =	vand.u32 $0xFFFFFFF8, v22;
	v6 =	vsub.s32 v12, v1  }
0x5f6: {  	v12 =	vand.u32 $0xFFFFFFF8, v11;
	v8 =	vor.u32 v8, v16;
	v16 =	vand.u32 $0xFFFFFFF8, v13  }
0x5f7: {  	s14 =	simm.s32 $0x12880;
	s13 =	simm.s32 $0x0;
	v14 =	vor.u32 v25, v24;
	v9 =	vand.u32 $0xFFFFFFF8, v6;
	[tilespmem:v23+s30+$0x0] =	vst.idx.add.f32.msk vm1, v4;
	vm1 =	vlt.u32 v22, $0xBE20  }
.LBB2_62:
0x5f8: {  	v21 =	vld [tilespmem:s14+$0x30];
	s13 =	sadd.s32 $0x80, s13;
	v22 =	vor.u32 v15, v5;
	vm6 =	vlt.u32 v6, $0xBE20;
	v23 =	vor.u32 v17, v9  }
0x5f9: {  	vm5 =	vlt.u32 v7, $0xBE20;
	v24 =	vor.u32 v20, v10;
	vm4 =	vlt.u32 v11, $0xBE20;
	v9 =	vld [tilespmem:s14+$0xFFFFFFD0];
	p0 =	slt.u32 s13, $0xF80  }
0x5fa: {  	v25 =	vor.u32 v18, v12;
	vm3 =	vlt.u32 v13, $0xBE20;
	v26 =	vor.u32 v19, v16;
	v10 =	vld [tilespmem:s14+$0xFFFFFFE0]  }
0x5fb: {  	v12 =	vld [tilespmem:s14+$0xFFFFFFF0]  }
0x5fc: {  	v18 =	vld [tilespmem:s14+$0x0]  }
0x5fd: {  	v19 =	vld [tilespmem:s14+$0x10];
	v5 =	vsub.s32 v21, v1  }
0x5fe: {  	v6 =	vand.u32 $0x7, v21;
	v27 =	vld [tilespmem:s14+$0x20];
	vm7 =	vlt.u32 v5, $0xBE20;
	v5 =	vand.u32 $0xFFFFFFF8, v5  }
0x5ff: {  	v21 =	vsub.s32 v9, v1;
	v16 =	vld [tilespmem:s14+$0xFFFFFFC0];
	v28 =	vsub.s32 v10, v1;
	v20 =	vor.u32 v6, v5  }
0x600: {  	v29 =	vand.u32 $0xFFFFFFF8, v21;
	v5 =	vand.u32 $0xFFFFFFF8, v28;
	v6 =	vsub.s32 v12, v1;
	[tilespmem:v8+s30+$0x0] =	vst.idx.add.f32.msk vm0, v4  }
0x601: {  	v30 =	vand.u32 $0x7, v9;
	v9 =	vand.u32 $0xFFFFFFF8, v6;
	v7 =	vsub.s32 v18, v1;
	[tilespmem:v14+s30+$0x0] =	vst.idx.add.f32.msk vm2, v4  }
0x602: {  	v15 =	vand.u32 $0x7, v10;
	v10 =	vand.u32 $0xFFFFFFF8, v7;
	v11 =	vsub.s32 v19, v1;
	[tilespmem:v22+s30+$0x0] =	vst.idx.add.f32.msk vm1, v4  }
.Ltmp30:
0x603: {  	v17 =	vand.u32 $0x7, v12;
	v12 =	vand.u32 $0xFFFFFFF8, v11;
	v13 =	vsub.s32 v27, v1;
	[tilespmem:v23+s30+$0x0] =	vst.idx.add.f32.msk vm6, v4;
	(pc) =	sbr.rel @p0 .LBB2_62-.Ltmp30, $4  }
0x604: {  	v8 =	vsub.s32 v16, v1;
	v14 =	vand.u32 $0x7, v16;
	v16 =	vand.u32 $0xFFFFFFF8, v13;
	[tilespmem:v20+s30+$0x0] =	vst.idx.add.f32.msk vm7, v4  }
0x605: {  	v20 =	vand.u32 $0x7, v18;
	v18 =	vand.u32 $0x7, v19;
	v22 =	vand.u32 $0xFFFFFFF8, v8;
	[tilespmem:v24+s30+$0x0] =	vst.idx.add.f32.msk vm5, v4  }
0x606: {  	v19 =	vand.u32 $0x7, v27;
	vm0 =	vlt.u32 v8, $0xBE20;
	v8 =	vor.u32 v14, v22;
	[tilespmem:v25+s30+$0x0] =	vst.idx.add.f32.msk vm4, v4  }
0x607: {  	s14 =	sadd.s32 $0x80, s14;
	vm2 =	vlt.u32 v21, $0xBE20;
	vm1 =	vlt.u32 v28, $0xBE20;
	v14 =	vor.u32 v30, v29;
	[tilespmem:v26+s30+$0x0] =	vst.idx.add.f32.msk vm3, v4  }
0x608: {  	_ =	sdelay $0x1  }
0x609: {  	v5 =	vor.u32 v15, v5;
	vm3 =	vlt.u32 v6, $0xBE20  }
0x60a: {  	v6 =	vor.u32 v17, v9;
	vm4 =	vlt.u32 v7, $0xBE20  }
0x60b: {  	v7 =	vor.u32 v20, v10;
	vm5 =	vlt.u32 v11, $0xBE20  }
0x60c: {  	v62 =	vor.u32 v18, v12;
	vm6 =	vlt.u32 v13, $0xBE20;
	[tilespmem:v8+s30+$0x0] =	vst.idx.add.f32.msk vm0, v4  }
0x60d: {  	v63 =	vor.u32 v19, v16;
	[tilespmem:v14+s30+$0x0] =	vst.idx.add.f32.msk vm2, v4  }
0x60e: {  	[tilespmem:v5+s30+$0x0] =	vst.idx.add.f32.msk vm1, v4  }
0x60f: {  	[tilespmem:v6+s30+$0x0] =	vst.idx.add.f32.msk vm3, v4  }
0x610: {  	[tilespmem:v7+s30+$0x0] =	vst.idx.add.f32.msk vm4, v4  }
0x611: {  	[tilespmem:v62+s30+$0x0] =	vst.idx.add.f32.msk vm5, v4  }
0x612: {  	s13 =	simm.s32 $0xBE60;
	[tilespmem:v63+s30+$0x0] =	vst.idx.add.f32.msk vm6, v4  }
0x613: {  	[hbm4b:s3+s30] =	stream.linear.scatter [tilespmem:s30], [sflag:$0x3], $0xBE20, $0x38;
	[tilespmem:$0x147C0] =	vst v63  }
0x614: {  	[tilespmem:s13+$0xFFFFFFC0] =	vst v3  }
0x615: {  	[tilespmem:s13+$0x30] =	vst v3  }
0x616: {  	[tilespmem:s13+$0x20] =	vst v3  }
0x617: {  	[tilespmem:s13+$0x10] =	vst v3  }
0x618: {  	[tilespmem:s13+$0x0] =	vst v3  }
0x619: {  	[tilespmem:s13+$0xFFFFFFF0] =	vst v3  }
0x61a: {  	s16 =	simm.s32 $0x0;
	s14 =	simm.s32 $0xD320;
	[tilespmem:s13+$0xFFFFFFE0] =	vst v3  }
.LBB2_64:
0x61b: {  	s16 =	sadd.s32 $0x80, s16;
	[tilespmem:s13+$0xFFFFFFD0] =	vst v3;
	s13 =	sadd.s32 $0x80, s13;
	s15 =	simm.s32 $0x14F0  }
0x61c: {  	[tilespmem:s13+$0xFFFFFFC0] =	vst v3;
	p0 =	slt.u32 s16, $0x1480  }
0x61d: {  	[tilespmem:s13+$0x30] =	vst v3  }
.Ltmp31:
0x61e: {  	[tilespmem:s13+$0x20] =	vst v3;
	(pc) =	sbr.rel @p0 .LBB2_64-.Ltmp31, $4  }
0x61f: {  	[tilespmem:s13+$0x10] =	vst v3  }
0x620: {  	[tilespmem:s13+$0x0] =	vst v3  }
0x621: {  	[tilespmem:s13+$0xFFFFFFF0] =	vst v3  }
0x622: {  	[tilespmem:s13+$0xFFFFFFE0] =	vst v3  }
0x623: {  	[tilespmem:s13+$0xFFFFFFD0] =	vst v3  }
.LBB2_66:
0x624: {  	s15 =	sadd.s32 $0x10, s15  }
0x625: {  	p0 =	slt.u32 s15, $0x1510  }
.Ltmp32:
0x626: {  	_ = 	snop;
	(pc) =	sbr.rel @p0 .LBB2_66-.Ltmp32, $2  }
0x627: {  	_ =	sdelay $0x2  }
0x628: {  	[tilespmem:s14+$0x0] =	vst v3;
	s14 =	sadd.s32 $0x10, s14  }
0x629: {  	[tilespmem:s5], [sflag:$0x1] =	stream.linear.gather [hbm4b:s31+s30], $0x1000, $0x38;
	[tilespmem:$0x147C0] =	vst v63  }
0x62a: {  	_ =	swait.ge [sflag:s6], $0x1000  }
0x62b: {  	[sflag:s6] =	ssyncset.done $0x0  }
0x62c: {  	s13 =	simm.s32 $0x12800;
	[sflag:s6] =	ssyncadd.s32 $0xFFFFF000  }
0x62d: {  	[tilespmem:s7], [sflag:$0x2] =	stream.linear.gather [hbm4b:s0+s30], $0x1000, $0x38;
	[tilespmem:$0x147C0] =	vst v63  }
0x62e: {  	v5 =	vld [tilespmem:s13+$0x30]  }
0x62f: {  	v7 =	vld [tilespmem:s13+$0xFFFFFFD0]  }
0x630: {  	v8 =	vld [tilespmem:s13+$0xFFFFFFE0]  }
0x631: {  	v12 =	vld [tilespmem:s13+$0xFFFFFFF0]  }
0x632: {  	v14 =	vld [tilespmem:s13+$0x0]  }
0x633: {  	v18 =	vld [tilespmem:s13+$0x10]  }
0x634: {  	v16 =	vld [tilespmem:s13+$0xFFFFFFC0]  }
0x635: {  	v19 =	vld [tilespmem:s13+$0x20]  }
0x636: {  	v6 =	vsub.s32 v5, v2  }
0x637: {  	v5 =	vand.u32 $0x7, v5;
	v21 =	vsub.s32 v7, v2;
	v22 =	vsub.s32 v8, v2  }
0x638: {  	v25 =	vand.u32 $0x7, v7;
	v7 =	vsub.s32 v14, v2;
	v15 =	vand.u32 $0x7, v8  }
0x639: {  	v11 =	vsub.s32 v18, v2;
	v17 =	vand.u32 $0x7, v12;
	v26 =	vsub.s32 v16, v2  }
0x63a: {  	v13 =	vsub.s32 v19, v2;
	vm1 =	vlt.u32 v6, $0x1520;
	v6 =	vand.u32 $0xFFFFFFF8, v6  }
0x63b: {  	v8 =	vand.u32 $0x7, v16;
	v20 =	vand.u32 $0x7, v14;
	v23 =	vor.u32 v5, v6  }
0x63c: {  	v18 =	vand.u32 $0x7, v18;
	v19 =	vand.u32 $0x7, v19;
	v24 =	vand.u32 $0xFFFFFFF8, v21  }
0x63d: {  	v10 =	vand.u32 $0xFFFFFFF8, v7;
	v16 =	vand.u32 $0xFFFFFFF8, v26;
	vm0 =	vlt.u32 v26, $0x1520  }
0x63e: {  	vm2 =	vlt.u32 v21, $0x1520;
	v5 =	vand.u32 $0xFFFFFFF8, v22;
	v6 =	vsub.s32 v12, v2  }
0x63f: {  	v12 =	vand.u32 $0xFFFFFFF8, v11;
	v8 =	vor.u32 v8, v16;
	v16 =	vand.u32 $0xFFFFFFF8, v13  }
0x640: {  	s14 =	simm.s32 $0x12880;
	s13 =	simm.s32 $0x0;
	v14 =	vor.u32 v25, v24;
	v9 =	vand.u32 $0xFFFFFFF8, v6;
	[tilespmem:v23+s10+$0x0] =	vst.idx.add.f32.msk vm1, v4;
	vm1 =	vlt.u32 v22, $0x1520  }
.LBB2_68:
0x641: {  	v21 =	vld [tilespmem:s14+$0x30];
	s13 =	sadd.s32 $0x80, s13;
	v22 =	vor.u32 v15, v5;
	vm6 =	vlt.u32 v6, $0x1520;
	v23 =	vor.u32 v17, v9  }
0x642: {  	vm5 =	vlt.u32 v7, $0x1520;
	v24 =	vor.u32 v20, v10;
	vm4 =	vlt.u32 v11, $0x1520;
	v9 =	vld [tilespmem:s14+$0xFFFFFFD0];
	p0 =	slt.u32 s13, $0xF80  }
0x643: {  	v25 =	vor.u32 v18, v12;
	vm3 =	vlt.u32 v13, $0x1520;
	v26 =	vor.u32 v19, v16;
	v10 =	vld [tilespmem:s14+$0xFFFFFFE0]  }
0x644: {  	v12 =	vld [tilespmem:s14+$0xFFFFFFF0]  }
0x645: {  	v18 =	vld [tilespmem:s14+$0x0]  }
0x646: {  	v19 =	vld [tilespmem:s14+$0x10];
	v5 =	vsub.s32 v21, v2  }
0x647: {  	v6 =	vand.u32 $0x7, v21;
	v27 =	vld [tilespmem:s14+$0x20];
	vm7 =	vlt.u32 v5, $0x1520;
	v5 =	vand.u32 $0xFFFFFFF8, v5  }
0x648: {  	v21 =	vsub.s32 v9, v2;
	v16 =	vld [tilespmem:s14+$0xFFFFFFC0];
	v28 =	vsub.s32 v10, v2;
	v20 =	vor.u32 v6, v5  }
0x649: {  	v29 =	vand.u32 $0xFFFFFFF8, v21;
	v5 =	vand.u32 $0xFFFFFFF8, v28;
	v6 =	vsub.s32 v12, v2;
	[tilespmem:v8+s10+$0x0] =	vst.idx.add.f32.msk vm0, v4  }
0x64a: {  	v30 =	vand.u32 $0x7, v9;
	v9 =	vand.u32 $0xFFFFFFF8, v6;
	v7 =	vsub.s32 v18, v2;
	[tilespmem:v14+s10+$0x0] =	vst.idx.add.f32.msk vm2, v4  }
0x64b: {  	v15 =	vand.u32 $0x7, v10;
	v10 =	vand.u32 $0xFFFFFFF8, v7;
	v11 =	vsub.s32 v19, v2;
	[tilespmem:v22+s10+$0x0] =	vst.idx.add.f32.msk vm1, v4  }
.Ltmp33:
0x64c: {  	v17 =	vand.u32 $0x7, v12;
	v12 =	vand.u32 $0xFFFFFFF8, v11;
	v13 =	vsub.s32 v27, v2;
	[tilespmem:v23+s10+$0x0] =	vst.idx.add.f32.msk vm6, v4;
	(pc) =	sbr.rel @p0 .LBB2_68-.Ltmp33, $4  }
0x64d: {  	v8 =	vsub.s32 v16, v2;
	v14 =	vand.u32 $0x7, v16;
	v16 =	vand.u32 $0xFFFFFFF8, v13;
	[tilespmem:v20+s10+$0x0] =	vst.idx.add.f32.msk vm7, v4  }
0x64e: {  	v20 =	vand.u32 $0x7, v18;
	v18 =	vand.u32 $0x7, v19;
	v22 =	vand.u32 $0xFFFFFFF8, v8;
	[tilespmem:v24+s10+$0x0] =	vst.idx.add.f32.msk vm5, v4  }
0x64f: {  	v19 =	vand.u32 $0x7, v27;
	vm0 =	vlt.u32 v8, $0x1520;
	v8 =	vor.u32 v14, v22;
	[tilespmem:v25+s10+$0x0] =	vst.idx.add.f32.msk vm4, v4  }
0x650: {  	s14 =	sadd.s32 $0x80, s14;
	vm2 =	vlt.u32 v21, $0x1520;
	vm1 =	vlt.u32 v28, $0x1520;
	v14 =	vor.u32 v30, v29;
	[tilespmem:v26+s10+$0x0] =	vst.idx.add.f32.msk vm3, v4  }
0x651: {  	_ =	sdelay $0x1  }
0x652: {  	v5 =	vor.u32 v15, v5;
	vm3 =	vlt.u32 v6, $0x1520  }
0x653: {  	v6 =	vor.u32 v17, v9;
	vm4 =	vlt.u32 v7, $0x1520  }
0x654: {  	v7 =	vor.u32 v20, v10;
	vm5 =	vlt.u32 v11, $0x1520  }
0x655: {  	v9 =	vor.u32 v18, v12;
	vm6 =	vlt.u32 v13, $0x1520;
	[tilespmem:v8+s10+$0x0] =	vst.idx.add.f32.msk vm0, v4  }
0x656: {  	v8 =	vor.u32 v19, v16;
	[tilespmem:v14+s10+$0x0] =	vst.idx.add.f32.msk vm2, v4  }
0x657: {  	[tilespmem:v5+s10+$0x0] =	vst.idx.add.f32.msk vm1, v4  }
0x658: {  	[tilespmem:v6+s10+$0x0] =	vst.idx.add.f32.msk vm3, v4  }
0x659: {  	[tilespmem:v7+s10+$0x0] =	vst.idx.add.f32.msk vm4, v4  }
0x65a: {  	[tilespmem:v9+s10+$0x0] =	vst.idx.add.f32.msk vm5, v4  }
0x65b: {  	[tilespmem:v8+s10+$0x0] =	vst.idx.add.f32.msk vm6, v4  }
0x65c: {  	_ =	swait.ge [sflag:s9], $0x1000  }
0x65d: {  	[sflag:s9] =	ssyncset.done $0x0  }
0x65e: {  	s13 =	simm.s32 $0x13800;
	[sflag:s9] =	ssyncadd.s32 $0xFFFFF000  }
0x65f: {  	v5 =	vld [tilespmem:s13+$0x30]  }
0x660: {  	v7 =	vld [tilespmem:s13+$0xFFFFFFD0]  }
0x661: {  	v8 =	vld [tilespmem:s13+$0xFFFFFFE0]  }
0x662: {  	v12 =	vld [tilespmem:s13+$0xFFFFFFF0]  }
0x663: {  	v14 =	vld [tilespmem:s13+$0x0]  }
0x664: {  	v18 =	vld [tilespmem:s13+$0x10]  }
0x665: {  	v16 =	vld [tilespmem:s13+$0xFFFFFFC0]  }
0x666: {  	v19 =	vld [tilespmem:s13+$0x20]  }
0x667: {  	v6 =	vsub.s32 v5, v2  }
0x668: {  	v5 =	vand.u32 $0x7, v5;
	v21 =	vsub.s32 v7, v2;
	v22 =	vsub.s32 v8, v2  }
0x669: {  	v25 =	vand.u32 $0x7, v7;
	v7 =	vsub.s32 v14, v2;
	v15 =	vand.u32 $0x7, v8  }
0x66a: {  	v11 =	vsub.s32 v18, v2;
	v17 =	vand.u32 $0x7, v12;
	v26 =	vsub.s32 v16, v2  }
0x66b: {  	v13 =	vsub.s32 v19, v2;
	vm1 =	vlt.u32 v6, $0x1520;
	v6 =	vand.u32 $0xFFFFFFF8, v6  }
0x66c: {  	v8 =	vand.u32 $0x7, v16;
	v20 =	vand.u32 $0x7, v14;
	v23 =	vor.u32 v5, v6  }
0x66d: {  	v18 =	vand.u32 $0x7, v18;
	v19 =	vand.u32 $0x7, v19;
	v24 =	vand.u32 $0xFFFFFFF8, v21  }
0x66e: {  	v10 =	vand.u32 $0xFFFFFFF8, v7;
	v16 =	vand.u32 $0xFFFFFFF8, v26;
	vm0 =	vlt.u32 v26, $0x1520  }
0x66f: {  	vm2 =	vlt.u32 v21, $0x1520;
	v5 =	vand.u32 $0xFFFFFFF8, v22;
	v6 =	vsub.s32 v12, v2  }
0x670: {  	v12 =	vand.u32 $0xFFFFFFF8, v11;
	v8 =	vor.u32 v8, v16;
	v16 =	vand.u32 $0xFFFFFFF8, v13  }
0x671: {  	s14 =	simm.s32 $0x13880;
	s13 =	simm.s32 $0x0;
	v14 =	vor.u32 v25, v24;
	v9 =	vand.u32 $0xFFFFFFF8, v6;
	[tilespmem:v23+s10+$0x0] =	vst.idx.add.f32.msk vm1, v4;
	vm1 =	vlt.u32 v22, $0x1520  }
.LBB2_70:
0x672: {  	v21 =	vld [tilespmem:s14+$0x30];
	s13 =	sadd.s32 $0x80, s13;
	v22 =	vor.u32 v15, v5;
	vm6 =	vlt.u32 v6, $0x1520;
	v23 =	vor.u32 v17, v9  }
0x673: {  	vm5 =	vlt.u32 v7, $0x1520;
	v24 =	vor.u32 v20, v10;
	vm4 =	vlt.u32 v11, $0x1520;
	v9 =	vld [tilespmem:s14+$0xFFFFFFD0];
	p0 =	slt.u32 s13, $0xF80  }
0x674: {  	v25 =	vor.u32 v18, v12;
	vm3 =	vlt.u32 v13, $0x1520;
	v26 =	vor.u32 v19, v16;
	v10 =	vld [tilespmem:s14+$0xFFFFFFE0]  }
0x675: {  	v12 =	vld [tilespmem:s14+$0xFFFFFFF0]  }
0x676: {  	v18 =	vld [tilespmem:s14+$0x0]  }
0x677: {  	v19 =	vld [tilespmem:s14+$0x10];
	v5 =	vsub.s32 v21, v2  }
0x678: {  	v6 =	vand.u32 $0x7, v21;
	v27 =	vld [tilespmem:s14+$0x20];
	vm7 =	vlt.u32 v5, $0x1520;
	v5 =	vand.u32 $0xFFFFFFF8, v5  }
0x679: {  	v21 =	vsub.s32 v9, v2;
	v16 =	vld [tilespmem:s14+$0xFFFFFFC0];
	v28 =	vsub.s32 v10, v2;
	v20 =	vor.u32 v6, v5  }
0x67a: {  	v29 =	vand.u32 $0xFFFFFFF8, v21;
	v5 =	vand.u32 $0xFFFFFFF8, v28;
	v6 =	vsub.s32 v12, v2;
	[tilespmem:v8+s10+$0x0] =	vst.idx.add.f32.msk vm0, v4  }
0x67b: {  	v30 =	vand.u32 $0x7, v9;
	v9 =	vand.u32 $0xFFFFFFF8, v6;
	v7 =	vsub.s32 v18, v2;
	[tilespmem:v14+s10+$0x0] =	vst.idx.add.f32.msk vm2, v4  }
0x67c: {  	v15 =	vand.u32 $0x7, v10;
	v10 =	vand.u32 $0xFFFFFFF8, v7;
	v11 =	vsub.s32 v19, v2;
	[tilespmem:v22+s10+$0x0] =	vst.idx.add.f32.msk vm1, v4  }
.Ltmp34:
0x67d: {  	v17 =	vand.u32 $0x7, v12;
	v12 =	vand.u32 $0xFFFFFFF8, v11;
	v13 =	vsub.s32 v27, v2;
	[tilespmem:v23+s10+$0x0] =	vst.idx.add.f32.msk vm6, v4;
	(pc) =	sbr.rel @p0 .LBB2_70-.Ltmp34, $4  }
0x67e: {  	v8 =	vsub.s32 v16, v2;
	v14 =	vand.u32 $0x7, v16;
	v16 =	vand.u32 $0xFFFFFFF8, v13;
	[tilespmem:v20+s10+$0x0] =	vst.idx.add.f32.msk vm7, v4  }
0x67f: {  	v20 =	vand.u32 $0x7, v18;
	v18 =	vand.u32 $0x7, v19;
	v22 =	vand.u32 $0xFFFFFFF8, v8;
	[tilespmem:v24+s10+$0x0] =	vst.idx.add.f32.msk vm5, v4  }
0x680: {  	v19 =	vand.u32 $0x7, v27;
	vm0 =	vlt.u32 v8, $0x1520;
	v8 =	vor.u32 v14, v22;
	[tilespmem:v25+s10+$0x0] =	vst.idx.add.f32.msk vm4, v4  }
0x681: {  	s14 =	sadd.s32 $0x80, s14;
	vm2 =	vlt.u32 v21, $0x1520;
	vm1 =	vlt.u32 v28, $0x1520;
	v14 =	vor.u32 v30, v29;
	[tilespmem:v26+s10+$0x0] =	vst.idx.add.f32.msk vm3, v4  }
0x682: {  	_ =	sdelay $0x1  }
0x683: {  	v5 =	vor.u32 v15, v5;
	vm3 =	vlt.u32 v6, $0x1520  }
0x684: {  	v6 =	vor.u32 v17, v9;
	vm4 =	vlt.u32 v7, $0x1520  }
0x685: {  	v7 =	vor.u32 v20, v10;
	vm5 =	vlt.u32 v11, $0x1520  }
0x686: {  	v62 =	vor.u32 v18, v12;
	vm6 =	vlt.u32 v13, $0x1520;
	[tilespmem:v8+s10+$0x0] =	vst.idx.add.f32.msk vm0, v4  }
0x687: {  	v63 =	vor.u32 v19, v16;
	[tilespmem:v14+s10+$0x0] =	vst.idx.add.f32.msk vm2, v4  }
0x688: {  	[tilespmem:v5+s10+$0x0] =	vst.idx.add.f32.msk vm1, v4  }
0x689: {  	[tilespmem:v6+s10+$0x0] =	vst.idx.add.f32.msk vm3, v4  }
0x68a: {  	[tilespmem:v7+s10+$0x0] =	vst.idx.add.f32.msk vm4, v4  }
0x68b: {  	[tilespmem:v62+s10+$0x0] =	vst.idx.add.f32.msk vm5, v4  }
0x68c: {  	[tilespmem:v63+s10+$0x0] =	vst.idx.add.f32.msk vm6, v4  }
0x68d: {  	[hbm4b:s1+s30] =	stream.linear.scatter [tilespmem:s10], [sflag:$0x3], $0x1520, $0x38;
	[tilespmem:$0x147C0] =	vst v63  }
0x68e: {  	_ =	swait.ge [sflag:s11], $0x5480  }
0x68f: {  	[sflag:s11] =	ssyncset.done $0x0  }
0x690: {  	s12 =	sadd.s32 $0x1, s12;
	[sflag:s11] =	ssyncadd.s32 $0xFFFFAB80  }
0x691: {  	p0 =	sne.s32 s12, s4;
	_ =	swait.ge [sflag:s11], $0xBE20  }
.Ltmp35:
0x692: {  	[sflag:s11] =	ssyncset.done $0x0;
	(pc) =	sbr.rel @p0 .LBB2_1-.Ltmp35, $4  }
0x693: {  	[sflag:s11] =	ssyncadd.s32 $0xFFFF41E0  }
0x694: {  	_ =	swait.ge [sflag:s11], $0x1520  }
0x695: {  	[sflag:s11] =	ssyncset.done $0x0  }
0x696: {  	[sflag:s11] =	ssyncadd.s32 $0xFFFFEAE0  }
0x697: {  	_ =	sfence.sel $0x180000  }
0x698: {  	[bflag:$0x0] =	sbarrier.arrive $0xFFFF  }
0x699: {  	_ =	strace $0x90000047  }
0x69a: {  	s0 =	stileid.u32;
	[bflag:$0x2] =	sbarrier.arrive $0xFFFF  }
0x69b: {  	p0 =	sne.s32 s0, $0x0;
	s0 =	rddreg [dreg:$0x2]  }
0x69c: {  	s0 =	sadd.s32 @!p0 $0x100000, s0  }
0x69d: {  	[sflag:s0] =	ssyncadd.tile.s32 @!p0 $0x1;
	_ =	shalt  }
.Lfunc_end2:
_tile_overlayer_lowered:
.L_overlay_start_2:
0x69e: {  	(tag) =	ssettag $0x2  }
0x69f: {  	s0 =	rddreg [dreg:$0x0];
	s2 =	stileid.u32  }
0x6a0: {  	s1 =	rddreg [dreg:$0x1];
	p0 =	sne.s32 s2, $0x0  }
0x6a1: {  	s3 =	rddreg [dreg:$0x2];
	[bflag:$0x3] =	sbarrier.arrive $0xFFFF;
	s2 =	simm.s32 @!p0 $0x1C04  }
0x6a2: {  	[timem:s3], [sflag:s2] =	dma.local @!p0 [hbm:s0], s1  }
0x6a3: {  	s0 =	simm.s32 @!p0 $0x4  }
0x6a4: {  	_ =	swait.ge @!p0 [sflag:s0], s1  }
0x6a5: {  	s1 =	ssub.s32 @!p0 $0x0, s1;
	[sflag:s0] =	ssyncset.done @!p0 $0x0  }
0x6a6: {  	[sflag:s0] =	ssyncadd.s32 @!p0 s1  }
0x6a7: {  	[bflag:$0x3] =	sbarrier.arrive $0xFFFF  }
0x6a8: {  	_ =	shalt  }

</sc_bundles>
